<compile_context>
chip_gen: v7x
topology: tpu7x:2x2x1
jax: 0.10.2.dev20260603
libtpu: 0.0.44.dev20260713+nightly
codegen_flags: <defaults>
</compile_context>

<pallas_src>
import functools

import jax
import jax.numpy as jnp
from jax import lax
from jax.experimental import pallas as pl
from jax.experimental.pallas import tpu as pltpu
from jax.experimental.pallas import tpu_sc as plsc

NUM_CLUSTERS = 32
WINDOW_SIZE = 128
COMMITMENT = 1e-4

INTERPRET = False

_MININT = -2147483648


def _select_threshold(dmat, wsz):
    s = lax.bitcast_convert_type(dmat, jnp.int32)
    key = jnp.where(s >= 0, s, s ^ jnp.int32(0x7FFFFFFF))

    def bit_body(i, p):
        c = p | lax.shift_left(jnp.int32(1), 31 - i)
        cs = c ^ _MININT
        cnt = jnp.sum((key >= cs).astype(jnp.int32), axis=1, keepdims=True)
        return jnp.where(cnt >= wsz, c, p)

    p = lax.fori_loop(0, 32, bit_body, jnp.zeros((dmat.shape[0], 1), jnp.int32))
    thr = p ^ _MININT
    cnt_gt = jnp.sum((key > thr).astype(jnp.int32), axis=1, keepdims=True)
    return thr, wsz - cnt_gt


def _dists_body(q_ref, k_ref, m_ref, dq_ref, dk_ref, aux_ref,
                thrq_ref, budq_ref, thrk_ref, budk_ref, *, wsz):
    m = m_ref[0]
    msq = jnp.sum(m * m, axis=1)

    def stats(x):
        nrm = jnp.sqrt(jnp.sum(x * x, axis=1, keepdims=True))
        xn = x / jnp.maximum(nrm, 1e-12)
        d = lax.dot_general(m, xn, (((1,), (1,)), ((), ())),
                            preferred_element_type=jnp.float32)
        s = jnp.sum(xn * xn, axis=1)
        dmax = jnp.max(d, axis=0)
        amax = jnp.argmax(d, axis=0)
        sel = lax.broadcasted_iota(jnp.int32, d.shape, 0) == amax[None, :]
        msqsel = jnp.sum(jnp.where(sel, msq[:, None], 0.0), axis=0)
        part = jnp.sum(s - 2.0 * dmax + msqsel)
        return d, part

    dq, pq = stats(q_ref[0, 0])
    dk, pk = stats(k_ref[0, 0])
    dq_ref[0, 0] = dq
    dk_ref[0, 0] = dk
    r = lax.broadcasted_iota(jnp.int32, (8, 128), 0)
    c = lax.broadcasted_iota(jnp.int32, (8, 128), 1)
    aux_ref[0, 0] = jnp.where((r == 0) & (c == 0), pq + pk, 0.0)

    thrq, budq = _select_threshold(dq, wsz)
    thrk, budk = _select_threshold(dk, wsz)
    thrq_ref[0, 0] = thrq
    budq_ref[0, 0] = budq
    thrk_ref[0, 0] = thrk
    budk_ref[0, 0] = budk


def _dists_call(q, k, means):
    b, h, t, d = q.shape
    nc = means.shape[1]
    wsz = min(WINDOW_SIZE, t)
    grid = (b, h)
    i32 = jnp.int32
    return pl.pallas_call(
        functools.partial(_dists_body, wsz=wsz),
        grid=grid,
        in_specs=[
            pl.BlockSpec((1, 1, t, d), lambda i, j: (i, j, 0, 0)),
            pl.BlockSpec((1, 1, t, d), lambda i, j: (i, j, 0, 0)),
            pl.BlockSpec((1, nc, d), lambda i, j: (j, 0, 0)),
        ],
        out_specs=[
            pl.BlockSpec((1, 1, nc, t), lambda i, j: (i, j, 0, 0)),
            pl.BlockSpec((1, 1, nc, t), lambda i, j: (i, j, 0, 0)),
            pl.BlockSpec((1, 1, 8, 128), lambda i, j: (i, j, 0, 0)),
            pl.BlockSpec((1, 1, nc, 1), lambda i, j: (i, j, 0, 0)),
            pl.BlockSpec((1, 1, nc, 1), lambda i, j: (i, j, 0, 0)),
            pl.BlockSpec((1, 1, nc, 1), lambda i, j: (i, j, 0, 0)),
            pl.BlockSpec((1, 1, nc, 1), lambda i, j: (i, j, 0, 0)),
        ],
        out_shape=[
            jax.ShapeDtypeStruct((b, h, nc, t), jnp.float32),
            jax.ShapeDtypeStruct((b, h, nc, t), jnp.float32),
            jax.ShapeDtypeStruct((b, h, 8, 128), jnp.float32),
            jax.ShapeDtypeStruct((b, h, nc, 1), i32),
            jax.ShapeDtypeStruct((b, h, nc, 1), i32),
            jax.ShapeDtypeStruct((b, h, nc, 1), i32),
            jax.ShapeDtypeStruct((b, h, nc, 1), i32),
        ],
        interpret=INTERPRET,
    )(q, k, means)


def _lane_extract(vec_ref, i):
    base = (i // 16) * 16
    v = vec_ref[pl.ds(base, 16)]
    lane = lax.broadcasted_iota(jnp.int32, (16,), 0)
    return jnp.sum(jnp.where(lane == (i - base), v, 0))


def _compact_row(rowv, thr, bud, idxv, t):

    def chunk(j, carry):
        eqc, sc = carry
        vals = rowv[pl.ds(j * 16, 16)]
        s = plsc.bitcast(vals, jnp.int32)
        key = jnp.where(s >= 0, s, s ^ jnp.int32(0x7FFFFFFF))
        gt = key > thr
        eq = key == thr
        eqrank = plsc.cumsum(eq.astype(jnp.int32)) + eqc
        sel = jnp.logical_or(gt, jnp.logical_and(eq, eqrank <= bud))
        seli = sel.astype(jnp.int32)
        pos = plsc.cumsum(seli) - 1 + sc
        pos = jnp.where(sel, pos, 0)
        col = lax.broadcasted_iota(jnp.int32, (16,), 0) + j * 16
        plsc.store_scatter(idxv, [pos], col, mask=sel)
        return eqc + jnp.sum(eq.astype(jnp.int32)), sc + jnp.sum(seli)

    lax.fori_loop(0, t // 16, chunk, (jnp.int32(0), jnp.int32(0)))


def _route_call(q, k, v, dq, dk, thrq, budq, thrk, budk):
    b, h, t, d = q.shape
    nc = NUM_CLUSTERS
    wsz = min(WINDOW_SIZE, t)
    info = plsc.get_sparse_core_info()
    n_tec = info.num_cores * info.num_subcores
    per_q = -(-(b * h * nc) // n_tec)
    n_task = b * h * nc
    mesh = plsc.VectorSubcoreMesh(core_axis_name="c", subcore_axis_name="s")

    @functools.partial(
        pl.kernel,
        mesh=mesh,
        compiler_params=pltpu.CompilerParams(
            needs_layout_passes=False, use_tc_tiling_on_sc=False),
        out_type=[
            jax.ShapeDtypeStruct((b, h, nc * wsz), jnp.int32),
            jax.ShapeDtypeStruct((b, h, nc * wsz, d), jnp.float32),
            jax.ShapeDtypeStruct((b, h, nc * wsz, d), jnp.float32),
            jax.ShapeDtypeStruct((b, h, nc * wsz, d), jnp.float32),
        ],
        scratch_types=[
            pltpu.VMEM((t,), jnp.float32),
            pltpu.VMEM((wsz,), jnp.int32),
            pltpu.VMEM((wsz, d), jnp.float32),
            pltpu.VMEM((wsz, d), jnp.float32),
            pltpu.VMEM((nc,), jnp.int32),
            pltpu.VMEM((nc,), jnp.int32),
            pltpu.SemaphoreType.DMA,
        ],
    )
    def route(q_hbm, k_hbm, v_hbm, dq_hbm, dk_hbm, thrq_hbm, budq_hbm,
              thrk_hbm, budk_hbm, iq_hbm, qg_hbm, kg_hbm, vg_hbm,
              rowv, idxv, gb1, gb2, thrv, budv, sem):
        cid = lax.axis_index("c")
        sid = lax.axis_index("s")
        wid = sid * info.num_cores + cid

        def q_body(r, carry):
            task = wid * per_q + r

            @pl.when(task < n_task)
            def _():
                c_i = task % nc
                h_i = (task // nc) % h
                b_i = task // (nc * h)
                pltpu.sync_copy(dq_hbm.at[b_i, h_i, c_i], rowv)
                pltpu.sync_copy(thrq_hbm.at[b_i, h_i], thrv)
                pltpu.sync_copy(budq_hbm.at[b_i, h_i], budv)
                thr = _lane_extract(thrv, c_i)
                bud = _lane_extract(budv, c_i)
                _compact_row(rowv, thr, bud, idxv, t)
                pltpu.sync_copy(idxv, iq_hbm.at[b_i, h_i, pl.ds(c_i * wsz, wsz)])
                pltpu.async_copy(q_hbm.at[b_i, h_i].at[idxv], gb1, sem).wait()
                pltpu.sync_copy(gb1, qg_hbm.at[b_i, h_i, pl.ds(c_i * wsz, wsz)])

            return carry

        lax.fori_loop(0, per_q, q_body, 0)

        def k_body(r, carry):
            task = wid * per_q + r

            @pl.when(task < n_task)
            def _():
                c_i = task % nc
                h_i = (task // nc) % h
                b_i = task // (nc * h)
                pltpu.sync_copy(dk_hbm.at[b_i, h_i, c_i], rowv)
                pltpu.sync_copy(thrk_hbm.at[b_i, h_i], thrv)
                pltpu.sync_copy(budk_hbm.at[b_i, h_i], budv)
                thr = _lane_extract(thrv, c_i)
                bud = _lane_extract(budv, c_i)
                _compact_row(rowv, thr, bud, idxv, t)
                pltpu.async_copy(k_hbm.at[b_i, h_i].at[idxv], gb1, sem).wait()
                pltpu.async_copy(v_hbm.at[b_i, h_i].at[idxv], gb2, sem).wait()
                pltpu.sync_copy(gb1, kg_hbm.at[b_i, h_i, pl.ds(c_i * wsz, wsz)])
                pltpu.sync_copy(gb2, vg_hbm.at[b_i, h_i, pl.ds(c_i * wsz, wsz)])

            return carry

        lax.fori_loop(0, per_q, k_body, 0)

    return route(q, k, v, dq, dk, thrq, budq, thrk, budk)


def _attn_body(qg_ref, kg_ref, vg_ref, o_ref, *, nc, wsz, scale):
    for c in range(nc):
        sl = slice(c * wsz, (c + 1) * wsz)
        qc = qg_ref[0, sl, :]
        kc = kg_ref[0, sl, :]
        vc = vg_ref[0, sl, :]
        dots = lax.dot_general(qc, kc, (((1,), (1,)), ((), ())),
                               preferred_element_type=jnp.float32) * scale
        mx = jnp.max(dots, axis=1, keepdims=True)
        e = jnp.exp(dots - mx)
        p = e / jnp.sum(e, axis=1, keepdims=True)
        o_ref[0, sl, :] = jnp.dot(p, vc, preferred_element_type=jnp.float32)


def _attn_call(qg, kg, vg):
    bh, n, d = qg.shape
    nc = NUM_CLUSTERS
    wsz = n // nc
    body = functools.partial(_attn_body, nc=nc, wsz=wsz, scale=d ** -0.5)
    return pl.pallas_call(
        body,
        grid=(bh,),
        in_specs=[pl.BlockSpec((1, n, d), lambda i: (i, 0, 0))] * 3,
        out_specs=pl.BlockSpec((1, n, d), lambda i: (i, 0, 0)),
        out_shape=jax.ShapeDtypeStruct((bh, n, d), jnp.float32),
        interpret=INTERPRET,
    )(qg, kg, vg)


def kernel(q, k, v, means):
    b, h, t, d = q.shape
    nc = NUM_CLUSTERS
    wsz = min(WINDOW_SIZE, t)

    dq, dk, aux_parts, thrq, budq, thrk, budk = _dists_call(q, k, means)
    aux_loss = jnp.sum(aux_parts) * (COMMITMENT / (b * h * 2 * t * d))

    iq, qg, kg, vg = _route_call(
        q, k, v, dq, dk,
        thrq.reshape(b, h, nc), budq.reshape(b, h, nc),
        thrk.reshape(b, h, nc), budk.reshape(b, h, nc))

    so = _attn_call(qg.reshape(b * h, nc * wsz, d),
                    kg.reshape(b * h, nc * wsz, d),
                    vg.reshape(b * h, nc * wsz, d)).reshape(b, h, nc * wsz, d)

    def _one(t_bh, idx_bh):
        z = jnp.zeros((t, d), jnp.float32)
        numer = z.at[idx_bh].add(t_bh)
        denom = z.at[idx_bh].add(jnp.ones_like(t_bh))
        return numer / (denom + 1e-5)

    out = jax.vmap(jax.vmap(_one))(so, iq)
    return out, aux_loss

# --- scband reference (transcript-rebuilt; emitter-appended) ---
"""Pipeline reference for scband-kmeans-attention-ddp-87608742904390 (READ-ONLY COPY).

The authoritative reference and input builder live on the scoring server;
editing this copy changes nothing except your own understanding.
"""

import jax, jax.numpy as jnp
import numpy as np

NUM_CLUSTERS = 32
WINDOW_SIZE = 128
COMMITMENT = 1e-4


def l2norm(x, eps=1e-12):
    n = jnp.linalg.norm(x, axis=-1, keepdims=True)
    return x / jnp.maximum(n, eps)


def distribution(dists, window_size):
    # dists: [b, h, l, c]; torch: dists.topk(k, dim=-2).indices.transpose(-2,-1).reshape(b,h,-1)
    swapped = jnp.swapaxes(dists, -2, -1)  # [b, h, c, l]
    _, topk_idx = jax.lax.top_k(swapped, window_size)  # [b, h, c, wsz]
    return topk_idx.reshape(dists.shape[0], dists.shape[1], -1)


def batched_index_select(values, indices):
    # values [b,h,t,d], indices [b,h,n] -> [b,h,n,d]
    return jnp.take_along_axis(values, indices[..., None], axis=2)


def scatter_mean(src, t, indices, eps=1e-5):
    # src [b,h,T,d] zeros; t [b,h,n,d]; indices [b,h,n]
    def _one(src_bh, t_bh, idx_bh):
        numer = src_bh.at[idx_bh].add(t_bh)
        denom = src_bh.at[idx_bh].add(jnp.ones_like(t_bh))
        return numer, denom
    numer, denom = jax.vmap(jax.vmap(_one))(src, t, indices)
    return numer / (denom + eps)


def setup_inputs(seed: int = 0) -> dict:
    key = jax.random.key(seed)
    ks = jax.random.split(key, 4)
    b, h, t, d = 2, 16, 4096, 64
    q = jax.random.normal(ks[0], (b, h, t, d), dtype=jnp.float32)
    k = jax.random.normal(ks[1], (b, h, t, d), dtype=jnp.float32)
    v = jax.random.normal(ks[2], (b, h, t, d), dtype=jnp.float32)
    means = jax.random.normal(ks[3], (h, NUM_CLUSTERS, d), dtype=jnp.float32)
    return {"q": q, "k": k, "v": v, "means": means}


def reference(q, k, v, means):
    b, h, t, d = q.shape
    kv_t = k.shape[2]
    nc = NUM_CLUSTERS
    wsz = min(WINDOW_SIZE, t)
    kv_wsz = min(WINDOW_SIZE, kv_t)

    # Kmeans forward (eval mode: no means update)
    x = jnp.concatenate((q, k), axis=2)
    xn = l2norm(x)
    dists = jax.lax.stop_gradient(jnp.einsum('bhld,hcd->bhlc', xn, means))
    buckets = jnp.argmax(dists, axis=-1)  # [b,h,l]
    h_idx = jnp.arange(h)[None, :, None]
    routed_means = means[h_idx, buckets]  # [b,h,l,d]
    aux_loss = jnp.mean((xn - routed_means) ** 2) * COMMITMENT

    q_dists = dists[:, :, :t]
    k_dists = dists[:, :, t:]
    indices = distribution(q_dists, wsz)        # [b,h,nc*wsz]
    kv_indices = distribution(k_dists, kv_wsz)  # [b,h,nc*kv_wsz]

    qg = batched_index_select(q, indices)
    kg = batched_index_select(k, kv_indices)
    vg = batched_index_select(v, kv_indices)
    qg = qg.reshape(b, h, nc, -1, d)
    kg = kg.reshape(b, h, nc, -1, d)
    vg = vg.reshape(b, h, nc, -1, d)

    dots = jnp.einsum('bhnid,bhnjd->bhnij', qg, kg) * (d ** -0.5)
    dots = jax.nn.softmax(dots, axis=-1)
    bo = jnp.einsum('bhcij,bhcjd->bhcid', dots, vg)
    so = bo.reshape(b, h, -1, bo.shape[-1])

    out = scatter_mean(jnp.zeros_like(q), so, indices)
    return out, aux_loss

if __name__ == "__main__":
    import jax
    _d = setup_inputs()
    print(jax.jit(kernel)(*tuple(_d.values())))

</pallas_src>

<mosaic_0001>
#map = affine_map<(d0, d1) -> (0, 0, 0, 0)>
#map1 = affine_map<(d0, d1) -> (0, 0, 0)>
module attributes {stable_mosaic.version = 14 : i64} {
  func.func @route(%arg0: i32, %arg1: i32, %arg2: memref<2x16x4096x64xf32, #tpu.memory_space<hbm>>, %arg3: memref<2x16x4096x64xf32, #tpu.memory_space<hbm>>, %arg4: memref<2x16x4096x64xf32, #tpu.memory_space<hbm>>, %arg5: memref<2x16x32x4096xf32, #tpu.memory_space<hbm>>, %arg6: memref<2x16x32x4096xf32, #tpu.memory_space<hbm>>, %arg7: memref<2x16x32xi32, #tpu.memory_space<hbm>>, %arg8: memref<2x16x32xi32, #tpu.memory_space<hbm>>, %arg9: memref<2x16x32xi32, #tpu.memory_space<hbm>>, %arg10: memref<2x16x32xi32, #tpu.memory_space<hbm>>, %arg11: memref<2x16x4096xi32, #tpu.memory_space<hbm>>, %arg12: memref<2x16x4096x64xf32, #tpu.memory_space<hbm>>, %arg13: memref<2x16x4096x64xf32, #tpu.memory_space<hbm>>, %arg14: memref<2x16x4096x64xf32, #tpu.memory_space<hbm>>, %arg15: memref<4096xf32, #tpu.memory_space<vmem>>, %arg16: memref<128xi32, #tpu.memory_space<vmem>>, %arg17: memref<128x64xf32, #tpu.memory_space<vmem>>, %arg18: memref<128x64xf32, #tpu.memory_space<vmem>>, %arg19: memref<32xi32, #tpu.memory_space<vmem>>, %arg20: memref<32xi32, #tpu.memory_space<vmem>>, %arg21: memref<!tpu.dma_semaphore, #tpu.memory_space<semaphore_mem>>) attributes {dimension_semantics = [#tpu.dimension_semantics<core_parallel>, #tpu.dimension_semantics<subcore_parallel>], iteration_bounds = array<i64: 2, 16>, scalar_prefetch = 0 : i64, scratch_operands = 7 : i64, tpu.core_type = #tpu.core_type<sc_vector_subcore>, window_params = [{transform_indices = #map}, {transform_indices = #map}, {transform_indices = #map}, {transform_indices = #map}, {transform_indices = #map}, {transform_indices = #map1}, {transform_indices = #map1}, {transform_indices = #map1}, {transform_indices = #map1}, {transform_indices = #map1}, {transform_indices = #map}, {transform_indices = #map}, {transform_indices = #map}]} {
    %mul3A = arith.constant 2 : i32
    %mul3A_0 = arith.muli %arg1, %mul3A : i32
    %add3A = arith.addi %mul3A_0, %arg0 : i32
    %scan3A = arith.constant 0 : i32
    %scan3A_1 = arith.constant 0 : i32
    %scan3A_2 = arith.constant 32 : i32
    %scan3A_3 = arith.addi %scan3A_1, %scan3A_2 : i32
    %scan3A_4 = arith.constant 1 : i32
    scf.for %scan3A_12 = %scan3A_1 to %scan3A_3 step %scan3A_4  : i32 {
      %mul3A_13 = arith.constant 32 : i32
      %mul3A_14 = arith.muli %add3A, %mul3A_13 : i32
      %add3A_15 = arith.addi %mul3A_14, %scan3A_12 : i32
      %lt3A = arith.constant 1024 : i32
      %lt3A_16 = arith.cmpi slt, %add3A_15, %lt3A : i32
      %convert_element_type3A = arith.extui %lt3A_16 : i1 to i32
      %cond3A = arith.constant 0 : i32
      %cond3A_17 = arith.cmpi ne, %convert_element_type3A, %cond3A : i32
      scf.if %cond3A_17 {
        %jit3A = arith.constant 32 : i32
        %eq3A = arith.constant 0 : i32
        %eq3A_18 = arith.cmpi eq, %jit3A, %eq3A : i32
        %jit3A_19 = arith.constant 1 : i32
        %select_n3A = arith.select %eq3A_18, %jit3A_19, %jit3A : i32
        %rem3A = arith.remsi %add3A_15, %select_n3A : i32
        %ne3A = arith.constant 0 : i32
        %ne3A_20 = arith.cmpi ne, %rem3A, %ne3A : i32
        %lt3A_21 = arith.constant 0 : i32
        %lt3A_22 = arith.cmpi slt, %rem3A, %lt3A_21 : i32
        %lt3A_23 = arith.constant 0 : i32
        %lt3A_24 = arith.cmpi slt, %select_n3A, %lt3A_23 : i32
        %ne3A_25 = arith.xori %lt3A_22, %lt3A_24 : i1
        %and3A = arith.andi %ne3A_25, %ne3A_20 : i1
        %add3A_26 = arith.addi %rem3A, %select_n3A : i32
        %select_n3A_27 = arith.select %and3A, %add3A_26, %rem3A : i32
        %jit3A_28 = arith.constant 32 : i32
        %div3A = arith.divsi %add3A_15, %jit3A_28 : i32
        %sign3A = arith.constant 0 : i32
        %sign3A_29 = arith.cmpi sgt, %add3A_15, %sign3A : i32
        %sign3A_30 = arith.extui %sign3A_29 : i1 to i32
        %sign3A_31 = arith.constant 0 : i32
        %sign3A_32 = arith.cmpi slt, %add3A_15, %sign3A_31 : i32
        %sign3A_33 = arith.extui %sign3A_32 : i1 to i32
        %sign3A_34 = arith.subi %sign3A_30, %sign3A_33 : i32
        %sign3A_35 = arith.constant 0 : i32
        %sign3A_36 = arith.cmpi sgt, %jit3A_28, %sign3A_35 : i32
        %sign3A_37 = arith.extui %sign3A_36 : i1 to i32
        %sign3A_38 = arith.constant 0 : i32
        %sign3A_39 = arith.cmpi slt, %jit3A_28, %sign3A_38 : i32
        %sign3A_40 = arith.extui %sign3A_39 : i1 to i32
        %sign3A_41 = arith.subi %sign3A_37, %sign3A_40 : i32
        %ne3A_42 = arith.cmpi ne, %sign3A_34, %sign3A_41 : i32
        %rem3A_43 = arith.remsi %add3A_15, %jit3A_28 : i32
        %ne3A_44 = arith.constant 0 : i32
        %ne3A_45 = arith.cmpi ne, %rem3A_43, %ne3A_44 : i32
        %and3A_46 = arith.andi %ne3A_42, %ne3A_45 : i1
        %sub3A = arith.constant 1 : i32
        %sub3A_47 = arith.subi %div3A, %sub3A : i32
        %select_n3A_48 = arith.select %and3A_46, %sub3A_47, %div3A : i32
        %jit3A_49 = arith.constant 16 : i32
        %eq3A_50 = arith.constant 0 : i32
        %eq3A_51 = arith.cmpi eq, %jit3A_49, %eq3A_50 : i32
        %jit3A_52 = arith.constant 1 : i32
        %select_n3A_53 = arith.select %eq3A_51, %jit3A_52, %jit3A_49 : i32
        %rem3A_54 = arith.remsi %select_n3A_48, %select_n3A_53 : i32
        %ne3A_55 = arith.constant 0 : i32
        %ne3A_56 = arith.cmpi ne, %rem3A_54, %ne3A_55 : i32
        %lt3A_57 = arith.constant 0 : i32
        %lt3A_58 = arith.cmpi slt, %rem3A_54, %lt3A_57 : i32
        %lt3A_59 = arith.constant 0 : i32
        %lt3A_60 = arith.cmpi slt, %select_n3A_53, %lt3A_59 : i32
        %ne3A_61 = arith.xori %lt3A_58, %lt3A_60 : i1
        %and3A_62 = arith.andi %ne3A_61, %ne3A_56 : i1
        %add3A_63 = arith.addi %rem3A_54, %select_n3A_53 : i32
        %select_n3A_64 = arith.select %and3A_62, %add3A_63, %rem3A_54 : i32
        %jit3A_65 = arith.constant 512 : i32
        %div3A_66 = arith.divsi %add3A_15, %jit3A_65 : i32
        %sign3A_67 = arith.constant 0 : i32
        %sign3A_68 = arith.cmpi sgt, %add3A_15, %sign3A_67 : i32
        %sign3A_69 = arith.extui %sign3A_68 : i1 to i32
        %sign3A_70 = arith.constant 0 : i32
        %sign3A_71 = arith.cmpi slt, %add3A_15, %sign3A_70 : i32
        %sign3A_72 = arith.extui %sign3A_71 : i1 to i32
        %sign3A_73 = arith.subi %sign3A_69, %sign3A_72 : i32
        %sign3A_74 = arith.constant 0 : i32
        %sign3A_75 = arith.cmpi sgt, %jit3A_65, %sign3A_74 : i32
        %sign3A_76 = arith.extui %sign3A_75 : i1 to i32
        %sign3A_77 = arith.constant 0 : i32
        %sign3A_78 = arith.cmpi slt, %jit3A_65, %sign3A_77 : i32
        %sign3A_79 = arith.extui %sign3A_78 : i1 to i32
        %sign3A_80 = arith.subi %sign3A_76, %sign3A_79 : i32
        %ne3A_81 = arith.cmpi ne, %sign3A_73, %sign3A_80 : i32
        %rem3A_82 = arith.remsi %add3A_15, %jit3A_65 : i32
        %ne3A_83 = arith.constant 0 : i32
        %ne3A_84 = arith.cmpi ne, %rem3A_82, %ne3A_83 : i32
        %and3A_85 = arith.andi %ne3A_81, %ne3A_84 : i1
        %sub3A_86 = arith.constant 1 : i32
        %sub3A_87 = arith.subi %div3A_66, %sub3A_86 : i32
        %select_n3A_88 = arith.select %and3A_85, %sub3A_87, %div3A_66 : i32
        "tpu.region"() ({
          %run_scoped3A = tpu.sem_alloc : memref<!tpu.dma_semaphore, #tpu.memory_space<semaphore_mem>>
          %dma_start3A_187 = arith.constant 0 : i32
          %dma_start3A_188 = tpu.memref_slice %arg5[%select_n3A_88, %select_n3A_64, %select_n3A_27, %dma_start3A_187] : memref<2x16x32x4096xf32, #tpu.memory_space<hbm>> -> memref<1x1x1x4096xf32, #tpu.memory_space<hbm>>
          %dma_start3A_189 = tpu.memref_squeeze %dma_start3A_188 : memref<1x1x1x4096xf32, #tpu.memory_space<hbm>> -> memref<4096xf32, #tpu.memory_space<hbm>>
          %dma_start3A_190 = arith.constant 0 : i32
          %dma_start3A_191 = tpu.memref_slice %arg5[%select_n3A_88, %select_n3A_64, %select_n3A_27, %dma_start3A_190] : memref<2x16x32x4096xf32, #tpu.memory_space<hbm>> -> memref<1x1x1x4096xf32, #tpu.memory_space<hbm>>
          %dma_start3A_192 = tpu.memref_squeeze %dma_start3A_191 : memref<1x1x1x4096xf32, #tpu.memory_space<hbm>> -> memref<4096xf32, #tpu.memory_space<hbm>>
          tpu.enqueue_dma source(%dma_start3A_192 : memref<4096xf32, #tpu.memory_space<hbm>>) target(%arg15 : memref<4096xf32, #tpu.memory_space<vmem>>) target_semaphore(%run_scoped3A : memref<!tpu.dma_semaphore, #tpu.memory_space<semaphore_mem>>)
          %dma_wait3A_193 = arith.constant 0 : i32
          %dma_wait3A_194 = tpu.memref_slice %arg5[%select_n3A_88, %select_n3A_64, %select_n3A_27, %dma_wait3A_193] : memref<2x16x32x4096xf32, #tpu.memory_space<hbm>> -> memref<1x1x1x4096xf32, #tpu.memory_space<hbm>>
          %dma_wait3A_195 = tpu.memref_squeeze %dma_wait3A_194 : memref<1x1x1x4096xf32, #tpu.memory_space<hbm>> -> memref<4096xf32, #tpu.memory_space<hbm>>
          %dma_wait3A_196 = arith.constant 0 : i32
          %dma_wait3A_197 = tpu.memref_slice %arg5[%select_n3A_88, %select_n3A_64, %select_n3A_27, %dma_wait3A_196] : memref<2x16x32x4096xf32, #tpu.memory_space<hbm>> -> memref<1x1x1x4096xf32, #tpu.memory_space<hbm>>
          %dma_wait3A_198 = tpu.memref_squeeze %dma_wait3A_197 : memref<1x1x1x4096xf32, #tpu.memory_space<hbm>> -> memref<4096xf32, #tpu.memory_space<hbm>>
          tpu.wait_dma2 semaphore(%run_scoped3A : memref<!tpu.dma_semaphore, #tpu.memory_space<semaphore_mem>>) src(%dma_wait3A_198 : memref<4096xf32, #tpu.memory_space<hbm>>) dst(%arg15 : memref<4096xf32, #tpu.memory_space<vmem>>)
          tpu.yield
        }) : () -> ()
        "tpu.region"() ({
          %run_scoped3A = tpu.sem_alloc : memref<!tpu.dma_semaphore, #tpu.memory_space<semaphore_mem>>
          %dma_start3A_187 = arith.constant 0 : i32
          %dma_start3A_188 = tpu.memref_slice %arg7[%select_n3A_88, %select_n3A_64, %dma_start3A_187] : memref<2x16x32xi32, #tpu.memory_space<hbm>> -> memref<1x1x32xi32, #tpu.memory_space<hbm>>
          %dma_start3A_189 = tpu.memref_squeeze %dma_start3A_188 : memref<1x1x32xi32, #tpu.memory_space<hbm>> -> memref<32xi32, #tpu.memory_space<hbm>>
          %dma_start3A_190 = arith.constant 0 : i32
          %dma_start3A_191 = tpu.memref_slice %arg7[%select_n3A_88, %select_n3A_64, %dma_start3A_190] : memref<2x16x32xi32, #tpu.memory_space<hbm>> -> memref<1x1x32xi32, #tpu.memory_space<hbm>>
          %dma_start3A_192 = tpu.memref_squeeze %dma_start3A_191 : memref<1x1x32xi32, #tpu.memory_space<hbm>> -> memref<32xi32, #tpu.memory_space<hbm>>
          tpu.enqueue_dma source(%dma_start3A_192 : memref<32xi32, #tpu.memory_space<hbm>>) target(%arg19 : memref<32xi32, #tpu.memory_space<vmem>>) target_semaphore(%run_scoped3A : memref<!tpu.dma_semaphore, #tpu.memory_space<semaphore_mem>>)
          %dma_wait3A_193 = arith.constant 0 : i32
          %dma_wait3A_194 = tpu.memref_slice %arg7[%select_n3A_88, %select_n3A_64, %dma_wait3A_193] : memref<2x16x32xi32, #tpu.memory_space<hbm>> -> memref<1x1x32xi32, #tpu.memory_space<hbm>>
          %dma_wait3A_195 = tpu.memref_squeeze %dma_wait3A_194 : memref<1x1x32xi32, #tpu.memory_space<hbm>> -> memref<32xi32, #tpu.memory_space<hbm>>
          %dma_wait3A_196 = arith.constant 0 : i32
          %dma_wait3A_197 = tpu.memref_slice %arg7[%select_n3A_88, %select_n3A_64, %dma_wait3A_196] : memref<2x16x32xi32, #tpu.memory_space<hbm>> -> memref<1x1x32xi32, #tpu.memory_space<hbm>>
          %dma_wait3A_198 = tpu.memref_squeeze %dma_wait3A_197 : memref<1x1x32xi32, #tpu.memory_space<hbm>> -> memref<32xi32, #tpu.memory_space<hbm>>
          tpu.wait_dma2 semaphore(%run_scoped3A : memref<!tpu.dma_semaphore, #tpu.memory_space<semaphore_mem>>) src(%dma_wait3A_198 : memref<32xi32, #tpu.memory_space<hbm>>) dst(%arg19 : memref<32xi32, #tpu.memory_space<vmem>>)
          tpu.yield
        }) : () -> ()
        "tpu.region"() ({
          %run_scoped3A = tpu.sem_alloc : memref<!tpu.dma_semaphore, #tpu.memory_space<semaphore_mem>>
          %dma_start3A_187 = arith.constant 0 : i32
          %dma_start3A_188 = tpu.memref_slice %arg8[%select_n3A_88, %select_n3A_64, %dma_start3A_187] : memref<2x16x32xi32, #tpu.memory_space<hbm>> -> memref<1x1x32xi32, #tpu.memory_space<hbm>>
          %dma_start3A_189 = tpu.memref_squeeze %dma_start3A_188 : memref<1x1x32xi32, #tpu.memory_space<hbm>> -> memref<32xi32, #tpu.memory_space<hbm>>
          %dma_start3A_190 = arith.constant 0 : i32
          %dma_start3A_191 = tpu.memref_slice %arg8[%select_n3A_88, %select_n3A_64, %dma_start3A_190] : memref<2x16x32xi32, #tpu.memory_space<hbm>> -> memref<1x1x32xi32, #tpu.memory_space<hbm>>
          %dma_start3A_192 = tpu.memref_squeeze %dma_start3A_191 : memref<1x1x32xi32, #tpu.memory_space<hbm>> -> memref<32xi32, #tpu.memory_space<hbm>>
          tpu.enqueue_dma source(%dma_start3A_192 : memref<32xi32, #tpu.memory_space<hbm>>) target(%arg20 : memref<32xi32, #tpu.memory_space<vmem>>) target_semaphore(%run_scoped3A : memref<!tpu.dma_semaphore, #tpu.memory_space<semaphore_mem>>)
          %dma_wait3A_193 = arith.constant 0 : i32
          %dma_wait3A_194 = tpu.memref_slice %arg8[%select_n3A_88, %select_n3A_64, %dma_wait3A_193] : memref<2x16x32xi32, #tpu.memory_space<hbm>> -> memref<1x1x32xi32, #tpu.memory_space<hbm>>
          %dma_wait3A_195 = tpu.memref_squeeze %dma_wait3A_194 : memref<1x1x32xi32, #tpu.memory_space<hbm>> -> memref<32xi32, #tpu.memory_space<hbm>>
          %dma_wait3A_196 = arith.constant 0 : i32
          %dma_wait3A_197 = tpu.memref_slice %arg8[%select_n3A_88, %select_n3A_64, %dma_wait3A_196] : memref<2x16x32xi32, #tpu.memory_space<hbm>> -> memref<1x1x32xi32, #tpu.memory_space<hbm>>
          %dma_wait3A_198 = tpu.memref_squeeze %dma_wait3A_197 : memref<1x1x32xi32, #tpu.memory_space<hbm>> -> memref<32xi32, #tpu.memory_space<hbm>>
          tpu.wait_dma2 semaphore(%run_scoped3A : memref<!tpu.dma_semaphore, #tpu.memory_space<semaphore_mem>>) src(%dma_wait3A_198 : memref<32xi32, #tpu.memory_space<hbm>>) dst(%arg20 : memref<32xi32, #tpu.memory_space<vmem>>)
          tpu.yield
        }) : () -> ()
        %jit3A_89 = arith.constant 16 : i32
        %div3A_90 = arith.divsi %select_n3A_27, %jit3A_89 : i32
        %sign3A_91 = arith.constant 0 : i32
        %sign3A_92 = arith.cmpi sgt, %select_n3A_27, %sign3A_91 : i32
        %sign3A_93 = arith.extui %sign3A_92 : i1 to i32
        %sign3A_94 = arith.constant 0 : i32
        %sign3A_95 = arith.cmpi slt, %select_n3A_27, %sign3A_94 : i32
        %sign3A_96 = arith.extui %sign3A_95 : i1 to i32
        %sign3A_97 = arith.subi %sign3A_93, %sign3A_96 : i32
        %sign3A_98 = arith.constant 0 : i32
        %sign3A_99 = arith.cmpi sgt, %jit3A_89, %sign3A_98 : i32
        %sign3A_100 = arith.extui %sign3A_99 : i1 to i32
        %sign3A_101 = arith.constant 0 : i32
        %sign3A_102 = arith.cmpi slt, %jit3A_89, %sign3A_101 : i32
        %sign3A_103 = arith.extui %sign3A_102 : i1 to i32
        %sign3A_104 = arith.subi %sign3A_100, %sign3A_103 : i32
        %ne3A_105 = arith.cmpi ne, %sign3A_97, %sign3A_104 : i32
        %rem3A_106 = arith.remsi %select_n3A_27, %jit3A_89 : i32
        %ne3A_107 = arith.constant 0 : i32
        %ne3A_108 = arith.cmpi ne, %rem3A_106, %ne3A_107 : i32
        %and3A_109 = arith.andi %ne3A_105, %ne3A_108 : i1
        %sub3A_110 = arith.constant 1 : i32
        %sub3A_111 = arith.subi %div3A_90, %sub3A_110 : i32
        %select_n3A_112 = arith.select %and3A_109, %sub3A_111, %div3A_90 : i32
        %mul3A_113 = arith.constant 16 : i32
        %mul3A_114 = arith.muli %select_n3A_112, %mul3A_113 : i32
        %get3A = arith.index_cast %mul3A_114 : i32 to index
        %get3A_115 = tpu.vector_load %arg19[%get3A] {strides = array<i32>} : memref<32xi32, #tpu.memory_space<vmem>>, vector<16xi32>,
        %iota3A = tpu.iota {dimensions = array<i32: 0>} : vector<16xi32>
        %sub3A_116 = arith.subi %select_n3A_27, %mul3A_114 : i32
        %eq3A_117 = vector.broadcast %sub3A_116 : i32 to vector<16xi32>
        %eq3A_118 = arith.cmpi eq, %iota3A, %eq3A_117 : vector<16xi32>
        %jit3A_119 = arith.constant 0 : i32
        %broadcast_in_dim3A = vector.broadcast %jit3A_119 : i32 to vector<16xi32>
        %select_n3A_120 = arith.select %eq3A_118, %get3A_115, %broadcast_in_dim3A : vector<16xi1>, vector<16xi32>
        %reduce_sum3A = arith.constant true
        %reduce_sum3A_121 = vector.broadcast %reduce_sum3A : i1 to vector<16xi1>
        %reduce_sum3A_122 = tpu.scan <sum>, %select_n3A_120 masked %reduce_sum3A_121 : vector<16xi32>, vector<16xi1> -> vector<16xi32>
        %reduce_sum3A_123 = vector.extract %reduce_sum3A_122[15] : i32 from vector<16xi32>
        %jit3A_124 = arith.constant 16 : i32
        %div3A_125 = arith.divsi %select_n3A_27, %jit3A_124 : i32
        %sign3A_126 = arith.constant 0 : i32
        %sign3A_127 = arith.cmpi sgt, %select_n3A_27, %sign3A_126 : i32
        %sign3A_128 = arith.extui %sign3A_127 : i1 to i32
        %sign3A_129 = arith.constant 0 : i32
        %sign3A_130 = arith.cmpi slt, %select_n3A_27, %sign3A_129 : i32
        %sign3A_131 = arith.extui %sign3A_130 : i1 to i32
        %sign3A_132 = arith.subi %sign3A_128, %sign3A_131 : i32
        %sign3A_133 = arith.constant 0 : i32
        %sign3A_134 = arith.cmpi sgt, %jit3A_124, %sign3A_133 : i32
        %sign3A_135 = arith.extui %sign3A_134 : i1 to i32
        %sign3A_136 = arith.constant 0 : i32
        %sign3A_137 = arith.cmpi slt, %jit3A_124, %sign3A_136 : i32
        %sign3A_138 = arith.extui %sign3A_137 : i1 to i32
        %sign3A_139 = arith.subi %sign3A_135, %sign3A_138 : i32
        %ne3A_140 = arith.cmpi ne, %sign3A_132, %sign3A_139 : i32
        %rem3A_141 = arith.remsi %select_n3A_27, %jit3A_124 : i32
        %ne3A_142 = arith.constant 0 : i32
        %ne3A_143 = arith.cmpi ne, %rem3A_141, %ne3A_142 : i32
        %and3A_144 = arith.andi %ne3A_140, %ne3A_143 : i1
        %sub3A_145 = arith.constant 1 : i32
        %sub3A_146 = arith.subi %div3A_125, %sub3A_145 : i32
        %select_n3A_147 = arith.select %and3A_144, %sub3A_146, %div3A_125 : i32
        %mul3A_148 = arith.constant 16 : i32
        %mul3A_149 = arith.muli %select_n3A_147, %mul3A_148 : i32
        %get3A_150 = arith.index_cast %mul3A_149 : i32 to index
        %get3A_151 = tpu.vector_load %arg20[%get3A_150] {strides = array<i32>} : memref<32xi32, #tpu.memory_space<vmem>>, vector<16xi32>,
        %iota3A_152 = tpu.iota {dimensions = array<i32: 0>} : vector<16xi32>
        %sub3A_153 = arith.subi %select_n3A_27, %mul3A_149 : i32
        %eq3A_154 = vector.broadcast %sub3A_153 : i32 to vector<16xi32>
        %eq3A_155 = arith.cmpi eq, %iota3A_152, %eq3A_154 : vector<16xi32>
        %jit3A_156 = arith.constant 0 : i32
        %broadcast_in_dim3A_157 = vector.broadcast %jit3A_156 : i32 to vector<16xi32>
        %select_n3A_158 = arith.select %eq3A_155, %get3A_151, %broadcast_in_dim3A_157 : vector<16xi1>, vector<16xi32>
        %reduce_sum3A_159 = arith.constant true
        %reduce_sum3A_160 = vector.broadcast %reduce_sum3A_159 : i1 to vector<16xi1>
        %reduce_sum3A_161 = tpu.scan <sum>, %select_n3A_158 masked %reduce_sum3A_160 : vector<16xi32>, vector<16xi1> -> vector<16xi32>
        %reduce_sum3A_162 = vector.extract %reduce_sum3A_161[15] : i32 from vector<16xi32>
        %scan3A_163 = arith.constant 0 : i32
        %scan3A_164 = arith.constant 0 : i32
        %scan3A_165 = arith.constant 0 : i32
        %scan3A_166 = arith.constant 256 : i32
        %scan3A_167 = arith.addi %scan3A_165, %scan3A_166 : i32
        %scan3A_168 = arith.constant 1 : i32
        %scan3A_169:2 = scf.for %scan3A_187 = %scan3A_165 to %scan3A_167 step %scan3A_168 iter_args(%scan3A_188 = %scan3A_163, %scan3A_189 = %scan3A_164) -> (i32, i32)  : i32 {
          %mul3A_190 = arith.constant 16 : i32
          %mul3A_191 = arith.muli %scan3A_187, %mul3A_190 : i32
          %get3A_192 = arith.index_cast %mul3A_191 : i32 to index
          %get3A_193 = tpu.vector_load %arg15[%get3A_192] {strides = array<i32>} : memref<4096xf32, #tpu.memory_space<vmem>>, vector<16xf32>,
          %bitcast3A = vector.bitcast %get3A_193 : vector<16xf32> to vector<16xi32>
          %ge3A = arith.constant 0 : i32
          %ge3A_194 = vector.broadcast %ge3A : i32 to vector<16xi32>
          %ge3A_195 = arith.cmpi sge, %bitcast3A, %ge3A_194 : vector<16xi32>
          %xor3A = arith.constant 2147483647 : i32
          %xor3A_196 = vector.broadcast %xor3A : i32 to vector<16xi32>
          %xor3A_197 = arith.xori %bitcast3A, %xor3A_196 : vector<16xi32>
          %select_n3A_198 = arith.select %ge3A_195, %bitcast3A, %xor3A_197 : vector<16xi1>, vector<16xi32>
          %gt3A = vector.broadcast %reduce_sum3A_123 : i32 to vector<16xi32>
          %gt3A_199 = arith.cmpi sgt, %select_n3A_198, %gt3A : vector<16xi32>
          %eq3A_200 = vector.broadcast %reduce_sum3A_123 : i32 to vector<16xi32>
          %eq3A_201 = arith.cmpi eq, %select_n3A_198, %eq3A_200 : vector<16xi32>
          %convert_element_type3A_202 = arith.extui %eq3A_201 : vector<16xi1> to vector<16xi32>
          %broadcast_in_dim3A_203 = arith.constant true
          %broadcast_in_dim3A_204 = vector.broadcast %broadcast_in_dim3A_203 : i1 to vector<16xi1>
          %masked_cumsum3A = tpu.scan <sum>, %convert_element_type3A_202 masked %broadcast_in_dim3A_204 : vector<16xi32>, vector<16xi1> -> vector<16xi32>
          %add3A_205 = vector.broadcast %scan3A_188 : i32 to vector<16xi32>
          %add3A_206 = arith.addi %masked_cumsum3A, %add3A_205 : vector<16xi32>
          %le3A = vector.broadcast %reduce_sum3A_162 : i32 to vector<16xi32>
          %le3A_207 = arith.cmpi sle, %add3A_206, %le3A : vector<16xi32>
          %and3A_208 = arith.andi %eq3A_201, %le3A_207 : vector<16xi1>
          %or3A = arith.ori %gt3A_199, %and3A_208 : vector<16xi1>
          %convert_element_type3A_209 = arith.extui %or3A : vector<16xi1> to vector<16xi32>
          %broadcast_in_dim3A_210 = arith.constant true
          %broadcast_in_dim3A_211 = vector.broadcast %broadcast_in_dim3A_210 : i1 to vector<16xi1>
          %masked_cumsum3A_212 = tpu.scan <sum>, %convert_element_type3A_209 masked %broadcast_in_dim3A_211 : vector<16xi32>, vector<16xi1> -> vector<16xi32>
          %sub3A_213 = arith.constant 1 : i32
          %sub3A_214 = vector.broadcast %sub3A_213 : i32 to vector<16xi32>
          %sub3A_215 = arith.subi %masked_cumsum3A_212, %sub3A_214 : vector<16xi32>
          %add3A_216 = vector.broadcast %scan3A_189 : i32 to vector<16xi32>
          %add3A_217 = arith.addi %sub3A_215, %add3A_216 : vector<16xi32>
          %jit3A_218 = arith.constant 0 : i32
          %broadcast_in_dim3A_219 = vector.broadcast %jit3A_218 : i32 to vector<16xi32>
          %select_n3A_220 = arith.select %or3A, %add3A_217, %broadcast_in_dim3A_219 : vector<16xi1>, vector<16xi32>
          %iota3A_221 = tpu.iota {dimensions = array<i32: 0>} : vector<16xi32>
          %mul3A_222 = arith.constant 16 : i32
          %mul3A_223 = arith.muli %scan3A_187, %mul3A_222 : i32
          %add3A_224 = vector.broadcast %mul3A_223 : i32 to vector<16xi32>
          %add3A_225 = arith.addi %iota3A_221, %add3A_224 : vector<16xi32>
          tpu.vector_store_idx %arg16[%select_n3A_220], %add3A_225 masked %or3A : memref<128xi32, #tpu.memory_space<vmem>>[vector<16xi32>], vector<16xi32>, vector<16xi1>
          %convert_element_type3A_226 = arith.extui %eq3A_201 : vector<16xi1> to vector<16xi32>
          %reduce_sum3A_227 = arith.constant true
          %reduce_sum3A_228 = vector.broadcast %reduce_sum3A_227 : i1 to vector<16xi1>
          %reduce_sum3A_229 = tpu.scan <sum>, %convert_element_type3A_226 masked %reduce_sum3A_228 : vector<16xi32>, vector<16xi1> -> vector<16xi32>
          %reduce_sum3A_230 = vector.extract %reduce_sum3A_229[15] : i32 from vector<16xi32>
          %add3A_231 = arith.addi %scan3A_188, %reduce_sum3A_230 : i32
          %reduce_sum3A_232 = arith.constant true
          %reduce_sum3A_233 = vector.broadcast %reduce_sum3A_232 : i1 to vector<16xi1>
          %reduce_sum3A_234 = tpu.scan <sum>, %convert_element_type3A_209 masked %reduce_sum3A_233 : vector<16xi32>, vector<16xi1> -> vector<16xi32>
          %reduce_sum3A_235 = vector.extract %reduce_sum3A_234[15] : i32 from vector<16xi32>
          %add3A_236 = arith.addi %scan3A_189, %reduce_sum3A_235 : i32
          scf.yield %add3A_231, %add3A_236 : i32, i32
        }
        %scan3A_170 = arith.constant 256 : i32
        %mul3A_171 = arith.constant 128 : i32
        %mul3A_172 = arith.muli %select_n3A_27, %mul3A_171 : i32
        "tpu.region"() ({
          %run_scoped3A = tpu.sem_alloc : memref<!tpu.dma_semaphore, #tpu.memory_space<semaphore_mem>>
          %dma_start3A_187 = tpu.memref_slice %arg11[%select_n3A_88, %select_n3A_64, %mul3A_172] : memref<2x16x4096xi32, #tpu.memory_space<hbm>> -> memref<1x1x128xi32, #tpu.memory_space<hbm>>
          %dma_start3A_188 = tpu.memref_squeeze %dma_start3A_187 : memref<1x1x128xi32, #tpu.memory_space<hbm>> -> memref<128xi32, #tpu.memory_space<hbm>>
          %dma_start3A_189 = tpu.memref_slice %arg11[%select_n3A_88, %select_n3A_64, %mul3A_172] : memref<2x16x4096xi32, #tpu.memory_space<hbm>> -> memref<1x1x128xi32, #tpu.memory_space<hbm>>
          %dma_start3A_190 = tpu.memref_squeeze %dma_start3A_189 : memref<1x1x128xi32, #tpu.memory_space<hbm>> -> memref<128xi32, #tpu.memory_space<hbm>>
          tpu.enqueue_dma source(%arg16 : memref<128xi32, #tpu.memory_space<vmem>>) target(%dma_start3A_190 : memref<128xi32, #tpu.memory_space<hbm>>) target_semaphore(%run_scoped3A : memref<!tpu.dma_semaphore, #tpu.memory_space<semaphore_mem>>)
          %dma_wait3A_191 = tpu.memref_slice %arg11[%select_n3A_88, %select_n3A_64, %mul3A_172] : memref<2x16x4096xi32, #tpu.memory_space<hbm>> -> memref<1x1x128xi32, #tpu.memory_space<hbm>>
          %dma_wait3A_192 = tpu.memref_squeeze %dma_wait3A_191 : memref<1x1x128xi32, #tpu.memory_space<hbm>> -> memref<128xi32, #tpu.memory_space<hbm>>
          %dma_wait3A_193 = tpu.memref_slice %arg11[%select_n3A_88, %select_n3A_64, %mul3A_172] : memref<2x16x4096xi32, #tpu.memory_space<hbm>> -> memref<1x1x128xi32, #tpu.memory_space<hbm>>
          %dma_wait3A_194 = tpu.memref_squeeze %dma_wait3A_193 : memref<1x1x128xi32, #tpu.memory_space<hbm>> -> memref<128xi32, #tpu.memory_space<hbm>>
          tpu.wait_dma2 semaphore(%run_scoped3A : memref<!tpu.dma_semaphore, #tpu.memory_space<semaphore_mem>>) src(%arg16 : memref<128xi32, #tpu.memory_space<vmem>>) dst(%dma_wait3A_194 : memref<128xi32, #tpu.memory_space<hbm>>)
          tpu.yield
        }) : () -> ()
        %dma_start3A = arith.constant 0 : i32
        %dma_start3A_173 = arith.constant 0 : i32
        %dma_start3A_174 = tpu.memref_slice %arg2[%select_n3A_88, %select_n3A_64, %dma_start3A, %dma_start3A_173] : memref<2x16x4096x64xf32, #tpu.memory_space<hbm>> -> memref<1x1x4096x64xf32, #tpu.memory_space<hbm>>
        %dma_start3A_175 = tpu.memref_squeeze %dma_start3A_174 : memref<1x1x4096x64xf32, #tpu.memory_space<hbm>> -> memref<4096x64xf32, #tpu.memory_space<hbm>>
        %dma_start3A_176 = arith.constant 0 : i32
        %dma_start3A_177 = arith.constant 0 : i32
        %dma_start3A_178 = tpu.memref_slice %dma_start3A_175[%dma_start3A_176, %dma_start3A_177] : memref<4096x64xf32, #tpu.memory_space<hbm>> -> memref<4096x64xf32, #tpu.memory_space<hbm>>
        tpu.enqueue_indirect_dma source(%dma_start3A_178 : memref<4096x64xf32, #tpu.memory_space<hbm>>) target(%arg17 : memref<128x64xf32, #tpu.memory_space<vmem>>) offsets(%arg16 : memref<128xi32, #tpu.memory_space<vmem>>) semaphore(%arg21 : memref<!tpu.dma_semaphore, #tpu.memory_space<semaphore_mem>>)
        %dma_wait3A = arith.constant 0 : i32
        %dma_wait3A_179 = arith.constant 0 : i32
        %dma_wait3A_180 = tpu.memref_slice %arg2[%select_n3A_88, %select_n3A_64, %dma_wait3A, %dma_wait3A_179] : memref<2x16x4096x64xf32, #tpu.memory_space<hbm>> -> memref<1x1x4096x64xf32, #tpu.memory_space<hbm>>
        %dma_wait3A_181 = tpu.memref_squeeze %dma_wait3A_180 : memref<1x1x4096x64xf32, #tpu.memory_space<hbm>> -> memref<4096x64xf32, #tpu.memory_space<hbm>>
        %dma_wait3A_182 = arith.constant 0 : i32
        %dma_wait3A_183 = arith.constant 0 : i32
        %dma_wait3A_184 = tpu.memref_slice %dma_wait3A_181[%dma_wait3A_182, %dma_wait3A_183] : memref<4096x64xf32, #tpu.memory_space<hbm>> -> memref<4096x64xf32, #tpu.memory_space<hbm>>
        tpu.wait_indirect_dma semaphore(%arg21 : memref<!tpu.dma_semaphore, #tpu.memory_space<semaphore_mem>>) src(%dma_wait3A_184 : memref<4096x64xf32, #tpu.memory_space<hbm>>) dst(%arg17 : memref<128x64xf32, #tpu.memory_space<vmem>>)
        %mul3A_185 = arith.constant 128 : i32
        %mul3A_186 = arith.muli %select_n3A_27, %mul3A_185 : i32
        "tpu.region"() ({
          %run_scoped3A = tpu.sem_alloc : memref<!tpu.dma_semaphore, #tpu.memory_space<semaphore_mem>>
          %dma_start3A_187 = arith.constant 0 : i32
          %dma_start3A_188 = tpu.memref_slice %arg12[%select_n3A_88, %select_n3A_64, %mul3A_186, %dma_start3A_187] : memref<2x16x4096x64xf32, #tpu.memory_space<hbm>> -> memref<1x1x128x64xf32, #tpu.memory_space<hbm>>
          %dma_start3A_189 = tpu.memref_squeeze %dma_start3A_188 : memref<1x1x128x64xf32, #tpu.memory_space<hbm>> -> memref<128x64xf32, #tpu.memory_space<hbm>>
          %dma_start3A_190 = arith.constant 0 : i32
          %dma_start3A_191 = tpu.memref_slice %arg12[%select_n3A_88, %select_n3A_64, %mul3A_186, %dma_start3A_190] : memref<2x16x4096x64xf32, #tpu.memory_space<hbm>> -> memref<1x1x128x64xf32, #tpu.memory_space<hbm>>
          %dma_start3A_192 = tpu.memref_squeeze %dma_start3A_191 : memref<1x1x128x64xf32, #tpu.memory_space<hbm>> -> memref<128x64xf32, #tpu.memory_space<hbm>>
          tpu.enqueue_dma source(%arg17 : memref<128x64xf32, #tpu.memory_space<vmem>>) target(%dma_start3A_192 : memref<128x64xf32, #tpu.memory_space<hbm>>) target_semaphore(%run_scoped3A : memref<!tpu.dma_semaphore, #tpu.memory_space<semaphore_mem>>)
          %dma_wait3A_193 = arith.constant 0 : i32
          %dma_wait3A_194 = tpu.memref_slice %arg12[%select_n3A_88, %select_n3A_64, %mul3A_186, %dma_wait3A_193] : memref<2x16x4096x64xf32, #tpu.memory_space<hbm>> -> memref<1x1x128x64xf32, #tpu.memory_space<hbm>>
          %dma_wait3A_195 = tpu.memref_squeeze %dma_wait3A_194 : memref<1x1x128x64xf32, #tpu.memory_space<hbm>> -> memref<128x64xf32, #tpu.memory_space<hbm>>
          %dma_wait3A_196 = arith.constant 0 : i32
          %dma_wait3A_197 = tpu.memref_slice %arg12[%select_n3A_88, %select_n3A_64, %mul3A_186, %dma_wait3A_196] : memref<2x16x4096x64xf32, #tpu.memory_space<hbm>> -> memref<1x1x128x64xf32, #tpu.memory_space<hbm>>
          %dma_wait3A_198 = tpu.memref_squeeze %dma_wait3A_197 : memref<1x1x128x64xf32, #tpu.memory_space<hbm>> -> memref<128x64xf32, #tpu.memory_space<hbm>>
          tpu.wait_dma2 semaphore(%run_scoped3A : memref<!tpu.dma_semaphore, #tpu.memory_space<semaphore_mem>>) src(%arg17 : memref<128x64xf32, #tpu.memory_space<vmem>>) dst(%dma_wait3A_198 : memref<128x64xf32, #tpu.memory_space<hbm>>)
          tpu.yield
        }) : () -> ()
      } else {
      }
    }
    %scan3A_5 = arith.constant 32 : i32
    %scan3A_6 = arith.constant 0 : i32
    %scan3A_7 = arith.constant 0 : i32
    %scan3A_8 = arith.constant 32 : i32
    %scan3A_9 = arith.addi %scan3A_7, %scan3A_8 : i32
    %scan3A_10 = arith.constant 1 : i32
    scf.for %scan3A_12 = %scan3A_7 to %scan3A_9 step %scan3A_10  : i32 {
      %mul3A_13 = arith.constant 32 : i32
      %mul3A_14 = arith.muli %add3A, %mul3A_13 : i32
      %add3A_15 = arith.addi %mul3A_14, %scan3A_12 : i32
      %lt3A = arith.constant 1024 : i32
      %lt3A_16 = arith.cmpi slt, %add3A_15, %lt3A : i32
      %convert_element_type3A = arith.extui %lt3A_16 : i1 to i32
      %cond3A = arith.constant 0 : i32
      %cond3A_17 = arith.cmpi ne, %convert_element_type3A, %cond3A : i32
      scf.if %cond3A_17 {
        %jit3A = arith.constant 32 : i32
        %eq3A = arith.constant 0 : i32
        %eq3A_18 = arith.cmpi eq, %jit3A, %eq3A : i32
        %jit3A_19 = arith.constant 1 : i32
        %select_n3A = arith.select %eq3A_18, %jit3A_19, %jit3A : i32
        %rem3A = arith.remsi %add3A_15, %select_n3A : i32
        %ne3A = arith.constant 0 : i32
        %ne3A_20 = arith.cmpi ne, %rem3A, %ne3A : i32
        %lt3A_21 = arith.constant 0 : i32
        %lt3A_22 = arith.cmpi slt, %rem3A, %lt3A_21 : i32
        %lt3A_23 = arith.constant 0 : i32
        %lt3A_24 = arith.cmpi slt, %select_n3A, %lt3A_23 : i32
        %ne3A_25 = arith.xori %lt3A_22, %lt3A_24 : i1
        %and3A = arith.andi %ne3A_25, %ne3A_20 : i1
        %add3A_26 = arith.addi %rem3A, %select_n3A : i32
        %select_n3A_27 = arith.select %and3A, %add3A_26, %rem3A : i32
        %jit3A_28 = arith.constant 32 : i32
        %div3A = arith.divsi %add3A_15, %jit3A_28 : i32
        %sign3A = arith.constant 0 : i32
        %sign3A_29 = arith.cmpi sgt, %add3A_15, %sign3A : i32
        %sign3A_30 = arith.extui %sign3A_29 : i1 to i32
        %sign3A_31 = arith.constant 0 : i32
        %sign3A_32 = arith.cmpi slt, %add3A_15, %sign3A_31 : i32
        %sign3A_33 = arith.extui %sign3A_32 : i1 to i32
        %sign3A_34 = arith.subi %sign3A_30, %sign3A_33 : i32
        %sign3A_35 = arith.constant 0 : i32
        %sign3A_36 = arith.cmpi sgt, %jit3A_28, %sign3A_35 : i32
        %sign3A_37 = arith.extui %sign3A_36 : i1 to i32
        %sign3A_38 = arith.constant 0 : i32
        %sign3A_39 = arith.cmpi slt, %jit3A_28, %sign3A_38 : i32
        %sign3A_40 = arith.extui %sign3A_39 : i1 to i32
        %sign3A_41 = arith.subi %sign3A_37, %sign3A_40 : i32
        %ne3A_42 = arith.cmpi ne, %sign3A_34, %sign3A_41 : i32
        %rem3A_43 = arith.remsi %add3A_15, %jit3A_28 : i32
        %ne3A_44 = arith.constant 0 : i32
        %ne3A_45 = arith.cmpi ne, %rem3A_43, %ne3A_44 : i32
        %and3A_46 = arith.andi %ne3A_42, %ne3A_45 : i1
        %sub3A = arith.constant 1 : i32
        %sub3A_47 = arith.subi %div3A, %sub3A : i32
        %select_n3A_48 = arith.select %and3A_46, %sub3A_47, %div3A : i32
        %jit3A_49 = arith.constant 16 : i32
        %eq3A_50 = arith.constant 0 : i32
        %eq3A_51 = arith.cmpi eq, %jit3A_49, %eq3A_50 : i32
        %jit3A_52 = arith.constant 1 : i32
        %select_n3A_53 = arith.select %eq3A_51, %jit3A_52, %jit3A_49 : i32
        %rem3A_54 = arith.remsi %select_n3A_48, %select_n3A_53 : i32
        %ne3A_55 = arith.constant 0 : i32
        %ne3A_56 = arith.cmpi ne, %rem3A_54, %ne3A_55 : i32
        %lt3A_57 = arith.constant 0 : i32
        %lt3A_58 = arith.cmpi slt, %rem3A_54, %lt3A_57 : i32
        %lt3A_59 = arith.constant 0 : i32
        %lt3A_60 = arith.cmpi slt, %select_n3A_53, %lt3A_59 : i32
        %ne3A_61 = arith.xori %lt3A_58, %lt3A_60 : i1
        %and3A_62 = arith.andi %ne3A_61, %ne3A_56 : i1
        %add3A_63 = arith.addi %rem3A_54, %select_n3A_53 : i32
        %select_n3A_64 = arith.select %and3A_62, %add3A_63, %rem3A_54 : i32
        %jit3A_65 = arith.constant 512 : i32
        %div3A_66 = arith.divsi %add3A_15, %jit3A_65 : i32
        %sign3A_67 = arith.constant 0 : i32
        %sign3A_68 = arith.cmpi sgt, %add3A_15, %sign3A_67 : i32
        %sign3A_69 = arith.extui %sign3A_68 : i1 to i32
        %sign3A_70 = arith.constant 0 : i32
        %sign3A_71 = arith.cmpi slt, %add3A_15, %sign3A_70 : i32
        %sign3A_72 = arith.extui %sign3A_71 : i1 to i32
        %sign3A_73 = arith.subi %sign3A_69, %sign3A_72 : i32
        %sign3A_74 = arith.constant 0 : i32
        %sign3A_75 = arith.cmpi sgt, %jit3A_65, %sign3A_74 : i32
        %sign3A_76 = arith.extui %sign3A_75 : i1 to i32
        %sign3A_77 = arith.constant 0 : i32
        %sign3A_78 = arith.cmpi slt, %jit3A_65, %sign3A_77 : i32
        %sign3A_79 = arith.extui %sign3A_78 : i1 to i32
        %sign3A_80 = arith.subi %sign3A_76, %sign3A_79 : i32
        %ne3A_81 = arith.cmpi ne, %sign3A_73, %sign3A_80 : i32
        %rem3A_82 = arith.remsi %add3A_15, %jit3A_65 : i32
        %ne3A_83 = arith.constant 0 : i32
        %ne3A_84 = arith.cmpi ne, %rem3A_82, %ne3A_83 : i32
        %and3A_85 = arith.andi %ne3A_81, %ne3A_84 : i1
        %sub3A_86 = arith.constant 1 : i32
        %sub3A_87 = arith.subi %div3A_66, %sub3A_86 : i32
        %select_n3A_88 = arith.select %and3A_85, %sub3A_87, %div3A_66 : i32
        "tpu.region"() ({
          %run_scoped3A = tpu.sem_alloc : memref<!tpu.dma_semaphore, #tpu.memory_space<semaphore_mem>>
          %dma_start3A_201 = arith.constant 0 : i32
          %dma_start3A_202 = tpu.memref_slice %arg6[%select_n3A_88, %select_n3A_64, %select_n3A_27, %dma_start3A_201] : memref<2x16x32x4096xf32, #tpu.memory_space<hbm>> -> memref<1x1x1x4096xf32, #tpu.memory_space<hbm>>
          %dma_start3A_203 = tpu.memref_squeeze %dma_start3A_202 : memref<1x1x1x4096xf32, #tpu.memory_space<hbm>> -> memref<4096xf32, #tpu.memory_space<hbm>>
          %dma_start3A_204 = arith.constant 0 : i32
          %dma_start3A_205 = tpu.memref_slice %arg6[%select_n3A_88, %select_n3A_64, %select_n3A_27, %dma_start3A_204] : memref<2x16x32x4096xf32, #tpu.memory_space<hbm>> -> memref<1x1x1x4096xf32, #tpu.memory_space<hbm>>
          %dma_start3A_206 = tpu.memref_squeeze %dma_start3A_205 : memref<1x1x1x4096xf32, #tpu.memory_space<hbm>> -> memref<4096xf32, #tpu.memory_space<hbm>>
          tpu.enqueue_dma source(%dma_start3A_206 : memref<4096xf32, #tpu.memory_space<hbm>>) target(%arg15 : memref<4096xf32, #tpu.memory_space<vmem>>) target_semaphore(%run_scoped3A : memref<!tpu.dma_semaphore, #tpu.memory_space<semaphore_mem>>)
          %dma_wait3A_207 = arith.constant 0 : i32
          %dma_wait3A_208 = tpu.memref_slice %arg6[%select_n3A_88, %select_n3A_64, %select_n3A_27, %dma_wait3A_207] : memref<2x16x32x4096xf32, #tpu.memory_space<hbm>> -> memref<1x1x1x4096xf32, #tpu.memory_space<hbm>>
          %dma_wait3A_209 = tpu.memref_squeeze %dma_wait3A_208 : memref<1x1x1x4096xf32, #tpu.memory_space<hbm>> -> memref<4096xf32, #tpu.memory_space<hbm>>
          %dma_wait3A_210 = arith.constant 0 : i32
          %dma_wait3A_211 = tpu.memref_slice %arg6[%select_n3A_88, %select_n3A_64, %select_n3A_27, %dma_wait3A_210] : memref<2x16x32x4096xf32, #tpu.memory_space<hbm>> -> memref<1x1x1x4096xf32, #tpu.memory_space<hbm>>
          %dma_wait3A_212 = tpu.memref_squeeze %dma_wait3A_211 : memref<1x1x1x4096xf32, #tpu.memory_space<hbm>> -> memref<4096xf32, #tpu.memory_space<hbm>>
          tpu.wait_dma2 semaphore(%run_scoped3A : memref<!tpu.dma_semaphore, #tpu.memory_space<semaphore_mem>>) src(%dma_wait3A_212 : memref<4096xf32, #tpu.memory_space<hbm>>) dst(%arg15 : memref<4096xf32, #tpu.memory_space<vmem>>)
          tpu.yield
        }) : () -> ()
        "tpu.region"() ({
          %run_scoped3A = tpu.sem_alloc : memref<!tpu.dma_semaphore, #tpu.memory_space<semaphore_mem>>
          %dma_start3A_201 = arith.constant 0 : i32
          %dma_start3A_202 = tpu.memref_slice %arg9[%select_n3A_88, %select_n3A_64, %dma_start3A_201] : memref<2x16x32xi32, #tpu.memory_space<hbm>> -> memref<1x1x32xi32, #tpu.memory_space<hbm>>
          %dma_start3A_203 = tpu.memref_squeeze %dma_start3A_202 : memref<1x1x32xi32, #tpu.memory_space<hbm>> -> memref<32xi32, #tpu.memory_space<hbm>>
          %dma_start3A_204 = arith.constant 0 : i32
          %dma_start3A_205 = tpu.memref_slice %arg9[%select_n3A_88, %select_n3A_64, %dma_start3A_204] : memref<2x16x32xi32, #tpu.memory_space<hbm>> -> memref<1x1x32xi32, #tpu.memory_space<hbm>>
          %dma_start3A_206 = tpu.memref_squeeze %dma_start3A_205 : memref<1x1x32xi32, #tpu.memory_space<hbm>> -> memref<32xi32, #tpu.memory_space<hbm>>
          tpu.enqueue_dma source(%dma_start3A_206 : memref<32xi32, #tpu.memory_space<hbm>>) target(%arg19 : memref<32xi32, #tpu.memory_space<vmem>>) target_semaphore(%run_scoped3A : memref<!tpu.dma_semaphore, #tpu.memory_space<semaphore_mem>>)
          %dma_wait3A_207 = arith.constant 0 : i32
          %dma_wait3A_208 = tpu.memref_slice %arg9[%select_n3A_88, %select_n3A_64, %dma_wait3A_207] : memref<2x16x32xi32, #tpu.memory_space<hbm>> -> memref<1x1x32xi32, #tpu.memory_space<hbm>>
          %dma_wait3A_209 = tpu.memref_squeeze %dma_wait3A_208 : memref<1x1x32xi32, #tpu.memory_space<hbm>> -> memref<32xi32, #tpu.memory_space<hbm>>
          %dma_wait3A_210 = arith.constant 0 : i32
          %dma_wait3A_211 = tpu.memref_slice %arg9[%select_n3A_88, %select_n3A_64, %dma_wait3A_210] : memref<2x16x32xi32, #tpu.memory_space<hbm>> -> memref<1x1x32xi32, #tpu.memory_space<hbm>>
          %dma_wait3A_212 = tpu.memref_squeeze %dma_wait3A_211 : memref<1x1x32xi32, #tpu.memory_space<hbm>> -> memref<32xi32, #tpu.memory_space<hbm>>
          tpu.wait_dma2 semaphore(%run_scoped3A : memref<!tpu.dma_semaphore, #tpu.memory_space<semaphore_mem>>) src(%dma_wait3A_212 : memref<32xi32, #tpu.memory_space<hbm>>) dst(%arg19 : memref<32xi32, #tpu.memory_space<vmem>>)
          tpu.yield
        }) : () -> ()
        "tpu.region"() ({
          %run_scoped3A = tpu.sem_alloc : memref<!tpu.dma_semaphore, #tpu.memory_space<semaphore_mem>>
          %dma_start3A_201 = arith.constant 0 : i32
          %dma_start3A_202 = tpu.memref_slice %arg10[%select_n3A_88, %select_n3A_64, %dma_start3A_201] : memref<2x16x32xi32, #tpu.memory_space<hbm>> -> memref<1x1x32xi32, #tpu.memory_space<hbm>>
          %dma_start3A_203 = tpu.memref_squeeze %dma_start3A_202 : memref<1x1x32xi32, #tpu.memory_space<hbm>> -> memref<32xi32, #tpu.memory_space<hbm>>
          %dma_start3A_204 = arith.constant 0 : i32
          %dma_start3A_205 = tpu.memref_slice %arg10[%select_n3A_88, %select_n3A_64, %dma_start3A_204] : memref<2x16x32xi32, #tpu.memory_space<hbm>> -> memref<1x1x32xi32, #tpu.memory_space<hbm>>
          %dma_start3A_206 = tpu.memref_squeeze %dma_start3A_205 : memref<1x1x32xi32, #tpu.memory_space<hbm>> -> memref<32xi32, #tpu.memory_space<hbm>>
          tpu.enqueue_dma source(%dma_start3A_206 : memref<32xi32, #tpu.memory_space<hbm>>) target(%arg20 : memref<32xi32, #tpu.memory_space<vmem>>) target_semaphore(%run_scoped3A : memref<!tpu.dma_semaphore, #tpu.memory_space<semaphore_mem>>)
          %dma_wait3A_207 = arith.constant 0 : i32
          %dma_wait3A_208 = tpu.memref_slice %arg10[%select_n3A_88, %select_n3A_64, %dma_wait3A_207] : memref<2x16x32xi32, #tpu.memory_space<hbm>> -> memref<1x1x32xi32, #tpu.memory_space<hbm>>
          %dma_wait3A_209 = tpu.memref_squeeze %dma_wait3A_208 : memref<1x1x32xi32, #tpu.memory_space<hbm>> -> memref<32xi32, #tpu.memory_space<hbm>>
          %dma_wait3A_210 = arith.constant 0 : i32
          %dma_wait3A_211 = tpu.memref_slice %arg10[%select_n3A_88, %select_n3A_64, %dma_wait3A_210] : memref<2x16x32xi32, #tpu.memory_space<hbm>> -> memref<1x1x32xi32, #tpu.memory_space<hbm>>
          %dma_wait3A_212 = tpu.memref_squeeze %dma_wait3A_211 : memref<1x1x32xi32, #tpu.memory_space<hbm>> -> memref<32xi32, #tpu.memory_space<hbm>>
          tpu.wait_dma2 semaphore(%run_scoped3A : memref<!tpu.dma_semaphore, #tpu.memory_space<semaphore_mem>>) src(%dma_wait3A_212 : memref<32xi32, #tpu.memory_space<hbm>>) dst(%arg20 : memref<32xi32, #tpu.memory_space<vmem>>)
          tpu.yield
        }) : () -> ()
        %jit3A_89 = arith.constant 16 : i32
        %div3A_90 = arith.divsi %select_n3A_27, %jit3A_89 : i32
        %sign3A_91 = arith.constant 0 : i32
        %sign3A_92 = arith.cmpi sgt, %select_n3A_27, %sign3A_91 : i32
        %sign3A_93 = arith.extui %sign3A_92 : i1 to i32
        %sign3A_94 = arith.constant 0 : i32
        %sign3A_95 = arith.cmpi slt, %select_n3A_27, %sign3A_94 : i32
        %sign3A_96 = arith.extui %sign3A_95 : i1 to i32
        %sign3A_97 = arith.subi %sign3A_93, %sign3A_96 : i32
        %sign3A_98 = arith.constant 0 : i32
        %sign3A_99 = arith.cmpi sgt, %jit3A_89, %sign3A_98 : i32
        %sign3A_100 = arith.extui %sign3A_99 : i1 to i32
        %sign3A_101 = arith.constant 0 : i32
        %sign3A_102 = arith.cmpi slt, %jit3A_89, %sign3A_101 : i32
        %sign3A_103 = arith.extui %sign3A_102 : i1 to i32
        %sign3A_104 = arith.subi %sign3A_100, %sign3A_103 : i32
        %ne3A_105 = arith.cmpi ne, %sign3A_97, %sign3A_104 : i32
        %rem3A_106 = arith.remsi %select_n3A_27, %jit3A_89 : i32
        %ne3A_107 = arith.constant 0 : i32
        %ne3A_108 = arith.cmpi ne, %rem3A_106, %ne3A_107 : i32
        %and3A_109 = arith.andi %ne3A_105, %ne3A_108 : i1
        %sub3A_110 = arith.constant 1 : i32
        %sub3A_111 = arith.subi %div3A_90, %sub3A_110 : i32
        %select_n3A_112 = arith.select %and3A_109, %sub3A_111, %div3A_90 : i32
        %mul3A_113 = arith.constant 16 : i32
        %mul3A_114 = arith.muli %select_n3A_112, %mul3A_113 : i32
        %get3A = arith.index_cast %mul3A_114 : i32 to index
        %get3A_115 = tpu.vector_load %arg19[%get3A] {strides = array<i32>} : memref<32xi32, #tpu.memory_space<vmem>>, vector<16xi32>,
        %iota3A = tpu.iota {dimensions = array<i32: 0>} : vector<16xi32>
        %sub3A_116 = arith.subi %select_n3A_27, %mul3A_114 : i32
        %eq3A_117 = vector.broadcast %sub3A_116 : i32 to vector<16xi32>
        %eq3A_118 = arith.cmpi eq, %iota3A, %eq3A_117 : vector<16xi32>
        %jit3A_119 = arith.constant 0 : i32
        %broadcast_in_dim3A = vector.broadcast %jit3A_119 : i32 to vector<16xi32>
        %select_n3A_120 = arith.select %eq3A_118, %get3A_115, %broadcast_in_dim3A : vector<16xi1>, vector<16xi32>
        %reduce_sum3A = arith.constant true
        %reduce_sum3A_121 = vector.broadcast %reduce_sum3A : i1 to vector<16xi1>
        %reduce_sum3A_122 = tpu.scan <sum>, %select_n3A_120 masked %reduce_sum3A_121 : vector<16xi32>, vector<16xi1> -> vector<16xi32>
        %reduce_sum3A_123 = vector.extract %reduce_sum3A_122[15] : i32 from vector<16xi32>
        %jit3A_124 = arith.constant 16 : i32
        %div3A_125 = arith.divsi %select_n3A_27, %jit3A_124 : i32
        %sign3A_126 = arith.constant 0 : i32
        %sign3A_127 = arith.cmpi sgt, %select_n3A_27, %sign3A_126 : i32
        %sign3A_128 = arith.extui %sign3A_127 : i1 to i32
        %sign3A_129 = arith.constant 0 : i32
        %sign3A_130 = arith.cmpi slt, %select_n3A_27, %sign3A_129 : i32
        %sign3A_131 = arith.extui %sign3A_130 : i1 to i32
        %sign3A_132 = arith.subi %sign3A_128, %sign3A_131 : i32
        %sign3A_133 = arith.constant 0 : i32
        %sign3A_134 = arith.cmpi sgt, %jit3A_124, %sign3A_133 : i32
        %sign3A_135 = arith.extui %sign3A_134 : i1 to i32
        %sign3A_136 = arith.constant 0 : i32
        %sign3A_137 = arith.cmpi slt, %jit3A_124, %sign3A_136 : i32
        %sign3A_138 = arith.extui %sign3A_137 : i1 to i32
        %sign3A_139 = arith.subi %sign3A_135, %sign3A_138 : i32
        %ne3A_140 = arith.cmpi ne, %sign3A_132, %sign3A_139 : i32
        %rem3A_141 = arith.remsi %select_n3A_27, %jit3A_124 : i32
        %ne3A_142 = arith.constant 0 : i32
        %ne3A_143 = arith.cmpi ne, %rem3A_141, %ne3A_142 : i32
        %and3A_144 = arith.andi %ne3A_140, %ne3A_143 : i1
        %sub3A_145 = arith.constant 1 : i32
        %sub3A_146 = arith.subi %div3A_125, %sub3A_145 : i32
        %select_n3A_147 = arith.select %and3A_144, %sub3A_146, %div3A_125 : i32
        %mul3A_148 = arith.constant 16 : i32
        %mul3A_149 = arith.muli %select_n3A_147, %mul3A_148 : i32
        %get3A_150 = arith.index_cast %mul3A_149 : i32 to index
        %get3A_151 = tpu.vector_load %arg20[%get3A_150] {strides = array<i32>} : memref<32xi32, #tpu.memory_space<vmem>>, vector<16xi32>,
        %iota3A_152 = tpu.iota {dimensions = array<i32: 0>} : vector<16xi32>
        %sub3A_153 = arith.subi %select_n3A_27, %mul3A_149 : i32
        %eq3A_154 = vector.broadcast %sub3A_153 : i32 to vector<16xi32>
        %eq3A_155 = arith.cmpi eq, %iota3A_152, %eq3A_154 : vector<16xi32>
        %jit3A_156 = arith.constant 0 : i32
        %broadcast_in_dim3A_157 = vector.broadcast %jit3A_156 : i32 to vector<16xi32>
        %select_n3A_158 = arith.select %eq3A_155, %get3A_151, %broadcast_in_dim3A_157 : vector<16xi1>, vector<16xi32>
        %reduce_sum3A_159 = arith.constant true
        %reduce_sum3A_160 = vector.broadcast %reduce_sum3A_159 : i1 to vector<16xi1>
        %reduce_sum3A_161 = tpu.scan <sum>, %select_n3A_158 masked %reduce_sum3A_160 : vector<16xi32>, vector<16xi1> -> vector<16xi32>
        %reduce_sum3A_162 = vector.extract %reduce_sum3A_161[15] : i32 from vector<16xi32>
        %scan3A_163 = arith.constant 0 : i32
        %scan3A_164 = arith.constant 0 : i32
        %scan3A_165 = arith.constant 0 : i32
        %scan3A_166 = arith.constant 256 : i32
        %scan3A_167 = arith.addi %scan3A_165, %scan3A_166 : i32
        %scan3A_168 = arith.constant 1 : i32
        %scan3A_169:2 = scf.for %scan3A_201 = %scan3A_165 to %scan3A_167 step %scan3A_168 iter_args(%scan3A_202 = %scan3A_163, %scan3A_203 = %scan3A_164) -> (i32, i32)  : i32 {
          %mul3A_204 = arith.constant 16 : i32
          %mul3A_205 = arith.muli %scan3A_201, %mul3A_204 : i32
          %get3A_206 = arith.index_cast %mul3A_205 : i32 to index
          %get3A_207 = tpu.vector_load %arg15[%get3A_206] {strides = array<i32>} : memref<4096xf32, #tpu.memory_space<vmem>>, vector<16xf32>,
          %bitcast3A = vector.bitcast %get3A_207 : vector<16xf32> to vector<16xi32>
          %ge3A = arith.constant 0 : i32
          %ge3A_208 = vector.broadcast %ge3A : i32 to vector<16xi32>
          %ge3A_209 = arith.cmpi sge, %bitcast3A, %ge3A_208 : vector<16xi32>
          %xor3A = arith.constant 2147483647 : i32
          %xor3A_210 = vector.broadcast %xor3A : i32 to vector<16xi32>
          %xor3A_211 = arith.xori %bitcast3A, %xor3A_210 : vector<16xi32>
          %select_n3A_212 = arith.select %ge3A_209, %bitcast3A, %xor3A_211 : vector<16xi1>, vector<16xi32>
          %gt3A = vector.broadcast %reduce_sum3A_123 : i32 to vector<16xi32>
          %gt3A_213 = arith.cmpi sgt, %select_n3A_212, %gt3A : vector<16xi32>
          %eq3A_214 = vector.broadcast %reduce_sum3A_123 : i32 to vector<16xi32>
          %eq3A_215 = arith.cmpi eq, %select_n3A_212, %eq3A_214 : vector<16xi32>
          %convert_element_type3A_216 = arith.extui %eq3A_215 : vector<16xi1> to vector<16xi32>
          %broadcast_in_dim3A_217 = arith.constant true
          %broadcast_in_dim3A_218 = vector.broadcast %broadcast_in_dim3A_217 : i1 to vector<16xi1>
          %masked_cumsum3A = tpu.scan <sum>, %convert_element_type3A_216 masked %broadcast_in_dim3A_218 : vector<16xi32>, vector<16xi1> -> vector<16xi32>
          %add3A_219 = vector.broadcast %scan3A_202 : i32 to vector<16xi32>
          %add3A_220 = arith.addi %masked_cumsum3A, %add3A_219 : vector<16xi32>
          %le3A = vector.broadcast %reduce_sum3A_162 : i32 to vector<16xi32>
          %le3A_221 = arith.cmpi sle, %add3A_220, %le3A : vector<16xi32>
          %and3A_222 = arith.andi %eq3A_215, %le3A_221 : vector<16xi1>
          %or3A = arith.ori %gt3A_213, %and3A_222 : vector<16xi1>
          %convert_element_type3A_223 = arith.extui %or3A : vector<16xi1> to vector<16xi32>
          %broadcast_in_dim3A_224 = arith.constant true
          %broadcast_in_dim3A_225 = vector.broadcast %broadcast_in_dim3A_224 : i1 to vector<16xi1>
          %masked_cumsum3A_226 = tpu.scan <sum>, %convert_element_type3A_223 masked %broadcast_in_dim3A_225 : vector<16xi32>, vector<16xi1> -> vector<16xi32>
          %sub3A_227 = arith.constant 1 : i32
          %sub3A_228 = vector.broadcast %sub3A_227 : i32 to vector<16xi32>
          %sub3A_229 = arith.subi %masked_cumsum3A_226, %sub3A_228 : vector<16xi32>
          %add3A_230 = vector.broadcast %scan3A_203 : i32 to vector<16xi32>
          %add3A_231 = arith.addi %sub3A_229, %add3A_230 : vector<16xi32>
          %jit3A_232 = arith.constant 0 : i32
          %broadcast_in_dim3A_233 = vector.broadcast %jit3A_232 : i32 to vector<16xi32>
          %select_n3A_234 = arith.select %or3A, %add3A_231, %broadcast_in_dim3A_233 : vector<16xi1>, vector<16xi32>
          %iota3A_235 = tpu.iota {dimensions = array<i32: 0>} : vector<16xi32>
          %mul3A_236 = arith.constant 16 : i32
          %mul3A_237 = arith.muli %scan3A_201, %mul3A_236 : i32
          %add3A_238 = vector.broadcast %mul3A_237 : i32 to vector<16xi32>
          %add3A_239 = arith.addi %iota3A_235, %add3A_238 : vector<16xi32>
          tpu.vector_store_idx %arg16[%select_n3A_234], %add3A_239 masked %or3A : memref<128xi32, #tpu.memory_space<vmem>>[vector<16xi32>], vector<16xi32>, vector<16xi1>
          %convert_element_type3A_240 = arith.extui %eq3A_215 : vector<16xi1> to vector<16xi32>
          %reduce_sum3A_241 = arith.constant true
          %reduce_sum3A_242 = vector.broadcast %reduce_sum3A_241 : i1 to vector<16xi1>
          %reduce_sum3A_243 = tpu.scan <sum>, %convert_element_type3A_240 masked %reduce_sum3A_242 : vector<16xi32>, vector<16xi1> -> vector<16xi32>
          %reduce_sum3A_244 = vector.extract %reduce_sum3A_243[15] : i32 from vector<16xi32>
          %add3A_245 = arith.addi %scan3A_202, %reduce_sum3A_244 : i32
          %reduce_sum3A_246 = arith.constant true
          %reduce_sum3A_247 = vector.broadcast %reduce_sum3A_246 : i1 to vector<16xi1>
          %reduce_sum3A_248 = tpu.scan <sum>, %convert_element_type3A_223 masked %reduce_sum3A_247 : vector<16xi32>, vector<16xi1> -> vector<16xi32>
          %reduce_sum3A_249 = vector.extract %reduce_sum3A_248[15] : i32 from vector<16xi32>
          %add3A_250 = arith.addi %scan3A_203, %reduce_sum3A_249 : i32
          scf.yield %add3A_245, %add3A_250 : i32, i32
        }
        %scan3A_170 = arith.constant 256 : i32
        %dma_start3A = arith.constant 0 : i32
        %dma_start3A_171 = arith.constant 0 : i32
        %dma_start3A_172 = tpu.memref_slice %arg3[%select_n3A_88, %select_n3A_64, %dma_start3A, %dma_start3A_171] : memref<2x16x4096x64xf32, #tpu.memory_space<hbm>> -> memref<1x1x4096x64xf32, #tpu.memory_space<hbm>>
        %dma_start3A_173 = tpu.memref_squeeze %dma_start3A_172 : memref<1x1x4096x64xf32, #tpu.memory_space<hbm>> -> memref<4096x64xf32, #tpu.memory_space<hbm>>
        %dma_start3A_174 = arith.constant 0 : i32
        %dma_start3A_175 = arith.constant 0 : i32
        %dma_start3A_176 = tpu.memref_slice %dma_start3A_173[%dma_start3A_174, %dma_start3A_175] : memref<4096x64xf32, #tpu.memory_space<hbm>> -> memref<4096x64xf32, #tpu.memory_space<hbm>>
        tpu.enqueue_indirect_dma source(%dma_start3A_176 : memref<4096x64xf32, #tpu.memory_space<hbm>>) target(%arg17 : memref<128x64xf32, #tpu.memory_space<vmem>>) offsets(%arg16 : memref<128xi32, #tpu.memory_space<vmem>>) semaphore(%arg21 : memref<!tpu.dma_semaphore, #tpu.memory_space<semaphore_mem>>)
        %dma_wait3A = arith.constant 0 : i32
        %dma_wait3A_177 = arith.constant 0 : i32
        %dma_wait3A_178 = tpu.memref_slice %arg3[%select_n3A_88, %select_n3A_64, %dma_wait3A, %dma_wait3A_177] : memref<2x16x4096x64xf32, #tpu.memory_space<hbm>> -> memref<1x1x4096x64xf32, #tpu.memory_space<hbm>>
        %dma_wait3A_179 = tpu.memref_squeeze %dma_wait3A_178 : memref<1x1x4096x64xf32, #tpu.memory_space<hbm>> -> memref<4096x64xf32, #tpu.memory_space<hbm>>
        %dma_wait3A_180 = arith.constant 0 : i32
        %dma_wait3A_181 = arith.constant 0 : i32
        %dma_wait3A_182 = tpu.memref_slice %dma_wait3A_179[%dma_wait3A_180, %dma_wait3A_181] : memref<4096x64xf32, #tpu.memory_space<hbm>> -> memref<4096x64xf32, #tpu.memory_space<hbm>>
        tpu.wait_indirect_dma semaphore(%arg21 : memref<!tpu.dma_semaphore, #tpu.memory_space<semaphore_mem>>) src(%dma_wait3A_182 : memref<4096x64xf32, #tpu.memory_space<hbm>>) dst(%arg17 : memref<128x64xf32, #tpu.memory_space<vmem>>)
        %dma_start3A_183 = arith.constant 0 : i32
        %dma_start3A_184 = arith.constant 0 : i32
        %dma_start3A_185 = tpu.memref_slice %arg4[%select_n3A_88, %select_n3A_64, %dma_start3A_183, %dma_start3A_184] : memref<2x16x4096x64xf32, #tpu.memory_space<hbm>> -> memref<1x1x4096x64xf32, #tpu.memory_space<hbm>>
        %dma_start3A_186 = tpu.memref_squeeze %dma_start3A_185 : memref<1x1x4096x64xf32, #tpu.memory_space<hbm>> -> memref<4096x64xf32, #tpu.memory_space<hbm>>
        %dma_start3A_187 = arith.constant 0 : i32
        %dma_start3A_188 = arith.constant 0 : i32
        %dma_start3A_189 = tpu.memref_slice %dma_start3A_186[%dma_start3A_187, %dma_start3A_188] : memref<4096x64xf32, #tpu.memory_space<hbm>> -> memref<4096x64xf32, #tpu.memory_space<hbm>>
        tpu.enqueue_indirect_dma source(%dma_start3A_189 : memref<4096x64xf32, #tpu.memory_space<hbm>>) target(%arg18 : memref<128x64xf32, #tpu.memory_space<vmem>>) offsets(%arg16 : memref<128xi32, #tpu.memory_space<vmem>>) semaphore(%arg21 : memref<!tpu.dma_semaphore, #tpu.memory_space<semaphore_mem>>)
        %dma_wait3A_190 = arith.constant 0 : i32
        %dma_wait3A_191 = arith.constant 0 : i32
        %dma_wait3A_192 = tpu.memref_slice %arg4[%select_n3A_88, %select_n3A_64, %dma_wait3A_190, %dma_wait3A_191] : memref<2x16x4096x64xf32, #tpu.memory_space<hbm>> -> memref<1x1x4096x64xf32, #tpu.memory_space<hbm>>
        %dma_wait3A_193 = tpu.memref_squeeze %dma_wait3A_192 : memref<1x1x4096x64xf32, #tpu.memory_space<hbm>> -> memref<4096x64xf32, #tpu.memory_space<hbm>>
        %dma_wait3A_194 = arith.constant 0 : i32
        %dma_wait3A_195 = arith.constant 0 : i32
        %dma_wait3A_196 = tpu.memref_slice %dma_wait3A_193[%dma_wait3A_194, %dma_wait3A_195] : memref<4096x64xf32, #tpu.memory_space<hbm>> -> memref<4096x64xf32, #tpu.memory_space<hbm>>
        tpu.wait_indirect_dma semaphore(%arg21 : memref<!tpu.dma_semaphore, #tpu.memory_space<semaphore_mem>>) src(%dma_wait3A_196 : memref<4096x64xf32, #tpu.memory_space<hbm>>) dst(%arg18 : memref<128x64xf32, #tpu.memory_space<vmem>>)
        %mul3A_197 = arith.constant 128 : i32
        %mul3A_198 = arith.muli %select_n3A_27, %mul3A_197 : i32
        "tpu.region"() ({
          %run_scoped3A = tpu.sem_alloc : memref<!tpu.dma_semaphore, #tpu.memory_space<semaphore_mem>>
          %dma_start3A_201 = arith.constant 0 : i32
          %dma_start3A_202 = tpu.memref_slice %arg13[%select_n3A_88, %select_n3A_64, %mul3A_198, %dma_start3A_201] : memref<2x16x4096x64xf32, #tpu.memory_space<hbm>> -> memref<1x1x128x64xf32, #tpu.memory_space<hbm>>
          %dma_start3A_203 = tpu.memref_squeeze %dma_start3A_202 : memref<1x1x128x64xf32, #tpu.memory_space<hbm>> -> memref<128x64xf32, #tpu.memory_space<hbm>>
          %dma_start3A_204 = arith.constant 0 : i32
          %dma_start3A_205 = tpu.memref_slice %arg13[%select_n3A_88, %select_n3A_64, %mul3A_198, %dma_start3A_204] : memref<2x16x4096x64xf32, #tpu.memory_space<hbm>> -> memref<1x1x128x64xf32, #tpu.memory_space<hbm>>
          %dma_start3A_206 = tpu.memref_squeeze %dma_start3A_205 : memref<1x1x128x64xf32, #tpu.memory_space<hbm>> -> memref<128x64xf32, #tpu.memory_space<hbm>>
          tpu.enqueue_dma source(%arg17 : memref<128x64xf32, #tpu.memory_space<vmem>>) target(%dma_start3A_206 : memref<128x64xf32, #tpu.memory_space<hbm>>) target_semaphore(%run_scoped3A : memref<!tpu.dma_semaphore, #tpu.memory_space<semaphore_mem>>)
          %dma_wait3A_207 = arith.constant 0 : i32
          %dma_wait3A_208 = tpu.memref_slice %arg13[%select_n3A_88, %select_n3A_64, %mul3A_198, %dma_wait3A_207] : memref<2x16x4096x64xf32, #tpu.memory_space<hbm>> -> memref<1x1x128x64xf32, #tpu.memory_space<hbm>>
          %dma_wait3A_209 = tpu.memref_squeeze %dma_wait3A_208 : memref<1x1x128x64xf32, #tpu.memory_space<hbm>> -> memref<128x64xf32, #tpu.memory_space<hbm>>
          %dma_wait3A_210 = arith.constant 0 : i32
          %dma_wait3A_211 = tpu.memref_slice %arg13[%select_n3A_88, %select_n3A_64, %mul3A_198, %dma_wait3A_210] : memref<2x16x4096x64xf32, #tpu.memory_space<hbm>> -> memref<1x1x128x64xf32, #tpu.memory_space<hbm>>
          %dma_wait3A_212 = tpu.memref_squeeze %dma_wait3A_211 : memref<1x1x128x64xf32, #tpu.memory_space<hbm>> -> memref<128x64xf32, #tpu.memory_space<hbm>>
          tpu.wait_dma2 semaphore(%run_scoped3A : memref<!tpu.dma_semaphore, #tpu.memory_space<semaphore_mem>>) src(%arg17 : memref<128x64xf32, #tpu.memory_space<vmem>>) dst(%dma_wait3A_212 : memref<128x64xf32, #tpu.memory_space<hbm>>)
          tpu.yield
        }) : () -> ()
        %mul3A_199 = arith.constant 128 : i32
        %mul3A_200 = arith.muli %select_n3A_27, %mul3A_199 : i32
        "tpu.region"() ({
          %run_scoped3A = tpu.sem_alloc : memref<!tpu.dma_semaphore, #tpu.memory_space<semaphore_mem>>
          %dma_start3A_201 = arith.constant 0 : i32
          %dma_start3A_202 = tpu.memref_slice %arg14[%select_n3A_88, %select_n3A_64, %mul3A_200, %dma_start3A_201] : memref<2x16x4096x64xf32, #tpu.memory_space<hbm>> -> memref<1x1x128x64xf32, #tpu.memory_space<hbm>>
          %dma_start3A_203 = tpu.memref_squeeze %dma_start3A_202 : memref<1x1x128x64xf32, #tpu.memory_space<hbm>> -> memref<128x64xf32, #tpu.memory_space<hbm>>
          %dma_start3A_204 = arith.constant 0 : i32
          %dma_start3A_205 = tpu.memref_slice %arg14[%select_n3A_88, %select_n3A_64, %mul3A_200, %dma_start3A_204] : memref<2x16x4096x64xf32, #tpu.memory_space<hbm>> -> memref<1x1x128x64xf32, #tpu.memory_space<hbm>>
          %dma_start3A_206 = tpu.memref_squeeze %dma_start3A_205 : memref<1x1x128x64xf32, #tpu.memory_space<hbm>> -> memref<128x64xf32, #tpu.memory_space<hbm>>
          tpu.enqueue_dma source(%arg18 : memref<128x64xf32, #tpu.memory_space<vmem>>) target(%dma_start3A_206 : memref<128x64xf32, #tpu.memory_space<hbm>>) target_semaphore(%run_scoped3A : memref<!tpu.dma_semaphore, #tpu.memory_space<semaphore_mem>>)
          %dma_wait3A_207 = arith.constant 0 : i32
          %dma_wait3A_208 = tpu.memref_slice %arg14[%select_n3A_88, %select_n3A_64, %mul3A_200, %dma_wait3A_207] : memref<2x16x4096x64xf32, #tpu.memory_space<hbm>> -> memref<1x1x128x64xf32, #tpu.memory_space<hbm>>
          %dma_wait3A_209 = tpu.memref_squeeze %dma_wait3A_208 : memref<1x1x128x64xf32, #tpu.memory_space<hbm>> -> memref<128x64xf32, #tpu.memory_space<hbm>>
          %dma_wait3A_210 = arith.constant 0 : i32
          %dma_wait3A_211 = tpu.memref_slice %arg14[%select_n3A_88, %select_n3A_64, %mul3A_200, %dma_wait3A_210] : memref<2x16x4096x64xf32, #tpu.memory_space<hbm>> -> memref<1x1x128x64xf32, #tpu.memory_space<hbm>>
          %dma_wait3A_212 = tpu.memref_squeeze %dma_wait3A_211 : memref<1x1x128x64xf32, #tpu.memory_space<hbm>> -> memref<128x64xf32, #tpu.memory_space<hbm>>
          tpu.wait_dma2 semaphore(%run_scoped3A : memref<!tpu.dma_semaphore, #tpu.memory_space<semaphore_mem>>) src(%arg18 : memref<128x64xf32, #tpu.memory_space<vmem>>) dst(%dma_wait3A_212 : memref<128x64xf32, #tpu.memory_space<hbm>>)
          tpu.yield
        }) : () -> ()
      } else {
      }
    }
    %scan3A_11 = arith.constant 32 : i32
    return
  }
}

module attributes {stable_mosaic.version = 14 : i64} {
  func.func @_dists_body(%arg0: i32, %arg1: i32, %arg2: memref<1x1x4096x64xf32, #tpu.memory_space<vmem>>, %arg3: memref<1x1x4096x64xf32, #tpu.memory_space<vmem>>, %arg4: memref<1x32x64xf32, #tpu.memory_space<vmem>>, %arg5: memref<1x1x32x4096xf32, #tpu.memory_space<vmem>>, %arg6: memref<1x1x32x4096xf32, #tpu.memory_space<vmem>>, %arg7: memref<1x1x8x128xf32, #tpu.memory_space<vmem>>, %arg8: memref<1x1x32x1xi32, #tpu.memory_space<vmem>>, %arg9: memref<1x1x32x1xi32, #tpu.memory_space<vmem>>, %arg10: memref<1x1x32x1xi32, #tpu.memory_space<vmem>>, %arg11: memref<1x1x32x1xi32, #tpu.memory_space<vmem>>) attributes {dimension_semantics = [#tpu.dimension_semantics<arbitrary>, #tpu.dimension_semantics<arbitrary>], iteration_bounds = array<i64: 2, 16>, scalar_prefetch = 0 : i64, scratch_operands = 0 : i64, tpu.core_type = #tpu.core_type<tc>, window_params = [{transform_indices = @transform_0, window_bounds = array<i64: 1, 1, 4096, 64>}, {transform_indices = @transform_1, window_bounds = array<i64: 1, 1, 4096, 64>}, {transform_indices = @transform_2, window_bounds = array<i64: 1, 32, 64>}, {transform_indices = @transform_3, window_bounds = array<i64: 1, 1, 32, 4096>}, {transform_indices = @transform_4, window_bounds = array<i64: 1, 1, 32, 4096>}, {transform_indices = @transform_5, window_bounds = array<i64: 1, 1, 8, 128>}, {transform_indices = @transform_6, window_bounds = array<i64: 1, 1, 32, 1>}, {transform_indices = @transform_7, window_bounds = array<i64: 1, 1, 32, 1>}, {transform_indices = @transform_8, window_bounds = array<i64: 1, 1, 32, 1>}, {transform_indices = @transform_9, window_bounds = array<i64: 1, 1, 32, 1>}]} {
    %get3A = arith.constant 0 : index
    %get3A_0 = arith.constant 0 : index
    %get3A_1 = arith.constant 0 : index
    %get3A_2 = vector.load %arg4[%get3A, %get3A_0, %get3A_1] : memref<1x32x64xf32, #tpu.memory_space<vmem>>, vector<1x32x64xf32>
    %get3A_3 = vector.shape_cast %get3A_2 : vector<1x32x64xf32> to vector<32x64xf32>
    %mul3A = arith.mulf %get3A_3, %get3A_3 : vector<32x64xf32>
    %reduce_sum3A = arith.constant dense<0.000000e+00> : vector<32xf32>
    %reduce_sum3A_4 = vector.multi_reduction <add>, %mul3A, %reduce_sum3A [1] : vector<32x64xf32> to vector<32xf32>
    %get3A_5 = arith.constant 0 : index
    %get3A_6 = arith.constant 0 : index
    %get3A_7 = arith.constant 0 : index
    %get3A_8 = arith.constant 0 : index
    %get3A_9 = vector.load %arg2[%get3A_5, %get3A_6, %get3A_7, %get3A_8] : memref<1x1x4096x64xf32, #tpu.memory_space<vmem>>, vector<1x1x4096x64xf32>
    %get3A_10 = vector.shape_cast %get3A_9 : vector<1x1x4096x64xf32> to vector<4096x64xf32>
    %mul3A_11 = arith.mulf %get3A_10, %get3A_10 : vector<4096x64xf32>
    %reduce_sum3A_12 = arith.constant dense<0.000000e+00> : vector<4096xf32>
    %reduce_sum3A_13 = vector.multi_reduction <add>, %mul3A_11, %reduce_sum3A_12 [1] : vector<4096x64xf32> to vector<4096xf32>
    %broadcast_in_dim3A = vector.shape_cast %reduce_sum3A_13 : vector<4096xf32> to vector<4096x1xf32>
    %sqrt3A = math.sqrt %broadcast_in_dim3A : vector<4096x1xf32>
    %max3A = arith.constant 9.99999996E-13 : f32
    %max3A_14 = vector.broadcast %max3A : f32 to vector<4096x1xf32>
    %max3A_15 = arith.maximumf %sqrt3A, %max3A_14 : vector<4096x1xf32>
    %div3A = vector.broadcast %max3A_15 : vector<4096x1xf32> to vector<4096x64xf32>
    %div3A_16 = arith.divf %get3A_10, %div3A : vector<4096x64xf32>
    %dot_general3A = arith.constant dense<0.000000e+00> : vector<32x4096xf32>
    %dot_general3A_17 = tpu.matmul %get3A_3, %div3A_16, %dot_general3A {dimension_numbers = #tpu.dot_dimension_numbers<[1], [1], [0], [0], [0, 0, 1, 0], [], []>, transpose_lhs_hint = false} : vector<32x64xf32>, vector<4096x64xf32>, vector<32x4096xf32> -> vector<32x4096xf32>
    %mul3A_18 = arith.mulf %div3A_16, %div3A_16 : vector<4096x64xf32>
    %reduce_sum3A_19 = arith.constant dense<0.000000e+00> : vector<4096xf32>
    %reduce_sum3A_20 = vector.multi_reduction <add>, %mul3A_18, %reduce_sum3A_19 [1] : vector<4096x64xf32> to vector<4096xf32>
    %reduce_max3A = arith.constant dense<0xFF800000> : vector<4096xf32>
    %reduce_max3A_21 = vector.multi_reduction <maximumf>, %dot_general3A_17, %reduce_max3A [0] : vector<32x4096xf32> to vector<4096xf32>
    %argmax3A = tpu.reduce_index %dot_general3A_17 {axis = 0 : i32, kind = #tpu.reduction_kind<arg_max>} : vector<32x4096xf32> -> vector<4096xi32>
    %iota3A = tpu.iota {dimensions = array<i32: 0>} : vector<32x4096xi32>
    %broadcast_in_dim3A_22 = vector.shape_cast %argmax3A : vector<4096xi32> to vector<1x4096xi32>
    %eq3A = vector.broadcast %broadcast_in_dim3A_22 : vector<1x4096xi32> to vector<32x4096xi32>
    %eq3A_23 = arith.cmpi eq, %iota3A, %eq3A : vector<32x4096xi32>
    %broadcast_in_dim3A_24 = vector.shape_cast %reduce_sum3A_4 : vector<32xf32> to vector<32x1xf32>
    %jit3A = arith.constant 0.000000e+00 : f32
    %broadcast_in_dim3A_25 = vector.shape_cast %broadcast_in_dim3A_24 : vector<32x1xf32> to vector<32x1xf32>
    %broadcast_in_dim3A_26 = vector.broadcast %broadcast_in_dim3A_25 : vector<32x1xf32> to vector<32x4096xf32>
    %broadcast_in_dim3A_27 = vector.broadcast %jit3A : f32 to vector<32x4096xf32>
    %select_n3A = arith.select %eq3A_23, %broadcast_in_dim3A_26, %broadcast_in_dim3A_27 : vector<32x4096xi1>, vector<32x4096xf32>
    %reduce_sum3A_28 = arith.constant dense<0.000000e+00> : vector<4096xf32>
    %reduce_sum3A_29 = vector.multi_reduction <add>, %select_n3A, %reduce_sum3A_28 [0] : vector<32x4096xf32> to vector<4096xf32>
    %mul3A_30 = arith.constant 2.000000e+00 : f32
    %mul3A_31 = vector.broadcast %mul3A_30 : f32 to vector<4096xf32>
    %mul3A_32 = arith.mulf %mul3A_31, %reduce_max3A_21 : vector<4096xf32>
    %sub3A = arith.subf %reduce_sum3A_20, %mul3A_32 : vector<4096xf32>
    %add3A = arith.addf %sub3A, %reduce_sum3A_29 : vector<4096xf32>
    %reduce_sum3A_33 = vector.shape_cast %add3A : vector<4096xf32> to vector<1x4096xf32>
    %reduce_sum3A_34 = arith.constant dense<0.000000e+00> : vector<1xf32>
    %reduce_sum3A_35 = vector.multi_reduction <add>, %reduce_sum3A_33, %reduce_sum3A_34 [1] : vector<1x4096xf32> to vector<1xf32>
    %reduce_sum3A_36 = vector.shape_cast %reduce_sum3A_35 : vector<1xf32> to vector<1x1xf32>
    %reduce_sum3A_37 = vector.extract %reduce_sum3A_36[0, 0] : f32 from vector<1x1xf32>
    %get3A_38 = arith.constant 0 : index
    %get3A_39 = arith.constant 0 : index
    %get3A_40 = arith.constant 0 : index
    %get3A_41 = arith.constant 0 : index
    %get3A_42 = vector.load %arg3[%get3A_38, %get3A_39, %get3A_40, %get3A_41] : memref<1x1x4096x64xf32, #tpu.memory_space<vmem>>, vector<1x1x4096x64xf32>
    %get3A_43 = vector.shape_cast %get3A_42 : vector<1x1x4096x64xf32> to vector<4096x64xf32>
    %mul3A_44 = arith.mulf %get3A_43, %get3A_43 : vector<4096x64xf32>
    %reduce_sum3A_45 = arith.constant dense<0.000000e+00> : vector<4096xf32>
    %reduce_sum3A_46 = vector.multi_reduction <add>, %mul3A_44, %reduce_sum3A_45 [1] : vector<4096x64xf32> to vector<4096xf32>
    %broadcast_in_dim3A_47 = vector.shape_cast %reduce_sum3A_46 : vector<4096xf32> to vector<4096x1xf32>
    %sqrt3A_48 = math.sqrt %broadcast_in_dim3A_47 : vector<4096x1xf32>
    %max3A_49 = arith.constant 9.99999996E-13 : f32
    %max3A_50 = vector.broadcast %max3A_49 : f32 to vector<4096x1xf32>
    %max3A_51 = arith.maximumf %sqrt3A_48, %max3A_50 : vector<4096x1xf32>
    %div3A_52 = vector.broadcast %max3A_51 : vector<4096x1xf32> to vector<4096x64xf32>
    %div3A_53 = arith.divf %get3A_43, %div3A_52 : vector<4096x64xf32>
    %dot_general3A_54 = arith.constant dense<0.000000e+00> : vector<32x4096xf32>
    %dot_general3A_55 = tpu.matmul %get3A_3, %div3A_53, %dot_general3A_54 {dimension_numbers = #tpu.dot_dimension_numbers<[1], [1], [0], [0], [0, 0, 1, 0], [], []>, transpose_lhs_hint = false} : vector<32x64xf32>, vector<4096x64xf32>, vector<32x4096xf32> -> vector<32x4096xf32>
    %mul3A_56 = arith.mulf %div3A_53, %div3A_53 : vector<4096x64xf32>
    %reduce_sum3A_57 = arith.constant dense<0.000000e+00> : vector<4096xf32>
    %reduce_sum3A_58 = vector.multi_reduction <add>, %mul3A_56, %reduce_sum3A_57 [1] : vector<4096x64xf32> to vector<4096xf32>
    %reduce_max3A_59 = arith.constant dense<0xFF800000> : vector<4096xf32>
    %reduce_max3A_60 = vector.multi_reduction <maximumf>, %dot_general3A_55, %reduce_max3A_59 [0] : vector<32x4096xf32> to vector<4096xf32>
    %argmax3A_61 = tpu.reduce_index %dot_general3A_55 {axis = 0 : i32, kind = #tpu.reduction_kind<arg_max>} : vector<32x4096xf32> -> vector<4096xi32>
    %iota3A_62 = tpu.iota {dimensions = array<i32: 0>} : vector<32x4096xi32>
    %broadcast_in_dim3A_63 = vector.shape_cast %argmax3A_61 : vector<4096xi32> to vector<1x4096xi32>
    %eq3A_64 = vector.broadcast %broadcast_in_dim3A_63 : vector<1x4096xi32> to vector<32x4096xi32>
    %eq3A_65 = arith.cmpi eq, %iota3A_62, %eq3A_64 : vector<32x4096xi32>
    %broadcast_in_dim3A_66 = vector.shape_cast %reduce_sum3A_4 : vector<32xf32> to vector<32x1xf32>
    %jit3A_67 = arith.constant 0.000000e+00 : f32
    %broadcast_in_dim3A_68 = vector.shape_cast %broadcast_in_dim3A_66 : vector<32x1xf32> to vector<32x1xf32>
    %broadcast_in_dim3A_69 = vector.broadcast %broadcast_in_dim3A_68 : vector<32x1xf32> to vector<32x4096xf32>
    %broadcast_in_dim3A_70 = vector.broadcast %jit3A_67 : f32 to vector<32x4096xf32>
    %select_n3A_71 = arith.select %eq3A_65, %broadcast_in_dim3A_69, %broadcast_in_dim3A_70 : vector<32x4096xi1>, vector<32x4096xf32>
    %reduce_sum3A_72 = arith.constant dense<0.000000e+00> : vector<4096xf32>
    %reduce_sum3A_73 = vector.multi_reduction <add>, %select_n3A_71, %reduce_sum3A_72 [0] : vector<32x4096xf32> to vector<4096xf32>
    %mul3A_74 = arith.constant 2.000000e+00 : f32
    %mul3A_75 = vector.broadcast %mul3A_74 : f32 to vector<4096xf32>
    %mul3A_76 = arith.mulf %mul3A_75, %reduce_max3A_60 : vector<4096xf32>
    %sub3A_77 = arith.subf %reduce_sum3A_58, %mul3A_76 : vector<4096xf32>
    %add3A_78 = arith.addf %sub3A_77, %reduce_sum3A_73 : vector<4096xf32>
    %reduce_sum3A_79 = vector.shape_cast %add3A_78 : vector<4096xf32> to vector<1x4096xf32>
    %reduce_sum3A_80 = arith.constant dense<0.000000e+00> : vector<1xf32>
    %reduce_sum3A_81 = vector.multi_reduction <add>, %reduce_sum3A_79, %reduce_sum3A_80 [1] : vector<1x4096xf32> to vector<1xf32>
    %reduce_sum3A_82 = vector.shape_cast %reduce_sum3A_81 : vector<1xf32> to vector<1x1xf32>
    %reduce_sum3A_83 = vector.extract %reduce_sum3A_82[0, 0] : f32 from vector<1x1xf32>
    %swap3A = arith.constant 0 : index
    %swap3A_84 = arith.constant 0 : index
    %swap3A_85 = arith.constant 0 : index
    %swap3A_86 = arith.constant 0 : index
    %swap3A_87 = vector.load %arg5[%swap3A, %swap3A_84, %swap3A_85, %swap3A_86] : memref<1x1x32x4096xf32, #tpu.memory_space<vmem>>, vector<1x1x32x4096xf32>
    %swap3A_88 = vector.shape_cast %swap3A_87 : vector<1x1x32x4096xf32> to vector<32x4096xf32>
    %swap3A_89 = vector.shape_cast %dot_general3A_17 : vector<32x4096xf32> to vector<1x1x32x4096xf32>
    tpu.vector_store %arg5[%swap3A, %swap3A_84, %swap3A_85, %swap3A_86], %swap3A_89 {strides = array<i32>} : memref<1x1x32x4096xf32, #tpu.memory_space<vmem>>, vector<1x1x32x4096xf32>,
    %swap3A_90 = arith.constant 0 : index
    %swap3A_91 = arith.constant 0 : index
    %swap3A_92 = arith.constant 0 : index
    %swap3A_93 = arith.constant 0 : index
    %swap3A_94 = vector.load %arg6[%swap3A_90, %swap3A_91, %swap3A_92, %swap3A_93] : memref<1x1x32x4096xf32, #tpu.memory_space<vmem>>, vector<1x1x32x4096xf32>
    %swap3A_95 = vector.shape_cast %swap3A_94 : vector<1x1x32x4096xf32> to vector<32x4096xf32>
    %swap3A_96 = vector.shape_cast %dot_general3A_55 : vector<32x4096xf32> to vector<1x1x32x4096xf32>
    tpu.vector_store %arg6[%swap3A_90, %swap3A_91, %swap3A_92, %swap3A_93], %swap3A_96 {strides = array<i32>} : memref<1x1x32x4096xf32, #tpu.memory_space<vmem>>, vector<1x1x32x4096xf32>,
    %iota3A_97 = tpu.iota {dimensions = array<i32: 0>} : vector<8x128xi32>
    %iota3A_98 = tpu.iota {dimensions = array<i32: 1>} : vector<8x128xi32>
    %eq3A_99 = arith.constant 0 : i32
    %eq3A_100 = vector.broadcast %eq3A_99 : i32 to vector<8x128xi32>
    %eq3A_101 = arith.cmpi eq, %iota3A_97, %eq3A_100 : vector<8x128xi32>
    %eq3A_102 = arith.constant 0 : i32
    %eq3A_103 = vector.broadcast %eq3A_102 : i32 to vector<8x128xi32>
    %eq3A_104 = arith.cmpi eq, %iota3A_98, %eq3A_103 : vector<8x128xi32>
    %and3A = arith.andi %eq3A_101, %eq3A_104 : vector<8x128xi1>
    %add3A_105 = arith.addf %reduce_sum3A_37, %reduce_sum3A_83 : f32
    %jit3A_106 = arith.constant 0.000000e+00 : f32
    %broadcast_in_dim3A_107 = vector.broadcast %add3A_105 : f32 to vector<8x128xf32>
    %broadcast_in_dim3A_108 = vector.broadcast %jit3A_106 : f32 to vector<8x128xf32>
    %select_n3A_109 = arith.select %and3A, %broadcast_in_dim3A_107, %broadcast_in_dim3A_108 : vector<8x128xi1>, vector<8x128xf32>
    %swap3A_110 = arith.constant 0 : index
    %swap3A_111 = arith.constant 0 : index
    %swap3A_112 = arith.constant 0 : index
    %swap3A_113 = arith.constant 0 : index
    %swap3A_114 = vector.load %arg7[%swap3A_110, %swap3A_111, %swap3A_112, %swap3A_113] : memref<1x1x8x128xf32, #tpu.memory_space<vmem>>, vector<1x1x8x128xf32>
    %swap3A_115 = vector.shape_cast %swap3A_114 : vector<1x1x8x128xf32> to vector<8x128xf32>
    %swap3A_116 = vector.shape_cast %select_n3A_109 : vector<8x128xf32> to vector<1x1x8x128xf32>
    tpu.vector_store %arg7[%swap3A_110, %swap3A_111, %swap3A_112, %swap3A_113], %swap3A_116 {strides = array<i32>} : memref<1x1x8x128xf32, #tpu.memory_space<vmem>>, vector<1x1x8x128xf32>,
    %bitcast_convert_type3A = tpu.bitcast %dot_general3A_17 : vector<32x4096xf32> -> vector<32x4096xi32>
    %ge3A = arith.constant 0 : i32
    %ge3A_117 = vector.broadcast %ge3A : i32 to vector<32x4096xi32>
    %ge3A_118 = arith.cmpi sge, %bitcast_convert_type3A, %ge3A_117 : vector<32x4096xi32>
    %xor3A = arith.constant 2147483647 : i32
    %xor3A_119 = vector.broadcast %xor3A : i32 to vector<32x4096xi32>
    %xor3A_120 = arith.xori %bitcast_convert_type3A, %xor3A_119 : vector<32x4096xi32>
    %select_n3A_121 = arith.select %ge3A_118, %bitcast_convert_type3A, %xor3A_120 : vector<32x4096xi1>, vector<32x4096xi32>
    %broadcast_in_dim3A_122 = arith.constant 0 : i32
    %broadcast_in_dim3A_123 = vector.broadcast %broadcast_in_dim3A_122 : i32 to vector<32x1xi32>
    %scan3A = arith.constant 0 : i32
    %scan3A_124 = arith.constant 32 : i32
    %scan3A_125 = arith.addi %scan3A, %scan3A_124 : i32
    %scan3A_126 = arith.constant 1 : i32
    %scan3A_127 = scf.for %scan3A_195 = %scan3A to %scan3A_125 step %scan3A_126 iter_args(%scan3A_196 = %broadcast_in_dim3A_123) -> (vector<32x1xi32>)  : i32 {
      %sub3A_197 = arith.constant 31 : i32
      %sub3A_198 = arith.subi %sub3A_197, %scan3A_195 : i32
      %shift_left3A = arith.constant 1 : i32
      %shift_left3A_199 = arith.shli %shift_left3A, %sub3A_198 : i32
      %or3A = vector.broadcast %shift_left3A_199 : i32 to vector<32x1xi32>
      %or3A_200 = arith.ori %scan3A_196, %or3A : vector<32x1xi32>
      %xor3A_201 = arith.constant -2147483648 : i32
      %xor3A_202 = vector.broadcast %xor3A_201 : i32 to vector<32x1xi32>
      %xor3A_203 = arith.xori %or3A_200, %xor3A_202 : vector<32x1xi32>
      %ge3A_204 = vector.broadcast %xor3A_203 : vector<32x1xi32> to vector<32x4096xi32>
      %ge3A_205 = arith.cmpi sge, %select_n3A_121, %ge3A_204 : vector<32x4096xi32>
      %convert_element_type3A_206 = arith.extui %ge3A_205 : vector<32x4096xi1> to vector<32x4096xi32>
      %reduce_sum3A_207 = arith.constant dense<0> : vector<32xi32>
      %reduce_sum3A_208 = vector.multi_reduction <add>, %convert_element_type3A_206, %reduce_sum3A_207 [1] : vector<32x4096xi32> to vector<32xi32>
      %broadcast_in_dim3A_209 = vector.shape_cast %reduce_sum3A_208 : vector<32xi32> to vector<32x1xi32>
      %ge3A_210 = arith.constant 128 : i32
      %ge3A_211 = vector.broadcast %ge3A_210 : i32 to vector<32x1xi32>
      %ge3A_212 = arith.cmpi sge, %broadcast_in_dim3A_209, %ge3A_211 : vector<32x1xi32>
      %select_n3A_213 = arith.select %ge3A_212, %or3A_200, %scan3A_196 : vector<32x1xi1>, vector<32x1xi32>
      scf.yield %select_n3A_213 : vector<32x1xi32>
    }
    %scan3A_128 = arith.constant 32 : i32
    %xor3A_129 = arith.constant -2147483648 : i32
    %xor3A_130 = vector.broadcast %xor3A_129 : i32 to vector<32x1xi32>
    %xor3A_131 = arith.xori %scan3A_127, %xor3A_130 : vector<32x1xi32>
    %gt3A = vector.broadcast %xor3A_131 : vector<32x1xi32> to vector<32x4096xi32>
    %gt3A_132 = arith.cmpi sgt, %select_n3A_121, %gt3A : vector<32x4096xi32>
    %convert_element_type3A = arith.extui %gt3A_132 : vector<32x4096xi1> to vector<32x4096xi32>
    %reduce_sum3A_133 = arith.constant dense<0> : vector<32xi32>
    %reduce_sum3A_134 = vector.multi_reduction <add>, %convert_element_type3A, %reduce_sum3A_133 [1] : vector<32x4096xi32> to vector<32xi32>
    %broadcast_in_dim3A_135 = vector.shape_cast %reduce_sum3A_134 : vector<32xi32> to vector<32x1xi32>
    %sub3A_136 = arith.constant 128 : i32
    %sub3A_137 = vector.broadcast %sub3A_136 : i32 to vector<32x1xi32>
    %sub3A_138 = arith.subi %sub3A_137, %broadcast_in_dim3A_135 : vector<32x1xi32>
    %bitcast_convert_type3A_139 = tpu.bitcast %dot_general3A_55 : vector<32x4096xf32> -> vector<32x4096xi32>
    %ge3A_140 = arith.constant 0 : i32
    %ge3A_141 = vector.broadcast %ge3A_140 : i32 to vector<32x4096xi32>
    %ge3A_142 = arith.cmpi sge, %bitcast_convert_type3A_139, %ge3A_141 : vector<32x4096xi32>
    %xor3A_143 = arith.constant 2147483647 : i32
    %xor3A_144 = vector.broadcast %xor3A_143 : i32 to vector<32x4096xi32>
    %xor3A_145 = arith.xori %bitcast_convert_type3A_139, %xor3A_144 : vector<32x4096xi32>
    %select_n3A_146 = arith.select %ge3A_142, %bitcast_convert_type3A_139, %xor3A_145 : vector<32x4096xi1>, vector<32x4096xi32>
    %broadcast_in_dim3A_147 = arith.constant 0 : i32
    %broadcast_in_dim3A_148 = vector.broadcast %broadcast_in_dim3A_147 : i32 to vector<32x1xi32>
    %scan3A_149 = arith.constant 0 : i32
    %scan3A_150 = arith.constant 32 : i32
    %scan3A_151 = arith.addi %scan3A_149, %scan3A_150 : i32
    %scan3A_152 = arith.constant 1 : i32
    %scan3A_153 = scf.for %scan3A_195 = %scan3A_149 to %scan3A_151 step %scan3A_152 iter_args(%scan3A_196 = %broadcast_in_dim3A_148) -> (vector<32x1xi32>)  : i32 {
      %sub3A_197 = arith.constant 31 : i32
      %sub3A_198 = arith.subi %sub3A_197, %scan3A_195 : i32
      %shift_left3A = arith.constant 1 : i32
      %shift_left3A_199 = arith.shli %shift_left3A, %sub3A_198 : i32
      %or3A = vector.broadcast %shift_left3A_199 : i32 to vector<32x1xi32>
      %or3A_200 = arith.ori %scan3A_196, %or3A : vector<32x1xi32>
      %xor3A_201 = arith.constant -2147483648 : i32
      %xor3A_202 = vector.broadcast %xor3A_201 : i32 to vector<32x1xi32>
      %xor3A_203 = arith.xori %or3A_200, %xor3A_202 : vector<32x1xi32>
      %ge3A_204 = vector.broadcast %xor3A_203 : vector<32x1xi32> to vector<32x4096xi32>
      %ge3A_205 = arith.cmpi sge, %select_n3A_146, %ge3A_204 : vector<32x4096xi32>
      %convert_element_type3A_206 = arith.extui %ge3A_205 : vector<32x4096xi1> to vector<32x4096xi32>
      %reduce_sum3A_207 = arith.constant dense<0> : vector<32xi32>
      %reduce_sum3A_208 = vector.multi_reduction <add>, %convert_element_type3A_206, %reduce_sum3A_207 [1] : vector<32x4096xi32> to vector<32xi32>
      %broadcast_in_dim3A_209 = vector.shape_cast %reduce_sum3A_208 : vector<32xi32> to vector<32x1xi32>
      %ge3A_210 = arith.constant 128 : i32
      %ge3A_211 = vector.broadcast %ge3A_210 : i32 to vector<32x1xi32>
      %ge3A_212 = arith.cmpi sge, %broadcast_in_dim3A_209, %ge3A_211 : vector<32x1xi32>
      %select_n3A_213 = arith.select %ge3A_212, %or3A_200, %scan3A_196 : vector<32x1xi1>, vector<32x1xi32>
      scf.yield %select_n3A_213 : vector<32x1xi32>
    }
    %scan3A_154 = arith.constant 32 : i32
    %xor3A_155 = arith.constant -2147483648 : i32
    %xor3A_156 = vector.broadcast %xor3A_155 : i32 to vector<32x1xi32>
    %xor3A_157 = arith.xori %scan3A_153, %xor3A_156 : vector<32x1xi32>
    %gt3A_158 = vector.broadcast %xor3A_157 : vector<32x1xi32> to vector<32x4096xi32>
    %gt3A_159 = arith.cmpi sgt, %select_n3A_146, %gt3A_158 : vector<32x4096xi32>
    %convert_element_type3A_160 = arith.extui %gt3A_159 : vector<32x4096xi1> to vector<32x4096xi32>
    %reduce_sum3A_161 = arith.constant dense<0> : vector<32xi32>
    %reduce_sum3A_162 = vector.multi_reduction <add>, %convert_element_type3A_160, %reduce_sum3A_161 [1] : vector<32x4096xi32> to vector<32xi32>
    %broadcast_in_dim3A_163 = vector.shape_cast %reduce_sum3A_162 : vector<32xi32> to vector<32x1xi32>
    %sub3A_164 = arith.constant 128 : i32
    %sub3A_165 = vector.broadcast %sub3A_164 : i32 to vector<32x1xi32>
    %sub3A_166 = arith.subi %sub3A_165, %broadcast_in_dim3A_163 : vector<32x1xi32>
    %swap3A_167 = arith.constant 0 : index
    %swap3A_168 = arith.constant 0 : index
    %swap3A_169 = arith.constant 0 : index
    %swap3A_170 = arith.constant 0 : index
    %swap3A_171 = vector.load %arg8[%swap3A_167, %swap3A_168, %swap3A_169, %swap3A_170] : memref<1x1x32x1xi32, #tpu.memory_space<vmem>>, vector<1x1x32x1xi32>
    %swap3A_172 = vector.shape_cast %swap3A_171 : vector<1x1x32x1xi32> to vector<32x1xi32>
    %swap3A_173 = vector.shape_cast %xor3A_131 : vector<32x1xi32> to vector<1x1x32x1xi32>
    tpu.vector_store %arg8[%swap3A_167, %swap3A_168, %swap3A_169, %swap3A_170], %swap3A_173 {strides = array<i32>} : memref<1x1x32x1xi32, #tpu.memory_space<vmem>>, vector<1x1x32x1xi32>,
    %swap3A_174 = arith.constant 0 : index
    %swap3A_175 = arith.constant 0 : index
    %swap3A_176 = arith.constant 0 : index
    %swap3A_177 = arith.constant 0 : index
    %swap3A_178 = vector.load %arg9[%swap3A_174, %swap3A_175, %swap3A_176, %swap3A_177] : memref<1x1x32x1xi32, #tpu.memory_space<vmem>>, vector<1x1x32x1xi32>
    %swap3A_179 = vector.shape_cast %swap3A_178 : vector<1x1x32x1xi32> to vector<32x1xi32>
    %swap3A_180 = vector.shape_cast %sub3A_138 : vector<32x1xi32> to vector<1x1x32x1xi32>
    tpu.vector_store %arg9[%swap3A_174, %swap3A_175, %swap3A_176, %swap3A_177], %swap3A_180 {strides = array<i32>} : memref<1x1x32x1xi32, #tpu.memory_space<vmem>>, vector<1x1x32x1xi32>,
    %swap3A_181 = arith.constant 0 : index
    %swap3A_182 = arith.constant 0 : index
    %swap3A_183 = arith.constant 0 : index
    %swap3A_184 = arith.constant 0 : index
    %swap3A_185 = vector.load %arg10[%swap3A_181, %swap3A_182, %swap3A_183, %swap3A_184] : memref<1x1x32x1xi32, #tpu.memory_space<vmem>>, vector<1x1x32x1xi32>
    %swap3A_186 = vector.shape_cast %swap3A_185 : vector<1x1x32x1xi32> to vector<32x1xi32>
    %swap3A_187 = vector.shape_cast %xor3A_157 : vector<32x1xi32> to vector<1x1x32x1xi32>
    tpu.vector_store %arg10[%swap3A_181, %swap3A_182, %swap3A_183, %swap3A_184], %swap3A_187 {strides = array<i32>} : memref<1x1x32x1xi32, #tpu.memory_space<vmem>>, vector<1x1x32x1xi32>,
    %swap3A_188 = arith.constant 0 : index
    %swap3A_189 = arith.constant 0 : index
    %swap3A_190 = arith.constant 0 : index
    %swap3A_191 = arith.constant 0 : index
    %swap3A_192 = vector.load %arg11[%swap3A_188, %swap3A_189, %swap3A_190, %swap3A_191] : memref<1x1x32x1xi32, #tpu.memory_space<vmem>>, vector<1x1x32x1xi32>
    %swap3A_193 = vector.shape_cast %swap3A_192 : vector<1x1x32x1xi32> to vector<32x1xi32>
    %swap3A_194 = vector.shape_cast %sub3A_166 : vector<32x1xi32> to vector<1x1x32x1xi32>
    tpu.vector_store %arg11[%swap3A_188, %swap3A_189, %swap3A_190, %swap3A_191], %swap3A_194 {strides = array<i32>} : memref<1x1x32x1xi32, #tpu.memory_space<vmem>>, vector<1x1x32x1xi32>,
    return
  }
  func.func @transform_0(%arg0: i32, %arg1: i32) -> (i32, i32, i32, i32) {
    %c0_i32 = arith.constant 0 : i32
    %c0_i32_0 = arith.constant 0 : i32
    %c0_i32_1 = arith.constant 0 : i32
    return %arg0, %arg1, %c0_i32, %c0_i32_0 : i32, i32, i32, i32
  }
  func.func @transform_1(%arg0: i32, %arg1: i32) -> (i32, i32, i32, i32) {
    %c0_i32 = arith.constant 0 : i32
    %c0_i32_0 = arith.constant 0 : i32
    %c0_i32_1 = arith.constant 0 : i32
    return %arg0, %arg1, %c0_i32, %c0_i32_0 : i32, i32, i32, i32
  }
  func.func @transform_2(%arg0: i32, %arg1: i32) -> (i32, i32, i32) {
    %c0_i32 = arith.constant 0 : i32
    %c0_i32_0 = arith.constant 0 : i32
    %c0_i32_1 = arith.constant 0 : i32
    return %arg1, %c0_i32, %c0_i32_0 : i32, i32, i32
  }
  func.func @transform_3(%arg0: i32, %arg1: i32) -> (i32, i32, i32, i32) {
    %c0_i32 = arith.constant 0 : i32
    %c0_i32_0 = arith.constant 0 : i32
    %c0_i32_1 = arith.constant 0 : i32
    return %arg0, %arg1, %c0_i32, %c0_i32_0 : i32, i32, i32, i32
  }
  func.func @transform_4(%arg0: i32, %arg1: i32) -> (i32, i32, i32, i32) {
    %c0_i32 = arith.constant 0 : i32
    %c0_i32_0 = arith.constant 0 : i32
    %c0_i32_1 = arith.constant 0 : i32
    return %arg0, %arg1, %c0_i32, %c0_i32_0 : i32, i32, i32, i32
  }
  func.func @transform_5(%arg0: i32, %arg1: i32) -> (i32, i32, i32, i32) {
    %c0_i32 = arith.constant 0 : i32
    %c0_i32_0 = arith.constant 0 : i32
    %c0_i32_1 = arith.constant 0 : i32
    return %arg0, %arg1, %c0_i32, %c0_i32_0 : i32, i32, i32, i32
  }
  func.func @transform_6(%arg0: i32, %arg1: i32) -> (i32, i32, i32, i32) {
    %c0_i32 = arith.constant 0 : i32
    %c0_i32_0 = arith.constant 0 : i32
    %c0_i32_1 = arith.constant 0 : i32
    return %arg0, %arg1, %c0_i32, %c0_i32_0 : i32, i32, i32, i32
  }
  func.func @transform_7(%arg0: i32, %arg1: i32) -> (i32, i32, i32, i32) {
    %c0_i32 = arith.constant 0 : i32
    %c0_i32_0 = arith.constant 0 : i32
    %c0_i32_1 = arith.constant 0 : i32
    return %arg0, %arg1, %c0_i32, %c0_i32_0 : i32, i32, i32, i32
  }
  func.func @transform_8(%arg0: i32, %arg1: i32) -> (i32, i32, i32, i32) {
    %c0_i32 = arith.constant 0 : i32
    %c0_i32_0 = arith.constant 0 : i32
    %c0_i32_1 = arith.constant 0 : i32
    return %arg0, %arg1, %c0_i32, %c0_i32_0 : i32, i32, i32, i32
  }
  func.func @transform_9(%arg0: i32, %arg1: i32) -> (i32, i32, i32, i32) {
    %c0_i32 = arith.constant 0 : i32
    %c0_i32_0 = arith.constant 0 : i32
    %c0_i32_1 = arith.constant 0 : i32
    return %arg0, %arg1, %c0_i32, %c0_i32_0 : i32, i32, i32, i32
  }
}

module attributes {stable_mosaic.version = 14 : i64} {
  func.func @_attn_body(%arg0: i32, %arg1: memref<1x4096x64xf32, #tpu.memory_space<vmem>>, %arg2: memref<1x4096x64xf32, #tpu.memory_space<vmem>>, %arg3: memref<1x4096x64xf32, #tpu.memory_space<vmem>>, %arg4: memref<1x4096x64xf32, #tpu.memory_space<vmem>>) attributes {dimension_semantics = [#tpu.dimension_semantics<arbitrary>], iteration_bounds = array<i64: 32>, scalar_prefetch = 0 : i64, scratch_operands = 0 : i64, tpu.core_type = #tpu.core_type<tc>, window_params = [{transform_indices = @transform_0, window_bounds = array<i64: 1, 4096, 64>}, {transform_indices = @transform_1, window_bounds = array<i64: 1, 4096, 64>}, {transform_indices = @transform_2, window_bounds = array<i64: 1, 4096, 64>}, {transform_indices = @transform_3, window_bounds = array<i64: 1, 4096, 64>}]} {
    %get3A = arith.constant 0 : index
    %get3A_0 = arith.constant 0 : index
    %get3A_1 = arith.constant 0 : index
    %get3A_2 = vector.load %arg1[%get3A, %get3A_0, %get3A_1] : memref<1x4096x64xf32, #tpu.memory_space<vmem>>, vector<1x128x64xf32>
    %get3A_3 = vector.shape_cast %get3A_2 : vector<1x128x64xf32> to vector<128x64xf32>
    %get3A_4 = arith.constant 0 : index
    %get3A_5 = arith.constant 0 : index
    %get3A_6 = arith.constant 0 : index
    %get3A_7 = vector.load %arg2[%get3A_4, %get3A_5, %get3A_6] : memref<1x4096x64xf32, #tpu.memory_space<vmem>>, vector<1x128x64xf32>
    %get3A_8 = vector.shape_cast %get3A_7 : vector<1x128x64xf32> to vector<128x64xf32>
    %get3A_9 = arith.constant 0 : index
    %get3A_10 = arith.constant 0 : index
    %get3A_11 = arith.constant 0 : index
    %get3A_12 = vector.load %arg3[%get3A_9, %get3A_10, %get3A_11] : memref<1x4096x64xf32, #tpu.memory_space<vmem>>, vector<1x128x64xf32>
    %get3A_13 = vector.shape_cast %get3A_12 : vector<1x128x64xf32> to vector<128x64xf32>
    %dot_general3A = arith.constant dense<0.000000e+00> : vector<128x128xf32>
    %dot_general3A_14 = tpu.matmul %get3A_3, %get3A_8, %dot_general3A {dimension_numbers = #tpu.dot_dimension_numbers<[1], [1], [0], [0], [0, 0, 1, 0], [], []>, transpose_lhs_hint = false} : vector<128x64xf32>, vector<128x64xf32>, vector<128x128xf32> -> vector<128x128xf32>
    %mul3A = arith.constant 1.250000e-01 : f32
    %mul3A_15 = vector.broadcast %mul3A : f32 to vector<128x128xf32>
    %mul3A_16 = arith.mulf %dot_general3A_14, %mul3A_15 : vector<128x128xf32>
    %reduce_max3A = arith.constant dense<0xFF800000> : vector<128xf32>
    %reduce_max3A_17 = vector.multi_reduction <maximumf>, %mul3A_16, %reduce_max3A [1] : vector<128x128xf32> to vector<128xf32>
    %broadcast_in_dim3A = vector.shape_cast %reduce_max3A_17 : vector<128xf32> to vector<128x1xf32>
    %sub3A = vector.broadcast %broadcast_in_dim3A : vector<128x1xf32> to vector<128x128xf32>
    %sub3A_18 = arith.subf %mul3A_16, %sub3A : vector<128x128xf32>
    %exp3A = math.exp %sub3A_18 : vector<128x128xf32>
    %reduce_sum3A = arith.constant dense<0.000000e+00> : vector<128xf32>
    %reduce_sum3A_19 = vector.multi_reduction <add>, %exp3A, %reduce_sum3A [1] : vector<128x128xf32> to vector<128xf32>
    %broadcast_in_dim3A_20 = vector.shape_cast %reduce_sum3A_19 : vector<128xf32> to vector<128x1xf32>
    %div3A = vector.broadcast %broadcast_in_dim3A_20 : vector<128x1xf32> to vector<128x128xf32>
    %div3A_21 = arith.divf %exp3A, %div3A : vector<128x128xf32>
    %dot_general3A_22 = arith.constant dense<0.000000e+00> : vector<128x64xf32>
    %dot_general3A_23 = tpu.matmul %div3A_21, %get3A_13, %dot_general3A_22 {dimension_numbers = #tpu.dot_dimension_numbers<[1], [0], [0], [1], [0, 0, 1, 1], [], []>, transpose_lhs_hint = false} : vector<128x128xf32>, vector<128x64xf32>, vector<128x64xf32> -> vector<128x64xf32>
    %swap3A = arith.constant 0 : index
    %swap3A_24 = arith.constant 0 : index
    %swap3A_25 = arith.constant 0 : index
    %swap3A_26 = vector.load %arg4[%swap3A, %swap3A_24, %swap3A_25] : memref<1x4096x64xf32, #tpu.memory_space<vmem>>, vector<1x128x64xf32>
    %swap3A_27 = vector.shape_cast %swap3A_26 : vector<1x128x64xf32> to vector<128x64xf32>
    %swap3A_28 = vector.shape_cast %dot_general3A_23 : vector<128x64xf32> to vector<1x128x64xf32>
    tpu.vector_store %arg4[%swap3A, %swap3A_24, %swap3A_25], %swap3A_28 {strides = array<i32>} : memref<1x4096x64xf32, #tpu.memory_space<vmem>>, vector<1x128x64xf32>,
    %get3A_29 = arith.constant 0 : index
    %get3A_30 = arith.constant 128 : index
    %get3A_31 = arith.constant 0 : index
    %get3A_32 = vector.load %arg1[%get3A_29, %get3A_30, %get3A_31] : memref<1x4096x64xf32, #tpu.memory_space<vmem>>, vector<1x128x64xf32>
    %get3A_33 = vector.shape_cast %get3A_32 : vector<1x128x64xf32> to vector<128x64xf32>
    %get3A_34 = arith.constant 0 : index
    %get3A_35 = arith.constant 128 : index
    %get3A_36 = arith.constant 0 : index
    %get3A_37 = vector.load %arg2[%get3A_34, %get3A_35, %get3A_36] : memref<1x4096x64xf32, #tpu.memory_space<vmem>>, vector<1x128x64xf32>
    %get3A_38 = vector.shape_cast %get3A_37 : vector<1x128x64xf32> to vector<128x64xf32>
    %get3A_39 = arith.constant 0 : index
    %get3A_40 = arith.constant 128 : index
    %get3A_41 = arith.constant 0 : index
    %get3A_42 = vector.load %arg3[%get3A_39, %get3A_40, %get3A_41] : memref<1x4096x64xf32, #tpu.memory_space<vmem>>, vector<1x128x64xf32>
    %get3A_43 = vector.shape_cast %get3A_42 : vector<1x128x64xf32> to vector<128x64xf32>
    %dot_general3A_44 = arith.constant dense<0.000000e+00> : vector<128x128xf32>
    %dot_general3A_45 = tpu.matmul %get3A_33, %get3A_38, %dot_general3A_44 {dimension_numbers = #tpu.dot_dimension_numbers<[1], [1], [0], [0], [0, 0, 1, 0], [], []>, transpose_lhs_hint = false} : vector<128x64xf32>, vector<128x64xf32>, vector<128x128xf32> -> vector<128x128xf32>
    %mul3A_46 = arith.constant 1.250000e-01 : f32
    %mul3A_47 = vector.broadcast %mul3A_46 : f32 to vector<128x128xf32>
    %mul3A_48 = arith.mulf %dot_general3A_45, %mul3A_47 : vector<128x128xf32>
    %reduce_max3A_49 = arith.constant dense<0xFF800000> : vector<128xf32>
    %reduce_max3A_50 = vector.multi_reduction <maximumf>, %mul3A_48, %reduce_max3A_49 [1] : vector<128x128xf32> to vector<128xf32>
    %broadcast_in_dim3A_51 = vector.shape_cast %reduce_max3A_50 : vector<128xf32> to vector<128x1xf32>
    %sub3A_52 = vector.broadcast %broadcast_in_dim3A_51 : vector<128x1xf32> to vector<128x128xf32>
    %sub3A_53 = arith.subf %mul3A_48, %sub3A_52 : vector<128x128xf32>
    %exp3A_54 = math.exp %sub3A_53 : vector<128x128xf32>
    %reduce_sum3A_55 = arith.constant dense<0.000000e+00> : vector<128xf32>
    %reduce_sum3A_56 = vector.multi_reduction <add>, %exp3A_54, %reduce_sum3A_55 [1] : vector<128x128xf32> to vector<128xf32>
    %broadcast_in_dim3A_57 = vector.shape_cast %reduce_sum3A_56 : vector<128xf32> to vector<128x1xf32>
    %div3A_58 = vector.broadcast %broadcast_in_dim3A_57 : vector<128x1xf32> to vector<128x128xf32>
    %div3A_59 = arith.divf %exp3A_54, %div3A_58 : vector<128x128xf32>
    %dot_general3A_60 = arith.constant dense<0.000000e+00> : vector<128x64xf32>
    %dot_general3A_61 = tpu.matmul %div3A_59, %get3A_43, %dot_general3A_60 {dimension_numbers = #tpu.dot_dimension_numbers<[1], [0], [0], [1], [0, 0, 1, 1], [], []>, transpose_lhs_hint = false} : vector<128x128xf32>, vector<128x64xf32>, vector<128x64xf32> -> vector<128x64xf32>
    %swap3A_62 = arith.constant 0 : index
    %swap3A_63 = arith.constant 128 : index
    %swap3A_64 = arith.constant 0 : index
    %swap3A_65 = vector.load %arg4[%swap3A_62, %swap3A_63, %swap3A_64] : memref<1x4096x64xf32, #tpu.memory_space<vmem>>, vector<1x128x64xf32>
    %swap3A_66 = vector.shape_cast %swap3A_65 : vector<1x128x64xf32> to vector<128x64xf32>
    %swap3A_67 = vector.shape_cast %dot_general3A_61 : vector<128x64xf32> to vector<1x128x64xf32>
    tpu.vector_store %arg4[%swap3A_62, %swap3A_63, %swap3A_64], %swap3A_67 {strides = array<i32>} : memref<1x4096x64xf32, #tpu.memory_space<vmem>>, vector<1x128x64xf32>,
    %get3A_68 = arith.constant 0 : index
    %get3A_69 = arith.constant 256 : index
    %get3A_70 = arith.constant 0 : index
    %get3A_71 = vector.load %arg1[%get3A_68, %get3A_69, %get3A_70] : memref<1x4096x64xf32, #tpu.memory_space<vmem>>, vector<1x128x64xf32>
    %get3A_72 = vector.shape_cast %get3A_71 : vector<1x128x64xf32> to vector<128x64xf32>
    %get3A_73 = arith.constant 0 : index
    %get3A_74 = arith.constant 256 : index
    %get3A_75 = arith.constant 0 : index
    %get3A_76 = vector.load %arg2[%get3A_73, %get3A_74, %get3A_75] : memref<1x4096x64xf32, #tpu.memory_space<vmem>>, vector<1x128x64xf32>
    %get3A_77 = vector.shape_cast %get3A_76 : vector<1x128x64xf32> to vector<128x64xf32>
    %get3A_78 = arith.constant 0 : index
    %get3A_79 = arith.constant 256 : index
    %get3A_80 = arith.constant 0 : index
    %get3A_81 = vector.load %arg3[%get3A_78, %get3A_79, %get3A_80] : memref<1x4096x64xf32, #tpu.memory_space<vmem>>, vector<1x128x64xf32>
    %get3A_82 = vector.shape_cast %get3A_81 : vector<1x128x64xf32> to vector<128x64xf32>
    %dot_general3A_83 = arith.constant dense<0.000000e+00> : vector<128x128xf32>
    %dot_general3A_84 = tpu.matmul %get3A_72, %get3A_77, %dot_general3A_83 {dimension_numbers = #tpu.dot_dimension_numbers<[1], [1], [0], [0], [0, 0, 1, 0], [], []>, transpose_lhs_hint = false} : vector<128x64xf32>, vector<128x64xf32>, vector<128x128xf32> -> vector<128x128xf32>
    %mul3A_85 = arith.constant 1.250000e-01 : f32
    %mul3A_86 = vector.broadcast %mul3A_85 : f32 to vector<128x128xf32>
    %mul3A_87 = arith.mulf %dot_general3A_84, %mul3A_86 : vector<128x128xf32>
    %reduce_max3A_88 = arith.constant dense<0xFF800000> : vector<128xf32>
    %reduce_max3A_89 = vector.multi_reduction <maximumf>, %mul3A_87, %reduce_max3A_88 [1] : vector<128x128xf32> to vector<128xf32>
    %broadcast_in_dim3A_90 = vector.shape_cast %reduce_max3A_89 : vector<128xf32> to vector<128x1xf32>
    %sub3A_91 = vector.broadcast %broadcast_in_dim3A_90 : vector<128x1xf32> to vector<128x128xf32>
    %sub3A_92 = arith.subf %mul3A_87, %sub3A_91 : vector<128x128xf32>
    %exp3A_93 = math.exp %sub3A_92 : vector<128x128xf32>
    %reduce_sum3A_94 = arith.constant dense<0.000000e+00> : vector<128xf32>
    %reduce_sum3A_95 = vector.multi_reduction <add>, %exp3A_93, %reduce_sum3A_94 [1] : vector<128x128xf32> to vector<128xf32>
    %broadcast_in_dim3A_96 = vector.shape_cast %reduce_sum3A_95 : vector<128xf32> to vector<128x1xf32>
    %div3A_97 = vector.broadcast %broadcast_in_dim3A_96 : vector<128x1xf32> to vector<128x128xf32>
    %div3A_98 = arith.divf %exp3A_93, %div3A_97 : vector<128x128xf32>
    %dot_general3A_99 = arith.constant dense<0.000000e+00> : vector<128x64xf32>
    %dot_general3A_100 = tpu.matmul %div3A_98, %get3A_82, %dot_general3A_99 {dimension_numbers = #tpu.dot_dimension_numbers<[1], [0], [0], [1], [0, 0, 1, 1], [], []>, transpose_lhs_hint = false} : vector<128x128xf32>, vector<128x64xf32>, vector<128x64xf32> -> vector<128x64xf32>
    %swap3A_101 = arith.constant 0 : index
    %swap3A_102 = arith.constant 256 : index
    %swap3A_103 = arith.constant 0 : index
    %swap3A_104 = vector.load %arg4[%swap3A_101, %swap3A_102, %swap3A_103] : memref<1x4096x64xf32, #tpu.memory_space<vmem>>, vector<1x128x64xf32>
    %swap3A_105 = vector.shape_cast %swap3A_104 : vector<1x128x64xf32> to vector<128x64xf32>
    %swap3A_106 = vector.shape_cast %dot_general3A_100 : vector<128x64xf32> to vector<1x128x64xf32>
    tpu.vector_store %arg4[%swap3A_101, %swap3A_102, %swap3A_103], %swap3A_106 {strides = array<i32>} : memref<1x4096x64xf32, #tpu.memory_space<vmem>>, vector<1x128x64xf32>,
    %get3A_107 = arith.constant 0 : index
    %get3A_108 = arith.constant 384 : index
    %get3A_109 = arith.constant 0 : index
    %get3A_110 = vector.load %arg1[%get3A_107, %get3A_108, %get3A_109] : memref<1x4096x64xf32, #tpu.memory_space<vmem>>, vector<1x128x64xf32>
    %get3A_111 = vector.shape_cast %get3A_110 : vector<1x128x64xf32> to vector<128x64xf32>
    %get3A_112 = arith.constant 0 : index
    %get3A_113 = arith.constant 384 : index
    %get3A_114 = arith.constant 0 : index
    %get3A_115 = vector.load %arg2[%get3A_112, %get3A_113, %get3A_114] : memref<1x4096x64xf32, #tpu.memory_space<vmem>>, vector<1x128x64xf32>
    %get3A_116 = vector.shape_cast %get3A_115 : vector<1x128x64xf32> to vector<128x64xf32>
    %get3A_117 = arith.constant 0 : index
    %get3A_118 = arith.constant 384 : index
    %get3A_119 = arith.constant 0 : index
    %get3A_120 = vector.load %arg3[%get3A_117, %get3A_118, %get3A_119] : memref<1x4096x64xf32, #tpu.memory_space<vmem>>, vector<1x128x64xf32>
    %get3A_121 = vector.shape_cast %get3A_120 : vector<1x128x64xf32> to vector<128x64xf32>
    %dot_general3A_122 = arith.constant dense<0.000000e+00> : vector<128x128xf32>
    %dot_general3A_123 = tpu.matmul %get3A_111, %get3A_116, %dot_general3A_122 {dimension_numbers = #tpu.dot_dimension_numbers<[1], [1], [0], [0], [0, 0, 1, 0], [], []>, transpose_lhs_hint = false} : vector<128x64xf32>, vector<128x64xf32>, vector<128x128xf32> -> vector<128x128xf32>
    %mul3A_124 = arith.constant 1.250000e-01 : f32
    %mul3A_125 = vector.broadcast %mul3A_124 : f32 to vector<128x128xf32>
    %mul3A_126 = arith.mulf %dot_general3A_123, %mul3A_125 : vector<128x128xf32>
    %reduce_max3A_127 = arith.constant dense<0xFF800000> : vector<128xf32>
    %reduce_max3A_128 = vector.multi_reduction <maximumf>, %mul3A_126, %reduce_max3A_127 [1] : vector<128x128xf32> to vector<128xf32>
    %broadcast_in_dim3A_129 = vector.shape_cast %reduce_max3A_128 : vector<128xf32> to vector<128x1xf32>
    %sub3A_130 = vector.broadcast %broadcast_in_dim3A_129 : vector<128x1xf32> to vector<128x128xf32>
    %sub3A_131 = arith.subf %mul3A_126, %sub3A_130 : vector<128x128xf32>
    %exp3A_132 = math.exp %sub3A_131 : vector<128x128xf32>
    %reduce_sum3A_133 = arith.constant dense<0.000000e+00> : vector<128xf32>
    %reduce_sum3A_134 = vector.multi_reduction <add>, %exp3A_132, %reduce_sum3A_133 [1] : vector<128x128xf32> to vector<128xf32>
    %broadcast_in_dim3A_135 = vector.shape_cast %reduce_sum3A_134 : vector<128xf32> to vector<128x1xf32>
    %div3A_136 = vector.broadcast %broadcast_in_dim3A_135 : vector<128x1xf32> to vector<128x128xf32>
    %div3A_137 = arith.divf %exp3A_132, %div3A_136 : vector<128x128xf32>
    %dot_general3A_138 = arith.constant dense<0.000000e+00> : vector<128x64xf32>
    %dot_general3A_139 = tpu.matmul %div3A_137, %get3A_121, %dot_general3A_138 {dimension_numbers = #tpu.dot_dimension_numbers<[1], [0], [0], [1], [0, 0, 1, 1], [], []>, transpose_lhs_hint = false} : vector<128x128xf32>, vector<128x64xf32>, vector<128x64xf32> -> vector<128x64xf32>
    %swap3A_140 = arith.constant 0 : index
    %swap3A_141 = arith.constant 384 : index
    %swap3A_142 = arith.constant 0 : index
    %swap3A_143 = vector.load %arg4[%swap3A_140, %swap3A_141, %swap3A_142] : memref<1x4096x64xf32, #tpu.memory_space<vmem>>, vector<1x128x64xf32>
    %swap3A_144 = vector.shape_cast %swap3A_143 : vector<1x128x64xf32> to vector<128x64xf32>
    %swap3A_145 = vector.shape_cast %dot_general3A_139 : vector<128x64xf32> to vector<1x128x64xf32>
    tpu.vector_store %arg4[%swap3A_140, %swap3A_141, %swap3A_142], %swap3A_145 {strides = array<i32>} : memref<1x4096x64xf32, #tpu.memory_space<vmem>>, vector<1x128x64xf32>,
    %get3A_146 = arith.constant 0 : index
    %get3A_147 = arith.constant 512 : index
    %get3A_148 = arith.constant 0 : index
    %get3A_149 = vector.load %arg1[%get3A_146, %get3A_147, %get3A_148] : memref<1x4096x64xf32, #tpu.memory_space<vmem>>, vector<1x128x64xf32>
    %get3A_150 = vector.shape_cast %get3A_149 : vector<1x128x64xf32> to vector<128x64xf32>
    %get3A_151 = arith.constant 0 : index
    %get3A_152 = arith.constant 512 : index
    %get3A_153 = arith.constant 0 : index
    %get3A_154 = vector.load %arg2[%get3A_151, %get3A_152, %get3A_153] : memref<1x4096x64xf32, #tpu.memory_space<vmem>>, vector<1x128x64xf32>
    %get3A_155 = vector.shape_cast %get3A_154 : vector<1x128x64xf32> to vector<128x64xf32>
    %get3A_156 = arith.constant 0 : index
    %get3A_157 = arith.constant 512 : index
    %get3A_158 = arith.constant 0 : index
    %get3A_159 = vector.load %arg3[%get3A_156, %get3A_157, %get3A_158] : memref<1x4096x64xf32, #tpu.memory_space<vmem>>, vector<1x128x64xf32>
    %get3A_160 = vector.shape_cast %get3A_159 : vector<1x128x64xf32> to vector<128x64xf32>
    %dot_general3A_161 = arith.constant dense<0.000000e+00> : vector<128x128xf32>
    %dot_general3A_162 = tpu.matmul %get3A_150, %get3A_155, %dot_general3A_161 {dimension_numbers = #tpu.dot_dimension_numbers<[1], [1], [0], [0], [0, 0, 1, 0], [], []>, transpose_lhs_hint = false} : vector<128x64xf32>, vector<128x64xf32>, vector<128x128xf32> -> vector<128x128xf32>
    %mul3A_163 = arith.constant 1.250000e-01 : f32
    %mul3A_164 = vector.broadcast %mul3A_163 : f32 to vector<128x128xf32>
    %mul3A_165 = arith.mulf %dot_general3A_162, %mul3A_164 : vector<128x128xf32>
    %reduce_max3A_166 = arith.constant dense<0xFF800000> : vector<128xf32>
    %reduce_max3A_167 = vector.multi_reduction <maximumf>, %mul3A_165, %reduce_max3A_166 [1] : vector<128x128xf32> to vector<128xf32>
    %broadcast_in_dim3A_168 = vector.shape_cast %reduce_max3A_167 : vector<128xf32> to vector<128x1xf32>
    %sub3A_169 = vector.broadcast %broadcast_in_dim3A_168 : vector<128x1xf32> to vector<128x128xf32>
    %sub3A_170 = arith.subf %mul3A_165, %sub3A_169 : vector<128x128xf32>
    %exp3A_171 = math.exp %sub3A_170 : vector<128x128xf32>
    %reduce_sum3A_172 = arith.constant dense<0.000000e+00> : vector<128xf32>
    %reduce_sum3A_173 = vector.multi_reduction <add>, %exp3A_171, %reduce_sum3A_172 [1] : vector<128x128xf32> to vector<128xf32>
    %broadcast_in_dim3A_174 = vector.shape_cast %reduce_sum3A_173 : vector<128xf32> to vector<128x1xf32>
    %div3A_175 = vector.broadcast %broadcast_in_dim3A_174 : vector<128x1xf32> to vector<128x128xf32>
    %div3A_176 = arith.divf %exp3A_171, %div3A_175 : vector<128x128xf32>
    %dot_general3A_177 = arith.constant dense<0.000000e+00> : vector<128x64xf32>
    %dot_general3A_178 = tpu.matmul %div3A_176, %get3A_160, %dot_general3A_177 {dimension_numbers = #tpu.dot_dimension_numbers<[1], [0], [0], [1], [0, 0, 1, 1], [], []>, transpose_lhs_hint = false} : vector<128x128xf32>, vector<128x64xf32>, vector<128x64xf32> -> vector<128x64xf32>
    %swap3A_179 = arith.constant 0 : index
    %swap3A_180 = arith.constant 512 : index
    %swap3A_181 = arith.constant 0 : index
    %swap3A_182 = vector.load %arg4[%swap3A_179, %swap3A_180, %swap3A_181] : memref<1x4096x64xf32, #tpu.memory_space<vmem>>, vector<1x128x64xf32>
    %swap3A_183 = vector.shape_cast %swap3A_182 : vector<1x128x64xf32> to vector<128x64xf32>
    %swap3A_184 = vector.shape_cast %dot_general3A_178 : vector<128x64xf32> to vector<1x128x64xf32>
    tpu.vector_store %arg4[%swap3A_179, %swap3A_180, %swap3A_181], %swap3A_184 {strides = array<i32>} : memref<1x4096x64xf32, #tpu.memory_space<vmem>>, vector<1x128x64xf32>,
    %get3A_185 = arith.constant 0 : index
    %get3A_186 = arith.constant 640 : index
    %get3A_187 = arith.constant 0 : index
    %get3A_188 = vector.load %arg1[%get3A_185, %get3A_186, %get3A_187] : memref<1x4096x64xf32, #tpu.memory_space<vmem>>, vector<1x128x64xf32>
    %get3A_189 = vector.shape_cast %get3A_188 : vector<1x128x64xf32> to vector<128x64xf32>
    %get3A_190 = arith.constant 0 : index
    %get3A_191 = arith.constant 640 : index
    %get3A_192 = arith.constant 0 : index
    %get3A_193 = vector.load %arg2[%get3A_190, %get3A_191, %get3A_192] : memref<1x4096x64xf32, #tpu.memory_space<vmem>>, vector<1x128x64xf32>
    %get3A_194 = vector.shape_cast %get3A_193 : vector<1x128x64xf32> to vector<128x64xf32>
    %get3A_195 = arith.constant 0 : index
    %get3A_196 = arith.constant 640 : index
    %get3A_197 = arith.constant 0 : index
    %get3A_198 = vector.load %arg3[%get3A_195, %get3A_196, %get3A_197] : memref<1x4096x64xf32, #tpu.memory_space<vmem>>, vector<1x128x64xf32>
    %get3A_199 = vector.shape_cast %get3A_198 : vector<1x128x64xf32> to vector<128x64xf32>
    %dot_general3A_200 = arith.constant dense<0.000000e+00> : vector<128x128xf32>
    %dot_general3A_201 = tpu.matmul %get3A_189, %get3A_194, %dot_general3A_200 {dimension_numbers = #tpu.dot_dimension_numbers<[1], [1], [0], [0], [0, 0, 1, 0], [], []>, transpose_lhs_hint = false} : vector<128x64xf32>, vector<128x64xf32>, vector<128x128xf32> -> vector<128x128xf32>
    %mul3A_202 = arith.constant 1.250000e-01 : f32
    %mul3A_203 = vector.broadcast %mul3A_202 : f32 to vector<128x128xf32>
    %mul3A_204 = arith.mulf %dot_general3A_201, %mul3A_203 : vector<128x128xf32>
    %reduce_max3A_205 = arith.constant dense<0xFF800000> : vector<128xf32>
    %reduce_max3A_206 = vector.multi_reduction <maximumf>, %mul3A_204, %reduce_max3A_205 [1] : vector<128x128xf32> to vector<128xf32>
    %broadcast_in_dim3A_207 = vector.shape_cast %reduce_max3A_206 : vector<128xf32> to vector<128x1xf32>
    %sub3A_208 = vector.broadcast %broadcast_in_dim3A_207 : vector<128x1xf32> to vector<128x128xf32>
    %sub3A_209 = arith.subf %mul3A_204, %sub3A_208 : vector<128x128xf32>
    %exp3A_210 = math.exp %sub3A_209 : vector<128x128xf32>
    %reduce_sum3A_211 = arith.constant dense<0.000000e+00> : vector<128xf32>
    %reduce_sum3A_212 = vector.multi_reduction <add>, %exp3A_210, %reduce_sum3A_211 [1] : vector<128x128xf32> to vector<128xf32>
    %broadcast_in_dim3A_213 = vector.shape_cast %reduce_sum3A_212 : vector<128xf32> to vector<128x1xf32>
    %div3A_214 = vector.broadcast %broadcast_in_dim3A_213 : vector<128x1xf32> to vector<128x128xf32>
    %div3A_215 = arith.divf %exp3A_210, %div3A_214 : vector<128x128xf32>
    %dot_general3A_216 = arith.constant dense<0.000000e+00> : vector<128x64xf32>
    %dot_general3A_217 = tpu.matmul %div3A_215, %get3A_199, %dot_general3A_216 {dimension_numbers = #tpu.dot_dimension_numbers<[1], [0], [0], [1], [0, 0, 1, 1], [], []>, transpose_lhs_hint = false} : vector<128x128xf32>, vector<128x64xf32>, vector<128x64xf32> -> vector<128x64xf32>
    %swap3A_218 = arith.constant 0 : index
    %swap3A_219 = arith.constant 640 : index
    %swap3A_220 = arith.constant 0 : index
    %swap3A_221 = vector.load %arg4[%swap3A_218, %swap3A_219, %swap3A_220] : memref<1x4096x64xf32, #tpu.memory_space<vmem>>, vector<1x128x64xf32>
    %swap3A_222 = vector.shape_cast %swap3A_221 : vector<1x128x64xf32> to vector<128x64xf32>
    %swap3A_223 = vector.shape_cast %dot_general3A_217 : vector<128x64xf32> to vector<1x128x64xf32>
    tpu.vector_store %arg4[%swap3A_218, %swap3A_219, %swap3A_220], %swap3A_223 {strides = array<i32>} : memref<1x4096x64xf32, #tpu.memory_space<vmem>>, vector<1x128x64xf32>,
    %get3A_224 = arith.constant 0 : index
    %get3A_225 = arith.constant 768 : index
    %get3A_226 = arith.constant 0 : index
    %get3A_227 = vector.load %arg1[%get3A_224, %get3A_225, %get3A_226] : memref<1x4096x64xf32, #tpu.memory_space<vmem>>, vector<1x128x64xf32>
    %get3A_228 = vector.shape_cast %get3A_227 : vector<1x128x64xf32> to vector<128x64xf32>
    %get3A_229 = arith.constant 0 : index
    %get3A_230 = arith.constant 768 : index
    %get3A_231 = arith.constant 0 : index
    %get3A_232 = vector.load %arg2[%get3A_229, %get3A_230, %get3A_231] : memref<1x4096x64xf32, #tpu.memory_space<vmem>>, vector<1x128x64xf32>
    %get3A_233 = vector.shape_cast %get3A_232 : vector<1x128x64xf32> to vector<128x64xf32>
    %get3A_234 = arith.constant 0 : index
    %get3A_235 = arith.constant 768 : index
    %get3A_236 = arith.constant 0 : index
    %get3A_237 = vector.load %arg3[%get3A_234, %get3A_235, %get3A_236] : memref<1x4096x64xf32, #tpu.memory_space<vmem>>, vector<1x128x64xf32>
    %get3A_238 = vector.shape_cast %get3A_237 : vector<1x128x64xf32> to vector<128x64xf32>
    %dot_general3A_239 = arith.constant dense<0.000000e+00> : vector<128x128xf32>
    %dot_general3A_240 = tpu.matmul %get3A_228, %get3A_233, %dot_general3A_239 {dimension_numbers = #tpu.dot_dimension_numbers<[1], [1], [0], [0], [0, 0, 1, 0], [], []>, transpose_lhs_hint = false} : vector<128x64xf32>, vector<128x64xf32>, vector<128x128xf32> -> vector<128x128xf32>
    %mul3A_241 = arith.constant 1.250000e-01 : f32
    %mul3A_242 = vector.broadcast %mul3A_241 : f32 to vector<128x128xf32>
    %mul3A_243 = arith.mulf %dot_general3A_240, %mul3A_242 : vector<128x128xf32>
    %reduce_max3A_244 = arith.constant dense<0xFF800000> : vector<128xf32>
    %reduce_max3A_245 = vector.multi_reduction <maximumf>, %mul3A_243, %reduce_max3A_244 [1] : vector<128x128xf32> to vector<128xf32>
    %broadcast_in_dim3A_246 = vector.shape_cast %reduce_max3A_245 : vector<128xf32> to vector<128x1xf32>
    %sub3A_247 = vector.broadcast %broadcast_in_dim3A_246 : vector<128x1xf32> to vector<128x128xf32>
    %sub3A_248 = arith.subf %mul3A_243, %sub3A_247 : vector<128x128xf32>
    %exp3A_249 = math.exp %sub3A_248 : vector<128x128xf32>
    %reduce_sum3A_250 = arith.constant dense<0.000000e+00> : vector<128xf32>
    %reduce_sum3A_251 = vector.multi_reduction <add>, %exp3A_249, %reduce_sum3A_250 [1] : vector<128x128xf32> to vector<128xf32>
    %broadcast_in_dim3A_252 = vector.shape_cast %reduce_sum3A_251 : vector<128xf32> to vector<128x1xf32>
    %div3A_253 = vector.broadcast %broadcast_in_dim3A_252 : vector<128x1xf32> to vector<128x128xf32>
    %div3A_254 = arith.divf %exp3A_249, %div3A_253 : vector<128x128xf32>
    %dot_general3A_255 = arith.constant dense<0.000000e+00> : vector<128x64xf32>
    %dot_general3A_256 = tpu.matmul %div3A_254, %get3A_238, %dot_general3A_255 {dimension_numbers = #tpu.dot_dimension_numbers<[1], [0], [0], [1], [0, 0, 1, 1], [], []>, transpose_lhs_hint = false} : vector<128x128xf32>, vector<128x64xf32>, vector<128x64xf32> -> vector<128x64xf32>
    %swap3A_257 = arith.constant 0 : index
    %swap3A_258 = arith.constant 768 : index
    %swap3A_259 = arith.constant 0 : index
    %swap3A_260 = vector.load %arg4[%swap3A_257, %swap3A_258, %swap3A_259] : memref<1x4096x64xf32, #tpu.memory_space<vmem>>, vector<1x128x64xf32>
    %swap3A_261 = vector.shape_cast %swap3A_260 : vector<1x128x64xf32> to vector<128x64xf32>
    %swap3A_262 = vector.shape_cast %dot_general3A_256 : vector<128x64xf32> to vector<1x128x64xf32>
    tpu.vector_store %arg4[%swap3A_257, %swap3A_258, %swap3A_259], %swap3A_262 {strides = array<i32>} : memref<1x4096x64xf32, #tpu.memory_space<vmem>>, vector<1x128x64xf32>,
    %get3A_263 = arith.constant 0 : index
    %get3A_264 = arith.constant 896 : index
    %get3A_265 = arith.constant 0 : index
    %get3A_266 = vector.load %arg1[%get3A_263, %get3A_264, %get3A_265] : memref<1x4096x64xf32, #tpu.memory_space<vmem>>, vector<1x128x64xf32>
    %get3A_267 = vector.shape_cast %get3A_266 : vector<1x128x64xf32> to vector<128x64xf32>
    %get3A_268 = arith.constant 0 : index
    %get3A_269 = arith.constant 896 : index
    %get3A_270 = arith.constant 0 : index
    %get3A_271 = vector.load %arg2[%get3A_268, %get3A_269, %get3A_270] : memref<1x4096x64xf32, #tpu.memory_space<vmem>>, vector<1x128x64xf32>
    %get3A_272 = vector.shape_cast %get3A_271 : vector<1x128x64xf32> to vector<128x64xf32>
    %get3A_273 = arith.constant 0 : index
    %get3A_274 = arith.constant 896 : index
    %get3A_275 = arith.constant 0 : index
    %get3A_276 = vector.load %arg3[%get3A_273, %get3A_274, %get3A_275] : memref<1x4096x64xf32, #tpu.memory_space<vmem>>, vector<1x128x64xf32>
    %get3A_277 = vector.shape_cast %get3A_276 : vector<1x128x64xf32> to vector<128x64xf32>
    %dot_general3A_278 = arith.constant dense<0.000000e+00> : vector<128x128xf32>
    %dot_general3A_279 = tpu.matmul %get3A_267, %get3A_272, %dot_general3A_278 {dimension_numbers = #tpu.dot_dimension_numbers<[1], [1], [0], [0], [0, 0, 1, 0], [], []>, transpose_lhs_hint = false} : vector<128x64xf32>, vector<128x64xf32>, vector<128x128xf32> -> vector<128x128xf32>
    %mul3A_280 = arith.constant 1.250000e-01 : f32
    %mul3A_281 = vector.broadcast %mul3A_280 : f32 to vector<128x128xf32>
    %mul3A_282 = arith.mulf %dot_general3A_279, %mul3A_281 : vector<128x128xf32>
    %reduce_max3A_283 = arith.constant dense<0xFF800000> : vector<128xf32>
    %reduce_max3A_284 = vector.multi_reduction <maximumf>, %mul3A_282, %reduce_max3A_283 [1] : vector<128x128xf32> to vector<128xf32>
    %broadcast_in_dim3A_285 = vector.shape_cast %reduce_max3A_284 : vector<128xf32> to vector<128x1xf32>
    %sub3A_286 = vector.broadcast %broadcast_in_dim3A_285 : vector<128x1xf32> to vector<128x128xf32>
    %sub3A_287 = arith.subf %mul3A_282, %sub3A_286 : vector<128x128xf32>
    %exp3A_288 = math.exp %sub3A_287 : vector<128x128xf32>
    %reduce_sum3A_289 = arith.constant dense<0.000000e+00> : vector<128xf32>
    %reduce_sum3A_290 = vector.multi_reduction <add>, %exp3A_288, %reduce_sum3A_289 [1] : vector<128x128xf32> to vector<128xf32>
    %broadcast_in_dim3A_291 = vector.shape_cast %reduce_sum3A_290 : vector<128xf32> to vector<128x1xf32>
    %div3A_292 = vector.broadcast %broadcast_in_dim3A_291 : vector<128x1xf32> to vector<128x128xf32>
    %div3A_293 = arith.divf %exp3A_288, %div3A_292 : vector<128x128xf32>
    %dot_general3A_294 = arith.constant dense<0.000000e+00> : vector<128x64xf32>
    %dot_general3A_295 = tpu.matmul %div3A_293, %get3A_277, %dot_general3A_294 {dimension_numbers = #tpu.dot_dimension_numbers<[1], [0], [0], [1], [0, 0, 1, 1], [], []>, transpose_lhs_hint = false} : vector<128x128xf32>, vector<128x64xf32>, vector<128x64xf32> -> vector<128x64xf32>
    %swap3A_296 = arith.constant 0 : index
    %swap3A_297 = arith.constant 896 : index
    %swap3A_298 = arith.constant 0 : index
    %swap3A_299 = vector.load %arg4[%swap3A_296, %swap3A_297, %swap3A_298] : memref<1x4096x64xf32, #tpu.memory_space<vmem>>, vector<1x128x64xf32>
    %swap3A_300 = vector.shape_cast %swap3A_299 : vector<1x128x64xf32> to vector<128x64xf32>
    %swap3A_301 = vector.shape_cast %dot_general3A_295 : vector<128x64xf32> to vector<1x128x64xf32>
    tpu.vector_store %arg4[%swap3A_296, %swap3A_297, %swap3A_298], %swap3A_301 {strides = array<i32>} : memref<1x4096x64xf32, #tpu.memory_space<vmem>>, vector<1x128x64xf32>,
    %get3A_302 = arith.constant 0 : index
    %get3A_303 = arith.constant 1024 : index
    %get3A_304 = arith.constant 0 : index
    %get3A_305 = vector.load %arg1[%get3A_302, %get3A_303, %get3A_304] : memref<1x4096x64xf32, #tpu.memory_space<vmem>>, vector<1x128x64xf32>
    %get3A_306 = vector.shape_cast %get3A_305 : vector<1x128x64xf32> to vector<128x64xf32>
    %get3A_307 = arith.constant 0 : index
    %get3A_308 = arith.constant 1024 : index
    %get3A_309 = arith.constant 0 : index
    %get3A_310 = vector.load %arg2[%get3A_307, %get3A_308, %get3A_309] : memref<1x4096x64xf32, #tpu.memory_space<vmem>>, vector<1x128x64xf32>
    %get3A_311 = vector.shape_cast %get3A_310 : vector<1x128x64xf32> to vector<128x64xf32>
    %get3A_312 = arith.constant 0 : index
    %get3A_313 = arith.constant 1024 : index
    %get3A_314 = arith.constant 0 : index
    %get3A_315 = vector.load %arg3[%get3A_312, %get3A_313, %get3A_314] : memref<1x4096x64xf32, #tpu.memory_space<vmem>>, vector<1x128x64xf32>
    %get3A_316 = vector.shape_cast %get3A_315 : vector<1x128x64xf32> to vector<128x64xf32>
    %dot_general3A_317 = arith.constant dense<0.000000e+00> : vector<128x128xf32>
    %dot_general3A_318 = tpu.matmul %get3A_306, %get3A_311, %dot_general3A_317 {dimension_numbers = #tpu.dot_dimension_numbers<[1], [1], [0], [0], [0, 0, 1, 0], [], []>, transpose_lhs_hint = false} : vector<128x64xf32>, vector<128x64xf32>, vector<128x128xf32> -> vector<128x128xf32>
    %mul3A_319 = arith.constant 1.250000e-01 : f32
    %mul3A_320 = vector.broadcast %mul3A_319 : f32 to vector<128x128xf32>
    %mul3A_321 = arith.mulf %dot_general3A_318, %mul3A_320 : vector<128x128xf32>
    %reduce_max3A_322 = arith.constant dense<0xFF800000> : vector<128xf32>
    %reduce_max3A_323 = vector.multi_reduction <maximumf>, %mul3A_321, %reduce_max3A_322 [1] : vector<128x128xf32> to vector<128xf32>
    %broadcast_in_dim3A_324 = vector.shape_cast %reduce_max3A_323 : vector<128xf32> to vector<128x1xf32>
    %sub3A_325 = vector.broadcast %broadcast_in_dim3A_324 : vector<128x1xf32> to vector<128x128xf32>
    %sub3A_326 = arith.subf %mul3A_321, %sub3A_325 : vector<128x128xf32>
    %exp3A_327 = math.exp %sub3A_326 : vector<128x128xf32>
    %reduce_sum3A_328 = arith.constant dense<0.000000e+00> : vector<128xf32>
    %reduce_sum3A_329 = vector.multi_reduction <add>, %exp3A_327, %reduce_sum3A_328 [1] : vector<128x128xf32> to vector<128xf32>
    %broadcast_in_dim3A_330 = vector.shape_cast %reduce_sum3A_329 : vector<128xf32> to vector<128x1xf32>
    %div3A_331 = vector.broadcast %broadcast_in_dim3A_330 : vector<128x1xf32> to vector<128x128xf32>
    %div3A_332 = arith.divf %exp3A_327, %div3A_331 : vector<128x128xf32>
    %dot_general3A_333 = arith.constant dense<0.000000e+00> : vector<128x64xf32>
    %dot_general3A_334 = tpu.matmul %div3A_332, %get3A_316, %dot_general3A_333 {dimension_numbers = #tpu.dot_dimension_numbers<[1], [0], [0], [1], [0, 0, 1, 1], [], []>, transpose_lhs_hint = false} : vector<128x128xf32>, vector<128x64xf32>, vector<128x64xf32> -> vector<128x64xf32>
    %swap3A_335 = arith.constant 0 : index
    %swap3A_336 = arith.constant 1024 : index
    %swap3A_337 = arith.constant 0 : index
    %swap3A_338 = vector.load %arg4[%swap3A_335, %swap3A_336, %swap3A_337] : memref<1x4096x64xf32, #tpu.memory_space<vmem>>, vector<1x128x64xf32>
    %swap3A_339 = vector.shape_cast %swap3A_338 : vector<1x128x64xf32> to vector<128x64xf32>
    %swap3A_340 = vector.shape_cast %dot_general3A_334 : vector<128x64xf32> to vector<1x128x64xf32>
    tpu.vector_store %arg4[%swap3A_335, %swap3A_336, %swap3A_337], %swap3A_340 {strides = array<i32>} : memref<1x4096x64xf32, #tpu.memory_space<vmem>>, vector<1x128x64xf32>,
    %get3A_341 = arith.constant 0 : index
    %get3A_342 = arith.constant 1152 : index
    %get3A_343 = arith.constant 0 : index
    %get3A_344 = vector.load %arg1[%get3A_341, %get3A_342, %get3A_343] : memref<1x4096x64xf32, #tpu.memory_space<vmem>>, vector<1x128x64xf32>
    %get3A_345 = vector.shape_cast %get3A_344 : vector<1x128x64xf32> to vector<128x64xf32>
    %get3A_346 = arith.constant 0 : index
    %get3A_347 = arith.constant 1152 : index
    %get3A_348 = arith.constant 0 : index
    %get3A_349 = vector.load %arg2[%get3A_346, %get3A_347, %get3A_348] : memref<1x4096x64xf32, #tpu.memory_space<vmem>>, vector<1x128x64xf32>
    %get3A_350 = vector.shape_cast %get3A_349 : vector<1x128x64xf32> to vector<128x64xf32>
    %get3A_351 = arith.constant 0 : index
    %get3A_352 = arith.constant 1152 : index
    %get3A_353 = arith.constant 0 : index
    %get3A_354 = vector.load %arg3[%get3A_351, %get3A_352, %get3A_353] : memref<1x4096x64xf32, #tpu.memory_space<vmem>>, vector<1x128x64xf32>
    %get3A_355 = vector.shape_cast %get3A_354 : vector<1x128x64xf32> to vector<128x64xf32>
    %dot_general3A_356 = arith.constant dense<0.000000e+00> : vector<128x128xf32>
    %dot_general3A_357 = tpu.matmul %get3A_345, %get3A_350, %dot_general3A_356 {dimension_numbers = #tpu.dot_dimension_numbers<[1], [1], [0], [0], [0, 0, 1, 0], [], []>, transpose_lhs_hint = false} : vector<128x64xf32>, vector<128x64xf32>, vector<128x128xf32> -> vector<128x128xf32>
    %mul3A_358 = arith.constant 1.250000e-01 : f32
    %mul3A_359 = vector.broadcast %mul3A_358 : f32 to vector<128x128xf32>
    %mul3A_360 = arith.mulf %dot_general3A_357, %mul3A_359 : vector<128x128xf32>
    %reduce_max3A_361 = arith.constant dense<0xFF800000> : vector<128xf32>
    %reduce_max3A_362 = vector.multi_reduction <maximumf>, %mul3A_360, %reduce_max3A_361 [1] : vector<128x128xf32> to vector<128xf32>
    %broadcast_in_dim3A_363 = vector.shape_cast %reduce_max3A_362 : vector<128xf32> to vector<128x1xf32>
    %sub3A_364 = vector.broadcast %broadcast_in_dim3A_363 : vector<128x1xf32> to vector<128x128xf32>
    %sub3A_365 = arith.subf %mul3A_360, %sub3A_364 : vector<128x128xf32>
    %exp3A_366 = math.exp %sub3A_365 : vector<128x128xf32>
    %reduce_sum3A_367 = arith.constant dense<0.000000e+00> : vector<128xf32>
    %reduce_sum3A_368 = vector.multi_reduction <add>, %exp3A_366, %reduce_sum3A_367 [1] : vector<128x128xf32> to vector<128xf32>
    %broadcast_in_dim3A_369 = vector.shape_cast %reduce_sum3A_368 : vector<128xf32> to vector<128x1xf32>
    %div3A_370 = vector.broadcast %broadcast_in_dim3A_369 : vector<128x1xf32> to vector<128x128xf32>
    %div3A_371 = arith.divf %exp3A_366, %div3A_370 : vector<128x128xf32>
    %dot_general3A_372 = arith.constant dense<0.000000e+00> : vector<128x64xf32>
    %dot_general3A_373 = tpu.matmul %div3A_371, %get3A_355, %dot_general3A_372 {dimension_numbers = #tpu.dot_dimension_numbers<[1], [0], [0], [1], [0, 0, 1, 1], [], []>, transpose_lhs_hint = false} : vector<128x128xf32>, vector<128x64xf32>, vector<128x64xf32> -> vector<128x64xf32>
    %swap3A_374 = arith.constant 0 : index
    %swap3A_375 = arith.constant 1152 : index
    %swap3A_376 = arith.constant 0 : index
    %swap3A_377 = vector.load %arg4[%swap3A_374, %swap3A_375, %swap3A_376] : memref<1x4096x64xf32, #tpu.memory_space<vmem>>, vector<1x128x64xf32>
    %swap3A_378 = vector.shape_cast %swap3A_377 : vector<1x128x64xf32> to vector<128x64xf32>
    %swap3A_379 = vector.shape_cast %dot_general3A_373 : vector<128x64xf32> to vector<1x128x64xf32>
    tpu.vector_store %arg4[%swap3A_374, %swap3A_375, %swap3A_376], %swap3A_379 {strides = array<i32>} : memref<1x4096x64xf32, #tpu.memory_space<vmem>>, vector<1x128x64xf32>,
    %get3A_380 = arith.constant 0 : index
    %get3A_381 = arith.constant 1280 : index
    %get3A_382 = arith.constant 0 : index
    %get3A_383 = vector.load %arg1[%get3A_380, %get3A_381, %get3A_382] : memref<1x4096x64xf32, #tpu.memory_space<vmem>>, vector<1x128x64xf32>
    %get3A_384 = vector.shape_cast %get3A_383 : vector<1x128x64xf32> to vector<128x64xf32>
    %get3A_385 = arith.constant 0 : index
    %get3A_386 = arith.constant 1280 : index
    %get3A_387 = arith.constant 0 : index
    %get3A_388 = vector.load %arg2[%get3A_385, %get3A_386, %get3A_387] : memref<1x4096x64xf32, #tpu.memory_space<vmem>>, vector<1x128x64xf32>
    %get3A_389 = vector.shape_cast %get3A_388 : vector<1x128x64xf32> to vector<128x64xf32>
    %get3A_390 = arith.constant 0 : index
    %get3A_391 = arith.constant 1280 : index
    %get3A_392 = arith.constant 0 : index
    %get3A_393 = vector.load %arg3[%get3A_390, %get3A_391, %get3A_392] : memref<1x4096x64xf32, #tpu.memory_space<vmem>>, vector<1x128x64xf32>
    %get3A_394 = vector.shape_cast %get3A_393 : vector<1x128x64xf32> to vector<128x64xf32>
    %dot_general3A_395 = arith.constant dense<0.000000e+00> : vector<128x128xf32>
    %dot_general3A_396 = tpu.matmul %get3A_384, %get3A_389, %dot_general3A_395 {dimension_numbers = #tpu.dot_dimension_numbers<[1], [1], [0], [0], [0, 0, 1, 0], [], []>, transpose_lhs_hint = false} : vector<128x64xf32>, vector<128x64xf32>, vector<128x128xf32> -> vector<128x128xf32>
    %mul3A_397 = arith.constant 1.250000e-01 : f32
    %mul3A_398 = vector.broadcast %mul3A_397 : f32 to vector<128x128xf32>
    %mul3A_399 = arith.mulf %dot_general3A_396, %mul3A_398 : vector<128x128xf32>
    %reduce_max3A_400 = arith.constant dense<0xFF800000> : vector<128xf32>
    %reduce_max3A_401 = vector.multi_reduction <maximumf>, %mul3A_399, %reduce_max3A_400 [1] : vector<128x128xf32> to vector<128xf32>
    %broadcast_in_dim3A_402 = vector.shape_cast %reduce_max3A_401 : vector<128xf32> to vector<128x1xf32>
    %sub3A_403 = vector.broadcast %broadcast_in_dim3A_402 : vector<128x1xf32> to vector<128x128xf32>
    %sub3A_404 = arith.subf %mul3A_399, %sub3A_403 : vector<128x128xf32>
    %exp3A_405 = math.exp %sub3A_404 : vector<128x128xf32>
    %reduce_sum3A_406 = arith.constant dense<0.000000e+00> : vector<128xf32>
    %reduce_sum3A_407 = vector.multi_reduction <add>, %exp3A_405, %reduce_sum3A_406 [1] : vector<128x128xf32> to vector<128xf32>
    %broadcast_in_dim3A_408 = vector.shape_cast %reduce_sum3A_407 : vector<128xf32> to vector<128x1xf32>
    %div3A_409 = vector.broadcast %broadcast_in_dim3A_408 : vector<128x1xf32> to vector<128x128xf32>
    %div3A_410 = arith.divf %exp3A_405, %div3A_409 : vector<128x128xf32>
    %dot_general3A_411 = arith.constant dense<0.000000e+00> : vector<128x64xf32>
    %dot_general3A_412 = tpu.matmul %div3A_410, %get3A_394, %dot_general3A_411 {dimension_numbers = #tpu.dot_dimension_numbers<[1], [0], [0], [1], [0, 0, 1, 1], [], []>, transpose_lhs_hint = false} : vector<128x128xf32>, vector<128x64xf32>, vector<128x64xf32> -> vector<128x64xf32>
    %swap3A_413 = arith.constant 0 : index
    %swap3A_414 = arith.constant 1280 : index
    %swap3A_415 = arith.constant 0 : index
    %swap3A_416 = vector.load %arg4[%swap3A_413, %swap3A_414, %swap3A_415] : memref<1x4096x64xf32, #tpu.memory_space<vmem>>, vector<1x128x64xf32>
    %swap3A_417 = vector.shape_cast %swap3A_416 : vector<1x128x64xf32> to vector<128x64xf32>
    %swap3A_418 = vector.shape_cast %dot_general3A_412 : vector<128x64xf32> to vector<1x128x64xf32>
    tpu.vector_store %arg4[%swap3A_413, %swap3A_414, %swap3A_415], %swap3A_418 {strides = array<i32>} : memref<1x4096x64xf32, #tpu.memory_space<vmem>>, vector<1x128x64xf32>,
    %get3A_419 = arith.constant 0 : index
    %get3A_420 = arith.constant 1408 : index
    %get3A_421 = arith.constant 0 : index
    %get3A_422 = vector.load %arg1[%get3A_419, %get3A_420, %get3A_421] : memref<1x4096x64xf32, #tpu.memory_space<vmem>>, vector<1x128x64xf32>
    %get3A_423 = vector.shape_cast %get3A_422 : vector<1x128x64xf32> to vector<128x64xf32>
    %get3A_424 = arith.constant 0 : index
    %get3A_425 = arith.constant 1408 : index
    %get3A_426 = arith.constant 0 : index
    %get3A_427 = vector.load %arg2[%get3A_424, %get3A_425, %get3A_426] : memref<1x4096x64xf32, #tpu.memory_space<vmem>>, vector<1x128x64xf32>
    %get3A_428 = vector.shape_cast %get3A_427 : vector<1x128x64xf32> to vector<128x64xf32>
    %get3A_429 = arith.constant 0 : index
    %get3A_430 = arith.constant 1408 : index
    %get3A_431 = arith.constant 0 : index
    %get3A_432 = vector.load %arg3[%get3A_429, %get3A_430, %get3A_431] : memref<1x4096x64xf32, #tpu.memory_space<vmem>>, vector<1x128x64xf32>
    %get3A_433 = vector.shape_cast %get3A_432 : vector<1x128x64xf32> to vector<128x64xf32>
    %dot_general3A_434 = arith.constant dense<0.000000e+00> : vector<128x128xf32>
    %dot_general3A_435 = tpu.matmul %get3A_423, %get3A_428, %dot_general3A_434 {dimension_numbers = #tpu.dot_dimension_numbers<[1], [1], [0], [0], [0, 0, 1, 0], [], []>, transpose_lhs_hint = false} : vector<128x64xf32>, vector<128x64xf32>, vector<128x128xf32> -> vector<128x128xf32>
    %mul3A_436 = arith.constant 1.250000e-01 : f32
    %mul3A_437 = vector.broadcast %mul3A_436 : f32 to vector<128x128xf32>
    %mul3A_438 = arith.mulf %dot_general3A_435, %mul3A_437 : vector<128x128xf32>
    %reduce_max3A_439 = arith.constant dense<0xFF800000> : vector<128xf32>
    %reduce_max3A_440 = vector.multi_reduction <maximumf>, %mul3A_438, %reduce_max3A_439 [1] : vector<128x128xf32> to vector<128xf32>
    %broadcast_in_dim3A_441 = vector.shape_cast %reduce_max3A_440 : vector<128xf32> to vector<128x1xf32>
    %sub3A_442 = vector.broadcast %broadcast_in_dim3A_441 : vector<128x1xf32> to vector<128x128xf32>
    %sub3A_443 = arith.subf %mul3A_438, %sub3A_442 : vector<128x128xf32>
    %exp3A_444 = math.exp %sub3A_443 : vector<128x128xf32>
    %reduce_sum3A_445 = arith.constant dense<0.000000e+00> : vector<128xf32>
    %reduce_sum3A_446 = vector.multi_reduction <add>, %exp3A_444, %reduce_sum3A_445 [1] : vector<128x128xf32> to vector<128xf32>
    %broadcast_in_dim3A_447 = vector.shape_cast %reduce_sum3A_446 : vector<128xf32> to vector<128x1xf32>
    %div3A_448 = vector.broadcast %broadcast_in_dim3A_447 : vector<128x1xf32> to vector<128x128xf32>
    %div3A_449 = arith.divf %exp3A_444, %div3A_448 : vector<128x128xf32>
    %dot_general3A_450 = arith.constant dense<0.000000e+00> : vector<128x64xf32>
    %dot_general3A_451 = tpu.matmul %div3A_449, %get3A_433, %dot_general3A_450 {dimension_numbers = #tpu.dot_dimension_numbers<[1], [0], [0], [1], [0, 0, 1, 1], [], []>, transpose_lhs_hint = false} : vector<128x128xf32>, vector<128x64xf32>, vector<128x64xf32> -> vector<128x64xf32>
    %swap3A_452 = arith.constant 0 : index
    %swap3A_453 = arith.constant 1408 : index
    %swap3A_454 = arith.constant 0 : index
    %swap3A_455 = vector.load %arg4[%swap3A_452, %swap3A_453, %swap3A_454] : memref<1x4096x64xf32, #tpu.memory_space<vmem>>, vector<1x128x64xf32>
    %swap3A_456 = vector.shape_cast %swap3A_455 : vector<1x128x64xf32> to vector<128x64xf32>
    %swap3A_457 = vector.shape_cast %dot_general3A_451 : vector<128x64xf32> to vector<1x128x64xf32>
    tpu.vector_store %arg4[%swap3A_452, %swap3A_453, %swap3A_454], %swap3A_457 {strides = array<i32>} : memref<1x4096x64xf32, #tpu.memory_space<vmem>>, vector<1x128x64xf32>,
    %get3A_458 = arith.constant 0 : index
    %get3A_459 = arith.constant 1536 : index
    %get3A_460 = arith.constant 0 : index
    %get3A_461 = vector.load %arg1[%get3A_458, %get3A_459, %get3A_460] : memref<1x4096x64xf32, #tpu.memory_space<vmem>>, vector<1x128x64xf32>
    %get3A_462 = vector.shape_cast %get3A_461 : vector<1x128x64xf32> to vector<128x64xf32>
    %get3A_463 = arith.constant 0 : index
    %get3A_464 = arith.constant 1536 : index
    %get3A_465 = arith.constant 0 : index
    %get3A_466 = vector.load %arg2[%get3A_463, %get3A_464, %get3A_465] : memref<1x4096x64xf32, #tpu.memory_space<vmem>>, vector<1x128x64xf32>
    %get3A_467 = vector.shape_cast %get3A_466 : vector<1x128x64xf32> to vector<128x64xf32>
    %get3A_468 = arith.constant 0 : index
    %get3A_469 = arith.constant 1536 : index
    %get3A_470 = arith.constant 0 : index
    %get3A_471 = vector.load %arg3[%get3A_468, %get3A_469, %get3A_470] : memref<1x4096x64xf32, #tpu.memory_space<vmem>>, vector<1x128x64xf32>
    %get3A_472 = vector.shape_cast %get3A_471 : vector<1x128x64xf32> to vector<128x64xf32>
    %dot_general3A_473 = arith.constant dense<0.000000e+00> : vector<128x128xf32>
    %dot_general3A_474 = tpu.matmul %get3A_462, %get3A_467, %dot_general3A_473 {dimension_numbers = #tpu.dot_dimension_numbers<[1], [1], [0], [0], [0, 0, 1, 0], [], []>, transpose_lhs_hint = false} : vector<128x64xf32>, vector<128x64xf32>, vector<128x128xf32> -> vector<128x128xf32>
    %mul3A_475 = arith.constant 1.250000e-01 : f32
    %mul3A_476 = vector.broadcast %mul3A_475 : f32 to vector<128x128xf32>
    %mul3A_477 = arith.mulf %dot_general3A_474, %mul3A_476 : vector<128x128xf32>
    %reduce_max3A_478 = arith.constant dense<0xFF800000> : vector<128xf32>
    %reduce_max3A_479 = vector.multi_reduction <maximumf>, %mul3A_477, %reduce_max3A_478 [1] : vector<128x128xf32> to vector<128xf32>
    %broadcast_in_dim3A_480 = vector.shape_cast %reduce_max3A_479 : vector<128xf32> to vector<128x1xf32>
    %sub3A_481 = vector.broadcast %broadcast_in_dim3A_480 : vector<128x1xf32> to vector<128x128xf32>
    %sub3A_482 = arith.subf %mul3A_477, %sub3A_481 : vector<128x128xf32>
    %exp3A_483 = math.exp %sub3A_482 : vector<128x128xf32>
    %reduce_sum3A_484 = arith.constant dense<0.000000e+00> : vector<128xf32>
    %reduce_sum3A_485 = vector.multi_reduction <add>, %exp3A_483, %reduce_sum3A_484 [1] : vector<128x128xf32> to vector<128xf32>
    %broadcast_in_dim3A_486 = vector.shape_cast %reduce_sum3A_485 : vector<128xf32> to vector<128x1xf32>
    %div3A_487 = vector.broadcast %broadcast_in_dim3A_486 : vector<128x1xf32> to vector<128x128xf32>
    %div3A_488 = arith.divf %exp3A_483, %div3A_487 : vector<128x128xf32>
    %dot_general3A_489 = arith.constant dense<0.000000e+00> : vector<128x64xf32>
    %dot_general3A_490 = tpu.matmul %div3A_488, %get3A_472, %dot_general3A_489 {dimension_numbers = #tpu.dot_dimension_numbers<[1], [0], [0], [1], [0, 0, 1, 1], [], []>, transpose_lhs_hint = false} : vector<128x128xf32>, vector<128x64xf32>, vector<128x64xf32> -> vector<128x64xf32>
    %swap3A_491 = arith.constant 0 : index
    %swap3A_492 = arith.constant 1536 : index
    %swap3A_493 = arith.constant 0 : index
    %swap3A_494 = vector.load %arg4[%swap3A_491, %swap3A_492, %swap3A_493] : memref<1x4096x64xf32, #tpu.memory_space<vmem>>, vector<1x128x64xf32>
    %swap3A_495 = vector.shape_cast %swap3A_494 : vector<1x128x64xf32> to vector<128x64xf32>
    %swap3A_496 = vector.shape_cast %dot_general3A_490 : vector<128x64xf32> to vector<1x128x64xf32>
    tpu.vector_store %arg4[%swap3A_491, %swap3A_492, %swap3A_493], %swap3A_496 {strides = array<i32>} : memref<1x4096x64xf32, #tpu.memory_space<vmem>>, vector<1x128x64xf32>,
    %get3A_497 = arith.constant 0 : index
    %get3A_498 = arith.constant 1664 : index
    %get3A_499 = arith.constant 0 : index
    %get3A_500 = vector.load %arg1[%get3A_497, %get3A_498, %get3A_499] : memref<1x4096x64xf32, #tpu.memory_space<vmem>>, vector<1x128x64xf32>
    %get3A_501 = vector.shape_cast %get3A_500 : vector<1x128x64xf32> to vector<128x64xf32>
    %get3A_502 = arith.constant 0 : index
    %get3A_503 = arith.constant 1664 : index
    %get3A_504 = arith.constant 0 : index
    %get3A_505 = vector.load %arg2[%get3A_502, %get3A_503, %get3A_504] : memref<1x4096x64xf32, #tpu.memory_space<vmem>>, vector<1x128x64xf32>
    %get3A_506 = vector.shape_cast %get3A_505 : vector<1x128x64xf32> to vector<128x64xf32>
    %get3A_507 = arith.constant 0 : index
    %get3A_508 = arith.constant 1664 : index
    %get3A_509 = arith.constant 0 : index
    %get3A_510 = vector.load %arg3[%get3A_507, %get3A_508, %get3A_509] : memref<1x4096x64xf32, #tpu.memory_space<vmem>>, vector<1x128x64xf32>
    %get3A_511 = vector.shape_cast %get3A_510 : vector<1x128x64xf32> to vector<128x64xf32>
    %dot_general3A_512 = arith.constant dense<0.000000e+00> : vector<128x128xf32>
    %dot_general3A_513 = tpu.matmul %get3A_501, %get3A_506, %dot_general3A_512 {dimension_numbers = #tpu.dot_dimension_numbers<[1], [1], [0], [0], [0, 0, 1, 0], [], []>, transpose_lhs_hint = false} : vector<128x64xf32>, vector<128x64xf32>, vector<128x128xf32> -> vector<128x128xf32>
    %mul3A_514 = arith.constant 1.250000e-01 : f32
    %mul3A_515 = vector.broadcast %mul3A_514 : f32 to vector<128x128xf32>
    %mul3A_516 = arith.mulf %dot_general3A_513, %mul3A_515 : vector<128x128xf32>
    %reduce_max3A_517 = arith.constant dense<0xFF800000> : vector<128xf32>
    %reduce_max3A_518 = vector.multi_reduction <maximumf>, %mul3A_516, %reduce_max3A_517 [1] : vector<128x128xf32> to vector<128xf32>
    %broadcast_in_dim3A_519 = vector.shape_cast %reduce_max3A_518 : vector<128xf32> to vector<128x1xf32>
    %sub3A_520 = vector.broadcast %broadcast_in_dim3A_519 : vector<128x1xf32> to vector<128x128xf32>
    %sub3A_521 = arith.subf %mul3A_516, %sub3A_520 : vector<128x128xf32>
    %exp3A_522 = math.exp %sub3A_521 : vector<128x128xf32>
    %reduce_sum3A_523 = arith.constant dense<0.000000e+00> : vector<128xf32>
    %reduce_sum3A_524 = vector.multi_reduction <add>, %exp3A_522, %reduce_sum3A_523 [1] : vector<128x128xf32> to vector<128xf32>
    %broadcast_in_dim3A_525 = vector.shape_cast %reduce_sum3A_524 : vector<128xf32> to vector<128x1xf32>
    %div3A_526 = vector.broadcast %broadcast_in_dim3A_525 : vector<128x1xf32> to vector<128x128xf32>
    %div3A_527 = arith.divf %exp3A_522, %div3A_526 : vector<128x128xf32>
    %dot_general3A_528 = arith.constant dense<0.000000e+00> : vector<128x64xf32>
    %dot_general3A_529 = tpu.matmul %div3A_527, %get3A_511, %dot_general3A_528 {dimension_numbers = #tpu.dot_dimension_numbers<[1], [0], [0], [1], [0, 0, 1, 1], [], []>, transpose_lhs_hint = false} : vector<128x128xf32>, vector<128x64xf32>, vector<128x64xf32> -> vector<128x64xf32>
    %swap3A_530 = arith.constant 0 : index
    %swap3A_531 = arith.constant 1664 : index
    %swap3A_532 = arith.constant 0 : index
    %swap3A_533 = vector.load %arg4[%swap3A_530, %swap3A_531, %swap3A_532] : memref<1x4096x64xf32, #tpu.memory_space<vmem>>, vector<1x128x64xf32>
    %swap3A_534 = vector.shape_cast %swap3A_533 : vector<1x128x64xf32> to vector<128x64xf32>
    %swap3A_535 = vector.shape_cast %dot_general3A_529 : vector<128x64xf32> to vector<1x128x64xf32>
    tpu.vector_store %arg4[%swap3A_530, %swap3A_531, %swap3A_532], %swap3A_535 {strides = array<i32>} : memref<1x4096x64xf32, #tpu.memory_space<vmem>>, vector<1x128x64xf32>,
    %get3A_536 = arith.constant 0 : index
    %get3A_537 = arith.constant 1792 : index
    %get3A_538 = arith.constant 0 : index
    %get3A_539 = vector.load %arg1[%get3A_536, %get3A_537, %get3A_538] : memref<1x4096x64xf32, #tpu.memory_space<vmem>>, vector<1x128x64xf32>
    %get3A_540 = vector.shape_cast %get3A_539 : vector<1x128x64xf32> to vector<128x64xf32>
    %get3A_541 = arith.constant 0 : index
    %get3A_542 = arith.constant 1792 : index
    %get3A_543 = arith.constant 0 : index
    %get3A_544 = vector.load %arg2[%get3A_541, %get3A_542, %get3A_543] : memref<1x4096x64xf32, #tpu.memory_space<vmem>>, vector<1x128x64xf32>
    %get3A_545 = vector.shape_cast %get3A_544 : vector<1x128x64xf32> to vector<128x64xf32>
    %get3A_546 = arith.constant 0 : index
    %get3A_547 = arith.constant 1792 : index
    %get3A_548 = arith.constant 0 : index
    %get3A_549 = vector.load %arg3[%get3A_546, %get3A_547, %get3A_548] : memref<1x4096x64xf32, #tpu.memory_space<vmem>>, vector<1x128x64xf32>
    %get3A_550 = vector.shape_cast %get3A_549 : vector<1x128x64xf32> to vector<128x64xf32>
    %dot_general3A_551 = arith.constant dense<0.000000e+00> : vector<128x128xf32>
    %dot_general3A_552 = tpu.matmul %get3A_540, %get3A_545, %dot_general3A_551 {dimension_numbers = #tpu.dot_dimension_numbers<[1], [1], [0], [0], [0, 0, 1, 0], [], []>, transpose_lhs_hint = false} : vector<128x64xf32>, vector<128x64xf32>, vector<128x128xf32> -> vector<128x128xf32>
    %mul3A_553 = arith.constant 1.250000e-01 : f32
    %mul3A_554 = vector.broadcast %mul3A_553 : f32 to vector<128x128xf32>
    %mul3A_555 = arith.mulf %dot_general3A_552, %mul3A_554 : vector<128x128xf32>
    %reduce_max3A_556 = arith.constant dense<0xFF800000> : vector<128xf32>
    %reduce_max3A_557 = vector.multi_reduction <maximumf>, %mul3A_555, %reduce_max3A_556 [1] : vector<128x128xf32> to vector<128xf32>
    %broadcast_in_dim3A_558 = vector.shape_cast %reduce_max3A_557 : vector<128xf32> to vector<128x1xf32>
    %sub3A_559 = vector.broadcast %broadcast_in_dim3A_558 : vector<128x1xf32> to vector<128x128xf32>
    %sub3A_560 = arith.subf %mul3A_555, %sub3A_559 : vector<128x128xf32>
    %exp3A_561 = math.exp %sub3A_560 : vector<128x128xf32>
    %reduce_sum3A_562 = arith.constant dense<0.000000e+00> : vector<128xf32>
    %reduce_sum3A_563 = vector.multi_reduction <add>, %exp3A_561, %reduce_sum3A_562 [1] : vector<128x128xf32> to vector<128xf32>
    %broadcast_in_dim3A_564 = vector.shape_cast %reduce_sum3A_563 : vector<128xf32> to vector<128x1xf32>
    %div3A_565 = vector.broadcast %broadcast_in_dim3A_564 : vector<128x1xf32> to vector<128x128xf32>
    %div3A_566 = arith.divf %exp3A_561, %div3A_565 : vector<128x128xf32>
    %dot_general3A_567 = arith.constant dense<0.000000e+00> : vector<128x64xf32>
    %dot_general3A_568 = tpu.matmul %div3A_566, %get3A_550, %dot_general3A_567 {dimension_numbers = #tpu.dot_dimension_numbers<[1], [0], [0], [1], [0, 0, 1, 1], [], []>, transpose_lhs_hint = false} : vector<128x128xf32>, vector<128x64xf32>, vector<128x64xf32> -> vector<128x64xf32>
    %swap3A_569 = arith.constant 0 : index
    %swap3A_570 = arith.constant 1792 : index
    %swap3A_571 = arith.constant 0 : index
    %swap3A_572 = vector.load %arg4[%swap3A_569, %swap3A_570, %swap3A_571] : memref<1x4096x64xf32, #tpu.memory_space<vmem>>, vector<1x128x64xf32>
    %swap3A_573 = vector.shape_cast %swap3A_572 : vector<1x128x64xf32> to vector<128x64xf32>
    %swap3A_574 = vector.shape_cast %dot_general3A_568 : vector<128x64xf32> to vector<1x128x64xf32>
    tpu.vector_store %arg4[%swap3A_569, %swap3A_570, %swap3A_571], %swap3A_574 {strides = array<i32>} : memref<1x4096x64xf32, #tpu.memory_space<vmem>>, vector<1x128x64xf32>,
    %get3A_575 = arith.constant 0 : index
    %get3A_576 = arith.constant 1920 : index
    %get3A_577 = arith.constant 0 : index
    %get3A_578 = vector.load %arg1[%get3A_575, %get3A_576, %get3A_577] : memref<1x4096x64xf32, #tpu.memory_space<vmem>>, vector<1x128x64xf32>
    %get3A_579 = vector.shape_cast %get3A_578 : vector<1x128x64xf32> to vector<128x64xf32>
    %get3A_580 = arith.constant 0 : index
    %get3A_581 = arith.constant 1920 : index
    %get3A_582 = arith.constant 0 : index
    %get3A_583 = vector.load %arg2[%get3A_580, %get3A_581, %get3A_582] : memref<1x4096x64xf32, #tpu.memory_space<vmem>>, vector<1x128x64xf32>
    %get3A_584 = vector.shape_cast %get3A_583 : vector<1x128x64xf32> to vector<128x64xf32>
    %get3A_585 = arith.constant 0 : index
    %get3A_586 = arith.constant 1920 : index
    %get3A_587 = arith.constant 0 : index
    %get3A_588 = vector.load %arg3[%get3A_585, %get3A_586, %get3A_587] : memref<1x4096x64xf32, #tpu.memory_space<vmem>>, vector<1x128x64xf32>
    %get3A_589 = vector.shape_cast %get3A_588 : vector<1x128x64xf32> to vector<128x64xf32>
    %dot_general3A_590 = arith.constant dense<0.000000e+00> : vector<128x128xf32>
    %dot_general3A_591 = tpu.matmul %get3A_579, %get3A_584, %dot_general3A_590 {dimension_numbers = #tpu.dot_dimension_numbers<[1], [1], [0], [0], [0, 0, 1, 0], [], []>, transpose_lhs_hint = false} : vector<128x64xf32>, vector<128x64xf32>, vector<128x128xf32> -> vector<128x128xf32>
    %mul3A_592 = arith.constant 1.250000e-01 : f32
    %mul3A_593 = vector.broadcast %mul3A_592 : f32 to vector<128x128xf32>
    %mul3A_594 = arith.mulf %dot_general3A_591, %mul3A_593 : vector<128x128xf32>
    %reduce_max3A_595 = arith.constant dense<0xFF800000> : vector<128xf32>
    %reduce_max3A_596 = vector.multi_reduction <maximumf>, %mul3A_594, %reduce_max3A_595 [1] : vector<128x128xf32> to vector<128xf32>
    %broadcast_in_dim3A_597 = vector.shape_cast %reduce_max3A_596 : vector<128xf32> to vector<128x1xf32>
    %sub3A_598 = vector.broadcast %broadcast_in_dim3A_597 : vector<128x1xf32> to vector<128x128xf32>
    %sub3A_599 = arith.subf %mul3A_594, %sub3A_598 : vector<128x128xf32>
    %exp3A_600 = math.exp %sub3A_599 : vector<128x128xf32>
    %reduce_sum3A_601 = arith.constant dense<0.000000e+00> : vector<128xf32>
    %reduce_sum3A_602 = vector.multi_reduction <add>, %exp3A_600, %reduce_sum3A_601 [1] : vector<128x128xf32> to vector<128xf32>
    %broadcast_in_dim3A_603 = vector.shape_cast %reduce_sum3A_602 : vector<128xf32> to vector<128x1xf32>
    %div3A_604 = vector.broadcast %broadcast_in_dim3A_603 : vector<128x1xf32> to vector<128x128xf32>
    %div3A_605 = arith.divf %exp3A_600, %div3A_604 : vector<128x128xf32>
    %dot_general3A_606 = arith.constant dense<0.000000e+00> : vector<128x64xf32>
    %dot_general3A_607 = tpu.matmul %div3A_605, %get3A_589, %dot_general3A_606 {dimension_numbers = #tpu.dot_dimension_numbers<[1], [0], [0], [1], [0, 0, 1, 1], [], []>, transpose_lhs_hint = false} : vector<128x128xf32>, vector<128x64xf32>, vector<128x64xf32> -> vector<128x64xf32>
    %swap3A_608 = arith.constant 0 : index
    %swap3A_609 = arith.constant 1920 : index
    %swap3A_610 = arith.constant 0 : index
    %swap3A_611 = vector.load %arg4[%swap3A_608, %swap3A_609, %swap3A_610] : memref<1x4096x64xf32, #tpu.memory_space<vmem>>, vector<1x128x64xf32>
    %swap3A_612 = vector.shape_cast %swap3A_611 : vector<1x128x64xf32> to vector<128x64xf32>
    %swap3A_613 = vector.shape_cast %dot_general3A_607 : vector<128x64xf32> to vector<1x128x64xf32>
    tpu.vector_store %arg4[%swap3A_608, %swap3A_609, %swap3A_610], %swap3A_613 {strides = array<i32>} : memref<1x4096x64xf32, #tpu.memory_space<vmem>>, vector<1x128x64xf32>,
    %get3A_614 = arith.constant 0 : index
    %get3A_615 = arith.constant 2048 : index
    %get3A_616 = arith.constant 0 : index
    %get3A_617 = vector.load %arg1[%get3A_614, %get3A_615, %get3A_616] : memref<1x4096x64xf32, #tpu.memory_space<vmem>>, vector<1x128x64xf32>
    %get3A_618 = vector.shape_cast %get3A_617 : vector<1x128x64xf32> to vector<128x64xf32>
    %get3A_619 = arith.constant 0 : index
    %get3A_620 = arith.constant 2048 : index
    %get3A_621 = arith.constant 0 : index
    %get3A_622 = vector.load %arg2[%get3A_619, %get3A_620, %get3A_621] : memref<1x4096x64xf32, #tpu.memory_space<vmem>>, vector<1x128x64xf32>
    %get3A_623 = vector.shape_cast %get3A_622 : vector<1x128x64xf32> to vector<128x64xf32>
    %get3A_624 = arith.constant 0 : index
    %get3A_625 = arith.constant 2048 : index
    %get3A_626 = arith.constant 0 : index
    %get3A_627 = vector.load %arg3[%get3A_624, %get3A_625, %get3A_626] : memref<1x4096x64xf32, #tpu.memory_space<vmem>>, vector<1x128x64xf32>
    %get3A_628 = vector.shape_cast %get3A_627 : vector<1x128x64xf32> to vector<128x64xf32>
    %dot_general3A_629 = arith.constant dense<0.000000e+00> : vector<128x128xf32>
    %dot_general3A_630 = tpu.matmul %get3A_618, %get3A_623, %dot_general3A_629 {dimension_numbers = #tpu.dot_dimension_numbers<[1], [1], [0], [0], [0, 0, 1, 0], [], []>, transpose_lhs_hint = false} : vector<128x64xf32>, vector<128x64xf32>, vector<128x128xf32> -> vector<128x128xf32>
    %mul3A_631 = arith.constant 1.250000e-01 : f32
    %mul3A_632 = vector.broadcast %mul3A_631 : f32 to vector<128x128xf32>
    %mul3A_633 = arith.mulf %dot_general3A_630, %mul3A_632 : vector<128x128xf32>
    %reduce_max3A_634 = arith.constant dense<0xFF800000> : vector<128xf32>
    %reduce_max3A_635 = vector.multi_reduction <maximumf>, %mul3A_633, %reduce_max3A_634 [1] : vector<128x128xf32> to vector<128xf32>
    %broadcast_in_dim3A_636 = vector.shape_cast %reduce_max3A_635 : vector<128xf32> to vector<128x1xf32>
    %sub3A_637 = vector.broadcast %broadcast_in_dim3A_636 : vector<128x1xf32> to vector<128x128xf32>
    %sub3A_638 = arith.subf %mul3A_633, %sub3A_637 : vector<128x128xf32>
    %exp3A_639 = math.exp %sub3A_638 : vector<128x128xf32>
    %reduce_sum3A_640 = arith.constant dense<0.000000e+00> : vector<128xf32>
    %reduce_sum3A_641 = vector.multi_reduction <add>, %exp3A_639, %reduce_sum3A_640 [1] : vector<128x128xf32> to vector<128xf32>
    %broadcast_in_dim3A_642 = vector.shape_cast %reduce_sum3A_641 : vector<128xf32> to vector<128x1xf32>
    %div3A_643 = vector.broadcast %broadcast_in_dim3A_642 : vector<128x1xf32> to vector<128x128xf32>
    %div3A_644 = arith.divf %exp3A_639, %div3A_643 : vector<128x128xf32>
    %dot_general3A_645 = arith.constant dense<0.000000e+00> : vector<128x64xf32>
    %dot_general3A_646 = tpu.matmul %div3A_644, %get3A_628, %dot_general3A_645 {dimension_numbers = #tpu.dot_dimension_numbers<[1], [0], [0], [1], [0, 0, 1, 1], [], []>, transpose_lhs_hint = false} : vector<128x128xf32>, vector<128x64xf32>, vector<128x64xf32> -> vector<128x64xf32>
    %swap3A_647 = arith.constant 0 : index
    %swap3A_648 = arith.constant 2048 : index
    %swap3A_649 = arith.constant 0 : index
    %swap3A_650 = vector.load %arg4[%swap3A_647, %swap3A_648, %swap3A_649] : memref<1x4096x64xf32, #tpu.memory_space<vmem>>, vector<1x128x64xf32>
    %swap3A_651 = vector.shape_cast %swap3A_650 : vector<1x128x64xf32> to vector<128x64xf32>
    %swap3A_652 = vector.shape_cast %dot_general3A_646 : vector<128x64xf32> to vector<1x128x64xf32>
    tpu.vector_store %arg4[%swap3A_647, %swap3A_648, %swap3A_649], %swap3A_652 {strides = array<i32>} : memref<1x4096x64xf32, #tpu.memory_space<vmem>>, vector<1x128x64xf32>,
    %get3A_653 = arith.constant 0 : index
    %get3A_654 = arith.constant 2176 : index
    %get3A_655 = arith.constant 0 : index
    %get3A_656 = vector.load %arg1[%get3A_653, %get3A_654, %get3A_655] : memref<1x4096x64xf32, #tpu.memory_space<vmem>>, vector<1x128x64xf32>
    %get3A_657 = vector.shape_cast %get3A_656 : vector<1x128x64xf32> to vector<128x64xf32>
    %get3A_658 = arith.constant 0 : index
    %get3A_659 = arith.constant 2176 : index
    %get3A_660 = arith.constant 0 : index
    %get3A_661 = vector.load %arg2[%get3A_658, %get3A_659, %get3A_660] : memref<1x4096x64xf32, #tpu.memory_space<vmem>>, vector<1x128x64xf32>
    %get3A_662 = vector.shape_cast %get3A_661 : vector<1x128x64xf32> to vector<128x64xf32>
    %get3A_663 = arith.constant 0 : index
    %get3A_664 = arith.constant 2176 : index
    %get3A_665 = arith.constant 0 : index
    %get3A_666 = vector.load %arg3[%get3A_663, %get3A_664, %get3A_665] : memref<1x4096x64xf32, #tpu.memory_space<vmem>>, vector<1x128x64xf32>
    %get3A_667 = vector.shape_cast %get3A_666 : vector<1x128x64xf32> to vector<128x64xf32>
    %dot_general3A_668 = arith.constant dense<0.000000e+00> : vector<128x128xf32>
    %dot_general3A_669 = tpu.matmul %get3A_657, %get3A_662, %dot_general3A_668 {dimension_numbers = #tpu.dot_dimension_numbers<[1], [1], [0], [0], [0, 0, 1, 0], [], []>, transpose_lhs_hint = false} : vector<128x64xf32>, vector<128x64xf32>, vector<128x128xf32> -> vector<128x128xf32>
    %mul3A_670 = arith.constant 1.250000e-01 : f32
    %mul3A_671 = vector.broadcast %mul3A_670 : f32 to vector<128x128xf32>
    %mul3A_672 = arith.mulf %dot_general3A_669, %mul3A_671 : vector<128x128xf32>
    %reduce_max3A_673 = arith.constant dense<0xFF800000> : vector<128xf32>
    %reduce_max3A_674 = vector.multi_reduction <maximumf>, %mul3A_672, %reduce_max3A_673 [1] : vector<128x128xf32> to vector<128xf32>
    %broadcast_in_dim3A_675 = vector.shape_cast %reduce_max3A_674 : vector<128xf32> to vector<128x1xf32>
    %sub3A_676 = vector.broadcast %broadcast_in_dim3A_675 : vector<128x1xf32> to vector<128x128xf32>
    %sub3A_677 = arith.subf %mul3A_672, %sub3A_676 : vector<128x128xf32>
    %exp3A_678 = math.exp %sub3A_677 : vector<128x128xf32>
    %reduce_sum3A_679 = arith.constant dense<0.000000e+00> : vector<128xf32>
    %reduce_sum3A_680 = vector.multi_reduction <add>, %exp3A_678, %reduce_sum3A_679 [1] : vector<128x128xf32> to vector<128xf32>
    %broadcast_in_dim3A_681 = vector.shape_cast %reduce_sum3A_680 : vector<128xf32> to vector<128x1xf32>
    %div3A_682 = vector.broadcast %broadcast_in_dim3A_681 : vector<128x1xf32> to vector<128x128xf32>
    %div3A_683 = arith.divf %exp3A_678, %div3A_682 : vector<128x128xf32>
    %dot_general3A_684 = arith.constant dense<0.000000e+00> : vector<128x64xf32>
    %dot_general3A_685 = tpu.matmul %div3A_683, %get3A_667, %dot_general3A_684 {dimension_numbers = #tpu.dot_dimension_numbers<[1], [0], [0], [1], [0, 0, 1, 1], [], []>, transpose_lhs_hint = false} : vector<128x128xf32>, vector<128x64xf32>, vector<128x64xf32> -> vector<128x64xf32>
    %swap3A_686 = arith.constant 0 : index
    %swap3A_687 = arith.constant 2176 : index
    %swap3A_688 = arith.constant 0 : index
    %swap3A_689 = vector.load %arg4[%swap3A_686, %swap3A_687, %swap3A_688] : memref<1x4096x64xf32, #tpu.memory_space<vmem>>, vector<1x128x64xf32>
    %swap3A_690 = vector.shape_cast %swap3A_689 : vector<1x128x64xf32> to vector<128x64xf32>
    %swap3A_691 = vector.shape_cast %dot_general3A_685 : vector<128x64xf32> to vector<1x128x64xf32>
    tpu.vector_store %arg4[%swap3A_686, %swap3A_687, %swap3A_688], %swap3A_691 {strides = array<i32>} : memref<1x4096x64xf32, #tpu.memory_space<vmem>>, vector<1x128x64xf32>,
    %get3A_692 = arith.constant 0 : index
    %get3A_693 = arith.constant 2304 : index
    %get3A_694 = arith.constant 0 : index
    %get3A_695 = vector.load %arg1[%get3A_692, %get3A_693, %get3A_694] : memref<1x4096x64xf32, #tpu.memory_space<vmem>>, vector<1x128x64xf32>
    %get3A_696 = vector.shape_cast %get3A_695 : vector<1x128x64xf32> to vector<128x64xf32>
    %get3A_697 = arith.constant 0 : index
    %get3A_698 = arith.constant 2304 : index
    %get3A_699 = arith.constant 0 : index
    %get3A_700 = vector.load %arg2[%get3A_697, %get3A_698, %get3A_699] : memref<1x4096x64xf32, #tpu.memory_space<vmem>>, vector<1x128x64xf32>
    %get3A_701 = vector.shape_cast %get3A_700 : vector<1x128x64xf32> to vector<128x64xf32>
    %get3A_702 = arith.constant 0 : index
    %get3A_703 = arith.constant 2304 : index
    %get3A_704 = arith.constant 0 : index
    %get3A_705 = vector.load %arg3[%get3A_702, %get3A_703, %get3A_704] : memref<1x4096x64xf32, #tpu.memory_space<vmem>>, vector<1x128x64xf32>
    %get3A_706 = vector.shape_cast %get3A_705 : vector<1x128x64xf32> to vector<128x64xf32>
    %dot_general3A_707 = arith.constant dense<0.000000e+00> : vector<128x128xf32>
    %dot_general3A_708 = tpu.matmul %get3A_696, %get3A_701, %dot_general3A_707 {dimension_numbers = #tpu.dot_dimension_numbers<[1], [1], [0], [0], [0, 0, 1, 0], [], []>, transpose_lhs_hint = false} : vector<128x64xf32>, vector<128x64xf32>, vector<128x128xf32> -> vector<128x128xf32>
    %mul3A_709 = arith.constant 1.250000e-01 : f32
    %mul3A_710 = vector.broadcast %mul3A_709 : f32 to vector<128x128xf32>
    %mul3A_711 = arith.mulf %dot_general3A_708, %mul3A_710 : vector<128x128xf32>
    %reduce_max3A_712 = arith.constant dense<0xFF800000> : vector<128xf32>
    %reduce_max3A_713 = vector.multi_reduction <maximumf>, %mul3A_711, %reduce_max3A_712 [1] : vector<128x128xf32> to vector<128xf32>
    %broadcast_in_dim3A_714 = vector.shape_cast %reduce_max3A_713 : vector<128xf32> to vector<128x1xf32>
    %sub3A_715 = vector.broadcast %broadcast_in_dim3A_714 : vector<128x1xf32> to vector<128x128xf32>
    %sub3A_716 = arith.subf %mul3A_711, %sub3A_715 : vector<128x128xf32>
    %exp3A_717 = math.exp %sub3A_716 : vector<128x128xf32>
    %reduce_sum3A_718 = arith.constant dense<0.000000e+00> : vector<128xf32>
    %reduce_sum3A_719 = vector.multi_reduction <add>, %exp3A_717, %reduce_sum3A_718 [1] : vector<128x128xf32> to vector<128xf32>
    %broadcast_in_dim3A_720 = vector.shape_cast %reduce_sum3A_719 : vector<128xf32> to vector<128x1xf32>
    %div3A_721 = vector.broadcast %broadcast_in_dim3A_720 : vector<128x1xf32> to vector<128x128xf32>
    %div3A_722 = arith.divf %exp3A_717, %div3A_721 : vector<128x128xf32>
    %dot_general3A_723 = arith.constant dense<0.000000e+00> : vector<128x64xf32>
    %dot_general3A_724 = tpu.matmul %div3A_722, %get3A_706, %dot_general3A_723 {dimension_numbers = #tpu.dot_dimension_numbers<[1], [0], [0], [1], [0, 0, 1, 1], [], []>, transpose_lhs_hint = false} : vector<128x128xf32>, vector<128x64xf32>, vector<128x64xf32> -> vector<128x64xf32>
    %swap3A_725 = arith.constant 0 : index
    %swap3A_726 = arith.constant 2304 : index
    %swap3A_727 = arith.constant 0 : index
    %swap3A_728 = vector.load %arg4[%swap3A_725, %swap3A_726, %swap3A_727] : memref<1x4096x64xf32, #tpu.memory_space<vmem>>, vector<1x128x64xf32>
    %swap3A_729 = vector.shape_cast %swap3A_728 : vector<1x128x64xf32> to vector<128x64xf32>
    %swap3A_730 = vector.shape_cast %dot_general3A_724 : vector<128x64xf32> to vector<1x128x64xf32>
    tpu.vector_store %arg4[%swap3A_725, %swap3A_726, %swap3A_727], %swap3A_730 {strides = array<i32>} : memref<1x4096x64xf32, #tpu.memory_space<vmem>>, vector<1x128x64xf32>,
    %get3A_731 = arith.constant 0 : index
    %get3A_732 = arith.constant 2432 : index
    %get3A_733 = arith.constant 0 : index
    %get3A_734 = vector.load %arg1[%get3A_731, %get3A_732, %get3A_733] : memref<1x4096x64xf32, #tpu.memory_space<vmem>>, vector<1x128x64xf32>
    %get3A_735 = vector.shape_cast %get3A_734 : vector<1x128x64xf32> to vector<128x64xf32>
    %get3A_736 = arith.constant 0 : index
    %get3A_737 = arith.constant 2432 : index
    %get3A_738 = arith.constant 0 : index
    %get3A_739 = vector.load %arg2[%get3A_736, %get3A_737, %get3A_738] : memref<1x4096x64xf32, #tpu.memory_space<vmem>>, vector<1x128x64xf32>
    %get3A_740 = vector.shape_cast %get3A_739 : vector<1x128x64xf32> to vector<128x64xf32>
    %get3A_741 = arith.constant 0 : index
    %get3A_742 = arith.constant 2432 : index
    %get3A_743 = arith.constant 0 : index
    %get3A_744 = vector.load %arg3[%get3A_741, %get3A_742, %get3A_743] : memref<1x4096x64xf32, #tpu.memory_space<vmem>>, vector<1x128x64xf32>
    %get3A_745 = vector.shape_cast %get3A_744 : vector<1x128x64xf32> to vector<128x64xf32>
    %dot_general3A_746 = arith.constant dense<0.000000e+00> : vector<128x128xf32>
    %dot_general3A_747 = tpu.matmul %get3A_735, %get3A_740, %dot_general3A_746 {dimension_numbers = #tpu.dot_dimension_numbers<[1], [1], [0], [0], [0, 0, 1, 0], [], []>, transpose_lhs_hint = false} : vector<128x64xf32>, vector<128x64xf32>, vector<128x128xf32> -> vector<128x128xf32>
    %mul3A_748 = arith.constant 1.250000e-01 : f32
    %mul3A_749 = vector.broadcast %mul3A_748 : f32 to vector<128x128xf32>
    %mul3A_750 = arith.mulf %dot_general3A_747, %mul3A_749 : vector<128x128xf32>
    %reduce_max3A_751 = arith.constant dense<0xFF800000> : vector<128xf32>
    %reduce_max3A_752 = vector.multi_reduction <maximumf>, %mul3A_750, %reduce_max3A_751 [1] : vector<128x128xf32> to vector<128xf32>
    %broadcast_in_dim3A_753 = vector.shape_cast %reduce_max3A_752 : vector<128xf32> to vector<128x1xf32>
    %sub3A_754 = vector.broadcast %broadcast_in_dim3A_753 : vector<128x1xf32> to vector<128x128xf32>
    %sub3A_755 = arith.subf %mul3A_750, %sub3A_754 : vector<128x128xf32>
    %exp3A_756 = math.exp %sub3A_755 : vector<128x128xf32>
    %reduce_sum3A_757 = arith.constant dense<0.000000e+00> : vector<128xf32>
    %reduce_sum3A_758 = vector.multi_reduction <add>, %exp3A_756, %reduce_sum3A_757 [1] : vector<128x128xf32> to vector<128xf32>
    %broadcast_in_dim3A_759 = vector.shape_cast %reduce_sum3A_758 : vector<128xf32> to vector<128x1xf32>
    %div3A_760 = vector.broadcast %broadcast_in_dim3A_759 : vector<128x1xf32> to vector<128x128xf32>
    %div3A_761 = arith.divf %exp3A_756, %div3A_760 : vector<128x128xf32>
    %dot_general3A_762 = arith.constant dense<0.000000e+00> : vector<128x64xf32>
    %dot_general3A_763 = tpu.matmul %div3A_761, %get3A_745, %dot_general3A_762 {dimension_numbers = #tpu.dot_dimension_numbers<[1], [0], [0], [1], [0, 0, 1, 1], [], []>, transpose_lhs_hint = false} : vector<128x128xf32>, vector<128x64xf32>, vector<128x64xf32> -> vector<128x64xf32>
    %swap3A_764 = arith.constant 0 : index
    %swap3A_765 = arith.constant 2432 : index
    %swap3A_766 = arith.constant 0 : index
    %swap3A_767 = vector.load %arg4[%swap3A_764, %swap3A_765, %swap3A_766] : memref<1x4096x64xf32, #tpu.memory_space<vmem>>, vector<1x128x64xf32>
    %swap3A_768 = vector.shape_cast %swap3A_767 : vector<1x128x64xf32> to vector<128x64xf32>
    %swap3A_769 = vector.shape_cast %dot_general3A_763 : vector<128x64xf32> to vector<1x128x64xf32>
    tpu.vector_store %arg4[%swap3A_764, %swap3A_765, %swap3A_766], %swap3A_769 {strides = array<i32>} : memref<1x4096x64xf32, #tpu.memory_space<vmem>>, vector<1x128x64xf32>,
    %get3A_770 = arith.constant 0 : index
    %get3A_771 = arith.constant 2560 : index
    %get3A_772 = arith.constant 0 : index
    %get3A_773 = vector.load %arg1[%get3A_770, %get3A_771, %get3A_772] : memref<1x4096x64xf32, #tpu.memory_space<vmem>>, vector<1x128x64xf32>
    %get3A_774 = vector.shape_cast %get3A_773 : vector<1x128x64xf32> to vector<128x64xf32>
    %get3A_775 = arith.constant 0 : index
    %get3A_776 = arith.constant 2560 : index
    %get3A_777 = arith.constant 0 : index
    %get3A_778 = vector.load %arg2[%get3A_775, %get3A_776, %get3A_777] : memref<1x4096x64xf32, #tpu.memory_space<vmem>>, vector<1x128x64xf32>
    %get3A_779 = vector.shape_cast %get3A_778 : vector<1x128x64xf32> to vector<128x64xf32>
    %get3A_780 = arith.constant 0 : index
    %get3A_781 = arith.constant 2560 : index
    %get3A_782 = arith.constant 0 : index
    %get3A_783 = vector.load %arg3[%get3A_780, %get3A_781, %get3A_782] : memref<1x4096x64xf32, #tpu.memory_space<vmem>>, vector<1x128x64xf32>
    %get3A_784 = vector.shape_cast %get3A_783 : vector<1x128x64xf32> to vector<128x64xf32>
    %dot_general3A_785 = arith.constant dense<0.000000e+00> : vector<128x128xf32>
    %dot_general3A_786 = tpu.matmul %get3A_774, %get3A_779, %dot_general3A_785 {dimension_numbers = #tpu.dot_dimension_numbers<[1], [1], [0], [0], [0, 0, 1, 0], [], []>, transpose_lhs_hint = false} : vector<128x64xf32>, vector<128x64xf32>, vector<128x128xf32> -> vector<128x128xf32>
    %mul3A_787 = arith.constant 1.250000e-01 : f32
    %mul3A_788 = vector.broadcast %mul3A_787 : f32 to vector<128x128xf32>
    %mul3A_789 = arith.mulf %dot_general3A_786, %mul3A_788 : vector<128x128xf32>
    %reduce_max3A_790 = arith.constant dense<0xFF800000> : vector<128xf32>
    %reduce_max3A_791 = vector.multi_reduction <maximumf>, %mul3A_789, %reduce_max3A_790 [1] : vector<128x128xf32> to vector<128xf32>
    %broadcast_in_dim3A_792 = vector.shape_cast %reduce_max3A_791 : vector<128xf32> to vector<128x1xf32>
    %sub3A_793 = vector.broadcast %broadcast_in_dim3A_792 : vector<128x1xf32> to vector<128x128xf32>
    %sub3A_794 = arith.subf %mul3A_789, %sub3A_793 : vector<128x128xf32>
    %exp3A_795 = math.exp %sub3A_794 : vector<128x128xf32>
    %reduce_sum3A_796 = arith.constant dense<0.000000e+00> : vector<128xf32>
    %reduce_sum3A_797 = vector.multi_reduction <add>, %exp3A_795, %reduce_sum3A_796 [1] : vector<128x128xf32> to vector<128xf32>
    %broadcast_in_dim3A_798 = vector.shape_cast %reduce_sum3A_797 : vector<128xf32> to vector<128x1xf32>
    %div3A_799 = vector.broadcast %broadcast_in_dim3A_798 : vector<128x1xf32> to vector<128x128xf32>
    %div3A_800 = arith.divf %exp3A_795, %div3A_799 : vector<128x128xf32>
    %dot_general3A_801 = arith.constant dense<0.000000e+00> : vector<128x64xf32>
    %dot_general3A_802 = tpu.matmul %div3A_800, %get3A_784, %dot_general3A_801 {dimension_numbers = #tpu.dot_dimension_numbers<[1], [0], [0], [1], [0, 0, 1, 1], [], []>, transpose_lhs_hint = false} : vector<128x128xf32>, vector<128x64xf32>, vector<128x64xf32> -> vector<128x64xf32>
    %swap3A_803 = arith.constant 0 : index
    %swap3A_804 = arith.constant 2560 : index
    %swap3A_805 = arith.constant 0 : index
    %swap3A_806 = vector.load %arg4[%swap3A_803, %swap3A_804, %swap3A_805] : memref<1x4096x64xf32, #tpu.memory_space<vmem>>, vector<1x128x64xf32>
    %swap3A_807 = vector.shape_cast %swap3A_806 : vector<1x128x64xf32> to vector<128x64xf32>
    %swap3A_808 = vector.shape_cast %dot_general3A_802 : vector<128x64xf32> to vector<1x128x64xf32>
    tpu.vector_store %arg4[%swap3A_803, %swap3A_804, %swap3A_805], %swap3A_808 {strides = array<i32>} : memref<1x4096x64xf32, #tpu.memory_space<vmem>>, vector<1x128x64xf32>,
    %get3A_809 = arith.constant 0 : index
    %get3A_810 = arith.constant 2688 : index
    %get3A_811 = arith.constant 0 : index
    %get3A_812 = vector.load %arg1[%get3A_809, %get3A_810, %get3A_811] : memref<1x4096x64xf32, #tpu.memory_space<vmem>>, vector<1x128x64xf32>
    %get3A_813 = vector.shape_cast %get3A_812 : vector<1x128x64xf32> to vector<128x64xf32>
    %get3A_814 = arith.constant 0 : index
    %get3A_815 = arith.constant 2688 : index
    %get3A_816 = arith.constant 0 : index
    %get3A_817 = vector.load %arg2[%get3A_814, %get3A_815, %get3A_816] : memref<1x4096x64xf32, #tpu.memory_space<vmem>>, vector<1x128x64xf32>
    %get3A_818 = vector.shape_cast %get3A_817 : vector<1x128x64xf32> to vector<128x64xf32>
    %get3A_819 = arith.constant 0 : index
    %get3A_820 = arith.constant 2688 : index
    %get3A_821 = arith.constant 0 : index
    %get3A_822 = vector.load %arg3[%get3A_819, %get3A_820, %get3A_821] : memref<1x4096x64xf32, #tpu.memory_space<vmem>>, vector<1x128x64xf32>
    %get3A_823 = vector.shape_cast %get3A_822 : vector<1x128x64xf32> to vector<128x64xf32>
    %dot_general3A_824 = arith.constant dense<0.000000e+00> : vector<128x128xf32>
    %dot_general3A_825 = tpu.matmul %get3A_813, %get3A_818, %dot_general3A_824 {dimension_numbers = #tpu.dot_dimension_numbers<[1], [1], [0], [0], [0, 0, 1, 0], [], []>, transpose_lhs_hint = false} : vector<128x64xf32>, vector<128x64xf32>, vector<128x128xf32> -> vector<128x128xf32>
    %mul3A_826 = arith.constant 1.250000e-01 : f32
    %mul3A_827 = vector.broadcast %mul3A_826 : f32 to vector<128x128xf32>
    %mul3A_828 = arith.mulf %dot_general3A_825, %mul3A_827 : vector<128x128xf32>
    %reduce_max3A_829 = arith.constant dense<0xFF800000> : vector<128xf32>
    %reduce_max3A_830 = vector.multi_reduction <maximumf>, %mul3A_828, %reduce_max3A_829 [1] : vector<128x128xf32> to vector<128xf32>
    %broadcast_in_dim3A_831 = vector.shape_cast %reduce_max3A_830 : vector<128xf32> to vector<128x1xf32>
    %sub3A_832 = vector.broadcast %broadcast_in_dim3A_831 : vector<128x1xf32> to vector<128x128xf32>
    %sub3A_833 = arith.subf %mul3A_828, %sub3A_832 : vector<128x128xf32>
    %exp3A_834 = math.exp %sub3A_833 : vector<128x128xf32>
    %reduce_sum3A_835 = arith.constant dense<0.000000e+00> : vector<128xf32>
    %reduce_sum3A_836 = vector.multi_reduction <add>, %exp3A_834, %reduce_sum3A_835 [1] : vector<128x128xf32> to vector<128xf32>
    %broadcast_in_dim3A_837 = vector.shape_cast %reduce_sum3A_836 : vector<128xf32> to vector<128x1xf32>
    %div3A_838 = vector.broadcast %broadcast_in_dim3A_837 : vector<128x1xf32> to vector<128x128xf32>
    %div3A_839 = arith.divf %exp3A_834, %div3A_838 : vector<128x128xf32>
    %dot_general3A_840 = arith.constant dense<0.000000e+00> : vector<128x64xf32>
    %dot_general3A_841 = tpu.matmul %div3A_839, %get3A_823, %dot_general3A_840 {dimension_numbers = #tpu.dot_dimension_numbers<[1], [0], [0], [1], [0, 0, 1, 1], [], []>, transpose_lhs_hint = false} : vector<128x128xf32>, vector<128x64xf32>, vector<128x64xf32> -> vector<128x64xf32>
    %swap3A_842 = arith.constant 0 : index
    %swap3A_843 = arith.constant 2688 : index
    %swap3A_844 = arith.constant 0 : index
    %swap3A_845 = vector.load %arg4[%swap3A_842, %swap3A_843, %swap3A_844] : memref<1x4096x64xf32, #tpu.memory_space<vmem>>, vector<1x128x64xf32>
    %swap3A_846 = vector.shape_cast %swap3A_845 : vector<1x128x64xf32> to vector<128x64xf32>
    %swap3A_847 = vector.shape_cast %dot_general3A_841 : vector<128x64xf32> to vector<1x128x64xf32>
    tpu.vector_store %arg4[%swap3A_842, %swap3A_843, %swap3A_844], %swap3A_847 {strides = array<i32>} : memref<1x4096x64xf32, #tpu.memory_space<vmem>>, vector<1x128x64xf32>,
    %get3A_848 = arith.constant 0 : index
    %get3A_849 = arith.constant 2816 : index
    %get3A_850 = arith.constant 0 : index
    %get3A_851 = vector.load %arg1[%get3A_848, %get3A_849, %get3A_850] : memref<1x4096x64xf32, #tpu.memory_space<vmem>>, vector<1x128x64xf32>
    %get3A_852 = vector.shape_cast %get3A_851 : vector<1x128x64xf32> to vector<128x64xf32>
    %get3A_853 = arith.constant 0 : index
    %get3A_854 = arith.constant 2816 : index
    %get3A_855 = arith.constant 0 : index
    %get3A_856 = vector.load %arg2[%get3A_853, %get3A_854, %get3A_855] : memref<1x4096x64xf32, #tpu.memory_space<vmem>>, vector<1x128x64xf32>
    %get3A_857 = vector.shape_cast %get3A_856 : vector<1x128x64xf32> to vector<128x64xf32>
    %get3A_858 = arith.constant 0 : index
    %get3A_859 = arith.constant 2816 : index
    %get3A_860 = arith.constant 0 : index
    %get3A_861 = vector.load %arg3[%get3A_858, %get3A_859, %get3A_860] : memref<1x4096x64xf32, #tpu.memory_space<vmem>>, vector<1x128x64xf32>
    %get3A_862 = vector.shape_cast %get3A_861 : vector<1x128x64xf32> to vector<128x64xf32>
    %dot_general3A_863 = arith.constant dense<0.000000e+00> : vector<128x128xf32>
    %dot_general3A_864 = tpu.matmul %get3A_852, %get3A_857, %dot_general3A_863 {dimension_numbers = #tpu.dot_dimension_numbers<[1], [1], [0], [0], [0, 0, 1, 0], [], []>, transpose_lhs_hint = false} : vector<128x64xf32>, vector<128x64xf32>, vector<128x128xf32> -> vector<128x128xf32>
    %mul3A_865 = arith.constant 1.250000e-01 : f32
    %mul3A_866 = vector.broadcast %mul3A_865 : f32 to vector<128x128xf32>
    %mul3A_867 = arith.mulf %dot_general3A_864, %mul3A_866 : vector<128x128xf32>
    %reduce_max3A_868 = arith.constant dense<0xFF800000> : vector<128xf32>
    %reduce_max3A_869 = vector.multi_reduction <maximumf>, %mul3A_867, %reduce_max3A_868 [1] : vector<128x128xf32> to vector<128xf32>
    %broadcast_in_dim3A_870 = vector.shape_cast %reduce_max3A_869 : vector<128xf32> to vector<128x1xf32>
    %sub3A_871 = vector.broadcast %broadcast_in_dim3A_870 : vector<128x1xf32> to vector<128x128xf32>
    %sub3A_872 = arith.subf %mul3A_867, %sub3A_871 : vector<128x128xf32>
    %exp3A_873 = math.exp %sub3A_872 : vector<128x128xf32>
    %reduce_sum3A_874 = arith.constant dense<0.000000e+00> : vector<128xf32>
    %reduce_sum3A_875 = vector.multi_reduction <add>, %exp3A_873, %reduce_sum3A_874 [1] : vector<128x128xf32> to vector<128xf32>
    %broadcast_in_dim3A_876 = vector.shape_cast %reduce_sum3A_875 : vector<128xf32> to vector<128x1xf32>
    %div3A_877 = vector.broadcast %broadcast_in_dim3A_876 : vector<128x1xf32> to vector<128x128xf32>
    %div3A_878 = arith.divf %exp3A_873, %div3A_877 : vector<128x128xf32>
    %dot_general3A_879 = arith.constant dense<0.000000e+00> : vector<128x64xf32>
    %dot_general3A_880 = tpu.matmul %div3A_878, %get3A_862, %dot_general3A_879 {dimension_numbers = #tpu.dot_dimension_numbers<[1], [0], [0], [1], [0, 0, 1, 1], [], []>, transpose_lhs_hint = false} : vector<128x128xf32>, vector<128x64xf32>, vector<128x64xf32> -> vector<128x64xf32>
    %swap3A_881 = arith.constant 0 : index
    %swap3A_882 = arith.constant 2816 : index
    %swap3A_883 = arith.constant 0 : index
    %swap3A_884 = vector.load %arg4[%swap3A_881, %swap3A_882, %swap3A_883] : memref<1x4096x64xf32, #tpu.memory_space<vmem>>, vector<1x128x64xf32>
    %swap3A_885 = vector.shape_cast %swap3A_884 : vector<1x128x64xf32> to vector<128x64xf32>
    %swap3A_886 = vector.shape_cast %dot_general3A_880 : vector<128x64xf32> to vector<1x128x64xf32>
    tpu.vector_store %arg4[%swap3A_881, %swap3A_882, %swap3A_883], %swap3A_886 {strides = array<i32>} : memref<1x4096x64xf32, #tpu.memory_space<vmem>>, vector<1x128x64xf32>,
    %get3A_887 = arith.constant 0 : index
    %get3A_888 = arith.constant 2944 : index
    %get3A_889 = arith.constant 0 : index
    %get3A_890 = vector.load %arg1[%get3A_887, %get3A_888, %get3A_889] : memref<1x4096x64xf32, #tpu.memory_space<vmem>>, vector<1x128x64xf32>
    %get3A_891 = vector.shape_cast %get3A_890 : vector<1x128x64xf32> to vector<128x64xf32>
    %get3A_892 = arith.constant 0 : index
    %get3A_893 = arith.constant 2944 : index
    %get3A_894 = arith.constant 0 : index
    %get3A_895 = vector.load %arg2[%get3A_892, %get3A_893, %get3A_894] : memref<1x4096x64xf32, #tpu.memory_space<vmem>>, vector<1x128x64xf32>
    %get3A_896 = vector.shape_cast %get3A_895 : vector<1x128x64xf32> to vector<128x64xf32>
    %get3A_897 = arith.constant 0 : index
    %get3A_898 = arith.constant 2944 : index
    %get3A_899 = arith.constant 0 : index
    %get3A_900 = vector.load %arg3[%get3A_897, %get3A_898, %get3A_899] : memref<1x4096x64xf32, #tpu.memory_space<vmem>>, vector<1x128x64xf32>
    %get3A_901 = vector.shape_cast %get3A_900 : vector<1x128x64xf32> to vector<128x64xf32>
    %dot_general3A_902 = arith.constant dense<0.000000e+00> : vector<128x128xf32>
    %dot_general3A_903 = tpu.matmul %get3A_891, %get3A_896, %dot_general3A_902 {dimension_numbers = #tpu.dot_dimension_numbers<[1], [1], [0], [0], [0, 0, 1, 0], [], []>, transpose_lhs_hint = false} : vector<128x64xf32>, vector<128x64xf32>, vector<128x128xf32> -> vector<128x128xf32>
    %mul3A_904 = arith.constant 1.250000e-01 : f32
    %mul3A_905 = vector.broadcast %mul3A_904 : f32 to vector<128x128xf32>
    %mul3A_906 = arith.mulf %dot_general3A_903, %mul3A_905 : vector<128x128xf32>
    %reduce_max3A_907 = arith.constant dense<0xFF800000> : vector<128xf32>
    %reduce_max3A_908 = vector.multi_reduction <maximumf>, %mul3A_906, %reduce_max3A_907 [1] : vector<128x128xf32> to vector<128xf32>
    %broadcast_in_dim3A_909 = vector.shape_cast %reduce_max3A_908 : vector<128xf32> to vector<128x1xf32>
    %sub3A_910 = vector.broadcast %broadcast_in_dim3A_909 : vector<128x1xf32> to vector<128x128xf32>
    %sub3A_911 = arith.subf %mul3A_906, %sub3A_910 : vector<128x128xf32>
    %exp3A_912 = math.exp %sub3A_911 : vector<128x128xf32>
    %reduce_sum3A_913 = arith.constant dense<0.000000e+00> : vector<128xf32>
    %reduce_sum3A_914 = vector.multi_reduction <add>, %exp3A_912, %reduce_sum3A_913 [1] : vector<128x128xf32> to vector<128xf32>
    %broadcast_in_dim3A_915 = vector.shape_cast %reduce_sum3A_914 : vector<128xf32> to vector<128x1xf32>
    %div3A_916 = vector.broadcast %broadcast_in_dim3A_915 : vector<128x1xf32> to vector<128x128xf32>
    %div3A_917 = arith.divf %exp3A_912, %div3A_916 : vector<128x128xf32>
    %dot_general3A_918 = arith.constant dense<0.000000e+00> : vector<128x64xf32>
    %dot_general3A_919 = tpu.matmul %div3A_917, %get3A_901, %dot_general3A_918 {dimension_numbers = #tpu.dot_dimension_numbers<[1], [0], [0], [1], [0, 0, 1, 1], [], []>, transpose_lhs_hint = false} : vector<128x128xf32>, vector<128x64xf32>, vector<128x64xf32> -> vector<128x64xf32>
    %swap3A_920 = arith.constant 0 : index
    %swap3A_921 = arith.constant 2944 : index
    %swap3A_922 = arith.constant 0 : index
    %swap3A_923 = vector.load %arg4[%swap3A_920, %swap3A_921, %swap3A_922] : memref<1x4096x64xf32, #tpu.memory_space<vmem>>, vector<1x128x64xf32>
    %swap3A_924 = vector.shape_cast %swap3A_923 : vector<1x128x64xf32> to vector<128x64xf32>
    %swap3A_925 = vector.shape_cast %dot_general3A_919 : vector<128x64xf32> to vector<1x128x64xf32>
    tpu.vector_store %arg4[%swap3A_920, %swap3A_921, %swap3A_922], %swap3A_925 {strides = array<i32>} : memref<1x4096x64xf32, #tpu.memory_space<vmem>>, vector<1x128x64xf32>,
    %get3A_926 = arith.constant 0 : index
    %get3A_927 = arith.constant 3072 : index
    %get3A_928 = arith.constant 0 : index
    %get3A_929 = vector.load %arg1[%get3A_926, %get3A_927, %get3A_928] : memref<1x4096x64xf32, #tpu.memory_space<vmem>>, vector<1x128x64xf32>
    %get3A_930 = vector.shape_cast %get3A_929 : vector<1x128x64xf32> to vector<128x64xf32>
    %get3A_931 = arith.constant 0 : index
    %get3A_932 = arith.constant 3072 : index
    %get3A_933 = arith.constant 0 : index
    %get3A_934 = vector.load %arg2[%get3A_931, %get3A_932, %get3A_933] : memref<1x4096x64xf32, #tpu.memory_space<vmem>>, vector<1x128x64xf32>
    %get3A_935 = vector.shape_cast %get3A_934 : vector<1x128x64xf32> to vector<128x64xf32>
    %get3A_936 = arith.constant 0 : index
    %get3A_937 = arith.constant 3072 : index
    %get3A_938 = arith.constant 0 : index
    %get3A_939 = vector.load %arg3[%get3A_936, %get3A_937, %get3A_938] : memref<1x4096x64xf32, #tpu.memory_space<vmem>>, vector<1x128x64xf32>
    %get3A_940 = vector.shape_cast %get3A_939 : vector<1x128x64xf32> to vector<128x64xf32>
    %dot_general3A_941 = arith.constant dense<0.000000e+00> : vector<128x128xf32>
    %dot_general3A_942 = tpu.matmul %get3A_930, %get3A_935, %dot_general3A_941 {dimension_numbers = #tpu.dot_dimension_numbers<[1], [1], [0], [0], [0, 0, 1, 0], [], []>, transpose_lhs_hint = false} : vector<128x64xf32>, vector<128x64xf32>, vector<128x128xf32> -> vector<128x128xf32>
    %mul3A_943 = arith.constant 1.250000e-01 : f32
    %mul3A_944 = vector.broadcast %mul3A_943 : f32 to vector<128x128xf32>
    %mul3A_945 = arith.mulf %dot_general3A_942, %mul3A_944 : vector<128x128xf32>
    %reduce_max3A_946 = arith.constant dense<0xFF800000> : vector<128xf32>
    %reduce_max3A_947 = vector.multi_reduction <maximumf>, %mul3A_945, %reduce_max3A_946 [1] : vector<128x128xf32> to vector<128xf32>
    %broadcast_in_dim3A_948 = vector.shape_cast %reduce_max3A_947 : vector<128xf32> to vector<128x1xf32>
    %sub3A_949 = vector.broadcast %broadcast_in_dim3A_948 : vector<128x1xf32> to vector<128x128xf32>
    %sub3A_950 = arith.subf %mul3A_945, %sub3A_949 : vector<128x128xf32>
    %exp3A_951 = math.exp %sub3A_950 : vector<128x128xf32>
    %reduce_sum3A_952 = arith.constant dense<0.000000e+00> : vector<128xf32>
    %reduce_sum3A_953 = vector.multi_reduction <add>, %exp3A_951, %reduce_sum3A_952 [1] : vector<128x128xf32> to vector<128xf32>
    %broadcast_in_dim3A_954 = vector.shape_cast %reduce_sum3A_953 : vector<128xf32> to vector<128x1xf32>
    %div3A_955 = vector.broadcast %broadcast_in_dim3A_954 : vector<128x1xf32> to vector<128x128xf32>
    %div3A_956 = arith.divf %exp3A_951, %div3A_955 : vector<128x128xf32>
    %dot_general3A_957 = arith.constant dense<0.000000e+00> : vector<128x64xf32>
    %dot_general3A_958 = tpu.matmul %div3A_956, %get3A_940, %dot_general3A_957 {dimension_numbers = #tpu.dot_dimension_numbers<[1], [0], [0], [1], [0, 0, 1, 1], [], []>, transpose_lhs_hint = false} : vector<128x128xf32>, vector<128x64xf32>, vector<128x64xf32> -> vector<128x64xf32>
    %swap3A_959 = arith.constant 0 : index
    %swap3A_960 = arith.constant 3072 : index
    %swap3A_961 = arith.constant 0 : index
    %swap3A_962 = vector.load %arg4[%swap3A_959, %swap3A_960, %swap3A_961] : memref<1x4096x64xf32, #tpu.memory_space<vmem>>, vector<1x128x64xf32>
    %swap3A_963 = vector.shape_cast %swap3A_962 : vector<1x128x64xf32> to vector<128x64xf32>
    %swap3A_964 = vector.shape_cast %dot_general3A_958 : vector<128x64xf32> to vector<1x128x64xf32>
    tpu.vector_store %arg4[%swap3A_959, %swap3A_960, %swap3A_961], %swap3A_964 {strides = array<i32>} : memref<1x4096x64xf32, #tpu.memory_space<vmem>>, vector<1x128x64xf32>,
    %get3A_965 = arith.constant 0 : index
    %get3A_966 = arith.constant 3200 : index
    %get3A_967 = arith.constant 0 : index
    %get3A_968 = vector.load %arg1[%get3A_965, %get3A_966, %get3A_967] : memref<1x4096x64xf32, #tpu.memory_space<vmem>>, vector<1x128x64xf32>
    %get3A_969 = vector.shape_cast %get3A_968 : vector<1x128x64xf32> to vector<128x64xf32>
    %get3A_970 = arith.constant 0 : index
    %get3A_971 = arith.constant 3200 : index
    %get3A_972 = arith.constant 0 : index
    %get3A_973 = vector.load %arg2[%get3A_970, %get3A_971, %get3A_972] : memref<1x4096x64xf32, #tpu.memory_space<vmem>>, vector<1x128x64xf32>
    %get3A_974 = vector.shape_cast %get3A_973 : vector<1x128x64xf32> to vector<128x64xf32>
    %get3A_975 = arith.constant 0 : index
    %get3A_976 = arith.constant 3200 : index
    %get3A_977 = arith.constant 0 : index
    %get3A_978 = vector.load %arg3[%get3A_975, %get3A_976, %get3A_977] : memref<1x4096x64xf32, #tpu.memory_space<vmem>>, vector<1x128x64xf32>
    %get3A_979 = vector.shape_cast %get3A_978 : vector<1x128x64xf32> to vector<128x64xf32>
    %dot_general3A_980 = arith.constant dense<0.000000e+00> : vector<128x128xf32>
    %dot_general3A_981 = tpu.matmul %get3A_969, %get3A_974, %dot_general3A_980 {dimension_numbers = #tpu.dot_dimension_numbers<[1], [1], [0], [0], [0, 0, 1, 0], [], []>, transpose_lhs_hint = false} : vector<128x64xf32>, vector<128x64xf32>, vector<128x128xf32> -> vector<128x128xf32>
    %mul3A_982 = arith.constant 1.250000e-01 : f32
    %mul3A_983 = vector.broadcast %mul3A_982 : f32 to vector<128x128xf32>
    %mul3A_984 = arith.mulf %dot_general3A_981, %mul3A_983 : vector<128x128xf32>
    %reduce_max3A_985 = arith.constant dense<0xFF800000> : vector<128xf32>
    %reduce_max3A_986 = vector.multi_reduction <maximumf>, %mul3A_984, %reduce_max3A_985 [1] : vector<128x128xf32> to vector<128xf32>
    %broadcast_in_dim3A_987 = vector.shape_cast %reduce_max3A_986 : vector<128xf32> to vector<128x1xf32>
    %sub3A_988 = vector.broadcast %broadcast_in_dim3A_987 : vector<128x1xf32> to vector<128x128xf32>
    %sub3A_989 = arith.subf %mul3A_984, %sub3A_988 : vector<128x128xf32>
    %exp3A_990 = math.exp %sub3A_989 : vector<128x128xf32>
    %reduce_sum3A_991 = arith.constant dense<0.000000e+00> : vector<128xf32>
    %reduce_sum3A_992 = vector.multi_reduction <add>, %exp3A_990, %reduce_sum3A_991 [1] : vector<128x128xf32> to vector<128xf32>
    %broadcast_in_dim3A_993 = vector.shape_cast %reduce_sum3A_992 : vector<128xf32> to vector<128x1xf32>
    %div3A_994 = vector.broadcast %broadcast_in_dim3A_993 : vector<128x1xf32> to vector<128x128xf32>
    %div3A_995 = arith.divf %exp3A_990, %div3A_994 : vector<128x128xf32>
    %dot_general3A_996 = arith.constant dense<0.000000e+00> : vector<128x64xf32>
    %dot_general3A_997 = tpu.matmul %div3A_995, %get3A_979, %dot_general3A_996 {dimension_numbers = #tpu.dot_dimension_numbers<[1], [0], [0], [1], [0, 0, 1, 1], [], []>, transpose_lhs_hint = false} : vector<128x128xf32>, vector<128x64xf32>, vector<128x64xf32> -> vector<128x64xf32>
    %swap3A_998 = arith.constant 0 : index
    %swap3A_999 = arith.constant 3200 : index
    %swap3A_1000 = arith.constant 0 : index
    %swap3A_1001 = vector.load %arg4[%swap3A_998, %swap3A_999, %swap3A_1000] : memref<1x4096x64xf32, #tpu.memory_space<vmem>>, vector<1x128x64xf32>
    %swap3A_1002 = vector.shape_cast %swap3A_1001 : vector<1x128x64xf32> to vector<128x64xf32>
    %swap3A_1003 = vector.shape_cast %dot_general3A_997 : vector<128x64xf32> to vector<1x128x64xf32>
    tpu.vector_store %arg4[%swap3A_998, %swap3A_999, %swap3A_1000], %swap3A_1003 {strides = array<i32>} : memref<1x4096x64xf32, #tpu.memory_space<vmem>>, vector<1x128x64xf32>,
    %get3A_1004 = arith.constant 0 : index
    %get3A_1005 = arith.constant 3328 : index
    %get3A_1006 = arith.constant 0 : index
    %get3A_1007 = vector.load %arg1[%get3A_1004, %get3A_1005, %get3A_1006] : memref<1x4096x64xf32, #tpu.memory_space<vmem>>, vector<1x128x64xf32>
    %get3A_1008 = vector.shape_cast %get3A_1007 : vector<1x128x64xf32> to vector<128x64xf32>
    %get3A_1009 = arith.constant 0 : index
    %get3A_1010 = arith.constant 3328 : index
    %get3A_1011 = arith.constant 0 : index
    %get3A_1012 = vector.load %arg2[%get3A_1009, %get3A_1010, %get3A_1011] : memref<1x4096x64xf32, #tpu.memory_space<vmem>>, vector<1x128x64xf32>
    %get3A_1013 = vector.shape_cast %get3A_1012 : vector<1x128x64xf32> to vector<128x64xf32>
    %get3A_1014 = arith.constant 0 : index
    %get3A_1015 = arith.constant 3328 : index
    %get3A_1016 = arith.constant 0 : index
    %get3A_1017 = vector.load %arg3[%get3A_1014, %get3A_1015, %get3A_1016] : memref<1x4096x64xf32, #tpu.memory_space<vmem>>, vector<1x128x64xf32>
    %get3A_1018 = vector.shape_cast %get3A_1017 : vector<1x128x64xf32> to vector<128x64xf32>
    %dot_general3A_1019 = arith.constant dense<0.000000e+00> : vector<128x128xf32>
    %dot_general3A_1020 = tpu.matmul %get3A_1008, %get3A_1013, %dot_general3A_1019 {dimension_numbers = #tpu.dot_dimension_numbers<[1], [1], [0], [0], [0, 0, 1, 0], [], []>, transpose_lhs_hint = false} : vector<128x64xf32>, vector<128x64xf32>, vector<128x128xf32> -> vector<128x128xf32>
    %mul3A_1021 = arith.constant 1.250000e-01 : f32
    %mul3A_1022 = vector.broadcast %mul3A_1021 : f32 to vector<128x128xf32>
    %mul3A_1023 = arith.mulf %dot_general3A_1020, %mul3A_1022 : vector<128x128xf32>
    %reduce_max3A_1024 = arith.constant dense<0xFF800000> : vector<128xf32>
    %reduce_max3A_1025 = vector.multi_reduction <maximumf>, %mul3A_1023, %reduce_max3A_1024 [1] : vector<128x128xf32> to vector<128xf32>
    %broadcast_in_dim3A_1026 = vector.shape_cast %reduce_max3A_1025 : vector<128xf32> to vector<128x1xf32>
    %sub3A_1027 = vector.broadcast %broadcast_in_dim3A_1026 : vector<128x1xf32> to vector<128x128xf32>
    %sub3A_1028 = arith.subf %mul3A_1023, %sub3A_1027 : vector<128x128xf32>
    %exp3A_1029 = math.exp %sub3A_1028 : vector<128x128xf32>
    %reduce_sum3A_1030 = arith.constant dense<0.000000e+00> : vector<128xf32>
    %reduce_sum3A_1031 = vector.multi_reduction <add>, %exp3A_1029, %reduce_sum3A_1030 [1] : vector<128x128xf32> to vector<128xf32>
    %broadcast_in_dim3A_1032 = vector.shape_cast %reduce_sum3A_1031 : vector<128xf32> to vector<128x1xf32>
    %div3A_1033 = vector.broadcast %broadcast_in_dim3A_1032 : vector<128x1xf32> to vector<128x128xf32>
    %div3A_1034 = arith.divf %exp3A_1029, %div3A_1033 : vector<128x128xf32>
    %dot_general3A_1035 = arith.constant dense<0.000000e+00> : vector<128x64xf32>
    %dot_general3A_1036 = tpu.matmul %div3A_1034, %get3A_1018, %dot_general3A_1035 {dimension_numbers = #tpu.dot_dimension_numbers<[1], [0], [0], [1], [0, 0, 1, 1], [], []>, transpose_lhs_hint = false} : vector<128x128xf32>, vector<128x64xf32>, vector<128x64xf32> -> vector<128x64xf32>
    %swap3A_1037 = arith.constant 0 : index
    %swap3A_1038 = arith.constant 3328 : index
    %swap3A_1039 = arith.constant 0 : index
    %swap3A_1040 = vector.load %arg4[%swap3A_1037, %swap3A_1038, %swap3A_1039] : memref<1x4096x64xf32, #tpu.memory_space<vmem>>, vector<1x128x64xf32>
    %swap3A_1041 = vector.shape_cast %swap3A_1040 : vector<1x128x64xf32> to vector<128x64xf32>
    %swap3A_1042 = vector.shape_cast %dot_general3A_1036 : vector<128x64xf32> to vector<1x128x64xf32>
    tpu.vector_store %arg4[%swap3A_1037, %swap3A_1038, %swap3A_1039], %swap3A_1042 {strides = array<i32>} : memref<1x4096x64xf32, #tpu.memory_space<vmem>>, vector<1x128x64xf32>,
    %get3A_1043 = arith.constant 0 : index
    %get3A_1044 = arith.constant 3456 : index
    %get3A_1045 = arith.constant 0 : index
    %get3A_1046 = vector.load %arg1[%get3A_1043, %get3A_1044, %get3A_1045] : memref<1x4096x64xf32, #tpu.memory_space<vmem>>, vector<1x128x64xf32>
    %get3A_1047 = vector.shape_cast %get3A_1046 : vector<1x128x64xf32> to vector<128x64xf32>
    %get3A_1048 = arith.constant 0 : index
    %get3A_1049 = arith.constant 3456 : index
    %get3A_1050 = arith.constant 0 : index
    %get3A_1051 = vector.load %arg2[%get3A_1048, %get3A_1049, %get3A_1050] : memref<1x4096x64xf32, #tpu.memory_space<vmem>>, vector<1x128x64xf32>
    %get3A_1052 = vector.shape_cast %get3A_1051 : vector<1x128x64xf32> to vector<128x64xf32>
    %get3A_1053 = arith.constant 0 : index
    %get3A_1054 = arith.constant 3456 : index
    %get3A_1055 = arith.constant 0 : index
    %get3A_1056 = vector.load %arg3[%get3A_1053, %get3A_1054, %get3A_1055] : memref<1x4096x64xf32, #tpu.memory_space<vmem>>, vector<1x128x64xf32>
    %get3A_1057 = vector.shape_cast %get3A_1056 : vector<1x128x64xf32> to vector<128x64xf32>
    %dot_general3A_1058 = arith.constant dense<0.000000e+00> : vector<128x128xf32>
    %dot_general3A_1059 = tpu.matmul %get3A_1047, %get3A_1052, %dot_general3A_1058 {dimension_numbers = #tpu.dot_dimension_numbers<[1], [1], [0], [0], [0, 0, 1, 0], [], []>, transpose_lhs_hint = false} : vector<128x64xf32>, vector<128x64xf32>, vector<128x128xf32> -> vector<128x128xf32>
    %mul3A_1060 = arith.constant 1.250000e-01 : f32
    %mul3A_1061 = vector.broadcast %mul3A_1060 : f32 to vector<128x128xf32>
    %mul3A_1062 = arith.mulf %dot_general3A_1059, %mul3A_1061 : vector<128x128xf32>
    %reduce_max3A_1063 = arith.constant dense<0xFF800000> : vector<128xf32>
    %reduce_max3A_1064 = vector.multi_reduction <maximumf>, %mul3A_1062, %reduce_max3A_1063 [1] : vector<128x128xf32> to vector<128xf32>
    %broadcast_in_dim3A_1065 = vector.shape_cast %reduce_max3A_1064 : vector<128xf32> to vector<128x1xf32>
    %sub3A_1066 = vector.broadcast %broadcast_in_dim3A_1065 : vector<128x1xf32> to vector<128x128xf32>
    %sub3A_1067 = arith.subf %mul3A_1062, %sub3A_1066 : vector<128x128xf32>
    %exp3A_1068 = math.exp %sub3A_1067 : vector<128x128xf32>
    %reduce_sum3A_1069 = arith.constant dense<0.000000e+00> : vector<128xf32>
    %reduce_sum3A_1070 = vector.multi_reduction <add>, %exp3A_1068, %reduce_sum3A_1069 [1] : vector<128x128xf32> to vector<128xf32>
    %broadcast_in_dim3A_1071 = vector.shape_cast %reduce_sum3A_1070 : vector<128xf32> to vector<128x1xf32>
    %div3A_1072 = vector.broadcast %broadcast_in_dim3A_1071 : vector<128x1xf32> to vector<128x128xf32>
    %div3A_1073 = arith.divf %exp3A_1068, %div3A_1072 : vector<128x128xf32>
    %dot_general3A_1074 = arith.constant dense<0.000000e+00> : vector<128x64xf32>
    %dot_general3A_1075 = tpu.matmul %div3A_1073, %get3A_1057, %dot_general3A_1074 {dimension_numbers = #tpu.dot_dimension_numbers<[1], [0], [0], [1], [0, 0, 1, 1], [], []>, transpose_lhs_hint = false} : vector<128x128xf32>, vector<128x64xf32>, vector<128x64xf32> -> vector<128x64xf32>
    %swap3A_1076 = arith.constant 0 : index
    %swap3A_1077 = arith.constant 3456 : index
    %swap3A_1078 = arith.constant 0 : index
    %swap3A_1079 = vector.load %arg4[%swap3A_1076, %swap3A_1077, %swap3A_1078] : memref<1x4096x64xf32, #tpu.memory_space<vmem>>, vector<1x128x64xf32>
    %swap3A_1080 = vector.shape_cast %swap3A_1079 : vector<1x128x64xf32> to vector<128x64xf32>
    %swap3A_1081 = vector.shape_cast %dot_general3A_1075 : vector<128x64xf32> to vector<1x128x64xf32>
    tpu.vector_store %arg4[%swap3A_1076, %swap3A_1077, %swap3A_1078], %swap3A_1081 {strides = array<i32>} : memref<1x4096x64xf32, #tpu.memory_space<vmem>>, vector<1x128x64xf32>,
    %get3A_1082 = arith.constant 0 : index
    %get3A_1083 = arith.constant 3584 : index
    %get3A_1084 = arith.constant 0 : index
    %get3A_1085 = vector.load %arg1[%get3A_1082, %get3A_1083, %get3A_1084] : memref<1x4096x64xf32, #tpu.memory_space<vmem>>, vector<1x128x64xf32>
    %get3A_1086 = vector.shape_cast %get3A_1085 : vector<1x128x64xf32> to vector<128x64xf32>
    %get3A_1087 = arith.constant 0 : index
    %get3A_1088 = arith.constant 3584 : index
    %get3A_1089 = arith.constant 0 : index
    %get3A_1090 = vector.load %arg2[%get3A_1087, %get3A_1088, %get3A_1089] : memref<1x4096x64xf32, #tpu.memory_space<vmem>>, vector<1x128x64xf32>
    %get3A_1091 = vector.shape_cast %get3A_1090 : vector<1x128x64xf32> to vector<128x64xf32>
    %get3A_1092 = arith.constant 0 : index
    %get3A_1093 = arith.constant 3584 : index
    %get3A_1094 = arith.constant 0 : index
    %get3A_1095 = vector.load %arg3[%get3A_1092, %get3A_1093, %get3A_1094] : memref<1x4096x64xf32, #tpu.memory_space<vmem>>, vector<1x128x64xf32>
    %get3A_1096 = vector.shape_cast %get3A_1095 : vector<1x128x64xf32> to vector<128x64xf32>
    %dot_general3A_1097 = arith.constant dense<0.000000e+00> : vector<128x128xf32>
    %dot_general3A_1098 = tpu.matmul %get3A_1086, %get3A_1091, %dot_general3A_1097 {dimension_numbers = #tpu.dot_dimension_numbers<[1], [1], [0], [0], [0, 0, 1, 0], [], []>, transpose_lhs_hint = false} : vector<128x64xf32>, vector<128x64xf32>, vector<128x128xf32> -> vector<128x128xf32>
    %mul3A_1099 = arith.constant 1.250000e-01 : f32
    %mul3A_1100 = vector.broadcast %mul3A_1099 : f32 to vector<128x128xf32>
    %mul3A_1101 = arith.mulf %dot_general3A_1098, %mul3A_1100 : vector<128x128xf32>
    %reduce_max3A_1102 = arith.constant dense<0xFF800000> : vector<128xf32>
    %reduce_max3A_1103 = vector.multi_reduction <maximumf>, %mul3A_1101, %reduce_max3A_1102 [1] : vector<128x128xf32> to vector<128xf32>
    %broadcast_in_dim3A_1104 = vector.shape_cast %reduce_max3A_1103 : vector<128xf32> to vector<128x1xf32>
    %sub3A_1105 = vector.broadcast %broadcast_in_dim3A_1104 : vector<128x1xf32> to vector<128x128xf32>
    %sub3A_1106 = arith.subf %mul3A_1101, %sub3A_1105 : vector<128x128xf32>
    %exp3A_1107 = math.exp %sub3A_1106 : vector<128x128xf32>
    %reduce_sum3A_1108 = arith.constant dense<0.000000e+00> : vector<128xf32>
    %reduce_sum3A_1109 = vector.multi_reduction <add>, %exp3A_1107, %reduce_sum3A_1108 [1] : vector<128x128xf32> to vector<128xf32>
    %broadcast_in_dim3A_1110 = vector.shape_cast %reduce_sum3A_1109 : vector<128xf32> to vector<128x1xf32>
    %div3A_1111 = vector.broadcast %broadcast_in_dim3A_1110 : vector<128x1xf32> to vector<128x128xf32>
    %div3A_1112 = arith.divf %exp3A_1107, %div3A_1111 : vector<128x128xf32>
    %dot_general3A_1113 = arith.constant dense<0.000000e+00> : vector<128x64xf32>
    %dot_general3A_1114 = tpu.matmul %div3A_1112, %get3A_1096, %dot_general3A_1113 {dimension_numbers = #tpu.dot_dimension_numbers<[1], [0], [0], [1], [0, 0, 1, 1], [], []>, transpose_lhs_hint = false} : vector<128x128xf32>, vector<128x64xf32>, vector<128x64xf32> -> vector<128x64xf32>
    %swap3A_1115 = arith.constant 0 : index
    %swap3A_1116 = arith.constant 3584 : index
    %swap3A_1117 = arith.constant 0 : index
    %swap3A_1118 = vector.load %arg4[%swap3A_1115, %swap3A_1116, %swap3A_1117] : memref<1x4096x64xf32, #tpu.memory_space<vmem>>, vector<1x128x64xf32>
    %swap3A_1119 = vector.shape_cast %swap3A_1118 : vector<1x128x64xf32> to vector<128x64xf32>
    %swap3A_1120 = vector.shape_cast %dot_general3A_1114 : vector<128x64xf32> to vector<1x128x64xf32>
    tpu.vector_store %arg4[%swap3A_1115, %swap3A_1116, %swap3A_1117], %swap3A_1120 {strides = array<i32>} : memref<1x4096x64xf32, #tpu.memory_space<vmem>>, vector<1x128x64xf32>,
    %get3A_1121 = arith.constant 0 : index
    %get3A_1122 = arith.constant 3712 : index
    %get3A_1123 = arith.constant 0 : index
    %get3A_1124 = vector.load %arg1[%get3A_1121, %get3A_1122, %get3A_1123] : memref<1x4096x64xf32, #tpu.memory_space<vmem>>, vector<1x128x64xf32>
    %get3A_1125 = vector.shape_cast %get3A_1124 : vector<1x128x64xf32> to vector<128x64xf32>
    %get3A_1126 = arith.constant 0 : index
    %get3A_1127 = arith.constant 3712 : index
    %get3A_1128 = arith.constant 0 : index
    %get3A_1129 = vector.load %arg2[%get3A_1126, %get3A_1127, %get3A_1128] : memref<1x4096x64xf32, #tpu.memory_space<vmem>>, vector<1x128x64xf32>
    %get3A_1130 = vector.shape_cast %get3A_1129 : vector<1x128x64xf32> to vector<128x64xf32>
    %get3A_1131 = arith.constant 0 : index
    %get3A_1132 = arith.constant 3712 : index
    %get3A_1133 = arith.constant 0 : index
    %get3A_1134 = vector.load %arg3[%get3A_1131, %get3A_1132, %get3A_1133] : memref<1x4096x64xf32, #tpu.memory_space<vmem>>, vector<1x128x64xf32>
    %get3A_1135 = vector.shape_cast %get3A_1134 : vector<1x128x64xf32> to vector<128x64xf32>
    %dot_general3A_1136 = arith.constant dense<0.000000e+00> : vector<128x128xf32>
    %dot_general3A_1137 = tpu.matmul %get3A_1125, %get3A_1130, %dot_general3A_1136 {dimension_numbers = #tpu.dot_dimension_numbers<[1], [1], [0], [0], [0, 0, 1, 0], [], []>, transpose_lhs_hint = false} : vector<128x64xf32>, vector<128x64xf32>, vector<128x128xf32> -> vector<128x128xf32>
    %mul3A_1138 = arith.constant 1.250000e-01 : f32
    %mul3A_1139 = vector.broadcast %mul3A_1138 : f32 to vector<128x128xf32>
    %mul3A_1140 = arith.mulf %dot_general3A_1137, %mul3A_1139 : vector<128x128xf32>
    %reduce_max3A_1141 = arith.constant dense<0xFF800000> : vector<128xf32>
    %reduce_max3A_1142 = vector.multi_reduction <maximumf>, %mul3A_1140, %reduce_max3A_1141 [1] : vector<128x128xf32> to vector<128xf32>
    %broadcast_in_dim3A_1143 = vector.shape_cast %reduce_max3A_1142 : vector<128xf32> to vector<128x1xf32>
    %sub3A_1144 = vector.broadcast %broadcast_in_dim3A_1143 : vector<128x1xf32> to vector<128x128xf32>
    %sub3A_1145 = arith.subf %mul3A_1140, %sub3A_1144 : vector<128x128xf32>
    %exp3A_1146 = math.exp %sub3A_1145 : vector<128x128xf32>
    %reduce_sum3A_1147 = arith.constant dense<0.000000e+00> : vector<128xf32>
    %reduce_sum3A_1148 = vector.multi_reduction <add>, %exp3A_1146, %reduce_sum3A_1147 [1] : vector<128x128xf32> to vector<128xf32>
    %broadcast_in_dim3A_1149 = vector.shape_cast %reduce_sum3A_1148 : vector<128xf32> to vector<128x1xf32>
    %div3A_1150 = vector.broadcast %broadcast_in_dim3A_1149 : vector<128x1xf32> to vector<128x128xf32>
    %div3A_1151 = arith.divf %exp3A_1146, %div3A_1150 : vector<128x128xf32>
    %dot_general3A_1152 = arith.constant dense<0.000000e+00> : vector<128x64xf32>
    %dot_general3A_1153 = tpu.matmul %div3A_1151, %get3A_1135, %dot_general3A_1152 {dimension_numbers = #tpu.dot_dimension_numbers<[1], [0], [0], [1], [0, 0, 1, 1], [], []>, transpose_lhs_hint = false} : vector<128x128xf32>, vector<128x64xf32>, vector<128x64xf32> -> vector<128x64xf32>
    %swap3A_1154 = arith.constant 0 : index
    %swap3A_1155 = arith.constant 3712 : index
    %swap3A_1156 = arith.constant 0 : index
    %swap3A_1157 = vector.load %arg4[%swap3A_1154, %swap3A_1155, %swap3A_1156] : memref<1x4096x64xf32, #tpu.memory_space<vmem>>, vector<1x128x64xf32>
    %swap3A_1158 = vector.shape_cast %swap3A_1157 : vector<1x128x64xf32> to vector<128x64xf32>
    %swap3A_1159 = vector.shape_cast %dot_general3A_1153 : vector<128x64xf32> to vector<1x128x64xf32>
    tpu.vector_store %arg4[%swap3A_1154, %swap3A_1155, %swap3A_1156], %swap3A_1159 {strides = array<i32>} : memref<1x4096x64xf32, #tpu.memory_space<vmem>>, vector<1x128x64xf32>,
    %get3A_1160 = arith.constant 0 : index
    %get3A_1161 = arith.constant 3840 : index
    %get3A_1162 = arith.constant 0 : index
    %get3A_1163 = vector.load %arg1[%get3A_1160, %get3A_1161, %get3A_1162] : memref<1x4096x64xf32, #tpu.memory_space<vmem>>, vector<1x128x64xf32>
    %get3A_1164 = vector.shape_cast %get3A_1163 : vector<1x128x64xf32> to vector<128x64xf32>
    %get3A_1165 = arith.constant 0 : index
    %get3A_1166 = arith.constant 3840 : index
    %get3A_1167 = arith.constant 0 : index
    %get3A_1168 = vector.load %arg2[%get3A_1165, %get3A_1166, %get3A_1167] : memref<1x4096x64xf32, #tpu.memory_space<vmem>>, vector<1x128x64xf32>
    %get3A_1169 = vector.shape_cast %get3A_1168 : vector<1x128x64xf32> to vector<128x64xf32>
    %get3A_1170 = arith.constant 0 : index
    %get3A_1171 = arith.constant 3840 : index
    %get3A_1172 = arith.constant 0 : index
    %get3A_1173 = vector.load %arg3[%get3A_1170, %get3A_1171, %get3A_1172] : memref<1x4096x64xf32, #tpu.memory_space<vmem>>, vector<1x128x64xf32>
    %get3A_1174 = vector.shape_cast %get3A_1173 : vector<1x128x64xf32> to vector<128x64xf32>
    %dot_general3A_1175 = arith.constant dense<0.000000e+00> : vector<128x128xf32>
    %dot_general3A_1176 = tpu.matmul %get3A_1164, %get3A_1169, %dot_general3A_1175 {dimension_numbers = #tpu.dot_dimension_numbers<[1], [1], [0], [0], [0, 0, 1, 0], [], []>, transpose_lhs_hint = false} : vector<128x64xf32>, vector<128x64xf32>, vector<128x128xf32> -> vector<128x128xf32>
    %mul3A_1177 = arith.constant 1.250000e-01 : f32
    %mul3A_1178 = vector.broadcast %mul3A_1177 : f32 to vector<128x128xf32>
    %mul3A_1179 = arith.mulf %dot_general3A_1176, %mul3A_1178 : vector<128x128xf32>
    %reduce_max3A_1180 = arith.constant dense<0xFF800000> : vector<128xf32>
    %reduce_max3A_1181 = vector.multi_reduction <maximumf>, %mul3A_1179, %reduce_max3A_1180 [1] : vector<128x128xf32> to vector<128xf32>
    %broadcast_in_dim3A_1182 = vector.shape_cast %reduce_max3A_1181 : vector<128xf32> to vector<128x1xf32>
    %sub3A_1183 = vector.broadcast %broadcast_in_dim3A_1182 : vector<128x1xf32> to vector<128x128xf32>
    %sub3A_1184 = arith.subf %mul3A_1179, %sub3A_1183 : vector<128x128xf32>
    %exp3A_1185 = math.exp %sub3A_1184 : vector<128x128xf32>
    %reduce_sum3A_1186 = arith.constant dense<0.000000e+00> : vector<128xf32>
    %reduce_sum3A_1187 = vector.multi_reduction <add>, %exp3A_1185, %reduce_sum3A_1186 [1] : vector<128x128xf32> to vector<128xf32>
    %broadcast_in_dim3A_1188 = vector.shape_cast %reduce_sum3A_1187 : vector<128xf32> to vector<128x1xf32>
    %div3A_1189 = vector.broadcast %broadcast_in_dim3A_1188 : vector<128x1xf32> to vector<128x128xf32>
    %div3A_1190 = arith.divf %exp3A_1185, %div3A_1189 : vector<128x128xf32>
    %dot_general3A_1191 = arith.constant dense<0.000000e+00> : vector<128x64xf32>
    %dot_general3A_1192 = tpu.matmul %div3A_1190, %get3A_1174, %dot_general3A_1191 {dimension_numbers = #tpu.dot_dimension_numbers<[1], [0], [0], [1], [0, 0, 1, 1], [], []>, transpose_lhs_hint = false} : vector<128x128xf32>, vector<128x64xf32>, vector<128x64xf32> -> vector<128x64xf32>
    %swap3A_1193 = arith.constant 0 : index
    %swap3A_1194 = arith.constant 3840 : index
    %swap3A_1195 = arith.constant 0 : index
    %swap3A_1196 = vector.load %arg4[%swap3A_1193, %swap3A_1194, %swap3A_1195] : memref<1x4096x64xf32, #tpu.memory_space<vmem>>, vector<1x128x64xf32>
    %swap3A_1197 = vector.shape_cast %swap3A_1196 : vector<1x128x64xf32> to vector<128x64xf32>
    %swap3A_1198 = vector.shape_cast %dot_general3A_1192 : vector<128x64xf32> to vector<1x128x64xf32>
    tpu.vector_store %arg4[%swap3A_1193, %swap3A_1194, %swap3A_1195], %swap3A_1198 {strides = array<i32>} : memref<1x4096x64xf32, #tpu.memory_space<vmem>>, vector<1x128x64xf32>,
    %get3A_1199 = arith.constant 0 : index
    %get3A_1200 = arith.constant 3968 : index
    %get3A_1201 = arith.constant 0 : index
    %get3A_1202 = vector.load %arg1[%get3A_1199, %get3A_1200, %get3A_1201] : memref<1x4096x64xf32, #tpu.memory_space<vmem>>, vector<1x128x64xf32>
    %get3A_1203 = vector.shape_cast %get3A_1202 : vector<1x128x64xf32> to vector<128x64xf32>
    %get3A_1204 = arith.constant 0 : index
    %get3A_1205 = arith.constant 3968 : index
    %get3A_1206 = arith.constant 0 : index
    %get3A_1207 = vector.load %arg2[%get3A_1204, %get3A_1205, %get3A_1206] : memref<1x4096x64xf32, #tpu.memory_space<vmem>>, vector<1x128x64xf32>
    %get3A_1208 = vector.shape_cast %get3A_1207 : vector<1x128x64xf32> to vector<128x64xf32>
    %get3A_1209 = arith.constant 0 : index
    %get3A_1210 = arith.constant 3968 : index
    %get3A_1211 = arith.constant 0 : index
    %get3A_1212 = vector.load %arg3[%get3A_1209, %get3A_1210, %get3A_1211] : memref<1x4096x64xf32, #tpu.memory_space<vmem>>, vector<1x128x64xf32>
    %get3A_1213 = vector.shape_cast %get3A_1212 : vector<1x128x64xf32> to vector<128x64xf32>
    %dot_general3A_1214 = arith.constant dense<0.000000e+00> : vector<128x128xf32>
    %dot_general3A_1215 = tpu.matmul %get3A_1203, %get3A_1208, %dot_general3A_1214 {dimension_numbers = #tpu.dot_dimension_numbers<[1], [1], [0], [0], [0, 0, 1, 0], [], []>, transpose_lhs_hint = false} : vector<128x64xf32>, vector<128x64xf32>, vector<128x128xf32> -> vector<128x128xf32>
    %mul3A_1216 = arith.constant 1.250000e-01 : f32
    %mul3A_1217 = vector.broadcast %mul3A_1216 : f32 to vector<128x128xf32>
    %mul3A_1218 = arith.mulf %dot_general3A_1215, %mul3A_1217 : vector<128x128xf32>
    %reduce_max3A_1219 = arith.constant dense<0xFF800000> : vector<128xf32>
    %reduce_max3A_1220 = vector.multi_reduction <maximumf>, %mul3A_1218, %reduce_max3A_1219 [1] : vector<128x128xf32> to vector<128xf32>
    %broadcast_in_dim3A_1221 = vector.shape_cast %reduce_max3A_1220 : vector<128xf32> to vector<128x1xf32>
    %sub3A_1222 = vector.broadcast %broadcast_in_dim3A_1221 : vector<128x1xf32> to vector<128x128xf32>
    %sub3A_1223 = arith.subf %mul3A_1218, %sub3A_1222 : vector<128x128xf32>
    %exp3A_1224 = math.exp %sub3A_1223 : vector<128x128xf32>
    %reduce_sum3A_1225 = arith.constant dense<0.000000e+00> : vector<128xf32>
    %reduce_sum3A_1226 = vector.multi_reduction <add>, %exp3A_1224, %reduce_sum3A_1225 [1] : vector<128x128xf32> to vector<128xf32>
    %broadcast_in_dim3A_1227 = vector.shape_cast %reduce_sum3A_1226 : vector<128xf32> to vector<128x1xf32>
    %div3A_1228 = vector.broadcast %broadcast_in_dim3A_1227 : vector<128x1xf32> to vector<128x128xf32>
    %div3A_1229 = arith.divf %exp3A_1224, %div3A_1228 : vector<128x128xf32>
    %dot_general3A_1230 = arith.constant dense<0.000000e+00> : vector<128x64xf32>
    %dot_general3A_1231 = tpu.matmul %div3A_1229, %get3A_1213, %dot_general3A_1230 {dimension_numbers = #tpu.dot_dimension_numbers<[1], [0], [0], [1], [0, 0, 1, 1], [], []>, transpose_lhs_hint = false} : vector<128x128xf32>, vector<128x64xf32>, vector<128x64xf32> -> vector<128x64xf32>
    %swap3A_1232 = arith.constant 0 : index
    %swap3A_1233 = arith.constant 3968 : index
    %swap3A_1234 = arith.constant 0 : index
    %swap3A_1235 = vector.load %arg4[%swap3A_1232, %swap3A_1233, %swap3A_1234] : memref<1x4096x64xf32, #tpu.memory_space<vmem>>, vector<1x128x64xf32>
    %swap3A_1236 = vector.shape_cast %swap3A_1235 : vector<1x128x64xf32> to vector<128x64xf32>
    %swap3A_1237 = vector.shape_cast %dot_general3A_1231 : vector<128x64xf32> to vector<1x128x64xf32>
    tpu.vector_store %arg4[%swap3A_1232, %swap3A_1233, %swap3A_1234], %swap3A_1237 {strides = array<i32>} : memref<1x4096x64xf32, #tpu.memory_space<vmem>>, vector<1x128x64xf32>,
    return
  }
  func.func @transform_0(%arg0: i32) -> (i32, i32, i32) {
    %c0_i32 = arith.constant 0 : i32
    %c0_i32_0 = arith.constant 0 : i32
    %c0_i32_1 = arith.constant 0 : i32
    return %arg0, %c0_i32, %c0_i32_0 : i32, i32, i32
  }
  func.func @transform_1(%arg0: i32) -> (i32, i32, i32) {
    %c0_i32 = arith.constant 0 : i32
    %c0_i32_0 = arith.constant 0 : i32
    %c0_i32_1 = arith.constant 0 : i32
    return %arg0, %c0_i32, %c0_i32_0 : i32, i32, i32
  }
  func.func @transform_2(%arg0: i32) -> (i32, i32, i32) {
    %c0_i32 = arith.constant 0 : i32
    %c0_i32_0 = arith.constant 0 : i32
    %c0_i32_1 = arith.constant 0 : i32
    return %arg0, %c0_i32, %c0_i32_0 : i32, i32, i32
  }
  func.func @transform_3(%arg0: i32) -> (i32, i32, i32) {
    %c0_i32 = arith.constant 0 : i32
    %c0_i32_0 = arith.constant 0 : i32
    %c0_i32_1 = arith.constant 0 : i32
    return %arg0, %c0_i32, %c0_i32_0 : i32, i32, i32
  }
}

</mosaic_0001>

<sc_bundles>
// kernel: kernel.5.cloned.1.call-start
scs
__scs_entry_jumppad:
0x0: {  	(pc) =	sbr.rel $0x88, $3  }
0x1: {  	(tag) =	ssettag $0x0;
	lr =	simm.s32 $0x1  }
0x2: {  	[smem:$0x3F9D] =	sst lr;
	_ =	strace $0xD0000000  }
0x3: {  	_ = 	snop  }
0x4: {  	_ = 	snop  }
0x5: {  	_ = 	snop  }
0x6: {  	_ = 	snop  }
0x7: {  	_ = 	snop  }
__scs_overlays_trampoline_lowered:
0x8: {  	[smem:$0x3FAC] =	sst s0  }
0x9: {  	[smem:$0x3FAD] =	sst s1  }
0xa: {  	[smem:$0x3FAE] =	sst s2  }
0xb: {  	[smem:$0x3FAF] =	sst s3  }
0xc: {  	[smem:$0x3FB0] =	sst s4  }
0xd: {  	[smem:$0x3FB1] =	sst s5  }
0xe: {  	[smem:$0x3FB2] =	sst s6  }
0xf: {  	[smem:$0x3FB3] =	sst s7  }
0x10: {  	[smem:$0x3FB4] =	sst s8  }
0x11: {  	[smem:$0x3FB5] =	sst s9;
	s0 =	simm.s32 @!p0 $0x0  }
0x12: {  	s1 =	sld [smem:$0x3F9B];
	s0 =	simm.s32 @p0 $0x1  }
0x13: {  	[smem:$0x3FB6] =	sst s0;
	s0 =	simm.s32 @!p1 $0x0  }
0x14: {  	s2 =	sld [smem:$0x3F9A];
	s0 =	simm.s32 @p1 $0x1  }
0x15: {  	[smem:$0x3FB7] =	sst s0;
	s0 =	simm.s32 @!p2 $0x0  }
0x16: {  	s3 =	sld [smem:$0x3FDB];
	s0 =	simm.s32 @p2 $0x1  }
0x17: {  	s4 =	simm.s32 $0x1BF5;
	[smem:$0x3FB9] =	sst s0  }
0x18: {  	s0 =	sld [smem:$0x3F9C];
	_ =	swait.ge [sflag:s4], $0x0  }
0x19: {  	s7 =	sld [smem:$0x3F9D]  }
0x1a: {  	s8 =	sadd.s32 $0xFFFFE003, lr  }
0x1b: {  	s9 =	sadd.s32 $0xFFFFFEF7, lr;
	s5 =	simm.s32 $0xFFFFFFFF;
	p2 =	slt.u32 s8, $0xFFFFF086  }
0x1c: {  	p1 =	slt.u32 s9, $0xF7A;
	s5 =	simm.s32 @!p2 $0x0  }
0x1d: {  	s5 =	simm.s32 @p1 $0x1;
	p0 =	seq.s32 s7, s2  }
0x1e: {  	s7 =	smul.u32 @!p0 $0xF7A, s2;
	p2 =	seq.s32 @!p0 s5, $0x0  }
0x1f: {  	s9 =	smul.u32 $0xF7A, s1;
	s8 =	simm.s32 @!p0 $0x1BF5;
	p2 =	por !p2, p0  }
0x20: {  	[sflag:s8] =	ssyncset.s32 @!p0 $0xFFFFF086;
	s6 =	sadd.s32 @!p0 s3, s7;
	s7 =	simm.s32 @!p0 $0x108  }
0x21: {  	s3 =	sadd.s32 s3, s9;
	s6 =	sadd.s32 @!p0 $0x88, s6;
	s7 =	simm.s32 @p2 $0x1082  }
0x22: {  	[simem:s7], [sflag:s8] =	dma.local @!p0 [hbm:s6], $0xF7A  }
0x23: {  	s9 =	sor.u32 $0xD0000000, s2;
	s6 =	simm.s32 $0x108;
	_ =	swait.ge @!p0 [sflag:s8], $0x0  }
0x24: {  	s3 =	sadd.s32 $0x88, s3;
	s6 =	simm.s32 @!p1 $0x1082;
	[sflag:s4] =	ssyncset.s32 $0xFFFFF086  }
0x25: {  	[simem:s6], [sflag:s4] =	dma.local [hbm:s3], $0xF7A  }
0x26: {  	[smem:$0x3F9D] =	sst s1;
	(tag) =	ssettag s2;
	_ =	strace s9  }
0x27: {  	s1 =	sld [smem:$0x3FAD]  }
0x28: {  	s2 =	sld [smem:$0x3FAE]  }
0x29: {  	s4 =	sld [smem:$0x3FB0]  }
0x2a: {  	p0 =	seq.s32 s5, $0x0;
	s5 =	sld [smem:$0x3FB1]  }
0x2b: {  	s6 =	sld [smem:$0x3FB2]  }
0x2c: {  	s7 =	sld [smem:$0x3FB3]  }
0x2d: {  	s3 =	simm.s32 $0x108;
	s8 =	sld [smem:$0x3FB4]  }
0x2e: {  	s3 =	simm.s32 @!p0 $0x1082;
	s9 =	sld [smem:$0x3FB5]  }
0x2f: {  	lr =	sadd.s32 s0, s3;
	s0 =	sld [smem:$0x3FAC]  }
0x30: {  	s3 =	sld [smem:$0x3FAF]  }
0x31: {  	[smem:$0x3FB8] =	sst s10  }
0x32: {  	s10 =	sld [smem:$0x3FB6];
	_ =	sdelay $0x3  }
0x33: {  	p0 =	seq.s32 s10, $0x1;
	s10 =	sld [smem:$0x3FB8];
	_ =	sdelay $0x3  }
0x34: {  	[smem:$0x3FB8] =	sst s10  }
0x35: {  	s10 =	sld [smem:$0x3FB7];
	_ =	sdelay $0x3  }
0x36: {  	p1 =	seq.s32 s10, $0x1;
	s10 =	sld [smem:$0x3FB8];
	_ =	sdelay $0x3  }
0x37: {  	[smem:$0x3FB8] =	sst s10  }
0x38: {  	s10 =	sld [smem:$0x3FB9]  }
0x39: {  	_ = 	snop;
	(pc) =	sbr.ind lr, $3  }
0x3a: {  	_ = 	snop  }
0x3b: {  	_ = 	snop  }
0x3c: {  	p2 =	seq.s32 s10, $0x1;
	s10 =	sld [smem:$0x3FB8]  }
0x3d: {  	_ =	shalt  }
0x3e: {  	_ =	shalt  }
0x3f: {  	_ =	shalt  }
0x40: {  	_ =	shalt  }
0x41: {  	_ =	shalt  }
0x42: {  	_ =	shalt  }
0x43: {  	_ =	shalt  }
0x44: {  	_ =	shalt  }
0x45: {  	_ =	shalt  }
0x46: {  	_ =	shalt  }
0x47: {  	_ =	shalt  }
0x48: {  	_ =	shalt  }
0x49: {  	_ =	shalt  }
0x4a: {  	_ =	shalt  }
0x4b: {  	_ =	shalt  }
0x4c: {  	_ =	shalt  }
0x4d: {  	_ =	shalt  }
0x4e: {  	_ =	shalt  }
0x4f: {  	_ =	shalt  }
0x50: {  	_ =	shalt  }
0x51: {  	_ =	shalt  }
0x52: {  	_ =	shalt  }
0x53: {  	_ =	shalt  }
0x54: {  	_ =	shalt  }
0x55: {  	_ =	shalt  }
0x56: {  	_ =	shalt  }
0x57: {  	_ =	shalt  }
0x58: {  	_ =	shalt  }
0x59: {  	_ =	shalt  }
0x5a: {  	_ =	shalt  }
0x5b: {  	_ =	shalt  }
0x5c: {  	_ =	shalt  }
0x5d: {  	_ =	shalt  }
0x5e: {  	_ =	shalt  }
0x5f: {  	_ =	shalt  }
0x60: {  	_ =	shalt  }
0x61: {  	_ =	shalt  }
0x62: {  	_ =	shalt  }
0x63: {  	_ =	shalt  }
0x64: {  	_ =	shalt  }
0x65: {  	_ =	shalt  }
0x66: {  	_ =	shalt  }
0x67: {  	_ =	shalt  }
0x68: {  	_ =	shalt  }
0x69: {  	_ =	shalt  }
0x6a: {  	_ =	shalt  }
0x6b: {  	_ =	shalt  }
0x6c: {  	_ =	shalt  }
0x6d: {  	_ =	shalt  }
0x6e: {  	_ =	shalt  }
0x6f: {  	_ =	shalt  }
0x70: {  	_ =	shalt  }
0x71: {  	_ =	shalt  }
0x72: {  	_ =	shalt  }
0x73: {  	_ =	shalt  }
0x74: {  	_ =	shalt  }
0x75: {  	_ =	shalt  }
0x76: {  	_ =	shalt  }
0x77: {  	_ =	shalt  }
0x78: {  	_ =	shalt  }
0x79: {  	_ =	shalt  }
0x7a: {  	_ =	shalt  }
0x7b: {  	_ =	shalt  }
0x7c: {  	_ =	shalt  }
0x7d: {  	_ =	shalt  }
0x7e: {  	_ =	shalt  }
0x7f: {  	_ =	shalt  }
0x80: {  	_ =	shalt  }
0x81: {  	_ =	shalt  }
0x82: {  	_ =	shalt  }
0x83: {  	_ =	shalt  }
0x84: {  	_ =	shalt  }
0x85: {  	_ =	shalt  }
0x86: {  	_ =	shalt  }
0x87: {  	_ =	shalt  }
.Lfunc_end0:
.L_simem_size_0:
called_computation.3_lowered:
.L_overlay_start_0:
0x88: {  	s2 =	sld [smem:$0x3FD9]  }
0x89: {  	s3 =	sld [smem:$0x3FFE];
	_ =	sdelay $0x1  }
0x8a: {  	s1 =	srdreg.scid  }
0x8b: {  	s0 =	sand.u32 $0x1, s1  }
0x8c: {  	s14 =	sshll.u32 s0, $0xA;
	s2 =	sadd.s32 s3, s2  }
0x8d: {  	s2 =	sadd.s32 s2, s14  }
0x8e: {  	[smem:$0x3FC4] =	sst s2  }
0x8f: {  	_ = 	snop  }
0x90: {  	s2 =	sld [smem:$0x3FD0];
	_ =	sdelay $0x2  }
0x91: {  	s15 =	simm.s32 $0xB;
	s4 =	simm.s32 $0x10  }
0x92: {  	[smem:s4], [sflag:s15] =	dma.local [hbm:s2], $0x1  }
0x93: {  	_ =	swait.eq [sflag:s15], $0x1  }
0x94: {  	[sflag:s15] =	ssyncset.done $0x0  }
0x95: {  	[sflag:s15] =	ssyncadd.s32 $0xFFFFFFFF  }
0x96: {  	s16 =	sld [smem:$0x10];
	(tm) =	ssettm $0x1  }
0x97: {  	s17 =	sld [smem:$0x3FFB];
	_ =	sdelay $0x3  }
0x98: {  	_ =	strace s17  }
0x99: {  	s3 =	sld [smem:$0x3FFC];
	_ =	sdelay $0x3  }
0x9a: {  	_ =	strace s3  }
0x9b: {  	s3 =	sld [smem:$0x3FFD];
	_ =	sdelay $0x3  }
0x9c: {  	_ =	strace s3  }
0x9d: {  	_ =	strace $0x8FFFFFFF  }
0x9e: {  	s18 =	sld [smem:$0x3FDB];
	_ =	sdelay $0x1  }
0x9f: {  	s19 =	simm.s32 $_scs_section_size  }
0xa0: {  	s5 =	simm.s32 $_size__tile_overlayer_lowered;
	s6 =	simm.s32 $_tile_overlayer_lowered  }
0xa1: {  	s22 =	simm.s32 $0x1BFF;
	s21 =	sshll.u32 s6, $0x1;
	s3 =	sadd.s32 s19, s18  }
0xa2: {  	s7 =	simm.s32 $0x0;
	s20 =	sshll.u32 s5, $0x1;
	s5 =	sadd.s32 s21, s3  }
0xa3: {  	[timem:s7], [sflag:s22] =	dma.local [hbm:s5], s20  }
0xa4: {  	_ =	swait.ge [sflag:s22], s20  }
0xa5: {  	s4 =	ssub.s32 $0x0, s20;
	[sflag:s22] =	ssyncset.done $0x0  }
0xa6: {  	[sflag:s22] =	ssyncadd.s32 s4;
	_ =	sdelay $0x1  }
0xa7: {  	s23 =	simm.s32 $0x1B8B  }
0xa8: {  	_ =	swait.ge [sflag:s23], $0x1  }
0xa9: {  	[sflag:s23] =	ssyncset.done $0x0  }
0xaa: {  	s25 =	simm.s32 $0x1B8E;
	s24 =	sld [smem:$0x3FFE];
	[sflag:s23] =	ssyncadd.s32 $0xFFFFFFFF  }
0xab: {  	s26 =	simm.s32 $execute0_lowered;
	[smem:$0x3FD2] =	sst s25  }
0xac: {  	s5 =	sshll.u32 s26, $0x1;
	_ =	strace $0x80000046;
	[dreg:$0x1] =	wrdreg $0xFFFFFFFF  }
0xad: {  	s28 =	simm.s32 $_size_execute0_lowered;
	s3 =	sadd.s32 s3, s5;
	[dreg:$0x0] =	wrdreg $0x0  }
0xae: {  	s5 =	sshll.u32 s28, $0x1;
	[dreg:$0x2] =	wrdreg s3  }
0xaf: {  	[dreg:$0x3] =	wrdreg s5  }
0xb0: {  	[dreg:$0x4] =	wrdreg $0xC0  }
0xb1: {  	_ =	task [dreg:s7], $0x5FFFF  }
0xb2: {  	[dreg:$0x1] =	wrdreg $0xFFFFFFFF  }
0xb3: {  	[dreg:$0x0] =	wrdreg $0x60  }
0xb4: {  	[dreg:$0x2] =	wrdreg s16  }
0xb5: {  	[dreg:$0x3] =	wrdreg s24  }
0xb6: {  	[dreg:$0x4] =	wrdreg $0x9  }
0xb7: {  	_ =	task.clear_ibuf [dreg:s7], $0x5FFFF;
	_ =	strace $0x90000046  }
0xb8: {  	s29 =	simm.s32 $0x9;
	_ =	strace $0x80000048  }
0xb9: {  	_ =	swait.ge [sflag:s29], $0x1  }
0xba: {  	[sflag:s29] =	ssyncadd.s32 $0xFFFFFFFF  }
0xbb: {  	_ =	strace $0x90000048  }
0xbc: {  	_ =	sfence  }
0xbd: {  	s30 =	sld [smem:$0x0];
	_ =	sdelay $0x2  }
0xbe: {  	s31 =	sshll.u32 s1, $0xD;
	s1 =	sshrl.u32 s1, $0x2  }
0xbf: {  	s3 =	sand.u32 $0x4000, s31;
	s1 =	sadd.s32 s1, s30  }
0xc0: {  	s0 =	sor.u32 s3, s0;
	s1 =	sshll.u32 s1, $0x11  }
0xc1: {  	s0 =	sor.u32 s1, s0  }
0xc2: {  	s0 =	sadd.s32 $0x8F2B, s0  }
0xc3: {  	[sflag:s0] =	ssyncadd.remote.s32 $0x1  }
0xc4: {  	_ =	sfence.sel $0xFFFF  }
0xc5: {  	[dreg:$0x0] =	wrdreg $0xFFFFFFFF;
	(pc) =	sbr.abs _section_cstart, $3  }
0xc6: {  	[dreg:$0x1] =	wrdreg $0xFFFFFFFF  }
0xc7: {  	_ =	task.clear_ibuf [dreg:s7], $0x2FFFF;
	_ =	strace $0x9FFFFFFF  }
0xc8: {  	(tm) =	ssettm $0x7FFFFFFF  }
0xc9: {  	_ =	shalt  }
tec
execute0_lowered:
.L_overlay_start_1:
0x0: {  	(tag) =	ssettag $0x1  }
0x1: {  	s5 =	rddreg [dreg:$0x0]  }
0x2: {  	s0 =	rddreg [dreg:$0x1];
	s1 =	simm.s32 $0x0;
	s14 =	stileid.u32  }
0x3: {  	s4 =	srdreg.scid;
	s20 =	simm.s32 $0x1;
	s21 =	simm.s32 $0x3  }
0x4: {  	s22 =	simm.s32 $0x5080;
	s23 =	simm.s32 $0x50A0;
	s24 =	simm.s32 $0x1000  }
0x5: {  	s28 =	simm.s32 $0x2;
	s29 =	simm.s32 $0x3080;
	[smem:$0x7FF] =	sst s1  }
0x6: {  	s2 =	sadd.s32 $0x400000, s0;
	s26 =	sadd.s32 $0x500000, s0;
	s6 =	sadd.s32 $0x101600, s0  }
0x7: {  	s25 =	sshrl.u32 s14, $0x3;
	s7 =	sadd.s32 $0x101400, s0;
	s8 =	sadd.s32 $0x101200, s0  }
0x8: {  	s9 =	sadd.s32 $0x101000, s0;
	s4 =	sand.u32 $0x1, s4;
	s10 =	sadd.s32 $0x105800, s0  }
0x9: {  	s11 =	sadd.s32 $0x205800, s0;
	s12 =	sadd.s32 $0x600000, s0;
	s14 =	sshll.u32 s14, $0x1  }
0xa: {  	s1 =	simm.s32 $0x0;
	_ =	strace $0x80000047;
	[dreg:$0x3] =	wrdreg s2  }
0xb: {  	[dreg:$0x4] =	wrdreg s26;
	s30 =	sshll.u32 s25, $0x12;
	s3 =	sshll.u32 s25, $0xD  }
0xc: {  	s13 =	ssub.s32 $0x2, s4;
	s15 =	sshll.u32 s25, $0x6;
	s17 =	sshll.u32 s25, $0x16  }
0xd: {  	s25 =	simm.s32 $0x80;
	s26 =	simm.s32 $0x1080;
	s31 =	sshrl.u32 s13, $0x1  }
0xe: {  	s2 =	sadd.s32 s30, s0;
	s3 =	sadd.s32 s3, s0;
	s0 =	ssub.s32 s13, s31  }
0xf: {  	s13 =	sor.u32 s4, s14;
	s14 =	sadd.s32 $0x81000, s2;
	s0 =	smax.u32 s0, $0x1  }
0x10: {  	v0 =	vlaneseq.u32;
	v1 =	vimm.s32 $0x0;
	s16 =	sadd.s32 $0x101800, s3;
	s18 =	sadd.s32 $0x1000, s2;
	[dreg:$0x5] =	wrdreg s0  }
.LBB2_1:
0x11: {  	[dreg:$0x6] =	wrdreg s1;
	s0 =	simm.s32 $0x0  }
.LBB2_2:
0x12: {  	s1 =	sor.u32 s13, s0  }
0x13: {  	p0 =	sne.s32 s0, $0x0;
	p1 =	seq.s32 s1, $0x0  }
0x14: {  	p0 =	por !p0, !p1  }
0x15: {  	s1 =	simm.s32 $0x1;
	p0 =	por !p0, !p0  }
0x16: {  	s1 =	simm.s32 @!p0 $0x0  }
0x17: {  	s1 =	ssub.s32 s13, s1  }
0x18: {  	s19 =	sshll.u32 s0, $0x9;
	s2 =	sand.u32 $0xF, s1  }
0x19: {  	s1 =	sadd.s32 s19, s14;
	s3 =	sshll.u32 s2, $0xE  }
0x1a: {  	s31 =	simm.s32 $0x0;
	s1 =	sadd.s32 s3, s1  }
0x1b: {  	[tilespmem:s31], [sflag:$0x3] =	stream.linear.gather [hbm4b:s1+s31], $0x1000, $0x38;
	[tilespmem:$0x50C0] =	vst v63  }
0x1c: {  	s4 =	sshll.u32 s2, $0x2;
	_ =	swait.ge [sflag:s21], $0x1000  }
0x1d: {  	s1 =	sor.u32 s15, s4;
	[sflag:s21] =	ssyncset.done $0x0  }
0x1e: {  	s19 =	sadd.s32 s6, s1;
	[sflag:s21] =	ssyncadd.s32 $0xFFFFF000  }
0x1f: {  	[tilespmem:s22], [sflag:$0x3] =	stream.linear.gather [hbm4b:s19+s31], $0x20, $0x38;
	[tilespmem:$0x50C0] =	vst v63  }
0x20: {  	_ =	swait.ge [sflag:s21], $0x20  }
0x21: {  	[sflag:s21] =	ssyncset.done $0x0  }
0x22: {  	s1 =	sadd.s32 s7, s1;
	[sflag:s21] =	ssyncadd.s32 $0xFFFFFFE0  }
0x23: {  	[tilespmem:s23], [sflag:$0x3] =	stream.linear.gather [hbm4b:s1+s31], $0x20, $0x38;
	[tilespmem:$0x50C0] =	vst v63  }
0x24: {  	_ =	swait.ge [sflag:s21], $0x20  }
0x25: {  	[sflag:s21] =	ssyncset.done $0x0  }
0x26: {  	s4 =	sand.u32 $0x10, s0;
	[sflag:s21] =	ssyncadd.s32 $0xFFFFFFE0  }
0x27: {  	v2 =	vld [tilespmem:s4+$0x5080];
	_ =	sdelay $0x1  }
0x28: {  	s19 =	sand.u32 $0xF, s0  }
0x29: {  	v3 =	vmov s19  }
0x2a: {  	vm0 =	veq.s32 v3, v0  }
0x2b: {  	v2 =	vnsel vm0, $0x0, v2  }
0x2c: {  	(xrf0) =	vadd.scan.msk.s32 $0xffff, v2;
	_ =	sdelay $0x1  }
0x2d: {  	v3 =	vld [tilespmem:s31+$0x0];
	_ =	sdelay $0x1  }
0x2e: {  	v4 =	vld [tilespmem:s4+$0x50A0];
	_ =	sdelay $0x1  }
0x2f: {  	v2, _, _ =	vpop (xrf0)  }
0x30: {  	v5 =	vxor.u32 $0x7FFFFFFF, v3;
	vm1 =	vlt.s32 v3, $0x0;
	v2 =	vbroadcast v2, $0xF  }
0x31: {  	v5 =	vsel vm1, v5, v3  }
0x32: {  	v3 =	vnsel vm0, $0x0, v4;
	vm14 =	veq.s32 v5, v2  }
0x33: {  	(xrf0) =	vadd.scan.msk.s32 $0xffff, v3;
	v3 =	vsel vm14, $0x1, v1  }
0x34: {  	(xrf0) =	vadd.scan.msk.s32 $0xffff, v3;
	_ =	sdelay $0x4  }
0x35: {  	v3, _, _ =	vpop (xrf0)  }
0x36: {  	v4, _, _ =	vpop (xrf0)  }
0x37: {  	(v2sf) =	vpush v4, $0xF;
	_ =	sdelay $0x1  }
0x38: {  	v3 =	vbroadcast v3, $0xF  }
0x39: {  	v6 =	vadd.s32 s31, v4  }
0x3a: {  	vm15 =	vle.s32 v6, v3  }
0x3b: {  	vm2 =	vgt.s32 v5, v2;
	vm0 =	vmand vm14, vm15  }
0x3c: {  	vm0 =	vmor vm2, vm0  }
0x3d: {  	v4 =	vsel vm0, $0x1, v1  }
0x3e: {  	(xrf0) =	vadd.scan.msk.s32 $0xffff, v4;
	_ =	sdelay $0x2  }
0x3f: {  	v4 =	vmov s31  }
0x40: {  	v4 =	vadd.s32 $0xFFFFFFFF, v4  }
0x41: {  	v4 =	vbroadcast v4, $0x0  }
0x42: {  	v5, _, _ =	vpop (xrf0)  }
0x43: {  	v4 =	vadd.s32 v4, v5;
	s4 =	spop (v2sf);
	(v2sf) =	vpush v5, $0xF  }
0x44: {  	v4 =	vnsel vm0, $0x0, v4;
	_ =	sdelay $0x3  }
0x45: {  	v6 =	vor.u32 s31, v0  }
0x46: {  	s19 =	simm.s32 $0x10;
	[tilespmem:v4+s24+$0x0] =	vst.idx.msk vm0, v6  }
0x47: {  	s30 =	simm.s32 $0x10;
	s3 =	simm.s32 $0x20;
	s1 =	sadd.s32 $0x0, s4;
	v4 =	vld [tilespmem:s19+$0x0]  }
.LBB2_3:
0x48: {  	p0 =	sne.s32 s3, $0xFF0;
	_ =	sdelay $0x3  }
0x49: {  	v5 =	vxor.u32 $0x7FFFFFFF, v4;
	vm0 =	vlt.s32 v4, $0x0  }
0x4a: {  	v4 =	vsel vm0, v5, v4  }
0x4b: {  	vm0 =	vgt.s32 v4, v2;
	vm1 =	veq.s32 v4, v2  }
0x4c: {  	v4 =	vsel vm1, $0x1, v1;
	s4 =	spop (v2sf)  }
0x4d: {  	(xrf0) =	vadd.scan.msk.s32 $0xffff, v4;
	s31 =	sadd.s32 s31, s4  }
0x4e: {  	v4 =	vmov s31  }
0x4f: {  	v4 =	vadd.s32 $0xFFFFFFFF, v4  }
0x50: {  	v4 =	vbroadcast v4, $0x0;
	_ =	sdelay $0x2  }
0x51: {  	v5, _, _ =	vpop (xrf0)  }
0x52: {  	v6 =	vadd.s32 s1, v5;
	(v2sf) =	vpush v5, $0xF  }
0x53: {  	vm2 =	vle.s32 v6, v3  }
0x54: {  	vm1 =	vmand vm1, vm2  }
0x55: {  	vm0 =	vmor vm0, vm1  }
0x56: {  	v5 =	vsel vm0, $0x1, v1  }
0x57: {  	(xrf0) =	vadd.scan.msk.s32 $0xffff, v5;
	_ =	sdelay $0x5  }
0x58: {  	v5, _, _ =	vpop (xrf0)  }
0x59: {  	v4 =	vadd.s32 v4, v5;
	(v2sf) =	vpush v5, $0xF  }
0x5a: {  	v4 =	vnsel vm0, $0x0, v4;
	_ =	sdelay $0x1  }
.Ltmp0:
0x5b: {  	s4 =	spop (v2sf);
	(pc) =	sbr.rel @p0 .LBB2_3-.Ltmp0, $4  }
0x5c: {  	s1 =	sadd.s32 s1, s4  }
0x5d: {  	v5 =	vor.u32 s19, v0;
	s19 =	smov.u32 s3  }
0x5e: {  	s30 =	sadd.s32 $0x10, s30;
	[tilespmem:v4+s24+$0x0] =	vst.idx.msk vm0, v5  }
0x5f: {  	s3 =	sadd.s32 $0x10, s3;
	v4 =	vld [tilespmem:s30+$0x0]  }
0x60: {  	_ =	sdelay $0x3  }
0x61: {  	v5 =	vxor.u32 $0x7FFFFFFF, v4;
	vm0 =	vlt.s32 v4, $0x0  }
0x62: {  	v4 =	vsel vm0, v5, v4  }
0x63: {  	vm0 =	veq.s32 v4, v2  }
0x64: {  	v63 =	vsel vm0, $0x1, v1  }
0x65: {  	(xrf0) =	vadd.scan.msk.s32 $0xffff, v63;
	_ =	sdelay $0x5  }
0x66: {  	v5, _, _ =	vpop (xrf0)  }
0x67: {  	v6 =	vadd.s32 s1, v5  }
0x68: {  	vm1 =	vle.s32 v6, v3  }
0x69: {  	vm2 =	vgt.s32 v4, v2;
	vm0 =	vmand vm0, vm1  }
0x6a: {  	vm0 =	vmor vm2, vm0  }
0x6b: {  	v2 =	vsel vm0, $0x1, v1  }
0x6c: {  	(xrf0) =	vadd.scan.msk.s32 $0xffff, v2;
	_ =	sdelay $0x4  }
0x6d: {  	(v2sf) =	vpush v5, $0xF  }
0x6e: {  	v2, _, _ =	vpop (xrf0)  }
0x6f: {  	(v2sf) =	vpush v2, $0xF  }
0x70: {  	s4 =	spop (v2sf)  }
0x71: {  	s1 =	sadd.s32 s31, s4  }
0x72: {  	v3 =	vmov s1  }
0x73: {  	v3 =	vadd.s32 $0xFFFFFFFF, v3  }
0x74: {  	v3 =	vbroadcast v3, $0x0;
	_ =	sdelay $0x1  }
0x75: {  	v2 =	vadd.s32 v3, v2  }
0x76: {  	v2 =	vnsel vm0, $0x0, v2;
	_ =	sdelay $0x2  }
0x77: {  	s30 =	sshll.u32 s0, $0x4  }
0x78: {  	s3 =	sshll.u32 s2, $0x9;
	s1 =	sadd.s32 s30, s16;
	v3 =	vor.u32 s19, v0  }
0x79: {  	s31 =	simm.s32 $0x0;
	s1 =	sadd.s32 s3, s1;
	s4 =	spop (v2sf);
	[tilespmem:v2+s24+$0x0] =	vst.idx.msk vm0, v3  }
0x7a: {  	[hbm4b:s1+s31] =	stream.linear.scatter [tilespmem:s24], [sflag:$0x3], $0x80, $0x38;
	[tilespmem:$0x50C0] =	vst v63  }
0x7b: {  	s1 =	sshll.u32 s2, $0x12;
	s4 =	spop (v2sf)  }
0x7c: {  	s1 =	sor.u32 s17, s1;
	_ =	swait.ge [sflag:s21], $0x80  }
0x7d: {  	s19 =	sshrl.u32 s1, $0x3;
	[sflag:s21] =	ssyncset.done $0x0  }
0x7e: {  	s30 =	sshll.u32 s0, $0xD;
	s2 =	sadd.s32 s5, s19;
	[sflag:s21] =	ssyncadd.s32 $0xFFFFFF80  }
0x7f: {  	[tilespmem:s26], [sflag:$0x1] =	stream.indirect.gather [hbm4b:s2+s25], $0x40, s24, s25, $0xb8;
	[tilespmem:$0x50C0] =	vst v63  }
0x80: {  	s0 =	sadd.s32 $0x1, s0;
	s1 =	sadd.s32 s30, s1;
	_ =	swait.ge [sflag:s20], $0x2000  }
0x81: {  	p0 =	sne.s32 s0, $0x20;
	s1 =	sshrl.u32 s1, $0x3;
	[sflag:s20] =	ssyncset.done $0x0  }
.Ltmp1:
0x82: {  	s1 =	sadd.s32 s10, s1;
	[sflag:s20] =	ssyncadd.s32 $0xFFFFE000;
	(pc) =	sbr.rel @p0 .LBB2_2-.Ltmp1, $4  }
0x83: {  	[hbm4b:s1+s31] =	stream.linear.scatter [tilespmem:s26], [sflag:$0x2], $0x2000, $0x38;
	[tilespmem:$0x50C0] =	vst v63  }
0x84: {  	_ =	swait.ge [sflag:s28], $0x2000  }
0x85: {  	[sflag:s28] =	ssyncset.done $0x0  }
0x86: {  	[sflag:s28] =	ssyncadd.s32 $0xFFFFE000  }
0x87: {  	s0 =	simm.s32 $0x0  }
.LBB2_6:
0x88: {  	s1 =	sor.u32 s13, s0  }
0x89: {  	p0 =	sne.s32 s0, $0x0;
	p1 =	seq.s32 s1, $0x0  }
0x8a: {  	p0 =	por !p0, !p1  }
0x8b: {  	s1 =	simm.s32 $0x1;
	p0 =	por !p0, !p0  }
0x8c: {  	s1 =	simm.s32 @!p0 $0x0  }
0x8d: {  	s1 =	ssub.s32 s13, s1  }
0x8e: {  	s19 =	sshll.u32 s0, $0x9;
	s2 =	sand.u32 $0xF, s1  }
0x8f: {  	s1 =	sadd.s32 s19, s18;
	s3 =	sshll.u32 s2, $0xE  }
0x90: {  	s1 =	sadd.s32 s3, s1  }
0x91: {  	[tilespmem:s31], [sflag:$0x3] =	stream.linear.gather [hbm4b:s1+s31], $0x1000, $0x38;
	[tilespmem:$0x50C0] =	vst v63  }
0x92: {  	s4 =	sshll.u32 s2, $0x2;
	_ =	swait.ge [sflag:s21], $0x1000  }
0x93: {  	s1 =	sor.u32 s15, s4;
	[sflag:s21] =	ssyncset.done $0x0  }
0x94: {  	s5 =	sadd.s32 s8, s1;
	[sflag:s21] =	ssyncadd.s32 $0xFFFFF000  }
0x95: {  	[tilespmem:s22], [sflag:$0x3] =	stream.linear.gather [hbm4b:s5+s31], $0x20, $0x38;
	[tilespmem:$0x50C0] =	vst v63  }
0x96: {  	_ =	swait.ge [sflag:s21], $0x20  }
0x97: {  	[sflag:s21] =	ssyncset.done $0x0  }
0x98: {  	s1 =	sadd.s32 s9, s1;
	[sflag:s21] =	ssyncadd.s32 $0xFFFFFFE0  }
0x99: {  	[tilespmem:s23], [sflag:$0x3] =	stream.linear.gather [hbm4b:s1+s31], $0x20, $0x38;
	[tilespmem:$0x50C0] =	vst v63  }
0x9a: {  	_ =	swait.ge [sflag:s21], $0x20  }
0x9b: {  	[sflag:s21] =	ssyncset.done $0x0  }
0x9c: {  	s19 =	sand.u32 $0x10, s0;
	[sflag:s21] =	ssyncadd.s32 $0xFFFFFFE0  }
0x9d: {  	v2 =	vld [tilespmem:s19+$0x5080];
	_ =	sdelay $0x1  }
0x9e: {  	s4 =	sand.u32 $0xF, s0  }
0x9f: {  	v3 =	vmov s4  }
0xa0: {  	vm0 =	veq.s32 v3, v0  }
0xa1: {  	v2 =	vnsel vm0, $0x0, v2  }
0xa2: {  	(xrf0) =	vadd.scan.msk.s32 $0xffff, v2;
	_ =	sdelay $0x1  }
0xa3: {  	v3 =	vld [tilespmem:s31+$0x0];
	_ =	sdelay $0x1  }
0xa4: {  	v4 =	vld [tilespmem:s19+$0x50A0];
	_ =	sdelay $0x1  }
0xa5: {  	v2, _, _ =	vpop (xrf0)  }
0xa6: {  	v5 =	vxor.u32 $0x7FFFFFFF, v3;
	vm1 =	vlt.s32 v3, $0x0;
	v2 =	vbroadcast v2, $0xF  }
0xa7: {  	v5 =	vsel vm1, v5, v3  }
0xa8: {  	v3 =	vnsel vm0, $0x0, v4;
	vm14 =	veq.s32 v5, v2  }
0xa9: {  	(xrf0) =	vadd.scan.msk.s32 $0xffff, v3;
	v3 =	vsel vm14, $0x1, v1  }
0xaa: {  	(xrf0) =	vadd.scan.msk.s32 $0xffff, v3;
	_ =	sdelay $0x4  }
0xab: {  	v3, _, _ =	vpop (xrf0)  }
0xac: {  	v4, _, _ =	vpop (xrf0)  }
0xad: {  	(v2sf) =	vpush v4, $0xF;
	_ =	sdelay $0x1  }
0xae: {  	v3 =	vbroadcast v3, $0xF  }
0xaf: {  	v6 =	vadd.s32 s31, v4  }
0xb0: {  	vm15 =	vle.s32 v6, v3  }
0xb1: {  	vm2 =	vgt.s32 v5, v2;
	vm0 =	vmand vm14, vm15  }
0xb2: {  	vm0 =	vmor vm2, vm0  }
0xb3: {  	v4 =	vsel vm0, $0x1, v1  }
0xb4: {  	(xrf0) =	vadd.scan.msk.s32 $0xffff, v4;
	_ =	sdelay $0x2  }
0xb5: {  	v4 =	vmov s31  }
0xb6: {  	v4 =	vadd.s32 $0xFFFFFFFF, v4  }
0xb7: {  	v4 =	vbroadcast v4, $0x0  }
0xb8: {  	v5, _, _ =	vpop (xrf0)  }
0xb9: {  	v4 =	vadd.s32 v4, v5;
	s5 =	spop (v2sf);
	(v2sf) =	vpush v5, $0xF  }
0xba: {  	v4 =	vnsel vm0, $0x0, v4;
	_ =	sdelay $0x3  }
0xbb: {  	v6 =	vor.u32 s31, v0  }
0xbc: {  	s30 =	simm.s32 $0x0;
	s19 =	simm.s32 $0x10;
	[tilespmem:v4+s24+$0x0] =	vst.idx.msk vm0, v6  }
0xbd: {  	s3 =	simm.s32 $0x20;
	s4 =	simm.s32 $0x10;
	s1 =	sadd.s32 $0x0, s5;
	v4 =	vld [tilespmem:s19+$0x0]  }
.LBB2_7:
0xbe: {  	p0 =	sne.s32 s3, $0xFF0;
	_ =	sdelay $0x3  }
0xbf: {  	v5 =	vxor.u32 $0x7FFFFFFF, v4;
	vm0 =	vlt.s32 v4, $0x0  }
0xc0: {  	v4 =	vsel vm0, v5, v4  }
0xc1: {  	vm0 =	vgt.s32 v4, v2;
	vm1 =	veq.s32 v4, v2  }
0xc2: {  	v4 =	vsel vm1, $0x1, v1;
	s5 =	spop (v2sf)  }
0xc3: {  	(xrf0) =	vadd.scan.msk.s32 $0xffff, v4;
	s30 =	sadd.s32 s30, s5  }
0xc4: {  	v4 =	vmov s30  }
0xc5: {  	v4 =	vadd.s32 $0xFFFFFFFF, v4  }
0xc6: {  	v4 =	vbroadcast v4, $0x0;
	_ =	sdelay $0x2  }
0xc7: {  	v5, _, _ =	vpop (xrf0)  }
0xc8: {  	v6 =	vadd.s32 s1, v5;
	(v2sf) =	vpush v5, $0xF  }
0xc9: {  	vm2 =	vle.s32 v6, v3  }
0xca: {  	vm1 =	vmand vm1, vm2  }
0xcb: {  	vm0 =	vmor vm0, vm1  }
0xcc: {  	v5 =	vsel vm0, $0x1, v1  }
0xcd: {  	(xrf0) =	vadd.scan.msk.s32 $0xffff, v5;
	_ =	sdelay $0x5  }
0xce: {  	v5, _, _ =	vpop (xrf0)  }
0xcf: {  	v4 =	vadd.s32 v4, v5;
	(v2sf) =	vpush v5, $0xF  }
0xd0: {  	v4 =	vnsel vm0, $0x0, v4;
	_ =	sdelay $0x1  }
.Ltmp2:
0xd1: {  	s5 =	spop (v2sf);
	(pc) =	sbr.rel @p0 .LBB2_7-.Ltmp2, $4  }
0xd2: {  	s1 =	sadd.s32 s1, s5  }
0xd3: {  	v5 =	vor.u32 s19, v0;
	s19 =	smov.u32 s3  }
0xd4: {  	s4 =	sadd.s32 $0x10, s4;
	[tilespmem:v4+s24+$0x0] =	vst.idx.msk vm0, v5  }
0xd5: {  	s3 =	sadd.s32 $0x10, s3;
	v4 =	vld [tilespmem:s4+$0x0]  }
0xd6: {  	_ =	sdelay $0x3  }
0xd7: {  	v5 =	vxor.u32 $0x7FFFFFFF, v4;
	vm0 =	vlt.s32 v4, $0x0  }
0xd8: {  	v4 =	vsel vm0, v5, v4  }
0xd9: {  	vm0 =	veq.s32 v4, v2  }
0xda: {  	v63 =	vsel vm0, $0x1, v1  }
0xdb: {  	(xrf0) =	vadd.scan.msk.s32 $0xffff, v63;
	_ =	sdelay $0x5  }
0xdc: {  	v5, _, _ =	vpop (xrf0)  }
0xdd: {  	v6 =	vadd.s32 s1, v5  }
0xde: {  	vm1 =	vle.s32 v6, v3  }
0xdf: {  	vm2 =	vgt.s32 v4, v2;
	vm0 =	vmand vm0, vm1  }
0xe0: {  	vm0 =	vmor vm2, vm0  }
0xe1: {  	v2 =	vsel vm0, $0x1, v1  }
0xe2: {  	(xrf0) =	vadd.scan.msk.s32 $0xffff, v2;
	_ =	sdelay $0x5  }
0xe3: {  	(v2sf) =	vpush v5, $0xF;
	v2, _, _ =	vpop (xrf0)  }
0xe4: {  	(v2sf) =	vpush v2, $0xF;
	_ =	sdelay $0x4  }
0xe5: {  	s5 =	spop (v2sf)  }
0xe6: {  	s1 =	sadd.s32 s30, s5  }
0xe7: {  	v3 =	vmov s1  }
0xe8: {  	v3 =	vadd.s32 $0xFFFFFFFF, v3  }
0xe9: {  	v3 =	vbroadcast v3, $0x0;
	_ =	sdelay $0x1  }
0xea: {  	v2 =	vadd.s32 v3, v2  }
0xeb: {  	v2 =	vnsel vm0, $0x0, v2;
	_ =	sdelay $0x1  }
0xec: {  	s2 =	sshll.u32 s2, $0x12;
	s3 =	spop (v2sf)  }
0xed: {  	s1 =	sor.u32 s17, s2;
	s3 =	spop (v2sf)  }
0xee: {  	s2 =	sshrl.u32 s1, $0x3;
	v3 =	vor.u32 s19, v0;
	s3 =	rddreg [dreg:$0x3]  }
0xef: {  	[tilespmem:v2+s24+$0x0] =	vst.idx.msk vm0, v3;
	s3 =	sadd.s32 s3, s2  }
0xf0: {  	[tilespmem:s26], [sflag:$0x1] =	stream.indirect.gather [hbm4b:s3+s25], $0x40, s24, s25, $0xb8;
	[tilespmem:$0x50C0] =	vst v63  }
0xf1: {  	_ =	swait.ge [sflag:s20], $0x2000  }
0xf2: {  	[sflag:s20] =	ssyncset.done $0x0;
	s4 =	rddreg [dreg:$0x4]  }
0xf3: {  	s5 =	sshll.u32 s0, $0xD;
	[sflag:s20] =	ssyncadd.s32 $0xFFFFE000;
	s2 =	sadd.s32 s4, s2  }
0xf4: {  	[tilespmem:s29], [sflag:$0x1] =	stream.indirect.gather [hbm4b:s2+s25], $0x40, s24, s25, $0xb8;
	[tilespmem:$0x50C0] =	vst v63  }
0xf5: {  	s1 =	sadd.s32 s5, s1;
	_ =	swait.ge [sflag:s20], $0x2000  }
0xf6: {  	s1 =	sshrl.u32 s1, $0x3;
	[sflag:s20] =	ssyncset.done $0x0  }
0xf7: {  	s30 =	simm.s32 $0x0;
	s19 =	sadd.s32 s11, s1;
	[sflag:s20] =	ssyncadd.s32 $0xFFFFE000  }
0xf8: {  	[hbm4b:s19+s30] =	stream.linear.scatter [tilespmem:s26], [sflag:$0x3], $0x2000, $0x38;
	[tilespmem:$0x50C0] =	vst v63  }
0xf9: {  	s0 =	sadd.s32 $0x1, s0;
	_ =	swait.ge [sflag:s21], $0x2000  }
0xfa: {  	p0 =	sne.s32 s0, $0x20;
	[sflag:s21] =	ssyncset.done $0x0  }
.Ltmp3:
0xfb: {  	s1 =	sadd.s32 s12, s1;
	[sflag:s21] =	ssyncadd.s32 $0xFFFFE000;
	(pc) =	sbr.rel @p0 .LBB2_6-.Ltmp3, $4  }
0xfc: {  	[hbm4b:s1+s30] =	stream.linear.scatter [tilespmem:s29], [sflag:$0x2], $0x2000, $0x38;
	[tilespmem:$0x50C0] =	vst v63  }
0xfd: {  	_ =	swait.ge [sflag:s28], $0x2000  }
0xfe: {  	[sflag:s28] =	ssyncset.done $0x0  }
0xff: {  	[sflag:s28] =	ssyncadd.s32 $0xFFFFE000  }
0x100: {  	s1 =	rddreg [dreg:$0x6]  }
0x101: {  	s0 =	rddreg [dreg:$0x5];
	s1 =	sadd.s32 $0x1, s1  }
0x102: {  	p0 =	sne.s32 s1, s0  }
.Ltmp4:
0x103: {  	_ = 	snop;
	(pc) =	sbr.rel @p0 .LBB2_1-.Ltmp4, $2  }
0x104: {  	_ =	sdelay $0x2  }
0x105: {  	s5 =	rddreg [dreg:$0x0]  }
0x106: {  	_ =	sfence.sel $0x180000  }
0x107: {  	[bflag:$0x0] =	sbarrier.arrive $0xFFFF  }
0x108: {  	_ =	strace $0x90000047  }
0x109: {  	s0 =	stileid.u32;
	[bflag:$0x2] =	sbarrier.arrive $0xFFFF  }
0x10a: {  	p0 =	sne.s32 s0, $0x0;
	s0 =	rddreg [dreg:$0x2]  }
0x10b: {  	s0 =	sadd.s32 @!p0 $0x100000, s0  }
0x10c: {  	[sflag:s0] =	ssyncadd.tile.s32 @!p0 $0x1;
	_ =	shalt  }
.Lfunc_end2:
_tile_overlayer_lowered:
.L_overlay_start_2:
0x10d: {  	(tag) =	ssettag $0x2  }
0x10e: {  	s0 =	rddreg [dreg:$0x0];
	s2 =	stileid.u32  }
0x10f: {  	s1 =	rddreg [dreg:$0x1];
	p0 =	sne.s32 s2, $0x0  }
0x110: {  	s3 =	rddreg [dreg:$0x2];
	[bflag:$0x3] =	sbarrier.arrive $0xFFFF;
	s2 =	simm.s32 @!p0 $0x1C02  }
0x111: {  	[timem:s3], [sflag:s2] =	dma.local @!p0 [hbm:s0], s1  }
0x112: {  	s0 =	simm.s32 @!p0 $0x2  }
0x113: {  	_ =	swait.ge @!p0 [sflag:s0], s1  }
0x114: {  	s1 =	ssub.s32 @!p0 $0x0, s1;
	[sflag:s0] =	ssyncset.done @!p0 $0x0  }
0x115: {  	[sflag:s0] =	ssyncadd.s32 @!p0 s1  }
0x116: {  	[bflag:$0x3] =	sbarrier.arrive $0xFFFF  }
0x117: {  	_ =	shalt  }

// kernel: scatter_offload_async_start.1
scs
__scs_entry_jumppad:
0x0: {  	(pc) =	sbr.rel $0x88, $3  }
0x1: {  	(tag) =	ssettag $0x0;
	lr =	simm.s32 $0x1  }
0x2: {  	[smem:$0x3F9D] =	sst lr;
	_ =	strace $0xD0000000  }
0x3: {  	_ = 	snop  }
0x4: {  	_ = 	snop  }
0x5: {  	_ = 	snop  }
0x6: {  	_ = 	snop  }
0x7: {  	_ = 	snop  }
__scs_overlays_trampoline_lowered:
0x8: {  	[smem:$0x3FAC] =	sst s0  }
0x9: {  	[smem:$0x3FAD] =	sst s1  }
0xa: {  	[smem:$0x3FAE] =	sst s2  }
0xb: {  	[smem:$0x3FAF] =	sst s3  }
0xc: {  	[smem:$0x3FB0] =	sst s4  }
0xd: {  	[smem:$0x3FB1] =	sst s5  }
0xe: {  	[smem:$0x3FB2] =	sst s6  }
0xf: {  	[smem:$0x3FB3] =	sst s7  }
0x10: {  	[smem:$0x3FB4] =	sst s8  }
0x11: {  	[smem:$0x3FB5] =	sst s9;
	s0 =	simm.s32 @!p0 $0x0  }
0x12: {  	s1 =	sld [smem:$0x3F9B];
	s0 =	simm.s32 @p0 $0x1  }
0x13: {  	[smem:$0x3FB6] =	sst s0;
	s0 =	simm.s32 @!p1 $0x0  }
0x14: {  	s2 =	sld [smem:$0x3F9A];
	s0 =	simm.s32 @p1 $0x1  }
0x15: {  	[smem:$0x3FB7] =	sst s0;
	s0 =	simm.s32 @!p2 $0x0  }
0x16: {  	s3 =	sld [smem:$0x3FDB];
	s0 =	simm.s32 @p2 $0x1  }
0x17: {  	s4 =	simm.s32 $0x1BF5;
	[smem:$0x3FB9] =	sst s0  }
0x18: {  	s0 =	sld [smem:$0x3F9C];
	_ =	swait.ge [sflag:s4], $0x0  }
0x19: {  	s7 =	sld [smem:$0x3F9D]  }
0x1a: {  	s8 =	sadd.s32 $0xFFFFE003, lr  }
0x1b: {  	s9 =	sadd.s32 $0xFFFFFEF7, lr;
	s5 =	simm.s32 $0xFFFFFFFF;
	p2 =	slt.u32 s8, $0xFFFFF086  }
0x1c: {  	p1 =	slt.u32 s9, $0xF7A;
	s5 =	simm.s32 @!p2 $0x0  }
0x1d: {  	s5 =	simm.s32 @p1 $0x1;
	p0 =	seq.s32 s7, s2  }
0x1e: {  	s7 =	smul.u32 @!p0 $0xF7A, s2;
	p2 =	seq.s32 @!p0 s5, $0x0  }
0x1f: {  	s9 =	smul.u32 $0xF7A, s1;
	s8 =	simm.s32 @!p0 $0x1BF5;
	p2 =	por !p2, p0  }
0x20: {  	[sflag:s8] =	ssyncset.s32 @!p0 $0xFFFFF086;
	s6 =	sadd.s32 @!p0 s3, s7;
	s7 =	simm.s32 @!p0 $0x108  }
0x21: {  	s3 =	sadd.s32 s3, s9;
	s6 =	sadd.s32 @!p0 $0x88, s6;
	s7 =	simm.s32 @p2 $0x1082  }
0x22: {  	[simem:s7], [sflag:s8] =	dma.local @!p0 [hbm:s6], $0xF7A  }
0x23: {  	s9 =	sor.u32 $0xD0000000, s2;
	s6 =	simm.s32 $0x108;
	_ =	swait.ge @!p0 [sflag:s8], $0x0  }
0x24: {  	s3 =	sadd.s32 $0x88, s3;
	s6 =	simm.s32 @!p1 $0x1082;
	[sflag:s4] =	ssyncset.s32 $0xFFFFF086  }
0x25: {  	[simem:s6], [sflag:s4] =	dma.local [hbm:s3], $0xF7A  }
0x26: {  	[smem:$0x3F9D] =	sst s1;
	(tag) =	ssettag s2;
	_ =	strace s9  }
0x27: {  	s1 =	sld [smem:$0x3FAD]  }
0x28: {  	s2 =	sld [smem:$0x3FAE]  }
0x29: {  	s4 =	sld [smem:$0x3FB0]  }
0x2a: {  	p0 =	seq.s32 s5, $0x0;
	s5 =	sld [smem:$0x3FB1]  }
0x2b: {  	s6 =	sld [smem:$0x3FB2]  }
0x2c: {  	s7 =	sld [smem:$0x3FB3]  }
0x2d: {  	s3 =	simm.s32 $0x108;
	s8 =	sld [smem:$0x3FB4]  }
0x2e: {  	s3 =	simm.s32 @!p0 $0x1082;
	s9 =	sld [smem:$0x3FB5]  }
0x2f: {  	lr =	sadd.s32 s0, s3;
	s0 =	sld [smem:$0x3FAC]  }
0x30: {  	s3 =	sld [smem:$0x3FAF]  }
0x31: {  	[smem:$0x3FB8] =	sst s10  }
0x32: {  	s10 =	sld [smem:$0x3FB6];
	_ =	sdelay $0x3  }
0x33: {  	p0 =	seq.s32 s10, $0x1;
	s10 =	sld [smem:$0x3FB8];
	_ =	sdelay $0x3  }
0x34: {  	[smem:$0x3FB8] =	sst s10  }
0x35: {  	s10 =	sld [smem:$0x3FB7];
	_ =	sdelay $0x3  }
0x36: {  	p1 =	seq.s32 s10, $0x1;
	s10 =	sld [smem:$0x3FB8];
	_ =	sdelay $0x3  }
0x37: {  	[smem:$0x3FB8] =	sst s10  }
0x38: {  	s10 =	sld [smem:$0x3FB9]  }
0x39: {  	_ = 	snop;
	(pc) =	sbr.ind lr, $3  }
0x3a: {  	_ = 	snop  }
0x3b: {  	_ = 	snop  }
0x3c: {  	p2 =	seq.s32 s10, $0x1;
	s10 =	sld [smem:$0x3FB8]  }
0x3d: {  	_ =	shalt  }
0x3e: {  	_ =	shalt  }
0x3f: {  	_ =	shalt  }
0x40: {  	_ =	shalt  }
0x41: {  	_ =	shalt  }
0x42: {  	_ =	shalt  }
0x43: {  	_ =	shalt  }
0x44: {  	_ =	shalt  }
0x45: {  	_ =	shalt  }
0x46: {  	_ =	shalt  }
0x47: {  	_ =	shalt  }
0x48: {  	_ =	shalt  }
0x49: {  	_ =	shalt  }
0x4a: {  	_ =	shalt  }
0x4b: {  	_ =	shalt  }
0x4c: {  	_ =	shalt  }
0x4d: {  	_ =	shalt  }
0x4e: {  	_ =	shalt  }
0x4f: {  	_ =	shalt  }
0x50: {  	_ =	shalt  }
0x51: {  	_ =	shalt  }
0x52: {  	_ =	shalt  }
0x53: {  	_ =	shalt  }
0x54: {  	_ =	shalt  }
0x55: {  	_ =	shalt  }
0x56: {  	_ =	shalt  }
0x57: {  	_ =	shalt  }
0x58: {  	_ =	shalt  }
0x59: {  	_ =	shalt  }
0x5a: {  	_ =	shalt  }
0x5b: {  	_ =	shalt  }
0x5c: {  	_ =	shalt  }
0x5d: {  	_ =	shalt  }
0x5e: {  	_ =	shalt  }
0x5f: {  	_ =	shalt  }
0x60: {  	_ =	shalt  }
0x61: {  	_ =	shalt  }
0x62: {  	_ =	shalt  }
0x63: {  	_ =	shalt  }
0x64: {  	_ =	shalt  }
0x65: {  	_ =	shalt  }
0x66: {  	_ =	shalt  }
0x67: {  	_ =	shalt  }
0x68: {  	_ =	shalt  }
0x69: {  	_ =	shalt  }
0x6a: {  	_ =	shalt  }
0x6b: {  	_ =	shalt  }
0x6c: {  	_ =	shalt  }
0x6d: {  	_ =	shalt  }
0x6e: {  	_ =	shalt  }
0x6f: {  	_ =	shalt  }
0x70: {  	_ =	shalt  }
0x71: {  	_ =	shalt  }
0x72: {  	_ =	shalt  }
0x73: {  	_ =	shalt  }
0x74: {  	_ =	shalt  }
0x75: {  	_ =	shalt  }
0x76: {  	_ =	shalt  }
0x77: {  	_ =	shalt  }
0x78: {  	_ =	shalt  }
0x79: {  	_ =	shalt  }
0x7a: {  	_ =	shalt  }
0x7b: {  	_ =	shalt  }
0x7c: {  	_ =	shalt  }
0x7d: {  	_ =	shalt  }
0x7e: {  	_ =	shalt  }
0x7f: {  	_ =	shalt  }
0x80: {  	_ =	shalt  }
0x81: {  	_ =	shalt  }
0x82: {  	_ =	shalt  }
0x83: {  	_ =	shalt  }
0x84: {  	_ =	shalt  }
0x85: {  	_ =	shalt  }
0x86: {  	_ =	shalt  }
0x87: {  	_ =	shalt  }
.Lfunc_end0:
.L_simem_size_0:
called_computation.1_lowered:
.L_overlay_start_0:
0x88: {  	s2 =	sld [smem:$0x3FD9]  }
0x89: {  	s3 =	sld [smem:$0x3FFE];
	_ =	sdelay $0x1  }
0x8a: {  	s1 =	srdreg.scid  }
0x8b: {  	s0 =	sand.u32 $0x1, s1  }
0x8c: {  	s13 =	sshll.u32 s0, $0xA;
	s2 =	sadd.s32 s3, s2  }
0x8d: {  	s2 =	sadd.s32 s2, s13  }
0x8e: {  	[smem:$0x3FC4] =	sst s2  }
0x8f: {  	_ = 	snop  }
0x90: {  	s2 =	sld [smem:$0x3FD0];
	_ =	sdelay $0x2  }
0x91: {  	s14 =	simm.s32 $0xB;
	s4 =	simm.s32 $0x10  }
0x92: {  	[smem:s4], [sflag:s14] =	dma.local [hbm:s2], $0x1  }
0x93: {  	_ =	swait.eq [sflag:s14], $0x1  }
0x94: {  	[sflag:s14] =	ssyncset.done $0x0  }
0x95: {  	[sflag:s14] =	ssyncadd.s32 $0xFFFFFFFF  }
0x96: {  	s15 =	sld [smem:$0x10];
	(tm) =	ssettm $0x1  }
0x97: {  	s16 =	sld [smem:$0x3FFB];
	_ =	sdelay $0x3  }
0x98: {  	_ =	strace s16  }
0x99: {  	s3 =	sld [smem:$0x3FFC];
	_ =	sdelay $0x3  }
0x9a: {  	_ =	strace s3  }
0x9b: {  	s3 =	sld [smem:$0x3FFD];
	_ =	sdelay $0x3  }
0x9c: {  	_ =	strace s3  }
0x9d: {  	_ =	strace $0x8FFFFFFF  }
0x9e: {  	s17 =	sld [smem:$0x3FDB];
	_ =	sdelay $0x1  }
0x9f: {  	s18 =	simm.s32 $_scs_section_size  }
0xa0: {  	s5 =	simm.s32 $_size__tile_overlayer_lowered;
	s6 =	simm.s32 $_tile_overlayer_lowered  }
0xa1: {  	s21 =	simm.s32 $0x1BFF;
	s20 =	sshll.u32 s6, $0x1;
	s3 =	sadd.s32 s18, s17  }
0xa2: {  	s7 =	simm.s32 $0x0;
	s19 =	sshll.u32 s5, $0x1;
	s5 =	sadd.s32 s20, s3  }
0xa3: {  	[timem:s7], [sflag:s21] =	dma.local [hbm:s5], s19  }
0xa4: {  	_ =	swait.ge [sflag:s21], s19  }
0xa5: {  	s4 =	ssub.s32 $0x0, s19;
	[sflag:s21] =	ssyncset.done $0x0  }
0xa6: {  	[sflag:s21] =	ssyncadd.s32 s4;
	_ =	sdelay $0x1  }
0xa7: {  	s22 =	simm.s32 $0x1B8B  }
0xa8: {  	_ =	swait.ge [sflag:s22], $0x1  }
0xa9: {  	[sflag:s22] =	ssyncset.done $0x0  }
0xaa: {  	s23 =	sld [smem:$0x3FFE];
	[sflag:s22] =	ssyncadd.s32 $0xFFFFFFFF  }
0xab: {  	s25 =	simm.s32 $0x1B8E;
	s24 =	sld [smem:$0x0]  }
0xac: {  	s26 =	simm.s32 $execute0_lowered;
	[smem:$0x3FD2] =	sst s25  }
0xad: {  	s6 =	sshll.u32 s26, $0x1;
	_ =	strace $0x80000049;
	[dreg:$0x1] =	wrdreg $0xFFFFFFFF  }
0xae: {  	s28 =	simm.s32 $_size_execute0_lowered;
	s3 =	sadd.s32 s3, s6;
	[dreg:$0x0] =	wrdreg $0x0  }
0xaf: {  	s6 =	sshll.u32 s28, $0x1;
	[dreg:$0x2] =	wrdreg s3  }
0xb0: {  	[dreg:$0x3] =	wrdreg s6  }
0xb1: {  	[dreg:$0x4] =	wrdreg $0xC0  }
0xb2: {  	_ =	task [dreg:s7], $0x5FFFF  }
0xb3: {  	[dreg:$0x1] =	wrdreg $0xFFFFFFFF  }
0xb4: {  	[dreg:$0x0] =	wrdreg $0x60  }
0xb5: {  	[dreg:$0x2] =	wrdreg s23  }
0xb6: {  	[dreg:$0x3] =	wrdreg s15  }
0xb7: {  	[dreg:$0x4] =	wrdreg s1  }
0xb8: {  	[dreg:$0x5] =	wrdreg s24  }
0xb9: {  	[dreg:$0x6] =	wrdreg $0xA  }
0xba: {  	_ =	task.clear_ibuf [dreg:s7], $0x7FFFF;
	_ =	strace $0x90000049  }
0xbb: {  	s29 =	simm.s32 $0xA;
	_ =	strace $0x8000004B  }
0xbc: {  	_ =	swait.ge [sflag:s29], $0x1  }
0xbd: {  	[sflag:s29] =	ssyncadd.s32 $0xFFFFFFFF  }
0xbe: {  	_ =	strace $0x9000004B  }
0xbf: {  	_ =	sfence  }
0xc0: {  	s30 =	sld [smem:$0x0];
	_ =	sdelay $0x2  }
0xc1: {  	s31 =	sshll.u32 s1, $0xD;
	s1 =	sshrl.u32 s1, $0x2  }
0xc2: {  	s3 =	sand.u32 $0x4000, s31;
	s1 =	sadd.s32 s1, s30  }
0xc3: {  	s0 =	sor.u32 s3, s0;
	s1 =	sshll.u32 s1, $0x11  }
0xc4: {  	s0 =	sor.u32 s1, s0  }
0xc5: {  	s0 =	sadd.s32 $0x8F2B, s0  }
0xc6: {  	[sflag:s0] =	ssyncadd.remote.s32 $0x1  }
0xc7: {  	_ =	sfence.sel $0xFFFF  }
0xc8: {  	[dreg:$0x0] =	wrdreg $0xFFFFFFFF;
	(pc) =	sbr.abs _section_cstart, $3  }
0xc9: {  	[dreg:$0x1] =	wrdreg $0xFFFFFFFF  }
0xca: {  	_ =	task.clear_ibuf [dreg:s7], $0x2FFFF;
	_ =	strace $0x9FFFFFFF  }
0xcb: {  	(tm) =	ssettm $0x7FFFFFFF  }
tec
execute0_lowered:
.L_overlay_start_1:
0x0: {  	(tag) =	ssettag $0x1  }
0x1: {  	s2 =	rddreg [dreg:$0x0]  }
0x2: {  	s0 =	rddreg [dreg:$0x1]  }
0x3: {  	s3 =	rddreg [dreg:$0x2];
	_ =	strace $0x8000004A;
	s1 =	simm.s32 $0x1  }
0x4: {  	s4 =	simm.s32 $0x88;
	v0 =	vimm.s32 $0x0;
	[sflag:s1] =	ssyncpa.u1 $0x0  }
0x5: {  	s1 =	sadd.s32 $0x305800, s2;
	[tilespmem:s4+$0x30] =	vst v0  }
0x6: {  	s6 =	sadd.s32 $0x700000, s2;
	s3 =	sand.u32 $0x1, s3;
	s14 =	sadd.s32 $0x1000, s2;
	[tilespmem:s4+$0x20] =	vst v0  }
0x7: {  	s2 =	simm.s32 $0x40;
	[dreg:$0x5] =	wrdreg s3;
	s15 =	sshll.u32 s3, $0xD;
	[tilespmem:s4+$0x10] =	vst v0  }
.LBB2_1:
0x8: {  	s2 =	sadd.s32 $0x40, s2  }
0x9: {  	[tilespmem:s4+$0x0] =	vst v0;
	s4 =	sadd.s32 $0x40, s4;
	p0 =	slt.u32 s2, $0x5040  }
.Ltmp0:
0xa: {  	(pc) =	sbr.rel @p0 .LBB2_1-.Ltmp0, $4  }
0xb: {  	_ = 	snop  }
0xc: {  	[tilespmem:s4+$0x30] =	vst v0  }
0xd: {  	[tilespmem:s4+$0x20] =	vst v0  }
0xe: {  	[tilespmem:s4+$0x10] =	vst v0  }
0xf: {  	s9 =	stileid.u32  }
0x10: {  	s2 =	smul.u32 $0xC, s9  }
0x11: {  	s3 =	smin.u32 s9, $0xD  }
0x12: {  	s2 =	sadd.s32 s3, s2  }
0x13: {  	p0 =	slt.u32 s9, $0xD;
	s7 =	smul.u32 $0x140, s2;
	s2 =	simm.s32 $0x1040  }
0x14: {  	s2 =	simm.s32 @!p0 $0xF00  }
0x15: {  	s2 =	sadd.s32 s2, s7  }
0x16: {  	s8 =	smin.u32 s2, $0x10000  }
0x17: {  	s2 =	ssub.s32 s8, s7  }
0x18: {  	p0 =	sgt.s32 s2, $0x0  }
0x19: {  	s28 =	simm.s32 $0x2;
	s30 =	simm.s32 $0x9;
	s2 =	simm.s32 @!p0 $0x0  }
0x1a: {  	s31 =	simm.s32 $0xA;
	s11 =	simm.s32 $0xB;
	s29 =	smulhi.u32 $0x66666667, s2  }
0x1b: {  	s12 =	simm.s32 $0x1;
	s14 =	sadd.s32 s15, s14;
	s15 =	sadd.s32 s15, s0  }
0x1c: {  	s18 =	simm.s32 $0x0;
	p1 =	por $0x0, $0x0;
	s3 =	sshrl.u32 s29, $0x7  }
0x1d: {  	s19 =	simm.s32 $0xC;
	s23 =	simm.s32 $0x0;
	s5 =	smul.u32 $0x140, s3  }
.Ltmp1:
0x1e: {  	[tilespmem:s4+$0x0] =	vst v0;
	v0 =	vimm.s32 $0xFFFFFFFF;
	s20 =	simm.s32 $0x0;
	[sflag:s28] =	ssyncpa.u1 $0x0;
	(pc) =	sbr.rel .LBB2_3-.Ltmp1, $4  }
0x1f: {  	[tilespmem:$0xA108] =	vst v0;
	[sflag:s30] =	ssyncpa.u1 $0x0;
	p0 =	sne.s32 s2, s5;
	s2 =	simm.s32 $0x1  }
0x20: {  	s22 =	simm.s32 $0x0;
	[sflag:s31] =	ssyncpa.u1 $0x0;
	s2 =	simm.s32 @!p0 $0x0  }
0x21: {  	s16 =	sshll.u32 s9, $0x7;
	[sflag:s11] =	ssyncpa.u1 $0x0;
	s13 =	sadd.s32 s2, s3  }
0x22: {  	v0 =	vlaneseq.u32;
	s21 =	smov.u32 s7;
	p0 =	por $0x1, $0x1;
	s17 =	sadd.s32 $0x1, s13  }
.LBB2_24:
0x23: {  	s0 =	sshrl.u32 s0, $0x2  }
.LBB2_26:
0x24: {  	_ =	swait.ge [sflag:s19], s0  }
0x25: {  	s30 =	ssub.s32 $0x0, s0;
	v1 =	vmov s25;
	vm0 =	veq.s32 v0, $0x0;
	[sflag:s19] =	ssyncset.done $0x0  }
0x26: {  	vm15 =	veq.s32 v0, $0x2;
	v1 =	vsel vm0, s31, v1;
	[sflag:s19] =	ssyncadd.s32 s30  }
0x27: {  	v1 =	vsel vm15, s23, v1;
	[sflag:s19] =	ssyncpa.u1 $0x1  }
0x28: {  	[tilespmem:$0xA108] =	vst v1  }
.LBB2_27:
0x29: {  	s0 =	sadd.s32 $0x140, s21  }
0x2a: {  	s2 =	smov.u32 s7;
	p2 =	slt.s32 s0, s8  }
0x2b: {  	s2 =	smov.u32 @p2 s0;
	p2 =	sne.s32 s22, s17  }
.Ltmp2:
0x2c: {  	_ = 	snop;
	(pc) =	sbr.rel @!p2 .LBB2_28-.Ltmp2, $4  }
0x2d: {  	_ = 	snop  }
0x2e: {  	s23 =	smov.u32 s20  }
0x2f: {  	s31 =	sadd.s32 $0x1, s22;
	s20 =	smov.u32 s21;
	p0 =	por !p0, !p0  }
0x30: {  	p1 =	por !p1, !p1;
	s22 =	smov.u32 s31;
	s21 =	smov.u32 s2  }
.LBB2_3:
0x31: {  	p2 =	sge.u32 s22, s13  }
0x32: {  	s0 =	smulhi.u32 @!p2 $0xAAAAAAAB, s22  }
0x33: {  	s2 =	smov.u32 s21;
	p3 =	sgt.s32 @!p2 s21, $0xFEC0  }
0x34: {  	s3 =	sshra.s32 @!p2 s21, $0x1F;
	p3 =	por !p3, p2;
	s0 =	sshrl.u32 @!p2 s0, $0x1  }
0x35: {  	s3 =	sand.u32 @!p2 s3, s21;
	s2 =	simm.s32 @p3 $0xFEC0;
	s0 =	smul.u32 @!p2 $0x3, s0  }
0x36: {  	s2 =	ssub.s32 @!p2 s2, s3  }
0x37: {  	s2 =	sadd.s32 @!p2 $0xFFFF0140, s2;
	s0 =	ssub.s32 @!p2 s22, s0  }
0x38: {  	s3 =	sshll.u32 @!p2 s2, $0x2;
	p3 =	sgt.s32 @!p2 s2, $0x13F;
	s0 =	smul.u32 @!p2 $0x500, s0  }
0x39: {  	s4 =	sand.u32 @!p2 $0x7, s21;
	s2 =	ssub.s32 @!p2 $0x500, s3;
	p3 =	por !p3, p2  }
0x3a: {  	s3 =	sshrl.u32 @!p2 s21, $0x3;
	s2 =	sshrl.u32 @!p2 s2, $0x2;
	s0 =	sshrl.u32 @!p2 s0, $0x2  }
0x3b: {  	s3 =	sadd.s32 @!p2 s3, s14;
	s2 =	simm.s32 @!p3 $0x0;
	s0 =	sadd.s32 @!p2 $0xA948, s0  }
0x3c: {  	[tilespmem:s0], [sflag:$0xA] =	stream.linear.gather @!p2 [hbm4b:s3+s4], s2, $0x38;
	[tilespmem:$0x1EF88] =	vst v63  }
0x3d: {  	s4 =	sadd.s32 $0xFFFFFFFF, s22  }
0x3e: {  	p2 =	sge.u32 s4, s13  }
0x3f: {  	p3 =	sgt.s32 @!p2 s20, $0xFEC0  }
0x40: {  	s0 =	smov.u32 s20;
	s2 =	sshra.s32 @!p2 s20, $0x1F;
	p3 =	por !p3, p2  }
0x41: {  	s2 =	sand.u32 @!p2 s2, s20;
	s0 =	simm.s32 @p3 $0xFEC0  }
0x42: {  	s0 =	ssub.s32 @!p2 s0, s2  }
0x43: {  	s0 =	sadd.s32 @!p2 $0xFFFF0140, s0  }
0x44: {  	s2 =	sshll.u32 @!p2 s0, $0x2  }
0x45: {  	p3 =	sgt.s32 @!p2 s0, $0x13F;
	s0 =	ssub.s32 @!p2 $0x500, s2  }
0x46: {  	p3 =	por !p3, p2;
	s0 =	sshrl.u32 @!p2 s0, $0x2  }
0x47: {  	s3 =	simm.s32 @!p2 $0xA;
	s2 =	sand.u32 @!p2 $0x1, s4;
	s0 =	simm.s32 @!p3 $0x0  }
0x48: {  	s2 =	smul.u32 @!p2 $0x500, s2;
	_ =	swait.ge @!p2 [sflag:s3], s0  }
0x49: {  	s5 =	ssub.s32 @!p2 $0x0, s0;
	[sflag:s3] =	ssyncset.done @!p2 $0x0  }
0x4a: {  	s2 =	sshrl.u32 @!p2 s2, $0x2;
	[sflag:s3] =	ssyncadd.s32 @!p2 s5;
	s3 =	sshrl.u32 @!p2 s20, $0x3  }
0x4b: {  	s2 =	sadd.s32 @!p2 $0xAD08, s2;
	s5 =	sand.u32 @!p2 $0x7, s20;
	s3 =	sadd.s32 @!p2 s3, s15  }
0x4c: {  	[tilespmem:s2], [sflag:$0xB] =	stream.linear.gather @!p2 [hbm4b:s3+s5], s0, $0x38;
	[tilespmem:$0x1EF88] =	vst v63  }
0x4d: {  	s0 =	ssub.s32 @!p2 $0x10000, s20  }
0x4e: {  	p3 =	slt.s32 @!p2 s0, $0x1  }
0x4f: {  	p3 =	por p2, p3  }
.Ltmp3:
0x50: {  	_ = 	snop;
	(pc) =	sbr.rel @p3 .LBB2_9-.Ltmp3, $1  }
0x51: {  	_ =	sdelay $0x3  }
0x52: {  	s2 =	smulhi.u32 $0xAAAAAAAB, s4;
	_ =	sdelay $0x1  }
0x53: {  	s2 =	sshrl.u32 s2, $0x1  }
0x54: {  	s2 =	smul.u32 $0x3, s2;
	_ =	sdelay $0x1  }
0x55: {  	s2 =	ssub.s32 s4, s2  }
0x56: {  	s3 =	simm.s32 $0x1;
	s2 =	smul.u32 $0x500, s2  }
.Ltmp4:
0x57: {  	s3 =	simm.s32 @!p0 $0x0;
	(pc) =	sbr.rel .LBB2_6-.Ltmp4, $4  }
0x58: {  	s3 =	smul.u32 $0x28000, s3  }
0x59: {  	p3 =	slt.s32 @!p2 s0, $0x140;
	s2 =	sshrl.u32 s2, $0x2  }
0x5a: {  	p2 =	por !p3, p2;
	s3 =	sshrl.u32 s3, $0x2;
	s2 =	sadd.s32 $0xA948, s2  }
0x5b: {  	s24 =	simm.s32 $0x0;
	s0 =	simm.s32 @p2 $0x140;
	s4 =	sadd.s32 $0xAF88, s3;
	v1 =	vmov s2  }
.LBB2_5:
0x5c: {  	p2 =	sge.s32 s24, s0  }
.Ltmp5:
0x5d: {  	_ = 	snop;
	(pc) =	sbr.rel @p2 .LBB2_9-.Ltmp5, $2  }
0x5e: {  	_ =	sdelay $0x2  }
0x5f: {  	s4 =	sadd.s32 $0x800, s4  }
.LBB2_6:
0x60: {  	p2 =	sle.s32 s0, s24  }
.Ltmp6:
0x61: {  	_ = 	snop;
	(pc) =	sbr.rel @p2 .LBB2_5-.Ltmp6, $2  }
0x62: {  	_ =	sdelay $0x2  }
0x63: {  	s5 =	smov.u32 s24;
	s24 =	sadd.s32 $0x10, s24  }
0x64: {  	s2 =	ssub.s32 s0, s5  }
0x65: {  	p2 =	slt.s32 s2, $0x10  }
0x66: {  	s2 =	simm.s32 @!p2 $0x10  }
0x67: {  	v2 =	vmov s2  }
0x68: {  	vm0 =	vgt.s32 v2, v0;
	_ =	sdelay $0x5  }
0x69: {  	v2 =	vld.idx.msk [tilespmem:v1+s5+$0x0 ss:$0x1], vm0;
	_ =	sdelay $0x2  }
0x6a: {  	p2 =	slt.s32 s24, s0;
	s2 =	smov.u32 s0  }
0x6b: {  	s3 =	smov.u32 s4;
	s25 =	simm.s32 $0x0;
	s2 =	smov.u32 @p2 s24  }
.LBB2_8:
0x6c: {  	(v2sf) =	vpush v2, s25;
	_ =	sdelay $0xc  }
0x6d: {  	s25 =	sadd.s32 $0x1, s25  }
0x6e: {  	s31 =	sadd.s32 s25, s5  }
0x6f: {  	p2 =	slt.s32 s31, s2;
	s9 =	spop (v2sf)  }
.Ltmp7:
0x70: {  	s9 =	sshll.u32 s9, $0x4;
	(pc) =	sbr.rel @p2 .LBB2_8-.Ltmp7, $4  }
0x71: {  	s9 =	sand.u32 $0x1FFFFFF0, s9  }
0x72: {  	s9 =	sadd.s32 s6, s9  }
0x73: {  	[tilespmem:s3], [sflag:$0x9] =	stream.linear.gather [hbm4b:s9+s18], $0x40, $0x38;
	[tilespmem:$0x1EF88] =	vst v63  }
0x74: {  	s3 =	sadd.s32 $0x80, s3  }
.Ltmp8:
0x75: {  	_ = 	snop;
	(pc) =	sbr.rel .LBB2_5-.Ltmp8, $1  }
0x76: {  	_ =	sdelay $0x3  }
.LBB2_9:
0x77: {  	p2 =	slt.u32 s22, $0x2  }
.Ltmp9:
0x78: {  	_ = 	snop;
	(pc) =	sbr.rel @p2 .LBB2_27-.Ltmp9, $1  }
0x79: {  	_ =	sdelay $0x3  }
0x7a: {  	p2 =	sgt.s32 s23, $0xFEC0  }
0x7b: {  	s0 =	smov.u32 s23;
	s2 =	sshra.s32 s23, $0x1F;
	s3 =	ssub.s32 $0x10000, s23  }
0x7c: {  	s0 =	simm.s32 @!p2 $0xFEC0;
	s2 =	sand.u32 s2, s23;
	p2 =	slt.s32 s3, $0x140  }
0x7d: {  	s0 =	ssub.s32 s0, s2;
	s3 =	simm.s32 @!p2 $0x140  }
0x7e: {  	s0 =	sadd.s32 $0xFFFF0140, s0;
	s10 =	sshll.u32 s3, $0x6  }
0x7f: {  	s26 =	simm.s32 $0x9;
	s24 =	sshll.u32 s0, $0x2;
	s2 =	sand.u32 $0x3FFFFFC0, s10  }
0x80: {  	p2 =	sgt.s32 s0, $0x13F;
	s25 =	ssub.s32 $0x500, s24;
	_ =	swait.ge [sflag:s26], s2  }
0x81: {  	s2 =	ssub.s32 $0x0, s2;
	[sflag:s26] =	ssyncset.done $0x0;
	s0 =	sshrl.u32 s25, $0x2  }
0x82: {  	[sflag:s26] =	ssyncadd.s32 s2;
	s0 =	simm.s32 @p2 $0x0  }
0x83: {  	_ =	swait.ge [sflag:s11], s0  }
0x84: {  	s0 =	ssub.s32 $0x0, s0;
	[sflag:s11] =	ssyncset.done $0x0  }
0x85: {  	[sflag:s11] =	ssyncadd.s32 s0  }
0x86: {  	v1 =	vld [tilespmem:$0xA108];
	_ =	sdelay $0x4  }
0x87: {  	(v2sf) =	vpush v1, $0x0  }
0x88: {  	(v2sf) =	vpush v1, $0x1  }
0x89: {  	(v2sf) =	vpush v1, $0x2;
	_ =	sdelay $0x3  }
0x8a: {  	s0 =	sadd.s32 $0x140, s23  }
0x8b: {  	s2 =	ssub.s32 $0x20000, s23;
	p2 =	slt.s32 s8, s0  }
0x8c: {  	s0 =	smov.u32 @p2 s8;
	p2 =	sgt.s32 s2, $0x0  }
0x8d: {  	s0 =	ssub.s32 s0, s23;
	s2 =	simm.s32 @!p2 $0x0  }
0x8e: {  	p2 =	slt.s32 s2, s0  }
0x8f: {  	s0 =	smov.u32 @p2 s2  }
0x90: {  	s26 =	simm.s32 $0x1;
	p2 =	slt.s32 s0, $0x1  }
.Ltmp10:
0x91: {  	s26 =	simm.s32 @!p1 $0x0;
	(pc) =	sbr.rel @p2 .LBB2_14-.Ltmp10, $4  }
0x92: {  	s30 =	smul.u32 $0x500, s26  }
0x93: {  	s28 =	spop (v2sf)  }
0x94: {  	s31 =	sshrl.u32 s30, $0x2;
	s29 =	spop (v2sf)  }
0x95: {  	s24 =	sadd.s32 $0xAD08, s31;
	s23 =	spop (v2sf)  }
0x96: {  	s2 =	smin.u32 s0, $0x10  }
0x97: {  	v1 =	vmov s2  }
0x98: {  	p3 =	sgt.s32 s0, $0x10;
	vm1 =	vgt.u32 v1, v0  }
.Ltmp11:
0x99: {  	_ = 	snop;
	(pc) =	sbr.rel @!p3 .LBB2_13-.Ltmp11, $2  }
0x9a: {  	_ =	sdelay $0x2  }
0x9b: {  	s5 =	simm.s32 $0x10;
	s25 =	sadd.s32 $0xFFFFFFF0, s0;
	s4 =	smov.u32 s24;
	vm0 =	vmmov vm1  }
.LBB2_12:
0x9c: {  	s2 =	smin.u32 s25, $0x10;
	s5 =	sadd.s32 $0x10, s5;
	v1 =	vld.msk [tilespmem:s4+$0x0 ss:$0x1], vm1  }
0x9d: {  	v2 =	vmov s2;
	p3 =	slt.s32 s5, s0  }
0x9e: {  	vm1 =	vgt.u32 v2, v0  }
.Ltmp12:
0x9f: {  	(pc) =	sbr.rel @p3 .LBB2_12-.Ltmp12, $3  }
0xa0: {  	_ =	sdelay $0x1  }
0xa1: {  	v1 =	vshll.u32 v1, $0x4  }
0xa2: {  	s25 =	sadd.s32 $0xFFFFFFF0, s25;
	[tilespmem:s4+$0x0] =	vst.msk vm0, v1;
	s4 =	sadd.s32 $0x10, s4;
	vm0 =	vmmov vm1  }
.LBB2_13:
0xa3: {  	_ =	sdelay $0x4  }
0xa4: {  	v1 =	vld.msk [tilespmem:s4+$0x0 ss:$0x1], vm1;
	_ =	sdelay $0x4  }
0xa5: {  	v1 =	vshll.u32 v1, $0x4  }
0xa6: {  	[tilespmem:s4+$0x0] =	vst.msk vm0, v1  }
.LBB2_14:
0xa7: {  	s2 =	sand.u32 $0x1, s22  }
0xa8: {  	s2 =	smul.u32 $0x140, s2  }
0xa9: {  	p3 =	sne.s32 s29, $0xFFFFFFFF  }
0xaa: {  	v1 =	vld.msk @!p3 [tilespmem:s2+$0xAD08], $0x1;
	_ =	sdelay $0x4  }
0xab: {  	(v2sf) =	vpush @!p3 v1, $0x0;
	_ =	sdelay $0xc  }
.Ltmp13:
0xac: {  	_ = 	snop;
	(pc) =	sbr.rel @p2 .LBB2_25-.Ltmp13, $4  }
0xad: {  	_ = 	snop  }
0xae: {  	s30 =	spop @!p3 (v2sf)  }
0xaf: {  	s23 =	simm.s32 @!p3 $0x0;
	s25 =	smov.u32 s30  }
0xb0: {  	[sflag:s19] =	ssyncpa.u1 $0x0;
	s30 =	smov.u32 @p3 s28;
	s25 =	smov.u32 @p3 s29  }
0xb1: {  	v1 =	vld.msk [tilespmem:s24+$0x0], $0x1;
	_ =	sdelay $0x4  }
0xb2: {  	(v2sf) =	vpush v1, $0x0;
	_ =	sdelay $0xe  }
0xb3: {  	s2 =	smul.u32 $0x28000, s26;
	s4 =	spop (v2sf)  }
0xb4: {  	s28 =	ssub.s32 $0x0, s0;
	p2 =	seq.s32 s30, s4  }
0xb5: {  	s0 =	sadd.s32 $0x1, s28;
	s2 =	sshrl.u32 s2, $0x2;
	p3 =	sgt.s32 @!p2 s30, $0x0  }
0xb6: {  	s26 =	sadd.s32 $0xAFA8, s2;
	s2 =	smov.u32 s30;
	p3 =	por !p3, p2  }
0xb7: {  	s2 =	simm.s32 @p3 $0x0;
	p3 =	seq.s32 s0, $0x0  }
.Ltmp14:
0xb8: {  	_ = 	snop;
	(pc) =	sbr.rel @p3 .LBB2_17-.Ltmp14, $4  }
0xb9: {  	_ = 	snop  }
0xba: {  	s29 =	simm.s32 $0x0;
	s5 =	simm.s32 @!p2 $0x1;
	s3 =	smin.u32 @!p2 s2, $0x1FFFF8  }
0xbb: {  	s31 =	sadd.s32 $0x1, s24;
	s5 =	smov.u32 @p2 s29;
	s9 =	sand.u32 @!p2 $0x1FFFF8, s3  }
0xbc: {  	s2 =	simm.s32 @!p2 $0x50C8;
	s3 =	sand.u32 @!p2 $0x7, s3;
	s9 =	sadd.s32 @!p2 s1, s9  }
.LBB2_16:
0xbd: {  	s10 =	smov.u32 s5  }
0xbe: {  	[tilespmem:s2], [sflag:$0x2] =	stream.linear.gather @!p2 [hbm4b:s9+s3], $0x40, $0x38;
	[tilespmem:$0x1EF88] =	vst v63  }
0xbf: {  	s0 =	sadd.s32 $0x1, s0;
	s3 =	smov.u32 s4;
	v1 =	vld.msk [tilespmem:s31+$0x0], $0x1  }
0xc0: {  	p3 =	seq.s32 s0, $0x0;
	_ =	sdelay $0x3  }
0xc1: {  	(v2sf) =	vpush v1, $0x0;
	_ =	sdelay $0xe  }
0xc2: {  	s4 =	spop (v2sf)  }
0xc3: {  	p2 =	seq.s32 s3, s4  }
0xc4: {  	p4 =	sgt.s32 @!p2 s3, $0x0;
	s2 =	sshll.u32 @!p2 s5, $0x8;
	s5 =	sadd.s32 @!p2 $0x1, s5  }
.Ltmp15:
0xc5: {  	p4 =	por !p4, p2;
	s2 =	sshra.s32 @!p2 s2, $0x2;
	(pc) =	sbr.rel @!p3 .LBB2_16-.Ltmp15, $4  }
0xc6: {  	s5 =	smov.u32 @p2 s10;
	s3 =	simm.s32 @p4 $0x0;
	s2 =	sadd.s32 @!p2 $0x50C8, s2  }
0xc7: {  	s3 =	smin.u32 @!p2 s3, $0x1FFFF8  }
0xc8: {  	s9 =	sand.u32 @!p2 $0x1FFFF8, s3;
	s3 =	sand.u32 @!p2 $0x7, s3  }
0xc9: {  	s31 =	sadd.s32 $0x1, s31;
	s9 =	sadd.s32 @!p2 s1, s9  }
.LBB2_17:
0xca: {  	[tilespmem:s2], [sflag:$0x2] =	stream.linear.gather @!p2 [hbm4b:s9+s3], $0x40, $0x38;
	[tilespmem:$0x1EF88] =	vst v63  }
.Ltmp16:
0xcb: {  	s0 =	sshll.u32 s5, $0x6;
	(pc) =	sbr.rel .LBB2_18-.Ltmp16, $4  }
0xcc: {  	s31 =	simm.s32 $0x2;
	s0 =	sand.u32 $0x3FFFFFC0, s0  }
0xcd: {  	_ =	swait.ge [sflag:s31], s0  }
0xce: {  	s0 =	ssub.s32 $0x0, s0;
	[sflag:s31] =	ssyncset.done $0x0  }
0xcf: {  	[sflag:s31] =	ssyncadd.s32 s0;
	s0 =	simm.s32 $0x0  }
.LBB2_19:
0xd0: {  	v1 =	vld [tilespmem:s26+$0xFFFFFFE0];
	_ =	sdelay $0x4  }
0xd1: {  	[tilespmem:s4+$0x88] =	vst.add.f32.msk $0xffff, v1  }
0xd2: {  	v1 =	vld [tilespmem:s26+$0xFFFFFFF0];
	_ =	sdelay $0x4  }
0xd3: {  	[tilespmem:s4+$0x98] =	vst.add.f32.msk $0xffff, v1  }
0xd4: {  	v1 =	vld [tilespmem:s26+$0x0];
	_ =	sdelay $0x4  }
0xd5: {  	[tilespmem:s4+$0xA8] =	vst.add.f32.msk $0xffff, v1  }
0xd6: {  	v1 =	vld [tilespmem:s26+$0x10];
	_ =	sdelay $0x4  }
0xd7: {  	[tilespmem:s4+$0xB8] =	vst.add.f32.msk $0xffff, v1  }
.LBB2_23:
0xd8: {  	s28 =	sadd.s32 $0x1, s28  }
0xd9: {  	p2 =	seq.s32 s28, $0x0  }
.Ltmp17:
0xda: {  	_ = 	snop;
	(pc) =	sbr.rel @p2 .LBB2_24-.Ltmp17, $2  }
0xdb: {  	_ =	sdelay $0x2  }
0xdc: {  	s26 =	sadd.s32 $0x80, s26;
	s24 =	sadd.s32 $0x1, s24;
	s30 =	smov.u32 s31  }
.LBB2_18:
0xdd: {  	v1 =	vld.msk [tilespmem:s24+$0x0], $0x1;
	_ =	sdelay $0x4  }
0xde: {  	(v2sf) =	vpush v1, $0x0;
	_ =	sdelay $0xe  }
0xdf: {  	s31 =	spop (v2sf)  }
0xe0: {  	p2 =	sne.s32 s30, s31  }
.Ltmp18:
0xe1: {  	_ = 	snop;
	(pc) =	sbr.rel @!p2 .LBB2_19-.Ltmp18, $3  }
0xe2: {  	_ =	sdelay $0x1  }
0xe3: {  	s2 =	sshll.u32 s23, $0x8  }
0xe4: {  	s4 =	sshra.s32 s2, $0x2  }
0xe5: {  	p2 =	seq.s32 s30, s25  }
.Ltmp19:
0xe6: {  	_ = 	snop;
	(pc) =	sbr.rel @!p2 .LBB2_21-.Ltmp19, $1  }
0xe7: {  	_ =	sdelay $0x3  }
.Ltmp20:
0xe8: {  	s2 =	sadd.s32 $0x88, s4;
	(pc) =	sbr.rel .LBB2_22-.Ltmp20, $4  }
0xe9: {  	[spmem:s16] =	stream.linear.scatter [tilespmem:s2], [sflag:$0x1], $0x40, $0x38;
	[tilespmem:$0x1EF88] =	vst v63  }
0xea: {  	_ =	swait.ge [sflag:s12], $0x40  }
0xeb: {  	[sflag:s12] =	ssyncset.done $0x0  }
0xec: {  	[sflag:s12] =	ssyncadd.s32 $0xFFFFFFC0  }
.LBB2_21:
0xed: {  	s2 =	sshll.u32 s29, $0x8  }
0xee: {  	s2 =	sshra.s32 s2, $0x2  }
0xef: {  	v1 =	vld [tilespmem:s2+$0x50C8];
	_ =	sdelay $0x4  }
0xf0: {  	[tilespmem:s4+$0x88] =	vst.add.f32.msk $0xffff, v1  }
0xf1: {  	v1 =	vld [tilespmem:s2+$0x50D8];
	_ =	sdelay $0x4  }
0xf2: {  	[tilespmem:s4+$0x98] =	vst.add.f32.msk $0xffff, v1  }
0xf3: {  	v1 =	vld [tilespmem:s2+$0x50E8];
	_ =	sdelay $0x4  }
0xf4: {  	[tilespmem:s4+$0xA8] =	vst.add.f32.msk $0xffff, v1  }
0xf5: {  	v1 =	vld [tilespmem:s2+$0x50F8];
	_ =	sdelay $0x2  }
0xf6: {  	p2 =	sgt.u32 s30, $0x1FFFF8  }
0xf7: {  	s2 =	sand.u32 @!p2 $0x1FFFF8, s30  }
0xf8: {  	s3 =	sadd.s32 $0x88, s4;
	s2 =	sadd.s32 @!p2 s1, s2;
	[tilespmem:s4+$0xB8] =	vst.add.f32.msk $0xffff, v1;
	s4 =	sand.u32 @!p2 $0x7, s30  }
0xf9: {  	[hbm4b:s2+s4] =	stream.linear.scatter @!p2 [tilespmem:s3], [sflag:$0xC], $0x40, $0x38;
	[tilespmem:$0x1EF88] =	vst v63  }
0xfa: {  	s2 =	simm.s32 $0x0  }
0xfb: {  	s2 =	simm.s32 @!p2 $0x100  }
0xfc: {  	s0 =	sadd.s32 s2, s0  }
.LBB2_22:
0xfd: {  	s2 =	sadd.s32 $0x1, s23  }
0xfe: {  	s3 =	smulhi.u32 $0xCCCCCCCD, s2;
	_ =	sdelay $0x1  }
0xff: {  	v1 =	vld [tilespmem:s26+$0xFFFFFFE0];
	s3 =	sshrl.u32 s3, $0x8  }
0x100: {  	s3 =	smul.u32 $0x140, s3;
	_ =	sdelay $0x1  }
0x101: {  	s23 =	ssub.s32 s2, s3  }
0x102: {  	s2 =	sshll.u32 s23, $0x6  }
0x103: {  	[tilespmem:s2+$0x88] =	vst v1  }
0x104: {  	v1 =	vld [tilespmem:s26+$0xFFFFFFF0];
	_ =	sdelay $0x4  }
0x105: {  	[tilespmem:s2+$0x98] =	vst v1  }
0x106: {  	v1 =	vld [tilespmem:s26+$0x0];
	_ =	sdelay $0x4  }
0x107: {  	[tilespmem:s2+$0xA8] =	vst v1  }
0x108: {  	v1 =	vld [tilespmem:s26+$0x10]  }
.Ltmp21:
0x109: {  	_ = 	snop;
	(pc) =	sbr.rel .LBB2_23-.Ltmp21, $2  }
0x10a: {  	_ =	sdelay $0x2  }
0x10b: {  	s29 =	sadd.s32 $0x1, s29;
	[tilespmem:s2+$0xB8] =	vst v1  }
.LBB2_25:
.Ltmp22:
0x10c: {  	(pc) =	sbr.rel .LBB2_26-.Ltmp22, $4  }
0x10d: {  	_ = 	snop  }
0x10e: {  	s0 =	simm.s32 $0x2  }
0x10f: {  	_ =	swait.ge [sflag:s0], $0x0  }
0x110: {  	s31 =	smov.u32 s30;
	[sflag:s0] =	ssyncset.done $0x0;
	s0 =	simm.s32 $0x0  }
.LBB2_28:
0x111: {  	_ =	sfence.sel $0x180000  }
0x112: {  	s0 =	simm.s32 $0x9;
	[bflag:$0x0] =	sbarrier.arrive $0xFFFF  }
0x113: {  	s24 =	simm.s32 $0xA;
	[sflag:s0] =	ssyncpa.u1 $0x1  }
0x114: {  	s25 =	simm.s32 $0xB;
	[sflag:s24] =	ssyncpa.u1 $0x1  }
0x115: {  	s26 =	simm.s32 $0x2;
	[sflag:s25] =	ssyncpa.u1 $0x1  }
0x116: {  	[sflag:s26] =	ssyncpa.u1 $0x1  }
0x117: {  	v0 =	vld [tilespmem:$0xA108];
	_ =	sdelay $0x4  }
0x118: {  	(v2sf) =	vpush v0, $0x0  }
0x119: {  	(v2sf) =	vpush v0, $0x1;
	_ =	sdelay $0x1  }
0x11a: {  	(v2sf) =	vpush v0, $0x2;
	_ =	sdelay $0xb  }
0x11b: {  	s0 =	spop (v2sf)  }
0x11c: {  	s2 =	spop (v2sf)  }
0x11d: {  	s3 =	smov.u32 s0;
	p0 =	sne.s32 s0, s2  }
0x11e: {  	s4 =	spop (v2sf);
	s3 =	simm.s32 @!p0 $0xFFFFFFFF  }
0x11f: {  	v2 =	vimm.s32 $0x1;
	v3 =	vlaneseq.u32;
	p0 =	seq.s32 s4, $0xFFFFFFFF;
	v1 =	vmov s3  }
0x120: {  	s15 =	stileid.u32;
	v0 =	vperm.xlane v0, v2;
	p1 =	sne.s32 @!p0 s0, s2;
	v1 =	vperm.xlane v1, v3  }
0x121: {  	vm0 =	vcmask $0x3F04;
	s6 =	simm.s32 $0xA108;
	s0 =	simm.s32 @!p0 $0x1;
	p1 =	por !p1, p0  }
0x122: {  	s3 =	sshll.u32 s15, $0x1;
	s2 =	sshll.u32 @!p0 s4, $0x8;
	s0 =	simm.s32 @p1 $0x0;
	v0 =	vsel vm0, v1, v0  }
0x123: {  	s5 =	sor.u32 $0x800, s3;
	s2 =	sshra.s32 @!p0 s2, $0x2;
	s0 =	sor.u32 @!p0 s0, s3;
	[tilespmem:$0xA108] =	vst v0  }
0x124: {  	[spmem:s5] =	stream.linear.scatter [tilespmem:s6], [sflag:$0x1], $0x2, $0x38;
	[tilespmem:$0x1EF88] =	vst v63  }
0x125: {  	s2 =	sadd.s32 @!p0 $0x88, s2;
	s0 =	sshll.u32 @!p0 s0, $0x6  }
0x126: {  	[spmem:s0] =	stream.linear.scatter @!p0 [tilespmem:s2], [sflag:$0x1], $0x40, $0x38;
	[tilespmem:$0x1EF88] =	vst v63  }
0x127: {  	s0 =	simm.s32 @!p0 $0x42  }
0x128: {  	s28 =	simm.s32 $0x1;
	s0 =	simm.s32 @p0 $0x2  }
0x129: {  	_ =	swait.ge [sflag:s28], s0  }
0x12a: {  	s0 =	ssub.s32 $0x0, s0;
	[sflag:s28] =	ssyncset.done $0x0  }
0x12b: {  	p0 =	sne.s32 s15, $0x0;
	[sflag:s28] =	ssyncadd.s32 s0  }
.Ltmp23:
0x12c: {  	_ =	sfence.stream.spmem;
	(pc) =	sbr.rel @p0 .LBB2_45-.Ltmp23, $4  }
0x12d: {  	s29 =	simm.s32 $0x3;
	[bflag:$0x0] =	sbarrier.arrive $0xFFFF  }
0x12e: {  	s30 =	simm.s32 $0x4;
	[sflag:s29] =	ssyncpa.u1 $0x1  }
0x12f: {  	s31 =	simm.s32 $0x3C;
	[sflag:s30] =	ssyncpa.u1 $0x1  }
0x130: {  	s14 =	rddreg [dreg:$0x5];
	[sflag:s31] =	ssyncpa.u1 $0x1  }
0x131: {  	_ =	sfence.stream.spmem;
	s0 =	simm.s32 $0x5  }
0x132: {  	s2 =	simm.s32 $0x800;
	s3 =	simm.s32 $0xA118;
	[sflag:s0] =	ssyncpa.u1 $0x0  }
0x133: {  	[tilespmem:s3], [sflag:$0x5] =	stream.linear.gather [spmem:s2], $0x20, $0x38;
	[tilespmem:$0x1EF88] =	vst v63  }
0x134: {  	s26 =	simm.s32 $0x0;
	s28 =	simm.s32 $0xA138  }
0x135: {  	[tilespmem:s28], [sflag:$0x5] =	stream.linear.gather [spmem:s26], $0x800, $0x38;
	[tilespmem:$0x1EF88] =	vst v63  }
0x136: {  	_ =	swait.ge [sflag:s0], $0x820  }
0x137: {  	[sflag:s0] =	ssyncset.done $0x0  }
0x138: {  	s29 =	simm.s32 $0x0;
	[sflag:s0] =	ssyncadd.s32 $0xFFFFF7E0  }
0x139: {  	v0 =	vld.msk [tilespmem:s29+$0xA118], $0x1;
	_ =	sdelay $0x1  }
0x13a: {  	s30 =	simm.s32 $0x1  }
0x13b: {  	v1 =	vld.msk [tilespmem:s30+$0xA118], $0x1;
	_ =	sdelay $0x1  }
0x13c: {  	(v2sf) =	vpush v0, $0x0;
	_ =	sdelay $0x2  }
0x13d: {  	(v2sf) =	vpush v1, $0x0;
	_ =	sdelay $0x2  }
0x13e: {  	s31 =	simm.s32 $0x2  }
0x13f: {  	v0 =	vld.msk [tilespmem:s31+$0xA118], $0x1;
	_ =	sdelay $0x2  }
0x140: {  	s4 =	simm.s32 $0xFFFFFFFF;
	s2 =	simm.s32 $0xFFFFFFFF;
	s0 =	simm.s32 $0xC  }
.LBB2_30:
0x141: {  	s3 =	smov.u32 s4;
	s5 =	smov.u32 s2  }
0x142: {  	s2 =	sshra.s32 s0, $0x2;
	p1 =	sne.s32 s0, $0x7C;
	s0 =	sadd.s32 $0x4, s0;
	(v2sf) =	vpush v0, $0x0  }
0x143: {  	v0 =	vld.msk [tilespmem:s2+$0xA118], $0x1  }
.Ltmp24:
0x144: {  	(pc) =	sbr.rel @p1 .LBB2_30-.Ltmp24, $4  }
0x145: {  	s4 =	spop (v2sf)  }
0x146: {  	p2 =	sne.s32 s5, $0xFFFFFFFF;
	s2 =	smov.u32 s4  }
0x147: {  	p3 =	seq.s32 s4, $0xFFFFFFFF;
	s2 =	smov.u32 @p2 s5  }
0x148: {  	s4 =	smov.u32 @p3 s3;
	s2 =	smov.u32 @p3 s5  }
0x149: {  	(v2sf) =	vpush v0, $0x0;
	_ =	sdelay $0x8  }
0x14a: {  	s0 =	spop (v2sf)  }
0x14b: {  	p1 =	sne.s32 s2, $0xFFFFFFFF;
	s3 =	smov.u32 s0  }
0x14c: {  	s9 =	simm.s32 $0x6;
	p2 =	seq.s32 s0, $0xFFFFFFFF;
	s3 =	smov.u32 @p1 s2  }
0x14d: {  	s6 =	simm.s32 $0x0;
	s3 =	smov.u32 @p2 s2;
	s2 =	spop (v2sf)  }
0x14e: {  	s0 =	smov.u32 @p2 s4;
	p1 =	sne.s32 s3, $0xFFFFFFFF;
	s5 =	smov.u32 s2  }
.Ltmp25:
0x14f: {  	p2 =	seq.s32 s2, $0xFFFFFFFF;
	s5 =	smov.u32 @p1 s3;
	(pc) =	sbr.rel .LBB2_32-.Ltmp25, $4  }
0x150: {  	s10 =	simm.s32 $0xA0C8;
	s5 =	smov.u32 @p2 s3;
	s7 =	spop (v2sf)  }
0x151: {  	s11 =	simm.s32 $0x0;
	p1 =	sne.s32 s5, $0xFFFFFFFF;
	s8 =	smov.u32 s7  }
0x152: {  	s2 =	smov.u32 @p2 s0;
	p2 =	seq.s32 s7, $0xFFFFFFFF;
	s8 =	smov.u32 @p1 s5  }
0x153: {  	[sflag:s9] =	ssyncpa.u1 $0x0;
	s7 =	smov.u32 @p2 s2;
	s8 =	smov.u32 @p2 s5  }
.LBB2_38:
0x154: {  	p1 =	sgt.u32 s12, $0x1FFFF8  }
0x155: {  	p2 =	seq.s32 @!p1 s12, s8  }
0x156: {  	p1 =	por p1, p2  }
0x157: {  	p2 =	sne.s32 @!p1 s12, s7  }
0x158: {  	p1 =	por p1, !p2  }
0x159: {  	s0 =	sshll.u32 @p1 s11, $0x8  }
0x15a: {  	s0 =	sand.u32 @!p1 $0x1FFFF8, s12  }
0x15b: {  	s2 =	sand.u32 @!p1 $0x7, s12;
	s0 =	sadd.s32 @!p1 s1, s0  }
0x15c: {  	[tilespmem:s10], [sflag:$0x6] =	stream.linear.gather @!p1 [hbm4b:s0+s2], $0x40, $0x38;
	[tilespmem:$0x1EF88] =	vst v63  }
0x15d: {  	_ =	swait.ge @!p1 [sflag:s9], $0x40  }
0x15e: {  	[sflag:s9] =	ssyncset.done @!p1 $0x0  }
0x15f: {  	[sflag:s9] =	ssyncadd.s32 @!p1 $0xFFFFFFC0  }
0x160: {  	v1 =	vld @!p1 [tilespmem:$0xA0C8];
	_ =	sdelay $0x2  }
0x161: {  	s0 =	sshll.u32 @!p1 s11, $0x8  }
0x162: {  	s2 =	sshrl.u32 @!p1 s0, $0x2  }
0x163: {  	[tilespmem:s2+$0xA138] =	vst.add.f32.msk @!p1 $0xffff, v1  }
0x164: {  	v1 =	vld @!p1 [tilespmem:$0xA0D8];
	_ =	sdelay $0x4  }
0x165: {  	[tilespmem:s2+$0xA148] =	vst.add.f32.msk @!p1 $0xffff, v1  }
0x166: {  	v1 =	vld @!p1 [tilespmem:$0xA0E8];
	_ =	sdelay $0x4  }
0x167: {  	[tilespmem:s2+$0xA158] =	vst.add.f32.msk @!p1 $0xffff, v1  }
0x168: {  	v1 =	vld @!p1 [tilespmem:$0xA0F8];
	_ =	sdelay $0x4  }
0x169: {  	[tilespmem:s2+$0xA168] =	vst.add.f32.msk @!p1 $0xffff, v1  }
0x16a: {  	s0 =	sshrl.u32 s0, $0x2;
	[tilespmem:s6+$0xA118] =	vst.msk $0x1, v0  }
0x16b: {  	v0 =	vld [tilespmem:s0+$0xA138];
	_ =	sdelay $0x2  }
0x16c: {  	s31 =	sshll.u32 s6, $0x8  }
0x16d: {  	s2 =	sshra.s32 s31, $0x2  }
0x16e: {  	[tilespmem:s2+$0xA138] =	vst v0  }
0x16f: {  	v0 =	vld [tilespmem:s0+$0xA148];
	_ =	sdelay $0x4  }
0x170: {  	[tilespmem:s2+$0xA148] =	vst v0  }
0x171: {  	v0 =	vld [tilespmem:s0+$0xA158];
	_ =	sdelay $0x4  }
0x172: {  	[tilespmem:s2+$0xA158] =	vst v0  }
0x173: {  	v0 =	vld [tilespmem:s0+$0xA168];
	_ =	sdelay $0x4  }
0x174: {  	s6 =	sadd.s32 $0x1, s6;
	[tilespmem:s2+$0xA168] =	vst v0  }
.LBB2_39:
0x175: {  	s11 =	sadd.s32 $0x1, s11  }
0x176: {  	p1 =	sne.s32 s11, $0x20  }
.Ltmp26:
0x177: {  	_ = 	snop;
	(pc) =	sbr.rel @!p1 .LBB2_40-.Ltmp26, $1  }
0x178: {  	_ =	sdelay $0x3  }
.LBB2_32:
0x179: {  	v0 =	vld.msk [tilespmem:s11+$0xA118], $0x1;
	_ =	sdelay $0x4  }
0x17a: {  	(v2sf) =	vpush v0, $0x0;
	_ =	sdelay $0xe  }
0x17b: {  	s12 =	spop (v2sf)  }
0x17c: {  	p1 =	seq.s32 s12, $0xFFFFFFFF  }
.Ltmp27:
0x17d: {  	_ = 	snop;
	(pc) =	sbr.rel @p1 .LBB2_39-.Ltmp27, $1  }
0x17e: {  	_ =	sdelay $0x3  }
0x17f: {  	p1 =	slt.s32 s6, $0x1  }
.Ltmp28:
0x180: {  	_ = 	snop;
	(pc) =	sbr.rel @p1 .LBB2_38-.Ltmp28, $1  }
0x181: {  	_ =	sdelay $0x3  }
0x182: {  	s0 =	simm.s32 $0xA118;
	p1 =	por $0x0, $0x0  }
0x183: {  	v1 =	vld.msk @!p1 [tilespmem:s0+$0x0], $0x1;
	_ =	sdelay $0x4  }
0x184: {  	(v2sf) =	vpush @!p1 v1, $0x0;
	_ =	sdelay $0xd  }
0x185: {  	p3 =	sne.s32 s6, $0x1  }
.Ltmp29:
0x186: {  	s2 =	spop @!p1 (v2sf);
	(pc) =	sbr.rel @!p3 .LBB2_36-.Ltmp29, $4  }
0x187: {  	p2 =	seq.s32 @!p1 s12, s2  }
0x188: {  	s13 =	simm.s32 $0x0;
	p2 =	por !p2, p1  }
0x189: {  	s2 =	simm.s32 $0xFFFFFFFF;
	s13 =	simm.s32 @p2 $0xFFFFFFFF  }
0x18a: {  	s4 =	simm.s32 $0x1;
	s13 =	smov.u32 @p1 s2  }
.LBB2_35:
0x18b: {  	s2 =	smov.u32 s13;
	p1 =	sne.s32 s13, $0xFFFFFFFF  }
0x18c: {  	s0 =	sadd.s32 $0x1, s0;
	s13 =	smov.u32 s4;
	s4 =	sadd.s32 $0x1, s4  }
0x18d: {  	p2 =	sne.s32 s6, s4;
	v1 =	vld.msk @!p1 [tilespmem:s0+$0x0], $0x1;
	_ =	sdelay $0x4  }
0x18e: {  	(v2sf) =	vpush @!p1 v1, $0x0;
	_ =	sdelay $0xe  }
.Ltmp30:
0x18f: {  	s3 =	spop @!p1 (v2sf);
	(pc) =	sbr.rel @p2 .LBB2_35-.Ltmp30, $4  }
0x190: {  	p3 =	seq.s32 @!p1 s12, s3  }
0x191: {  	p3 =	por !p3, p1  }
0x192: {  	s13 =	simm.s32 @p3 $0xFFFFFFFF  }
0x193: {  	s13 =	smov.u32 @p1 s2  }
.LBB2_36:
0x194: {  	p1 =	seq.s32 s13, $0xFFFFFFFF  }
.Ltmp31:
0x195: {  	_ = 	snop;
	(pc) =	sbr.rel @p1 .LBB2_38-.Ltmp31, $1  }
0x196: {  	_ =	sdelay $0x3  }
0x197: {  	s0 =	sshll.u32 s11, $0x6  }
0x198: {  	s0 =	sand.u32 $0x3FFFFFC0, s0  }
0x199: {  	v0 =	vld [tilespmem:s0+$0xA138];
	_ =	sdelay $0x2  }
0x19a: {  	s2 =	sshll.u32 s13, $0x8  }
0x19b: {  	s2 =	sshra.s32 s2, $0x2  }
0x19c: {  	[tilespmem:s2+$0xA138] =	vst.add.f32.msk $0xffff, v0  }
0x19d: {  	v0 =	vld [tilespmem:s0+$0xA148];
	_ =	sdelay $0x4  }
0x19e: {  	[tilespmem:s2+$0xA148] =	vst.add.f32.msk $0xffff, v0  }
0x19f: {  	v0 =	vld [tilespmem:s0+$0xA158];
	_ =	sdelay $0x4  }
0x1a0: {  	[tilespmem:s2+$0xA158] =	vst.add.f32.msk $0xffff, v0  }
0x1a1: {  	v0 =	vld [tilespmem:s0+$0xA168]  }
.Ltmp32:
0x1a2: {  	_ = 	snop;
	(pc) =	sbr.rel .LBB2_39-.Ltmp32, $2  }
0x1a3: {  	_ =	sdelay $0x2  }
0x1a4: {  	[tilespmem:s2+$0xA168] =	vst.add.f32.msk $0xffff, v0  }
.LBB2_40:
0x1a5: {  	s0 =	simm.s32 $0x6;
	p1 =	seq.s32 s6, $0x0  }
0x1a6: {  	[sflag:s0] =	ssyncpa.u1 $0x1;
	v0 =	vimm.s32 @p1 $0xFFFFFFFF  }
0x1a7: {  	s0 =	sadd.s32 $0xFFFFFFFF, s6;
	[tilespmem:$0xA938] =	vst @p1 v0  }
0x1a8: {  	v0 =	vld.msk @!p1 [tilespmem:s0+$0xA118], $0x1;
	_ =	sdelay $0x1  }
0x1a9: {  	v1 =	vld.msk @!p1 [tilespmem:$0xA118], $0x1;
	_ =	sdelay $0x2  }
0x1aa: {  	p2 =	seq.s32 @!p1 s0, $0x0;
	v0 =	vbroadcast @!p1 v0, $0x0  }
0x1ab: {  	vm0 =	vmmov @!p1 $0x1;
	p2 =	por !p2, p1  }
0x1ac: {  	v1 =	vnsel @!p1 vm0, $0xFFFFFFFF, v1;
	vm0 =	vcmask @!p1 $0x308;
	v0 =	vpsel !p2, $0xFFFFFFFF, v0  }
0x1ad: {  	p2 =	sne.s32 @!p1 s8, s7;
	v0 =	vsel @!p1 vm0, v1, v0  }
0x1ae: {  	s2 =	simm.s32 @!p1 $0xA138;
	s3 =	simm.s32 @!p1 $0x0;
	p3 =	por !p2, p1;
	[tilespmem:$0xA938] =	vst @!p1 v0  }
0x1af: {  	[spmem:s3] =	stream.linear.scatter @!p1 [tilespmem:s2], [sflag:$0x1], $0x40, $0x38;
	[tilespmem:$0x1EF88] =	vst v63  }
0x1b0: {  	s2 =	sshll.u32 @!p3 s0, $0x8  }
0x1b1: {  	s2 =	sshra.s32 @!p3 s2, $0x2  }
0x1b2: {  	s3 =	simm.s32 @!p3 $0x40;
	s2 =	sadd.s32 @!p3 $0xA138, s2  }
0x1b3: {  	[spmem:s3] =	stream.linear.scatter @!p3 [tilespmem:s2], [sflag:$0x1], $0x40, $0x38;
	[tilespmem:$0x1EF88] =	vst v63  }
0x1b4: {  	s2 =	simm.s32 @!p3 $0x1  }
0x1b5: {  	_ =	swait.ge @!p3 [sflag:s2], $0x80  }
0x1b6: {  	p1 =	por p2, p1;
	[sflag:s2] =	ssyncset.done @!p3 $0x0  }
0x1b7: {  	[sflag:s2] =	ssyncadd.s32 @!p3 $0xFFFFFF80;
	s2 =	simm.s32 @!p1 $0x1  }
0x1b8: {  	_ =	swait.ge @!p1 [sflag:s2], $0x40  }
0x1b9: {  	s29 =	simm.s32 $0xA938;
	[sflag:s2] =	ssyncset.done @!p1 $0x0  }
0x1ba: {  	s30 =	simm.s32 $0x800;
	s31 =	simm.s32 $0x1;
	[sflag:s2] =	ssyncadd.s32 @!p1 $0xFFFFFFC0  }
0x1bb: {  	[spmem:s30] =	stream.linear.scatter [tilespmem:s29], [sflag:$0x1], $0x10, $0x38;
	[tilespmem:$0x1EF88] =	vst v63  }
0x1bc: {  	_ =	swait.ge [sflag:s31], $0x10  }
0x1bd: {  	[sflag:s31] =	ssyncset.done $0x0  }
0x1be: {  	p1 =	seq.s32 s14, $0x0;
	s9 =	rddreg [dreg:$0x2];
	[sflag:s31] =	ssyncadd.s32 $0xFFFFFFF0  }
0x1bf: {  	s3 =	sshll.u32 @p1 s9, $0xE;
	s8 =	rddreg [dreg:$0x3]  }
0x1c0: {  	s2 =	sadd.s32 @p1 $0x15C3C, s3;
	s3 =	sshll.u32 @p1 s8, $0x11  }
0x1c1: {  	_ =	sfence.stream.spmem;
	s2 =	sor.u32 @p1 s3, s2  }
0x1c2: {  	[sflag:s2] =	ssyncadd.remote.s32 @p1 $0x1;
	s2 =	simm.s32 @p1 $0x4  }
0x1c3: {  	s4 =	simm.s32 @!p1 $0x3C;
	s3 =	sand.u32 $0xFFFFFFFE, s9;
	_ =	swait.ge @p1 [sflag:s2], $0x12  }
0x1c4: {  	s5 =	simm.s32 @!p1 $0x0;
	s3 =	sadd.s32 @!p1 $0x4, s3;
	[sflag:s2] =	ssyncset.done @p1 $0x0  }
0x1c5: {  	s7 =	simm.s32 @!p1 $0x80;
	[sflag:s2] =	ssyncadd.s32 @p1 $0xFFFFFFEE;
	s2 =	sshll.u32 @!p1 s3, $0x1A  }
0x1c6: {  	s3 =	sshll.u32 @!p1 s3, $0xD;
	s2 =	sor.u32 @!p1 s2, s8;
	_ =	swait.eq @!p1 [sflag:s4], $0x1  }
0x1c7: {  	s3 =	sor.u32 @!p1 $0x1C04, s3;
	s4 =	simm.s32 @!p1 $0x1C03;
	s2 =	sor.u32 @!p1 $0x80004000, s2  }
0x1c8: {  	[spmem:s7], [sflag:s3] =	dma.general @!p1 [spmem:s5], [sflag:s4], length:$0x10, [dreg:$0x0], stride_count:$0x0, ici_dest:s2, dma_misc:DstOpCode:WRITE  }
0x1c9: {  	p2 =	slt.s32 s0, $0x2;
	s5 =	simm.s32 @!p1 $0x100;
	s7 =	simm.s32 @!p1 $0x102  }
0x1ca: {  	[spmem:s7], [sflag:s3] =	dma.general @!p1 [spmem:s5], [sflag:s4], length:$0x2, [dreg:$0x0], stride_count:$0x0, ici_dest:s2, dma_misc:DstOpCode:WRITE  }
.Ltmp33:
0x1cb: {  	s2 =	simm.s32 @!p1 $0x3;
	(pc) =	sbr.rel @p2 .LBB2_44-.Ltmp33, $4  }
0x1cc: {  	s3 =	sshll.u32 @!p1 s9, $0xE;
	_ =	swait.ge @!p1 [sflag:s2], $0x12  }
0x1cd: {  	s4 =	sshll.u32 @!p1 s8, $0x11;
	s3 =	sadd.s32 @!p1 $0x11C3C, s3;
	[sflag:s2] =	ssyncset.done @!p1 $0x0  }
0x1ce: {  	[sflag:s2] =	ssyncadd.s32 @!p1 $0xFFFFFFEE;
	s2 =	sor.u32 @!p1 s4, s3  }
0x1cf: {  	s0 =	simm.s32 $0x0;
	[sflag:s2] =	ssyncadd.remote.s32 @!p1 $0xFFFFFFFF  }
0x1d0: {  	s0 =	simm.s32 $0xA119  }
0x1d1: {  	v0 =	vld.msk [tilespmem:s0+$0x0], $0x1;
	_ =	sdelay $0x4  }
0x1d2: {  	(v2sf) =	vpush v0, $0x0;
	_ =	sdelay $0xd  }
0x1d3: {  	s3 =	sadd.s32 $0xFFFFFFFE, s6  }
0x1d4: {  	s4 =	sadd.s32 $0xFFFFFFFF, s3;
	s2 =	spop (v2sf)  }
0x1d5: {  	p2 =	sne.s32 s4, $0x0;
	p1 =	sgt.u32 s2, $0x1FFFF8  }
.Ltmp34:
0x1d6: {  	s5 =	sand.u32 @!p1 $0x1FFFF8, s2;
	(pc) =	sbr.rel @!p2 .LBB2_43-.Ltmp34, $4  }
0x1d7: {  	s0 =	simm.s32 $0xA178;
	s2 =	sand.u32 @!p1 $0x7, s2;
	s3 =	sadd.s32 @!p1 s1, s5  }
0x1d8: {  	[hbm4b:s3+s2] =	stream.linear.scatter @!p1 [tilespmem:s0], [sflag:$0x5], $0x40, $0x38;
	[tilespmem:$0x1EF88] =	vst v63  }
0x1d9: {  	s2 =	simm.s32 $0x0  }
0x1da: {  	s6 =	simm.s32 $0xA11A;
	s5 =	simm.s32 $0x0;
	s2 =	simm.s32 @!p1 $0x100  }
.LBB2_42:
0x1db: {  	v0 =	vld.msk [tilespmem:s6+$0x0], $0x1;
	s4 =	sadd.s32 $0xFFFFFFFF, s4;
	s5 =	sadd.s32 s5, s2  }
0x1dc: {  	p1 =	sne.s32 s4, $0x0;
	_ =	sdelay $0x3  }
0x1dd: {  	(v2sf) =	vpush v0, $0x0;
	_ =	sdelay $0xe  }
.Ltmp35:
0x1de: {  	s3 =	spop (v2sf);
	(pc) =	sbr.rel @p1 .LBB2_42-.Ltmp35, $4  }
0x1df: {  	s2 =	simm.s32 $0x0;
	p2 =	sgt.u32 s3, $0x1FFFF8  }
0x1e0: {  	s0 =	sadd.s32 $0x40, s0;
	s2 =	simm.s32 @!p2 $0x100;
	s7 =	sand.u32 @!p2 $0x1FFFF8, s3  }
0x1e1: {  	s6 =	sadd.s32 $0x1, s6;
	s3 =	sand.u32 @!p2 $0x7, s3;
	s7 =	sadd.s32 @!p2 s1, s7  }
0x1e2: {  	[hbm4b:s7+s3] =	stream.linear.scatter @!p2 [tilespmem:s0], [sflag:$0x5], $0x40, $0x38;
	[tilespmem:$0x1EF88] =	vst v63  }
.LBB2_43:
0x1e3: {  	s0 =	sadd.s32 s5, s2  }
0x1e4: {  	s0 =	sshrl.u32 s0, $0x2  }
.LBB2_44:
0x1e5: {  	s2 =	simm.s32 $0x5  }
0x1e6: {  	_ =	swait.ge [sflag:s2], s0  }
0x1e7: {  	s31 =	ssub.s32 $0x0, s0;
	[sflag:s2] =	ssyncset.done $0x0  }
0x1e8: {  	[sflag:s2] =	ssyncadd.s32 s31  }
0x1e9: {  	[sflag:s2] =	ssyncpa.u1 $0x1  }
.LBB2_45:
0x1ea: {  	s0 =	sor.u32 s14, s15  }
0x1eb: {  	p1 =	sne.s32 s0, $0x0  }
.Ltmp36:
0x1ec: {  	_ = 	snop;
	(pc) =	sbr.rel @p1 .LBB2_60-.Ltmp36, $3  }
0x1ed: {  	_ =	sdelay $0x1  }
0x1ee: {  	[bflag:$0x0] =	sbarrier.arrive $0xFFFF  }
0x1ef: {  	_ =	sfence  }
0x1f0: {  	s0 =	simm.s32 $0x7  }
0x1f1: {  	s2 =	simm.s32 $0x800;
	s3 =	simm.s32 $0xA118;
	[sflag:s0] =	ssyncpa.u1 $0x0  }
0x1f2: {  	[tilespmem:s3], [sflag:$0x7] =	stream.linear.gather [spmem:s2], $0x20, $0x38;
	[tilespmem:$0x1EF88] =	vst v63  }
0x1f3: {  	s30 =	simm.s32 $0xA138;
	s2 =	simm.s32 $0x0  }
0x1f4: {  	[tilespmem:s30], [sflag:$0x7] =	stream.linear.gather [spmem:s2], $0x800, $0x38;
	[tilespmem:$0x1EF88] =	vst v63  }
.Ltmp37:
0x1f5: {  	_ = 	snop;
	(pc) =	sbr.rel .LBB2_47-.Ltmp37, $4  }
0x1f6: {  	_ =	swait.ge [sflag:s0], $0x820  }
0x1f7: {  	[sflag:s0] =	ssyncset.done $0x0  }
0x1f8: {  	s31 =	simm.s32 $0x8;
	[sflag:s0] =	ssyncadd.s32 $0xFFFFF7E0  }
0x1f9: {  	s3 =	simm.s32 $0x0;
	[sflag:s31] =	ssyncpa.u1 $0x0  }
.LBB2_53:
0x1fa: {  	p1 =	slt.u32 s0, $0x1FFFF9  }
0x1fb: {  	s4 =	sand.u32 @p1 $0x1FFFF8, s0  }
0x1fc: {  	s0 =	sand.u32 @p1 $0x7, s0;
	s5 =	simm.s32 @p1 $0xA0C8;
	s4 =	sadd.s32 @p1 s1, s4  }
0x1fd: {  	[tilespmem:s5], [sflag:$0x8] =	stream.linear.gather @p1 [hbm4b:s4+s0], $0x40, $0x38;
	[tilespmem:$0x1EF88] =	vst v63  }
0x1fe: {  	s0 =	simm.s32 @p1 $0x8  }
0x1ff: {  	_ =	swait.ge @p1 [sflag:s0], $0x40  }
0x200: {  	[sflag:s0] =	ssyncset.done @p1 $0x0  }
0x201: {  	[sflag:s0] =	ssyncadd.s32 @p1 $0xFFFFFFC0  }
0x202: {  	v1 =	vld @p1 [tilespmem:$0xA0C8];
	_ =	sdelay $0x2  }
0x203: {  	s0 =	sshll.u32 @p1 s3, $0x8  }
0x204: {  	s4 =	sshrl.u32 @p1 s0, $0x2  }
0x205: {  	[tilespmem:s4+$0xA138] =	vst.add.f32.msk @p1 $0xffff, v1  }
0x206: {  	v1 =	vld @p1 [tilespmem:$0xA0D8];
	_ =	sdelay $0x4  }
0x207: {  	[tilespmem:s4+$0xA148] =	vst.add.f32.msk @p1 $0xffff, v1  }
0x208: {  	v1 =	vld @p1 [tilespmem:$0xA0E8];
	_ =	sdelay $0x4  }
0x209: {  	[tilespmem:s4+$0xA158] =	vst.add.f32.msk @p1 $0xffff, v1  }
0x20a: {  	v1 =	vld @p1 [tilespmem:$0xA0F8];
	_ =	sdelay $0x3  }
0x20b: {  	s5 =	sshll.u32 @!p1 s3, $0x8  }
0x20c: {  	s5 =	smov.u32 @p1 s0;
	[tilespmem:s4+$0xA168] =	vst.add.f32.msk @p1 $0xffff, v1  }
0x20d: {  	s0 =	sshrl.u32 s5, $0x2;
	[tilespmem:s2+$0xA118] =	vst.msk $0x1, v0  }
0x20e: {  	v0 =	vld [tilespmem:s0+$0xA138];
	_ =	sdelay $0x2  }
0x20f: {  	s31 =	sshll.u32 s2, $0x8  }
0x210: {  	s4 =	sshra.s32 s31, $0x2  }
0x211: {  	[tilespmem:s4+$0xA138] =	vst v0  }
0x212: {  	v0 =	vld [tilespmem:s0+$0xA148];
	_ =	sdelay $0x4  }
0x213: {  	[tilespmem:s4+$0xA148] =	vst v0  }
0x214: {  	v0 =	vld [tilespmem:s0+$0xA158];
	_ =	sdelay $0x4  }
0x215: {  	[tilespmem:s4+$0xA158] =	vst v0  }
0x216: {  	v0 =	vld [tilespmem:s0+$0xA168];
	_ =	sdelay $0x4  }
0x217: {  	s2 =	sadd.s32 $0x1, s2;
	[tilespmem:s4+$0xA168] =	vst v0  }
.LBB2_54:
0x218: {  	s3 =	sadd.s32 $0x1, s3  }
0x219: {  	p1 =	sne.s32 s3, $0x20  }
.Ltmp38:
0x21a: {  	_ = 	snop;
	(pc) =	sbr.rel @!p1 .LBB2_55-.Ltmp38, $1  }
0x21b: {  	_ =	sdelay $0x3  }
.LBB2_47:
0x21c: {  	v0 =	vld.msk [tilespmem:s3+$0xA118], $0x1;
	_ =	sdelay $0x4  }
0x21d: {  	(v2sf) =	vpush v0, $0x0;
	_ =	sdelay $0xe  }
0x21e: {  	s0 =	spop (v2sf)  }
0x21f: {  	p1 =	seq.s32 s0, $0xFFFFFFFF  }
.Ltmp39:
0x220: {  	_ = 	snop;
	(pc) =	sbr.rel @p1 .LBB2_54-.Ltmp39, $1  }
0x221: {  	_ =	sdelay $0x3  }
0x222: {  	p1 =	slt.s32 s2, $0x1  }
.Ltmp40:
0x223: {  	_ = 	snop;
	(pc) =	sbr.rel @p1 .LBB2_53-.Ltmp40, $1  }
0x224: {  	_ =	sdelay $0x3  }
0x225: {  	s4 =	simm.s32 $0xA118;
	p1 =	por $0x0, $0x0  }
0x226: {  	v1 =	vld.msk @!p1 [tilespmem:s4+$0x0], $0x1;
	_ =	sdelay $0x4  }
0x227: {  	(v2sf) =	vpush @!p1 v1, $0x0;
	_ =	sdelay $0xd  }
0x228: {  	p3 =	sne.s32 s2, $0x1  }
.Ltmp41:
0x229: {  	s5 =	spop @!p1 (v2sf);
	(pc) =	sbr.rel @!p3 .LBB2_51-.Ltmp41, $4  }
0x22a: {  	p2 =	seq.s32 @!p1 s0, s5  }
0x22b: {  	s5 =	simm.s32 $0x0;
	p2 =	por !p2, p1  }
0x22c: {  	s7 =	simm.s32 $0xFFFFFFFF;
	s5 =	simm.s32 @p2 $0xFFFFFFFF  }
0x22d: {  	s6 =	simm.s32 $0x1;
	s5 =	smov.u32 @p1 s7  }
.LBB2_50:
0x22e: {  	s7 =	smov.u32 s5;
	p1 =	sne.s32 s5, $0xFFFFFFFF  }
0x22f: {  	s4 =	sadd.s32 $0x1, s4;
	s5 =	smov.u32 s6;
	s6 =	sadd.s32 $0x1, s6  }
0x230: {  	p2 =	sne.s32 s2, s6;
	v1 =	vld.msk @!p1 [tilespmem:s4+$0x0], $0x1;
	_ =	sdelay $0x4  }
0x231: {  	(v2sf) =	vpush @!p1 v1, $0x0;
	_ =	sdelay $0xe  }
.Ltmp42:
0x232: {  	s8 =	spop @!p1 (v2sf);
	(pc) =	sbr.rel @p2 .LBB2_50-.Ltmp42, $4  }
0x233: {  	p3 =	seq.s32 @!p1 s0, s8  }
0x234: {  	p3 =	por !p3, p1  }
0x235: {  	s5 =	simm.s32 @p3 $0xFFFFFFFF  }
0x236: {  	s5 =	smov.u32 @p1 s7  }
.LBB2_51:
0x237: {  	p1 =	seq.s32 s5, $0xFFFFFFFF  }
.Ltmp43:
0x238: {  	_ = 	snop;
	(pc) =	sbr.rel @p1 .LBB2_53-.Ltmp43, $1  }
0x239: {  	_ =	sdelay $0x3  }
0x23a: {  	s0 =	sshll.u32 s3, $0x6  }
0x23b: {  	s0 =	sand.u32 $0x3FFFFFC0, s0  }
0x23c: {  	v0 =	vld [tilespmem:s0+$0xA138];
	_ =	sdelay $0x2  }
0x23d: {  	s4 =	sshll.u32 s5, $0x8  }
0x23e: {  	s4 =	sshra.s32 s4, $0x2  }
0x23f: {  	[tilespmem:s4+$0xA138] =	vst.add.f32.msk $0xffff, v0  }
0x240: {  	v0 =	vld [tilespmem:s0+$0xA148];
	_ =	sdelay $0x4  }
0x241: {  	[tilespmem:s4+$0xA148] =	vst.add.f32.msk $0xffff, v0  }
0x242: {  	v0 =	vld [tilespmem:s0+$0xA158];
	_ =	sdelay $0x4  }
0x243: {  	[tilespmem:s4+$0xA158] =	vst.add.f32.msk $0xffff, v0  }
0x244: {  	v0 =	vld [tilespmem:s0+$0xA168]  }
.Ltmp44:
0x245: {  	_ = 	snop;
	(pc) =	sbr.rel .LBB2_54-.Ltmp44, $2  }
0x246: {  	_ =	sdelay $0x2  }
0x247: {  	[tilespmem:s4+$0xA168] =	vst.add.f32.msk $0xffff, v0  }
.LBB2_55:
0x248: {  	p1 =	slt.s32 s2, $0x1  }
.Ltmp45:
0x249: {  	_ = 	snop;
	(pc) =	sbr.rel @p1 .LBB2_59-.Ltmp45, $3  }
0x24a: {  	_ =	sdelay $0x1  }
0x24b: {  	s0 =	simm.s32 $0x8  }
0x24c: {  	[sflag:s0] =	ssyncpa.u1 $0x1;
	s0 =	simm.s32 $0x0  }
0x24d: {  	s3 =	simm.s32 $0xA118  }
0x24e: {  	v0 =	vld.msk [tilespmem:s3+$0x0], $0x1;
	_ =	sdelay $0x4  }
0x24f: {  	(v2sf) =	vpush v0, $0x0;
	_ =	sdelay $0xe  }
0x250: {  	s2 =	sadd.s32 $0xFFFFFFFF, s2;
	s4 =	spop (v2sf)  }
0x251: {  	p2 =	sne.s32 s2, $0x0;
	p1 =	sgt.u32 s4, $0x1FFFF8  }
.Ltmp46:
0x252: {  	s5 =	sand.u32 @!p1 $0x1FFFF8, s4;
	(pc) =	sbr.rel @!p2 .LBB2_58-.Ltmp46, $4  }
0x253: {  	s3 =	simm.s32 $0xA138;
	s4 =	sand.u32 @!p1 $0x7, s4;
	s5 =	sadd.s32 @!p1 s1, s5  }
0x254: {  	[hbm4b:s5+s4] =	stream.linear.scatter @!p1 [tilespmem:s3], [sflag:$0x7], $0x40, $0x38;
	[tilespmem:$0x1EF88] =	vst v63  }
0x255: {  	s5 =	simm.s32 $0x0  }
0x256: {  	s4 =	simm.s32 $0xA119;
	s5 =	simm.s32 @!p1 $0x100  }
.LBB2_57:
0x257: {  	v0 =	vld.msk [tilespmem:s4+$0x0], $0x1;
	s2 =	sadd.s32 $0xFFFFFFFF, s2;
	s0 =	sadd.s32 s0, s5  }
0x258: {  	p1 =	sne.s32 s2, $0x0;
	_ =	sdelay $0x3  }
0x259: {  	(v2sf) =	vpush v0, $0x0;
	_ =	sdelay $0xe  }
.Ltmp47:
0x25a: {  	s6 =	spop (v2sf);
	(pc) =	sbr.rel @p1 .LBB2_57-.Ltmp47, $4  }
0x25b: {  	s5 =	simm.s32 $0x0;
	p2 =	sgt.u32 s6, $0x1FFFF8  }
0x25c: {  	s3 =	sadd.s32 $0x40, s3;
	s5 =	simm.s32 @!p2 $0x100;
	s7 =	sand.u32 @!p2 $0x1FFFF8, s6  }
0x25d: {  	s4 =	sadd.s32 $0x1, s4;
	s6 =	sand.u32 @!p2 $0x7, s6;
	s7 =	sadd.s32 @!p2 s1, s7  }
0x25e: {  	[hbm4b:s7+s6] =	stream.linear.scatter @!p2 [tilespmem:s3], [sflag:$0x7], $0x40, $0x38;
	[tilespmem:$0x1EF88] =	vst v63  }
.LBB2_58:
0x25f: {  	s0 =	sadd.s32 s0, s5  }
0x260: {  	s0 =	sshrl.u32 s0, $0x2  }
.LBB2_59:
0x261: {  	s1 =	simm.s32 $0x7  }
0x262: {  	_ =	swait.ge [sflag:s1], s0  }
0x263: {  	s31 =	ssub.s32 $0x0, s0;
	[sflag:s1] =	ssyncset.done $0x0  }
0x264: {  	[sflag:s1] =	ssyncadd.s32 s31  }
0x265: {  	[sflag:s1] =	ssyncpa.u1 $0x1  }
.LBB2_60:
0x266: {  	_ =	sfence;
	s0 =	simm.s32 $0x1  }
0x267: {  	[sflag:s0] =	ssyncpa.u1 $0x1  }
0x268: {  	_ =	strace $0x9000004A  }
0x269: {  	[bflag:$0x2] =	sbarrier.arrive $0xFFFF  }
0x26a: {  	s0 =	rddreg [dreg:$0x4]  }
0x26b: {  	s0 =	sadd.s32 @!p0 $0x100000, s0  }
0x26c: {  	[sflag:s0] =	ssyncadd.tile.s32 @!p0 $0x1;
	_ =	shalt  }
.Lfunc_end2:
_tile_overlayer_lowered:
.L_overlay_start_2:
0x26d: {  	(tag) =	ssettag $0x2  }
0x26e: {  	s0 =	rddreg [dreg:$0x0];
	s2 =	stileid.u32  }
0x26f: {  	s1 =	rddreg [dreg:$0x1];
	p0 =	sne.s32 s2, $0x0  }
0x270: {  	s3 =	rddreg [dreg:$0x2];
	[bflag:$0x3] =	sbarrier.arrive $0xFFFF;
	s2 =	simm.s32 @!p0 $0x1C01  }
0x271: {  	[timem:s3], [sflag:s2] =	dma.local @!p0 [hbm:s0], s1  }
0x272: {  	s0 =	simm.s32 @!p0 $0x1  }
0x273: {  	_ =	swait.ge @!p0 [sflag:s0], s1  }
0x274: {  	s1 =	ssub.s32 @!p0 $0x0, s1;
	[sflag:s0] =	ssyncset.done @!p0 $0x0  }
0x275: {  	[sflag:s0] =	ssyncadd.s32 @!p0 s1  }
0x276: {  	[bflag:$0x3] =	sbarrier.arrive $0xFFFF  }
0x277: {  	_ =	shalt  }

// kernel: scatter_offload_async_start
scs
__scs_entry_jumppad:
0x0: {  	(pc) =	sbr.rel $0x88, $3  }
0x1: {  	(tag) =	ssettag $0x0;
	lr =	simm.s32 $0x1  }
0x2: {  	[smem:$0x3F9D] =	sst lr;
	_ =	strace $0xD0000000  }
0x3: {  	_ = 	snop  }
0x4: {  	_ = 	snop  }
0x5: {  	_ = 	snop  }
0x6: {  	_ = 	snop  }
0x7: {  	_ = 	snop  }
__scs_overlays_trampoline_lowered:
0x8: {  	[smem:$0x3FAC] =	sst s0  }
0x9: {  	[smem:$0x3FAD] =	sst s1  }
0xa: {  	[smem:$0x3FAE] =	sst s2  }
0xb: {  	[smem:$0x3FAF] =	sst s3  }
0xc: {  	[smem:$0x3FB0] =	sst s4  }
0xd: {  	[smem:$0x3FB1] =	sst s5  }
0xe: {  	[smem:$0x3FB2] =	sst s6  }
0xf: {  	[smem:$0x3FB3] =	sst s7  }
0x10: {  	[smem:$0x3FB4] =	sst s8  }
0x11: {  	[smem:$0x3FB5] =	sst s9;
	s0 =	simm.s32 @!p0 $0x0  }
0x12: {  	s1 =	sld [smem:$0x3F9B];
	s0 =	simm.s32 @p0 $0x1  }
0x13: {  	[smem:$0x3FB6] =	sst s0;
	s0 =	simm.s32 @!p1 $0x0  }
0x14: {  	s2 =	sld [smem:$0x3F9A];
	s0 =	simm.s32 @p1 $0x1  }
0x15: {  	[smem:$0x3FB7] =	sst s0;
	s0 =	simm.s32 @!p2 $0x0  }
0x16: {  	s3 =	sld [smem:$0x3FDB];
	s0 =	simm.s32 @p2 $0x1  }
0x17: {  	s4 =	simm.s32 $0x1BF5;
	[smem:$0x3FB9] =	sst s0  }
0x18: {  	s0 =	sld [smem:$0x3F9C];
	_ =	swait.ge [sflag:s4], $0x0  }
0x19: {  	s7 =	sld [smem:$0x3F9D]  }
0x1a: {  	s8 =	sadd.s32 $0xFFFFE003, lr  }
0x1b: {  	s9 =	sadd.s32 $0xFFFFFEF7, lr;
	s5 =	simm.s32 $0xFFFFFFFF;
	p2 =	slt.u32 s8, $0xFFFFF086  }
0x1c: {  	p1 =	slt.u32 s9, $0xF7A;
	s5 =	simm.s32 @!p2 $0x0  }
0x1d: {  	s5 =	simm.s32 @p1 $0x1;
	p0 =	seq.s32 s7, s2  }
0x1e: {  	s7 =	smul.u32 @!p0 $0xF7A, s2;
	p2 =	seq.s32 @!p0 s5, $0x0  }
0x1f: {  	s9 =	smul.u32 $0xF7A, s1;
	s8 =	simm.s32 @!p0 $0x1BF5;
	p2 =	por !p2, p0  }
0x20: {  	[sflag:s8] =	ssyncset.s32 @!p0 $0xFFFFF086;
	s6 =	sadd.s32 @!p0 s3, s7;
	s7 =	simm.s32 @!p0 $0x108  }
0x21: {  	s3 =	sadd.s32 s3, s9;
	s6 =	sadd.s32 @!p0 $0x88, s6;
	s7 =	simm.s32 @p2 $0x1082  }
0x22: {  	[simem:s7], [sflag:s8] =	dma.local @!p0 [hbm:s6], $0xF7A  }
0x23: {  	s9 =	sor.u32 $0xD0000000, s2;
	s6 =	simm.s32 $0x108;
	_ =	swait.ge @!p0 [sflag:s8], $0x0  }
0x24: {  	s3 =	sadd.s32 $0x88, s3;
	s6 =	simm.s32 @!p1 $0x1082;
	[sflag:s4] =	ssyncset.s32 $0xFFFFF086  }
0x25: {  	[simem:s6], [sflag:s4] =	dma.local [hbm:s3], $0xF7A  }
0x26: {  	[smem:$0x3F9D] =	sst s1;
	(tag) =	ssettag s2;
	_ =	strace s9  }
0x27: {  	s1 =	sld [smem:$0x3FAD]  }
0x28: {  	s2 =	sld [smem:$0x3FAE]  }
0x29: {  	s4 =	sld [smem:$0x3FB0]  }
0x2a: {  	p0 =	seq.s32 s5, $0x0;
	s5 =	sld [smem:$0x3FB1]  }
0x2b: {  	s6 =	sld [smem:$0x3FB2]  }
0x2c: {  	s7 =	sld [smem:$0x3FB3]  }
0x2d: {  	s3 =	simm.s32 $0x108;
	s8 =	sld [smem:$0x3FB4]  }
0x2e: {  	s3 =	simm.s32 @!p0 $0x1082;
	s9 =	sld [smem:$0x3FB5]  }
0x2f: {  	lr =	sadd.s32 s0, s3;
	s0 =	sld [smem:$0x3FAC]  }
0x30: {  	s3 =	sld [smem:$0x3FAF]  }
0x31: {  	[smem:$0x3FB8] =	sst s10  }
0x32: {  	s10 =	sld [smem:$0x3FB6];
	_ =	sdelay $0x3  }
0x33: {  	p0 =	seq.s32 s10, $0x1;
	s10 =	sld [smem:$0x3FB8];
	_ =	sdelay $0x3  }
0x34: {  	[smem:$0x3FB8] =	sst s10  }
0x35: {  	s10 =	sld [smem:$0x3FB7];
	_ =	sdelay $0x3  }
0x36: {  	p1 =	seq.s32 s10, $0x1;
	s10 =	sld [smem:$0x3FB8];
	_ =	sdelay $0x3  }
0x37: {  	[smem:$0x3FB8] =	sst s10  }
0x38: {  	s10 =	sld [smem:$0x3FB9]  }
0x39: {  	_ = 	snop;
	(pc) =	sbr.ind lr, $3  }
0x3a: {  	_ = 	snop  }
0x3b: {  	_ = 	snop  }
0x3c: {  	p2 =	seq.s32 s10, $0x1;
	s10 =	sld [smem:$0x3FB8]  }
0x3d: {  	_ =	shalt  }
0x3e: {  	_ =	shalt  }
0x3f: {  	_ =	shalt  }
0x40: {  	_ =	shalt  }
0x41: {  	_ =	shalt  }
0x42: {  	_ =	shalt  }
0x43: {  	_ =	shalt  }
0x44: {  	_ =	shalt  }
0x45: {  	_ =	shalt  }
0x46: {  	_ =	shalt  }
0x47: {  	_ =	shalt  }
0x48: {  	_ =	shalt  }
0x49: {  	_ =	shalt  }
0x4a: {  	_ =	shalt  }
0x4b: {  	_ =	shalt  }
0x4c: {  	_ =	shalt  }
0x4d: {  	_ =	shalt  }
0x4e: {  	_ =	shalt  }
0x4f: {  	_ =	shalt  }
0x50: {  	_ =	shalt  }
0x51: {  	_ =	shalt  }
0x52: {  	_ =	shalt  }
0x53: {  	_ =	shalt  }
0x54: {  	_ =	shalt  }
0x55: {  	_ =	shalt  }
0x56: {  	_ =	shalt  }
0x57: {  	_ =	shalt  }
0x58: {  	_ =	shalt  }
0x59: {  	_ =	shalt  }
0x5a: {  	_ =	shalt  }
0x5b: {  	_ =	shalt  }
0x5c: {  	_ =	shalt  }
0x5d: {  	_ =	shalt  }
0x5e: {  	_ =	shalt  }
0x5f: {  	_ =	shalt  }
0x60: {  	_ =	shalt  }
0x61: {  	_ =	shalt  }
0x62: {  	_ =	shalt  }
0x63: {  	_ =	shalt  }
0x64: {  	_ =	shalt  }
0x65: {  	_ =	shalt  }
0x66: {  	_ =	shalt  }
0x67: {  	_ =	shalt  }
0x68: {  	_ =	shalt  }
0x69: {  	_ =	shalt  }
0x6a: {  	_ =	shalt  }
0x6b: {  	_ =	shalt  }
0x6c: {  	_ =	shalt  }
0x6d: {  	_ =	shalt  }
0x6e: {  	_ =	shalt  }
0x6f: {  	_ =	shalt  }
0x70: {  	_ =	shalt  }
0x71: {  	_ =	shalt  }
0x72: {  	_ =	shalt  }
0x73: {  	_ =	shalt  }
0x74: {  	_ =	shalt  }
0x75: {  	_ =	shalt  }
0x76: {  	_ =	shalt  }
0x77: {  	_ =	shalt  }
0x78: {  	_ =	shalt  }
0x79: {  	_ =	shalt  }
0x7a: {  	_ =	shalt  }
0x7b: {  	_ =	shalt  }
0x7c: {  	_ =	shalt  }
0x7d: {  	_ =	shalt  }
0x7e: {  	_ =	shalt  }
0x7f: {  	_ =	shalt  }
0x80: {  	_ =	shalt  }
0x81: {  	_ =	shalt  }
0x82: {  	_ =	shalt  }
0x83: {  	_ =	shalt  }
0x84: {  	_ =	shalt  }
0x85: {  	_ =	shalt  }
0x86: {  	_ =	shalt  }
0x87: {  	_ =	shalt  }
.Lfunc_end0:
.L_simem_size_0:
called_computation_lowered:
.L_overlay_start_0:
0x88: {  	s2 =	sld [smem:$0x3FD9]  }
0x89: {  	s3 =	sld [smem:$0x3FFE];
	_ =	sdelay $0x1  }
0x8a: {  	s1 =	srdreg.scid  }
0x8b: {  	s0 =	sand.u32 $0x1, s1  }
0x8c: {  	s15 =	sshll.u32 s0, $0xA;
	s2 =	sadd.s32 s3, s2  }
0x8d: {  	s2 =	sadd.s32 s2, s15  }
0x8e: {  	[smem:$0x3FC4] =	sst s2  }
0x8f: {  	_ = 	snop  }
0x90: {  	s2 =	sld [smem:$0x3FD0];
	_ =	sdelay $0x2  }
0x91: {  	s16 =	simm.s32 $0xB;
	s4 =	simm.s32 $0x10  }
0x92: {  	[smem:s4], [sflag:s16] =	dma.local [hbm:s2], $0x1  }
0x93: {  	_ =	swait.eq [sflag:s16], $0x1  }
0x94: {  	[sflag:s16] =	ssyncset.done $0x0  }
0x95: {  	[sflag:s16] =	ssyncadd.s32 $0xFFFFFFFF  }
0x96: {  	s17 =	sld [smem:$0x10];
	(tm) =	ssettm $0x1  }
0x97: {  	s18 =	sld [smem:$0x3FFB];
	_ =	sdelay $0x3  }
0x98: {  	_ =	strace s18  }
0x99: {  	s2 =	sld [smem:$0x3FFC];
	_ =	sdelay $0x3  }
0x9a: {  	_ =	strace s2  }
0x9b: {  	s2 =	sld [smem:$0x3FFD];
	_ =	sdelay $0x3  }
0x9c: {  	_ =	strace s2  }
0x9d: {  	_ =	strace $0x8FFFFFFF  }
0x9e: {  	s19 =	sld [smem:$0x3FDB];
	_ =	sdelay $0x1  }
0x9f: {  	s20 =	simm.s32 $_scs_section_size  }
0xa0: {  	s5 =	simm.s32 $_size__tile_overlayer_lowered;
	s6 =	simm.s32 $_tile_overlayer_lowered  }
0xa1: {  	s7 =	simm.s32 $0x1BFF;
	s21 =	sshll.u32 s6, $0x1;
	s4 =	sadd.s32 s20, s19  }
0xa2: {  	s22 =	simm.s32 $0x0;
	s5 =	sshll.u32 s5, $0x1;
	s6 =	sadd.s32 s21, s4  }
0xa3: {  	[timem:s22], [sflag:s7] =	dma.local [hbm:s6], s5  }
0xa4: {  	_ =	swait.ge [sflag:s7], s5  }
0xa5: {  	s5 =	ssub.s32 $0x0, s5;
	[sflag:s7] =	ssyncset.done $0x0  }
0xa6: {  	[sflag:s7] =	ssyncadd.s32 s5;
	_ =	sdelay $0x1  }
0xa7: {  	s23 =	simm.s32 $0x1B8B  }
0xa8: {  	_ =	swait.ge [sflag:s23], $0x1  }
0xa9: {  	[sflag:s23] =	ssyncset.done $0x0  }
0xaa: {  	[sflag:s23] =	ssyncadd.s32 $0xFFFFFFFF  }
0xab: {  	s5 =	sld [smem:$0x0]  }
0xac: {  	s6 =	sand.u32 $0xFFFFFFFE, s1  }
0xad: {  	p0 =	sne.s32 s1, s6  }
0xae: {  	s6 =	sshll.u32 @p0 s6, $0xE  }
0xaf: {  	s6 =	sadd.s32 @p0 $0x11B8D, s6;
	s7 =	sshll.u32 @p0 s5, $0x11  }
0xb0: {  	s6 =	sor.u32 @p0 s7, s6  }
0xb1: {  	[sflag:s6] =	ssyncadd.remote.s32 @p0 $0x1;
	_ =	sdelay $0x1  }
0xb2: {  	s6 =	simm.s32 @p0 $0x1B8D  }
0xb3: {  	_ =	swait.eq @p0 [sflag:s6], $0x1  }
0xb4: {  	[sflag:s6] =	ssyncadd.s32 @p0 $0xFFFFFFFF  }
0xb5: {  	s7 =	sshll.u32 @!p0 s1, $0xE  }
0xb6: {  	s7 =	sor.u32 @!p0 $0x4000, s7;
	s6 =	simm.s32 @!p0 $0x1B8D  }
0xb7: {  	s8 =	sshll.u32 @!p0 s5, $0x11;
	s7 =	sadd.s32 @!p0 $0x11B8D, s7;
	_ =	swait.eq @!p0 [sflag:s6], $0x1  }
0xb8: {  	[sflag:s6] =	ssyncadd.s32 @!p0 $0xFFFFFFFF;
	s6 =	sor.u32 @!p0 s8, s7  }
0xb9: {  	s25 =	simm.s32 $0x1B8E;
	s24 =	sld [smem:$0x3FFE];
	[sflag:s6] =	ssyncadd.remote.s32 @!p0 $0x1  }
0xba: {  	s26 =	simm.s32 $execute0_lowered;
	[smem:$0x3FD2] =	sst s25  }
0xbb: {  	s7 =	sshll.u32 s26, $0x1;
	_ =	strace $0x8000004C;
	[dreg:$0x1] =	wrdreg $0xFFFFFFFF  }
0xbc: {  	s28 =	simm.s32 $_size_execute0_lowered;
	s4 =	sadd.s32 s4, s7;
	[dreg:$0x0] =	wrdreg $0x0  }
0xbd: {  	s7 =	sshll.u32 s28, $0x1;
	[dreg:$0x2] =	wrdreg s4  }
0xbe: {  	[dreg:$0x3] =	wrdreg s7  }
0xbf: {  	[dreg:$0x4] =	wrdreg $0xC0  }
0xc0: {  	_ =	task [dreg:s22], $0x5FFFF  }
0xc1: {  	[dreg:$0x1] =	wrdreg $0xFFFFFFFF  }
0xc2: {  	[dreg:$0x0] =	wrdreg $0x60  }
0xc3: {  	[dreg:$0x2] =	wrdreg s24  }
0xc4: {  	[dreg:$0x3] =	wrdreg s17  }
0xc5: {  	[dreg:$0x4] =	wrdreg s1  }
0xc6: {  	[dreg:$0x5] =	wrdreg s5  }
0xc7: {  	[dreg:$0x6] =	wrdreg $0x9  }
0xc8: {  	_ =	task.clear_ibuf [dreg:s22], $0x7FFFF;
	_ =	strace $0x9000004C  }
0xc9: {  	s29 =	simm.s32 $0x9;
	_ =	strace $0x8000004E  }
0xca: {  	_ =	swait.ge [sflag:s29], $0x1  }
0xcb: {  	[sflag:s29] =	ssyncadd.s32 $0xFFFFFFFF  }
0xcc: {  	_ =	strace $0x9000004E  }
0xcd: {  	_ =	sfence  }
0xce: {  	s30 =	sld [smem:$0x0];
	_ =	sdelay $0x2  }
0xcf: {  	s31 =	sshll.u32 s1, $0xD;
	s1 =	sshrl.u32 s1, $0x2  }
0xd0: {  	s4 =	sand.u32 $0x4000, s31;
	s1 =	sadd.s32 s1, s30  }
0xd1: {  	s0 =	sor.u32 s4, s0;
	s1 =	sshll.u32 s1, $0x11  }
0xd2: {  	s0 =	sor.u32 s1, s0  }
0xd3: {  	s0 =	sadd.s32 $0x8F2B, s0  }
0xd4: {  	[sflag:s0] =	ssyncadd.remote.s32 $0x1  }
0xd5: {  	_ =	sfence.sel $0xFFFF  }
0xd6: {  	[dreg:$0x0] =	wrdreg $0xFFFFFFFF;
	(pc) =	sbr.abs _section_cstart, $3  }
0xd7: {  	[dreg:$0x1] =	wrdreg $0xFFFFFFFF  }
0xd8: {  	_ =	task.clear_ibuf [dreg:s22], $0x2FFFF;
	_ =	strace $0x9FFFFFFF  }
0xd9: {  	(tm) =	ssettm $0x7FFFFFFF  }
tec
execute0_lowered:
.L_overlay_start_1:
0x0: {  	(tag) =	ssettag $0x1  }
0x1: {  	s2 =	rddreg [dreg:$0x0]  }
0x2: {  	s0 =	rddreg [dreg:$0x1]  }
0x3: {  	s3 =	rddreg [dreg:$0x2];
	_ =	strace $0x8000004D;
	s1 =	simm.s32 $0x1  }
0x4: {  	s4 =	simm.s32 $0x88;
	v0 =	vimm.s32 $0x0;
	[sflag:s1] =	ssyncpa.u1 $0x0  }
0x5: {  	s1 =	sadd.s32 $0x5000, s2;
	[tilespmem:s4+$0x30] =	vst v0  }
0x6: {  	s6 =	sadd.s32 $0xD00000, s2;
	s3 =	sand.u32 $0x1, s3;
	s14 =	sadd.s32 $0x1000, s2;
	[tilespmem:s4+$0x20] =	vst v0  }
0x7: {  	s2 =	simm.s32 $0x40;
	[dreg:$0x5] =	wrdreg s3;
	s15 =	sshll.u32 s3, $0xD;
	[tilespmem:s4+$0x10] =	vst v0  }
.LBB2_1:
0x8: {  	s2 =	sadd.s32 $0x40, s2  }
0x9: {  	[tilespmem:s4+$0x0] =	vst v0;
	s4 =	sadd.s32 $0x40, s4;
	p0 =	slt.u32 s2, $0x5040  }
.Ltmp0:
0xa: {  	(pc) =	sbr.rel @p0 .LBB2_1-.Ltmp0, $4  }
0xb: {  	_ = 	snop  }
0xc: {  	[tilespmem:s4+$0x30] =	vst v0  }
0xd: {  	[tilespmem:s4+$0x20] =	vst v0  }
0xe: {  	[tilespmem:s4+$0x10] =	vst v0  }
0xf: {  	s9 =	stileid.u32  }
0x10: {  	s2 =	smul.u32 $0xC, s9  }
0x11: {  	s3 =	smin.u32 s9, $0xD  }
0x12: {  	s2 =	sadd.s32 s3, s2  }
0x13: {  	p0 =	slt.u32 s9, $0xD;
	s7 =	smul.u32 $0x140, s2;
	s2 =	simm.s32 $0x1040  }
0x14: {  	s2 =	simm.s32 @!p0 $0xF00  }
0x15: {  	s2 =	sadd.s32 s2, s7  }
0x16: {  	s8 =	smin.u32 s2, $0x10000  }
0x17: {  	s2 =	ssub.s32 s8, s7  }
0x18: {  	p0 =	sgt.s32 s2, $0x0  }
0x19: {  	s28 =	simm.s32 $0x2;
	s30 =	simm.s32 $0x9;
	s2 =	simm.s32 @!p0 $0x0  }
0x1a: {  	s31 =	simm.s32 $0xA;
	s11 =	simm.s32 $0xB;
	s29 =	smulhi.u32 $0x66666667, s2  }
0x1b: {  	s12 =	simm.s32 $0x1;
	s14 =	sadd.s32 s15, s14;
	s15 =	sadd.s32 s15, s0  }
0x1c: {  	s18 =	simm.s32 $0x0;
	p1 =	por $0x0, $0x0;
	s3 =	sshrl.u32 s29, $0x7  }
0x1d: {  	s19 =	simm.s32 $0xC;
	s23 =	simm.s32 $0x0;
	s5 =	smul.u32 $0x140, s3  }
.Ltmp1:
0x1e: {  	[tilespmem:s4+$0x0] =	vst v0;
	v0 =	vimm.s32 $0xFFFFFFFF;
	s20 =	simm.s32 $0x0;
	[sflag:s28] =	ssyncpa.u1 $0x0;
	(pc) =	sbr.rel .LBB2_3-.Ltmp1, $4  }
0x1f: {  	[tilespmem:$0xA108] =	vst v0;
	[sflag:s30] =	ssyncpa.u1 $0x0;
	p0 =	sne.s32 s2, s5;
	s2 =	simm.s32 $0x1  }
0x20: {  	s22 =	simm.s32 $0x0;
	[sflag:s31] =	ssyncpa.u1 $0x0;
	s2 =	simm.s32 @!p0 $0x0  }
0x21: {  	s16 =	sshll.u32 s9, $0x7;
	[sflag:s11] =	ssyncpa.u1 $0x0;
	s13 =	sadd.s32 s2, s3  }
0x22: {  	v0 =	vlaneseq.u32;
	s21 =	smov.u32 s7;
	p0 =	por $0x1, $0x1;
	s17 =	sadd.s32 $0x1, s13  }
.LBB2_24:
0x23: {  	s0 =	sshrl.u32 s0, $0x2  }
.LBB2_26:
0x24: {  	_ =	swait.ge [sflag:s19], s0  }
0x25: {  	s30 =	ssub.s32 $0x0, s0;
	v1 =	vmov s25;
	vm0 =	veq.s32 v0, $0x0;
	[sflag:s19] =	ssyncset.done $0x0  }
0x26: {  	vm15 =	veq.s32 v0, $0x2;
	v1 =	vsel vm0, s31, v1;
	[sflag:s19] =	ssyncadd.s32 s30  }
0x27: {  	v1 =	vsel vm15, s23, v1;
	[sflag:s19] =	ssyncpa.u1 $0x1  }
0x28: {  	[tilespmem:$0xA108] =	vst v1  }
.LBB2_27:
0x29: {  	s0 =	sadd.s32 $0x140, s21  }
0x2a: {  	s2 =	smov.u32 s7;
	p2 =	slt.s32 s0, s8  }
0x2b: {  	s2 =	smov.u32 @p2 s0;
	p2 =	sne.s32 s22, s17  }
.Ltmp2:
0x2c: {  	_ = 	snop;
	(pc) =	sbr.rel @!p2 .LBB2_28-.Ltmp2, $4  }
0x2d: {  	_ = 	snop  }
0x2e: {  	s23 =	smov.u32 s20  }
0x2f: {  	s31 =	sadd.s32 $0x1, s22;
	s20 =	smov.u32 s21;
	p0 =	por !p0, !p0  }
0x30: {  	p1 =	por !p1, !p1;
	s22 =	smov.u32 s31;
	s21 =	smov.u32 s2  }
.LBB2_3:
0x31: {  	p2 =	sge.u32 s22, s13  }
0x32: {  	s0 =	smulhi.u32 @!p2 $0xAAAAAAAB, s22  }
0x33: {  	s2 =	smov.u32 s21;
	p3 =	sgt.s32 @!p2 s21, $0xFEC0  }
0x34: {  	s3 =	sshra.s32 @!p2 s21, $0x1F;
	p3 =	por !p3, p2;
	s0 =	sshrl.u32 @!p2 s0, $0x1  }
0x35: {  	s3 =	sand.u32 @!p2 s3, s21;
	s2 =	simm.s32 @p3 $0xFEC0;
	s0 =	smul.u32 @!p2 $0x3, s0  }
0x36: {  	s2 =	ssub.s32 @!p2 s2, s3  }
0x37: {  	s2 =	sadd.s32 @!p2 $0xFFFF0140, s2;
	s0 =	ssub.s32 @!p2 s22, s0  }
0x38: {  	s3 =	sshll.u32 @!p2 s2, $0x2;
	p3 =	sgt.s32 @!p2 s2, $0x13F;
	s0 =	smul.u32 @!p2 $0x500, s0  }
0x39: {  	s4 =	sand.u32 @!p2 $0x7, s21;
	s2 =	ssub.s32 @!p2 $0x500, s3;
	p3 =	por !p3, p2  }
0x3a: {  	s3 =	sshrl.u32 @!p2 s21, $0x3;
	s2 =	sshrl.u32 @!p2 s2, $0x2;
	s0 =	sshrl.u32 @!p2 s0, $0x2  }
0x3b: {  	s3 =	sadd.s32 @!p2 s3, s14;
	s2 =	simm.s32 @!p3 $0x0;
	s0 =	sadd.s32 @!p2 $0xA948, s0  }
0x3c: {  	[tilespmem:s0], [sflag:$0xA] =	stream.linear.gather @!p2 [hbm4b:s3+s4], s2, $0x38;
	[tilespmem:$0x1EF88] =	vst v63  }
0x3d: {  	s4 =	sadd.s32 $0xFFFFFFFF, s22  }
0x3e: {  	p2 =	sge.u32 s4, s13  }
0x3f: {  	p3 =	sgt.s32 @!p2 s20, $0xFEC0  }
0x40: {  	s0 =	smov.u32 s20;
	s2 =	sshra.s32 @!p2 s20, $0x1F;
	p3 =	por !p3, p2  }
0x41: {  	s2 =	sand.u32 @!p2 s2, s20;
	s0 =	simm.s32 @p3 $0xFEC0  }
0x42: {  	s0 =	ssub.s32 @!p2 s0, s2  }
0x43: {  	s0 =	sadd.s32 @!p2 $0xFFFF0140, s0  }
0x44: {  	s2 =	sshll.u32 @!p2 s0, $0x2  }
0x45: {  	p3 =	sgt.s32 @!p2 s0, $0x13F;
	s0 =	ssub.s32 @!p2 $0x500, s2  }
0x46: {  	p3 =	por !p3, p2;
	s0 =	sshrl.u32 @!p2 s0, $0x2  }
0x47: {  	s3 =	simm.s32 @!p2 $0xA;
	s2 =	sand.u32 @!p2 $0x1, s4;
	s0 =	simm.s32 @!p3 $0x0  }
0x48: {  	s2 =	smul.u32 @!p2 $0x500, s2;
	_ =	swait.ge @!p2 [sflag:s3], s0  }
0x49: {  	s5 =	ssub.s32 @!p2 $0x0, s0;
	[sflag:s3] =	ssyncset.done @!p2 $0x0  }
0x4a: {  	s2 =	sshrl.u32 @!p2 s2, $0x2;
	[sflag:s3] =	ssyncadd.s32 @!p2 s5;
	s3 =	sshrl.u32 @!p2 s20, $0x3  }
0x4b: {  	s2 =	sadd.s32 @!p2 $0xAD08, s2;
	s5 =	sand.u32 @!p2 $0x7, s20;
	s3 =	sadd.s32 @!p2 s3, s15  }
0x4c: {  	[tilespmem:s2], [sflag:$0xB] =	stream.linear.gather @!p2 [hbm4b:s3+s5], s0, $0x38;
	[tilespmem:$0x1EF88] =	vst v63  }
0x4d: {  	s0 =	ssub.s32 @!p2 $0x10000, s20  }
0x4e: {  	p3 =	slt.s32 @!p2 s0, $0x1  }
0x4f: {  	p3 =	por p2, p3  }
.Ltmp3:
0x50: {  	_ = 	snop;
	(pc) =	sbr.rel @p3 .LBB2_9-.Ltmp3, $1  }
0x51: {  	_ =	sdelay $0x3  }
0x52: {  	s2 =	smulhi.u32 $0xAAAAAAAB, s4;
	_ =	sdelay $0x1  }
0x53: {  	s2 =	sshrl.u32 s2, $0x1  }
0x54: {  	s2 =	smul.u32 $0x3, s2;
	_ =	sdelay $0x1  }
0x55: {  	s2 =	ssub.s32 s4, s2  }
0x56: {  	s3 =	simm.s32 $0x1;
	s2 =	smul.u32 $0x500, s2  }
.Ltmp4:
0x57: {  	s3 =	simm.s32 @!p0 $0x0;
	(pc) =	sbr.rel .LBB2_6-.Ltmp4, $4  }
0x58: {  	s3 =	smul.u32 $0x28000, s3  }
0x59: {  	p3 =	slt.s32 @!p2 s0, $0x140;
	s2 =	sshrl.u32 s2, $0x2  }
0x5a: {  	p2 =	por !p3, p2;
	s3 =	sshrl.u32 s3, $0x2;
	s2 =	sadd.s32 $0xA948, s2  }
0x5b: {  	s24 =	simm.s32 $0x0;
	s0 =	simm.s32 @p2 $0x140;
	s4 =	sadd.s32 $0xAF88, s3;
	v1 =	vmov s2  }
.LBB2_5:
0x5c: {  	p2 =	sge.s32 s24, s0  }
.Ltmp5:
0x5d: {  	_ = 	snop;
	(pc) =	sbr.rel @p2 .LBB2_9-.Ltmp5, $2  }
0x5e: {  	_ =	sdelay $0x2  }
0x5f: {  	s4 =	sadd.s32 $0x800, s4  }
.LBB2_6:
0x60: {  	p2 =	sle.s32 s0, s24  }
.Ltmp6:
0x61: {  	_ = 	snop;
	(pc) =	sbr.rel @p2 .LBB2_5-.Ltmp6, $2  }
0x62: {  	_ =	sdelay $0x2  }
0x63: {  	s5 =	smov.u32 s24;
	s24 =	sadd.s32 $0x10, s24  }
0x64: {  	s2 =	ssub.s32 s0, s5  }
0x65: {  	p2 =	slt.s32 s2, $0x10  }
0x66: {  	s2 =	simm.s32 @!p2 $0x10  }
0x67: {  	v2 =	vmov s2  }
0x68: {  	vm0 =	vgt.s32 v2, v0;
	_ =	sdelay $0x5  }
0x69: {  	v2 =	vld.idx.msk [tilespmem:v1+s5+$0x0 ss:$0x1], vm0;
	_ =	sdelay $0x2  }
0x6a: {  	p2 =	slt.s32 s24, s0;
	s2 =	smov.u32 s0  }
0x6b: {  	s3 =	smov.u32 s4;
	s25 =	simm.s32 $0x0;
	s2 =	smov.u32 @p2 s24  }
.LBB2_8:
0x6c: {  	(v2sf) =	vpush v2, s25;
	_ =	sdelay $0xc  }
0x6d: {  	s25 =	sadd.s32 $0x1, s25  }
0x6e: {  	s31 =	sadd.s32 s25, s5  }
0x6f: {  	p2 =	slt.s32 s31, s2;
	s9 =	spop (v2sf)  }
.Ltmp7:
0x70: {  	s9 =	sshll.u32 s9, $0x4;
	(pc) =	sbr.rel @p2 .LBB2_8-.Ltmp7, $4  }
0x71: {  	s9 =	sand.u32 $0x1FFFFFF0, s9  }
0x72: {  	s9 =	sadd.s32 s6, s9  }
0x73: {  	[tilespmem:s3], [sflag:$0x9] =	stream.linear.gather [hbm4b:s9+s18], $0x40, $0x38;
	[tilespmem:$0x1EF88] =	vst v63  }
0x74: {  	s3 =	sadd.s32 $0x80, s3  }
.Ltmp8:
0x75: {  	_ = 	snop;
	(pc) =	sbr.rel .LBB2_5-.Ltmp8, $1  }
0x76: {  	_ =	sdelay $0x3  }
.LBB2_9:
0x77: {  	p2 =	slt.u32 s22, $0x2  }
.Ltmp9:
0x78: {  	_ = 	snop;
	(pc) =	sbr.rel @p2 .LBB2_27-.Ltmp9, $1  }
0x79: {  	_ =	sdelay $0x3  }
0x7a: {  	p2 =	sgt.s32 s23, $0xFEC0  }
0x7b: {  	s0 =	smov.u32 s23;
	s2 =	sshra.s32 s23, $0x1F;
	s3 =	ssub.s32 $0x10000, s23  }
0x7c: {  	s0 =	simm.s32 @!p2 $0xFEC0;
	s2 =	sand.u32 s2, s23;
	p2 =	slt.s32 s3, $0x140  }
0x7d: {  	s0 =	ssub.s32 s0, s2;
	s3 =	simm.s32 @!p2 $0x140  }
0x7e: {  	s0 =	sadd.s32 $0xFFFF0140, s0;
	s10 =	sshll.u32 s3, $0x6  }
0x7f: {  	s26 =	simm.s32 $0x9;
	s24 =	sshll.u32 s0, $0x2;
	s2 =	sand.u32 $0x3FFFFFC0, s10  }
0x80: {  	p2 =	sgt.s32 s0, $0x13F;
	s25 =	ssub.s32 $0x500, s24;
	_ =	swait.ge [sflag:s26], s2  }
0x81: {  	s2 =	ssub.s32 $0x0, s2;
	[sflag:s26] =	ssyncset.done $0x0;
	s0 =	sshrl.u32 s25, $0x2  }
0x82: {  	[sflag:s26] =	ssyncadd.s32 s2;
	s0 =	simm.s32 @p2 $0x0  }
0x83: {  	_ =	swait.ge [sflag:s11], s0  }
0x84: {  	s0 =	ssub.s32 $0x0, s0;
	[sflag:s11] =	ssyncset.done $0x0  }
0x85: {  	[sflag:s11] =	ssyncadd.s32 s0  }
0x86: {  	v1 =	vld [tilespmem:$0xA108];
	_ =	sdelay $0x4  }
0x87: {  	(v2sf) =	vpush v1, $0x0  }
0x88: {  	(v2sf) =	vpush v1, $0x1  }
0x89: {  	(v2sf) =	vpush v1, $0x2;
	_ =	sdelay $0x3  }
0x8a: {  	s0 =	sadd.s32 $0x140, s23  }
0x8b: {  	s2 =	ssub.s32 $0x20000, s23;
	p2 =	slt.s32 s8, s0  }
0x8c: {  	s0 =	smov.u32 @p2 s8;
	p2 =	sgt.s32 s2, $0x0  }
0x8d: {  	s0 =	ssub.s32 s0, s23;
	s2 =	simm.s32 @!p2 $0x0  }
0x8e: {  	p2 =	slt.s32 s2, s0  }
0x8f: {  	s0 =	smov.u32 @p2 s2  }
0x90: {  	s26 =	simm.s32 $0x1;
	p2 =	slt.s32 s0, $0x1  }
.Ltmp10:
0x91: {  	s26 =	simm.s32 @!p1 $0x0;
	(pc) =	sbr.rel @p2 .LBB2_14-.Ltmp10, $4  }
0x92: {  	s30 =	smul.u32 $0x500, s26  }
0x93: {  	s28 =	spop (v2sf)  }
0x94: {  	s31 =	sshrl.u32 s30, $0x2;
	s29 =	spop (v2sf)  }
0x95: {  	s24 =	sadd.s32 $0xAD08, s31;
	s23 =	spop (v2sf)  }
0x96: {  	s2 =	smin.u32 s0, $0x10  }
0x97: {  	v1 =	vmov s2  }
0x98: {  	p3 =	sgt.s32 s0, $0x10;
	vm1 =	vgt.u32 v1, v0  }
.Ltmp11:
0x99: {  	_ = 	snop;
	(pc) =	sbr.rel @!p3 .LBB2_13-.Ltmp11, $2  }
0x9a: {  	_ =	sdelay $0x2  }
0x9b: {  	s5 =	simm.s32 $0x10;
	s25 =	sadd.s32 $0xFFFFFFF0, s0;
	s4 =	smov.u32 s24;
	vm0 =	vmmov vm1  }
.LBB2_12:
0x9c: {  	s2 =	smin.u32 s25, $0x10;
	s5 =	sadd.s32 $0x10, s5;
	v1 =	vld.msk [tilespmem:s4+$0x0 ss:$0x1], vm1  }
0x9d: {  	v2 =	vmov s2;
	p3 =	slt.s32 s5, s0  }
0x9e: {  	vm1 =	vgt.u32 v2, v0  }
.Ltmp12:
0x9f: {  	(pc) =	sbr.rel @p3 .LBB2_12-.Ltmp12, $3  }
0xa0: {  	_ =	sdelay $0x1  }
0xa1: {  	v1 =	vshll.u32 v1, $0x4  }
0xa2: {  	s25 =	sadd.s32 $0xFFFFFFF0, s25;
	[tilespmem:s4+$0x0] =	vst.msk vm0, v1;
	s4 =	sadd.s32 $0x10, s4;
	vm0 =	vmmov vm1  }
.LBB2_13:
0xa3: {  	_ =	sdelay $0x4  }
0xa4: {  	v1 =	vld.msk [tilespmem:s4+$0x0 ss:$0x1], vm1;
	_ =	sdelay $0x4  }
0xa5: {  	v1 =	vshll.u32 v1, $0x4  }
0xa6: {  	[tilespmem:s4+$0x0] =	vst.msk vm0, v1  }
.LBB2_14:
0xa7: {  	s2 =	sand.u32 $0x1, s22  }
0xa8: {  	s2 =	smul.u32 $0x140, s2  }
0xa9: {  	p3 =	sne.s32 s29, $0xFFFFFFFF  }
0xaa: {  	v1 =	vld.msk @!p3 [tilespmem:s2+$0xAD08], $0x1;
	_ =	sdelay $0x4  }
0xab: {  	(v2sf) =	vpush @!p3 v1, $0x0;
	_ =	sdelay $0xc  }
.Ltmp13:
0xac: {  	_ = 	snop;
	(pc) =	sbr.rel @p2 .LBB2_25-.Ltmp13, $4  }
0xad: {  	_ = 	snop  }
0xae: {  	s30 =	spop @!p3 (v2sf)  }
0xaf: {  	s23 =	simm.s32 @!p3 $0x0;
	s25 =	smov.u32 s30  }
0xb0: {  	[sflag:s19] =	ssyncpa.u1 $0x0;
	s30 =	smov.u32 @p3 s28;
	s25 =	smov.u32 @p3 s29  }
0xb1: {  	v1 =	vld.msk [tilespmem:s24+$0x0], $0x1;
	_ =	sdelay $0x4  }
0xb2: {  	(v2sf) =	vpush v1, $0x0;
	_ =	sdelay $0xe  }
0xb3: {  	s2 =	smul.u32 $0x28000, s26;
	s4 =	spop (v2sf)  }
0xb4: {  	s28 =	ssub.s32 $0x0, s0;
	p2 =	seq.s32 s30, s4  }
0xb5: {  	s0 =	sadd.s32 $0x1, s28;
	s2 =	sshrl.u32 s2, $0x2;
	p3 =	sgt.s32 @!p2 s30, $0x0  }
0xb6: {  	s26 =	sadd.s32 $0xAFA8, s2;
	s2 =	smov.u32 s30;
	p3 =	por !p3, p2  }
0xb7: {  	s2 =	simm.s32 @p3 $0x0;
	p3 =	seq.s32 s0, $0x0  }
.Ltmp14:
0xb8: {  	_ = 	snop;
	(pc) =	sbr.rel @p3 .LBB2_17-.Ltmp14, $4  }
0xb9: {  	_ = 	snop  }
0xba: {  	s29 =	simm.s32 $0x0;
	s5 =	simm.s32 @!p2 $0x1;
	s3 =	smin.u32 @!p2 s2, $0x1FFFF8  }
0xbb: {  	s31 =	sadd.s32 $0x1, s24;
	s5 =	smov.u32 @p2 s29;
	s9 =	sand.u32 @!p2 $0x1FFFF8, s3  }
0xbc: {  	s2 =	simm.s32 @!p2 $0x50C8;
	s3 =	sand.u32 @!p2 $0x7, s3;
	s9 =	sadd.s32 @!p2 s1, s9  }
.LBB2_16:
0xbd: {  	s10 =	smov.u32 s5  }
0xbe: {  	[tilespmem:s2], [sflag:$0x2] =	stream.linear.gather @!p2 [hbm4b:s9+s3], $0x40, $0x38;
	[tilespmem:$0x1EF88] =	vst v63  }
0xbf: {  	s0 =	sadd.s32 $0x1, s0;
	s3 =	smov.u32 s4;
	v1 =	vld.msk [tilespmem:s31+$0x0], $0x1  }
0xc0: {  	p3 =	seq.s32 s0, $0x0;
	_ =	sdelay $0x3  }
0xc1: {  	(v2sf) =	vpush v1, $0x0;
	_ =	sdelay $0xe  }
0xc2: {  	s4 =	spop (v2sf)  }
0xc3: {  	p2 =	seq.s32 s3, s4  }
0xc4: {  	p4 =	sgt.s32 @!p2 s3, $0x0;
	s2 =	sshll.u32 @!p2 s5, $0x8;
	s5 =	sadd.s32 @!p2 $0x1, s5  }
.Ltmp15:
0xc5: {  	p4 =	por !p4, p2;
	s2 =	sshra.s32 @!p2 s2, $0x2;
	(pc) =	sbr.rel @!p3 .LBB2_16-.Ltmp15, $4  }
0xc6: {  	s5 =	smov.u32 @p2 s10;
	s3 =	simm.s32 @p4 $0x0;
	s2 =	sadd.s32 @!p2 $0x50C8, s2  }
0xc7: {  	s3 =	smin.u32 @!p2 s3, $0x1FFFF8  }
0xc8: {  	s9 =	sand.u32 @!p2 $0x1FFFF8, s3;
	s3 =	sand.u32 @!p2 $0x7, s3  }
0xc9: {  	s31 =	sadd.s32 $0x1, s31;
	s9 =	sadd.s32 @!p2 s1, s9  }
.LBB2_17:
0xca: {  	[tilespmem:s2], [sflag:$0x2] =	stream.linear.gather @!p2 [hbm4b:s9+s3], $0x40, $0x38;
	[tilespmem:$0x1EF88] =	vst v63  }
.Ltmp16:
0xcb: {  	s0 =	sshll.u32 s5, $0x6;
	(pc) =	sbr.rel .LBB2_18-.Ltmp16, $4  }
0xcc: {  	s31 =	simm.s32 $0x2;
	s0 =	sand.u32 $0x3FFFFFC0, s0  }
0xcd: {  	_ =	swait.ge [sflag:s31], s0  }
0xce: {  	s0 =	ssub.s32 $0x0, s0;
	[sflag:s31] =	ssyncset.done $0x0  }
0xcf: {  	[sflag:s31] =	ssyncadd.s32 s0;
	s0 =	simm.s32 $0x0  }
.LBB2_19:
0xd0: {  	v1 =	vld [tilespmem:s26+$0xFFFFFFE0];
	_ =	sdelay $0x4  }
0xd1: {  	[tilespmem:s4+$0x88] =	vst.add.f32.msk $0xffff, v1  }
0xd2: {  	v1 =	vld [tilespmem:s26+$0xFFFFFFF0];
	_ =	sdelay $0x4  }
0xd3: {  	[tilespmem:s4+$0x98] =	vst.add.f32.msk $0xffff, v1  }
0xd4: {  	v1 =	vld [tilespmem:s26+$0x0];
	_ =	sdelay $0x4  }
0xd5: {  	[tilespmem:s4+$0xA8] =	vst.add.f32.msk $0xffff, v1  }
0xd6: {  	v1 =	vld [tilespmem:s26+$0x10];
	_ =	sdelay $0x4  }
0xd7: {  	[tilespmem:s4+$0xB8] =	vst.add.f32.msk $0xffff, v1  }
.LBB2_23:
0xd8: {  	s28 =	sadd.s32 $0x1, s28  }
0xd9: {  	p2 =	seq.s32 s28, $0x0  }
.Ltmp17:
0xda: {  	_ = 	snop;
	(pc) =	sbr.rel @p2 .LBB2_24-.Ltmp17, $2  }
0xdb: {  	_ =	sdelay $0x2  }
0xdc: {  	s26 =	sadd.s32 $0x80, s26;
	s24 =	sadd.s32 $0x1, s24;
	s30 =	smov.u32 s31  }
.LBB2_18:
0xdd: {  	v1 =	vld.msk [tilespmem:s24+$0x0], $0x1;
	_ =	sdelay $0x4  }
0xde: {  	(v2sf) =	vpush v1, $0x0;
	_ =	sdelay $0xe  }
0xdf: {  	s31 =	spop (v2sf)  }
0xe0: {  	p2 =	sne.s32 s30, s31  }
.Ltmp18:
0xe1: {  	_ = 	snop;
	(pc) =	sbr.rel @!p2 .LBB2_19-.Ltmp18, $3  }
0xe2: {  	_ =	sdelay $0x1  }
0xe3: {  	s2 =	sshll.u32 s23, $0x8  }
0xe4: {  	s4 =	sshra.s32 s2, $0x2  }
0xe5: {  	p2 =	seq.s32 s30, s25  }
.Ltmp19:
0xe6: {  	_ = 	snop;
	(pc) =	sbr.rel @!p2 .LBB2_21-.Ltmp19, $1  }
0xe7: {  	_ =	sdelay $0x3  }
.Ltmp20:
0xe8: {  	s2 =	sadd.s32 $0x88, s4;
	(pc) =	sbr.rel .LBB2_22-.Ltmp20, $4  }
0xe9: {  	[spmem:s16] =	stream.linear.scatter [tilespmem:s2], [sflag:$0x1], $0x40, $0x38;
	[tilespmem:$0x1EF88] =	vst v63  }
0xea: {  	_ =	swait.ge [sflag:s12], $0x40  }
0xeb: {  	[sflag:s12] =	ssyncset.done $0x0  }
0xec: {  	[sflag:s12] =	ssyncadd.s32 $0xFFFFFFC0  }
.LBB2_21:
0xed: {  	s2 =	sshll.u32 s29, $0x8  }
0xee: {  	s2 =	sshra.s32 s2, $0x2  }
0xef: {  	v1 =	vld [tilespmem:s2+$0x50C8];
	_ =	sdelay $0x4  }
0xf0: {  	[tilespmem:s4+$0x88] =	vst.add.f32.msk $0xffff, v1  }
0xf1: {  	v1 =	vld [tilespmem:s2+$0x50D8];
	_ =	sdelay $0x4  }
0xf2: {  	[tilespmem:s4+$0x98] =	vst.add.f32.msk $0xffff, v1  }
0xf3: {  	v1 =	vld [tilespmem:s2+$0x50E8];
	_ =	sdelay $0x4  }
0xf4: {  	[tilespmem:s4+$0xA8] =	vst.add.f32.msk $0xffff, v1  }
0xf5: {  	v1 =	vld [tilespmem:s2+$0x50F8];
	_ =	sdelay $0x2  }
0xf6: {  	p2 =	sgt.u32 s30, $0x1FFFF8  }
0xf7: {  	s2 =	sand.u32 @!p2 $0x1FFFF8, s30  }
0xf8: {  	s3 =	sadd.s32 $0x88, s4;
	s2 =	sadd.s32 @!p2 s1, s2;
	[tilespmem:s4+$0xB8] =	vst.add.f32.msk $0xffff, v1;
	s4 =	sand.u32 @!p2 $0x7, s30  }
0xf9: {  	[hbm4b:s2+s4] =	stream.linear.scatter @!p2 [tilespmem:s3], [sflag:$0xC], $0x40, $0x38;
	[tilespmem:$0x1EF88] =	vst v63  }
0xfa: {  	s2 =	simm.s32 $0x0  }
0xfb: {  	s2 =	simm.s32 @!p2 $0x100  }
0xfc: {  	s0 =	sadd.s32 s2, s0  }
.LBB2_22:
0xfd: {  	s2 =	sadd.s32 $0x1, s23  }
0xfe: {  	s3 =	smulhi.u32 $0xCCCCCCCD, s2;
	_ =	sdelay $0x1  }
0xff: {  	v1 =	vld [tilespmem:s26+$0xFFFFFFE0];
	s3 =	sshrl.u32 s3, $0x8  }
0x100: {  	s3 =	smul.u32 $0x140, s3;
	_ =	sdelay $0x1  }
0x101: {  	s23 =	ssub.s32 s2, s3  }
0x102: {  	s2 =	sshll.u32 s23, $0x6  }
0x103: {  	[tilespmem:s2+$0x88] =	vst v1  }
0x104: {  	v1 =	vld [tilespmem:s26+$0xFFFFFFF0];
	_ =	sdelay $0x4  }
0x105: {  	[tilespmem:s2+$0x98] =	vst v1  }
0x106: {  	v1 =	vld [tilespmem:s26+$0x0];
	_ =	sdelay $0x4  }
0x107: {  	[tilespmem:s2+$0xA8] =	vst v1  }
0x108: {  	v1 =	vld [tilespmem:s26+$0x10]  }
.Ltmp21:
0x109: {  	_ = 	snop;
	(pc) =	sbr.rel .LBB2_23-.Ltmp21, $2  }
0x10a: {  	_ =	sdelay $0x2  }
0x10b: {  	s29 =	sadd.s32 $0x1, s29;
	[tilespmem:s2+$0xB8] =	vst v1  }
.LBB2_25:
.Ltmp22:
0x10c: {  	(pc) =	sbr.rel .LBB2_26-.Ltmp22, $4  }
0x10d: {  	_ = 	snop  }
0x10e: {  	s0 =	simm.s32 $0x2  }
0x10f: {  	_ =	swait.ge [sflag:s0], $0x0  }
0x110: {  	s31 =	smov.u32 s30;
	[sflag:s0] =	ssyncset.done $0x0;
	s0 =	simm.s32 $0x0  }
.LBB2_28:
0x111: {  	_ =	sfence.sel $0x180000  }
0x112: {  	s0 =	simm.s32 $0x9;
	[bflag:$0x0] =	sbarrier.arrive $0xFFFF  }
0x113: {  	s24 =	simm.s32 $0xA;
	[sflag:s0] =	ssyncpa.u1 $0x1  }
0x114: {  	s25 =	simm.s32 $0xB;
	[sflag:s24] =	ssyncpa.u1 $0x1  }
0x115: {  	s26 =	simm.s32 $0x2;
	[sflag:s25] =	ssyncpa.u1 $0x1  }
0x116: {  	[sflag:s26] =	ssyncpa.u1 $0x1  }
0x117: {  	v0 =	vld [tilespmem:$0xA108];
	_ =	sdelay $0x4  }
0x118: {  	(v2sf) =	vpush v0, $0x0  }
0x119: {  	(v2sf) =	vpush v0, $0x1;
	_ =	sdelay $0x1  }
0x11a: {  	(v2sf) =	vpush v0, $0x2;
	_ =	sdelay $0xb  }
0x11b: {  	s0 =	spop (v2sf)  }
0x11c: {  	s2 =	spop (v2sf)  }
0x11d: {  	s3 =	smov.u32 s0;
	p0 =	sne.s32 s0, s2  }
0x11e: {  	s4 =	spop (v2sf);
	s3 =	simm.s32 @!p0 $0xFFFFFFFF  }
0x11f: {  	v2 =	vimm.s32 $0x1;
	v3 =	vlaneseq.u32;
	p0 =	seq.s32 s4, $0xFFFFFFFF;
	v1 =	vmov s3  }
0x120: {  	s15 =	stileid.u32;
	v0 =	vperm.xlane v0, v2;
	p1 =	sne.s32 @!p0 s0, s2;
	v1 =	vperm.xlane v1, v3  }
0x121: {  	vm0 =	vcmask $0x3F04;
	s6 =	simm.s32 $0xA108;
	s0 =	simm.s32 @!p0 $0x1;
	p1 =	por !p1, p0  }
0x122: {  	s3 =	sshll.u32 s15, $0x1;
	s2 =	sshll.u32 @!p0 s4, $0x8;
	s0 =	simm.s32 @p1 $0x0;
	v0 =	vsel vm0, v1, v0  }
0x123: {  	s5 =	sor.u32 $0x800, s3;
	s2 =	sshra.s32 @!p0 s2, $0x2;
	s0 =	sor.u32 @!p0 s0, s3;
	[tilespmem:$0xA108] =	vst v0  }
0x124: {  	[spmem:s5] =	stream.linear.scatter [tilespmem:s6], [sflag:$0x1], $0x2, $0x38;
	[tilespmem:$0x1EF88] =	vst v63  }
0x125: {  	s2 =	sadd.s32 @!p0 $0x88, s2;
	s0 =	sshll.u32 @!p0 s0, $0x6  }
0x126: {  	[spmem:s0] =	stream.linear.scatter @!p0 [tilespmem:s2], [sflag:$0x1], $0x40, $0x38;
	[tilespmem:$0x1EF88] =	vst v63  }
0x127: {  	s0 =	simm.s32 @!p0 $0x42  }
0x128: {  	s28 =	simm.s32 $0x1;
	s0 =	simm.s32 @p0 $0x2  }
0x129: {  	_ =	swait.ge [sflag:s28], s0  }
0x12a: {  	s0 =	ssub.s32 $0x0, s0;
	[sflag:s28] =	ssyncset.done $0x0  }
0x12b: {  	p0 =	sne.s32 s15, $0x0;
	[sflag:s28] =	ssyncadd.s32 s0  }
.Ltmp23:
0x12c: {  	_ =	sfence.stream.spmem;
	(pc) =	sbr.rel @p0 .LBB2_45-.Ltmp23, $4  }
0x12d: {  	s29 =	simm.s32 $0x3;
	[bflag:$0x0] =	sbarrier.arrive $0xFFFF  }
0x12e: {  	s30 =	simm.s32 $0x4;
	[sflag:s29] =	ssyncpa.u1 $0x1  }
0x12f: {  	s31 =	simm.s32 $0x3C;
	[sflag:s30] =	ssyncpa.u1 $0x1  }
0x130: {  	s14 =	rddreg [dreg:$0x5];
	[sflag:s31] =	ssyncpa.u1 $0x1  }
0x131: {  	_ =	sfence.stream.spmem;
	s0 =	simm.s32 $0x5  }
0x132: {  	s2 =	simm.s32 $0x800;
	s3 =	simm.s32 $0xA118;
	[sflag:s0] =	ssyncpa.u1 $0x0  }
0x133: {  	[tilespmem:s3], [sflag:$0x5] =	stream.linear.gather [spmem:s2], $0x20, $0x38;
	[tilespmem:$0x1EF88] =	vst v63  }
0x134: {  	s26 =	simm.s32 $0x0;
	s28 =	simm.s32 $0xA138  }
0x135: {  	[tilespmem:s28], [sflag:$0x5] =	stream.linear.gather [spmem:s26], $0x800, $0x38;
	[tilespmem:$0x1EF88] =	vst v63  }
0x136: {  	_ =	swait.ge [sflag:s0], $0x820  }
0x137: {  	[sflag:s0] =	ssyncset.done $0x0  }
0x138: {  	s29 =	simm.s32 $0x0;
	[sflag:s0] =	ssyncadd.s32 $0xFFFFF7E0  }
0x139: {  	v0 =	vld.msk [tilespmem:s29+$0xA118], $0x1;
	_ =	sdelay $0x1  }
0x13a: {  	s30 =	simm.s32 $0x1  }
0x13b: {  	v1 =	vld.msk [tilespmem:s30+$0xA118], $0x1;
	_ =	sdelay $0x1  }
0x13c: {  	(v2sf) =	vpush v0, $0x0;
	_ =	sdelay $0x2  }
0x13d: {  	(v2sf) =	vpush v1, $0x0;
	_ =	sdelay $0x2  }
0x13e: {  	s31 =	simm.s32 $0x2  }
0x13f: {  	v0 =	vld.msk [tilespmem:s31+$0xA118], $0x1;
	_ =	sdelay $0x2  }
0x140: {  	s4 =	simm.s32 $0xFFFFFFFF;
	s2 =	simm.s32 $0xFFFFFFFF;
	s0 =	simm.s32 $0xC  }
.LBB2_30:
0x141: {  	s3 =	smov.u32 s4;
	s5 =	smov.u32 s2  }
0x142: {  	s2 =	sshra.s32 s0, $0x2;
	p1 =	sne.s32 s0, $0x7C;
	s0 =	sadd.s32 $0x4, s0;
	(v2sf) =	vpush v0, $0x0  }
0x143: {  	v0 =	vld.msk [tilespmem:s2+$0xA118], $0x1  }
.Ltmp24:
0x144: {  	(pc) =	sbr.rel @p1 .LBB2_30-.Ltmp24, $4  }
0x145: {  	s4 =	spop (v2sf)  }
0x146: {  	p2 =	sne.s32 s5, $0xFFFFFFFF;
	s2 =	smov.u32 s4  }
0x147: {  	p3 =	seq.s32 s4, $0xFFFFFFFF;
	s2 =	smov.u32 @p2 s5  }
0x148: {  	s4 =	smov.u32 @p3 s3;
	s2 =	smov.u32 @p3 s5  }
0x149: {  	(v2sf) =	vpush v0, $0x0;
	_ =	sdelay $0x8  }
0x14a: {  	s0 =	spop (v2sf)  }
0x14b: {  	p1 =	sne.s32 s2, $0xFFFFFFFF;
	s3 =	smov.u32 s0  }
0x14c: {  	s9 =	simm.s32 $0x6;
	p2 =	seq.s32 s0, $0xFFFFFFFF;
	s3 =	smov.u32 @p1 s2  }
0x14d: {  	s6 =	simm.s32 $0x0;
	s3 =	smov.u32 @p2 s2;
	s2 =	spop (v2sf)  }
0x14e: {  	s0 =	smov.u32 @p2 s4;
	p1 =	sne.s32 s3, $0xFFFFFFFF;
	s5 =	smov.u32 s2  }
.Ltmp25:
0x14f: {  	p2 =	seq.s32 s2, $0xFFFFFFFF;
	s5 =	smov.u32 @p1 s3;
	(pc) =	sbr.rel .LBB2_32-.Ltmp25, $4  }
0x150: {  	s10 =	simm.s32 $0xA0C8;
	s5 =	smov.u32 @p2 s3;
	s7 =	spop (v2sf)  }
0x151: {  	s11 =	simm.s32 $0x0;
	p1 =	sne.s32 s5, $0xFFFFFFFF;
	s8 =	smov.u32 s7  }
0x152: {  	s2 =	smov.u32 @p2 s0;
	p2 =	seq.s32 s7, $0xFFFFFFFF;
	s8 =	smov.u32 @p1 s5  }
0x153: {  	[sflag:s9] =	ssyncpa.u1 $0x0;
	s7 =	smov.u32 @p2 s2;
	s8 =	smov.u32 @p2 s5  }
.LBB2_38:
0x154: {  	p1 =	sgt.u32 s12, $0x1FFFF8  }
0x155: {  	p2 =	seq.s32 @!p1 s12, s8  }
0x156: {  	p1 =	por p1, p2  }
0x157: {  	p2 =	sne.s32 @!p1 s12, s7  }
0x158: {  	p1 =	por p1, !p2  }
0x159: {  	s0 =	sshll.u32 @p1 s11, $0x8  }
0x15a: {  	s0 =	sand.u32 @!p1 $0x1FFFF8, s12  }
0x15b: {  	s2 =	sand.u32 @!p1 $0x7, s12;
	s0 =	sadd.s32 @!p1 s1, s0  }
0x15c: {  	[tilespmem:s10], [sflag:$0x6] =	stream.linear.gather @!p1 [hbm4b:s0+s2], $0x40, $0x38;
	[tilespmem:$0x1EF88] =	vst v63  }
0x15d: {  	_ =	swait.ge @!p1 [sflag:s9], $0x40  }
0x15e: {  	[sflag:s9] =	ssyncset.done @!p1 $0x0  }
0x15f: {  	[sflag:s9] =	ssyncadd.s32 @!p1 $0xFFFFFFC0  }
0x160: {  	v1 =	vld @!p1 [tilespmem:$0xA0C8];
	_ =	sdelay $0x2  }
0x161: {  	s0 =	sshll.u32 @!p1 s11, $0x8  }
0x162: {  	s2 =	sshrl.u32 @!p1 s0, $0x2  }
0x163: {  	[tilespmem:s2+$0xA138] =	vst.add.f32.msk @!p1 $0xffff, v1  }
0x164: {  	v1 =	vld @!p1 [tilespmem:$0xA0D8];
	_ =	sdelay $0x4  }
0x165: {  	[tilespmem:s2+$0xA148] =	vst.add.f32.msk @!p1 $0xffff, v1  }
0x166: {  	v1 =	vld @!p1 [tilespmem:$0xA0E8];
	_ =	sdelay $0x4  }
0x167: {  	[tilespmem:s2+$0xA158] =	vst.add.f32.msk @!p1 $0xffff, v1  }
0x168: {  	v1 =	vld @!p1 [tilespmem:$0xA0F8];
	_ =	sdelay $0x4  }
0x169: {  	[tilespmem:s2+$0xA168] =	vst.add.f32.msk @!p1 $0xffff, v1  }
0x16a: {  	s0 =	sshrl.u32 s0, $0x2;
	[tilespmem:s6+$0xA118] =	vst.msk $0x1, v0  }
0x16b: {  	v0 =	vld [tilespmem:s0+$0xA138];
	_ =	sdelay $0x2  }
0x16c: {  	s31 =	sshll.u32 s6, $0x8  }
0x16d: {  	s2 =	sshra.s32 s31, $0x2  }
0x16e: {  	[tilespmem:s2+$0xA138] =	vst v0  }
0x16f: {  	v0 =	vld [tilespmem:s0+$0xA148];
	_ =	sdelay $0x4  }
0x170: {  	[tilespmem:s2+$0xA148] =	vst v0  }
0x171: {  	v0 =	vld [tilespmem:s0+$0xA158];
	_ =	sdelay $0x4  }
0x172: {  	[tilespmem:s2+$0xA158] =	vst v0  }
0x173: {  	v0 =	vld [tilespmem:s0+$0xA168];
	_ =	sdelay $0x4  }
0x174: {  	s6 =	sadd.s32 $0x1, s6;
	[tilespmem:s2+$0xA168] =	vst v0  }
.LBB2_39:
0x175: {  	s11 =	sadd.s32 $0x1, s11  }
0x176: {  	p1 =	sne.s32 s11, $0x20  }
.Ltmp26:
0x177: {  	_ = 	snop;
	(pc) =	sbr.rel @!p1 .LBB2_40-.Ltmp26, $1  }
0x178: {  	_ =	sdelay $0x3  }
.LBB2_32:
0x179: {  	v0 =	vld.msk [tilespmem:s11+$0xA118], $0x1;
	_ =	sdelay $0x4  }
0x17a: {  	(v2sf) =	vpush v0, $0x0;
	_ =	sdelay $0xe  }
0x17b: {  	s12 =	spop (v2sf)  }
0x17c: {  	p1 =	seq.s32 s12, $0xFFFFFFFF  }
.Ltmp27:
0x17d: {  	_ = 	snop;
	(pc) =	sbr.rel @p1 .LBB2_39-.Ltmp27, $1  }
0x17e: {  	_ =	sdelay $0x3  }
0x17f: {  	p1 =	slt.s32 s6, $0x1  }
.Ltmp28:
0x180: {  	_ = 	snop;
	(pc) =	sbr.rel @p1 .LBB2_38-.Ltmp28, $1  }
0x181: {  	_ =	sdelay $0x3  }
0x182: {  	s0 =	simm.s32 $0xA118;
	p1 =	por $0x0, $0x0  }
0x183: {  	v1 =	vld.msk @!p1 [tilespmem:s0+$0x0], $0x1;
	_ =	sdelay $0x4  }
0x184: {  	(v2sf) =	vpush @!p1 v1, $0x0;
	_ =	sdelay $0xd  }
0x185: {  	p3 =	sne.s32 s6, $0x1  }
.Ltmp29:
0x186: {  	s2 =	spop @!p1 (v2sf);
	(pc) =	sbr.rel @!p3 .LBB2_36-.Ltmp29, $4  }
0x187: {  	p2 =	seq.s32 @!p1 s12, s2  }
0x188: {  	s13 =	simm.s32 $0x0;
	p2 =	por !p2, p1  }
0x189: {  	s2 =	simm.s32 $0xFFFFFFFF;
	s13 =	simm.s32 @p2 $0xFFFFFFFF  }
0x18a: {  	s4 =	simm.s32 $0x1;
	s13 =	smov.u32 @p1 s2  }
.LBB2_35:
0x18b: {  	s2 =	smov.u32 s13;
	p1 =	sne.s32 s13, $0xFFFFFFFF  }
0x18c: {  	s0 =	sadd.s32 $0x1, s0;
	s13 =	smov.u32 s4;
	s4 =	sadd.s32 $0x1, s4  }
0x18d: {  	p2 =	sne.s32 s6, s4;
	v1 =	vld.msk @!p1 [tilespmem:s0+$0x0], $0x1;
	_ =	sdelay $0x4  }
0x18e: {  	(v2sf) =	vpush @!p1 v1, $0x0;
	_ =	sdelay $0xe  }
.Ltmp30:
0x18f: {  	s3 =	spop @!p1 (v2sf);
	(pc) =	sbr.rel @p2 .LBB2_35-.Ltmp30, $4  }
0x190: {  	p3 =	seq.s32 @!p1 s12, s3  }
0x191: {  	p3 =	por !p3, p1  }
0x192: {  	s13 =	simm.s32 @p3 $0xFFFFFFFF  }
0x193: {  	s13 =	smov.u32 @p1 s2  }
.LBB2_36:
0x194: {  	p1 =	seq.s32 s13, $0xFFFFFFFF  }
.Ltmp31:
0x195: {  	_ = 	snop;
	(pc) =	sbr.rel @p1 .LBB2_38-.Ltmp31, $1  }
0x196: {  	_ =	sdelay $0x3  }
0x197: {  	s0 =	sshll.u32 s11, $0x6  }
0x198: {  	s0 =	sand.u32 $0x3FFFFFC0, s0  }
0x199: {  	v0 =	vld [tilespmem:s0+$0xA138];
	_ =	sdelay $0x2  }
0x19a: {  	s2 =	sshll.u32 s13, $0x8  }
0x19b: {  	s2 =	sshra.s32 s2, $0x2  }
0x19c: {  	[tilespmem:s2+$0xA138] =	vst.add.f32.msk $0xffff, v0  }
0x19d: {  	v0 =	vld [tilespmem:s0+$0xA148];
	_ =	sdelay $0x4  }
0x19e: {  	[tilespmem:s2+$0xA148] =	vst.add.f32.msk $0xffff, v0  }
0x19f: {  	v0 =	vld [tilespmem:s0+$0xA158];
	_ =	sdelay $0x4  }
0x1a0: {  	[tilespmem:s2+$0xA158] =	vst.add.f32.msk $0xffff, v0  }
0x1a1: {  	v0 =	vld [tilespmem:s0+$0xA168]  }
.Ltmp32:
0x1a2: {  	_ = 	snop;
	(pc) =	sbr.rel .LBB2_39-.Ltmp32, $2  }
0x1a3: {  	_ =	sdelay $0x2  }
0x1a4: {  	[tilespmem:s2+$0xA168] =	vst.add.f32.msk $0xffff, v0  }
.LBB2_40:
0x1a5: {  	s0 =	simm.s32 $0x6;
	p1 =	seq.s32 s6, $0x0  }
0x1a6: {  	[sflag:s0] =	ssyncpa.u1 $0x1;
	v0 =	vimm.s32 @p1 $0xFFFFFFFF  }
0x1a7: {  	s0 =	sadd.s32 $0xFFFFFFFF, s6;
	[tilespmem:$0xA938] =	vst @p1 v0  }
0x1a8: {  	v0 =	vld.msk @!p1 [tilespmem:s0+$0xA118], $0x1;
	_ =	sdelay $0x1  }
0x1a9: {  	v1 =	vld.msk @!p1 [tilespmem:$0xA118], $0x1;
	_ =	sdelay $0x2  }
0x1aa: {  	p2 =	seq.s32 @!p1 s0, $0x0;
	v0 =	vbroadcast @!p1 v0, $0x0  }
0x1ab: {  	vm0 =	vmmov @!p1 $0x1;
	p2 =	por !p2, p1  }
0x1ac: {  	v1 =	vnsel @!p1 vm0, $0xFFFFFFFF, v1;
	vm0 =	vcmask @!p1 $0x308;
	v0 =	vpsel !p2, $0xFFFFFFFF, v0  }
0x1ad: {  	p2 =	sne.s32 @!p1 s8, s7;
	v0 =	vsel @!p1 vm0, v1, v0  }
0x1ae: {  	s2 =	simm.s32 @!p1 $0xA138;
	s3 =	simm.s32 @!p1 $0x0;
	p3 =	por !p2, p1;
	[tilespmem:$0xA938] =	vst @!p1 v0  }
0x1af: {  	[spmem:s3] =	stream.linear.scatter @!p1 [tilespmem:s2], [sflag:$0x1], $0x40, $0x38;
	[tilespmem:$0x1EF88] =	vst v63  }
0x1b0: {  	s2 =	sshll.u32 @!p3 s0, $0x8  }
0x1b1: {  	s2 =	sshra.s32 @!p3 s2, $0x2  }
0x1b2: {  	s3 =	simm.s32 @!p3 $0x40;
	s2 =	sadd.s32 @!p3 $0xA138, s2  }
0x1b3: {  	[spmem:s3] =	stream.linear.scatter @!p3 [tilespmem:s2], [sflag:$0x1], $0x40, $0x38;
	[tilespmem:$0x1EF88] =	vst v63  }
0x1b4: {  	s2 =	simm.s32 @!p3 $0x1  }
0x1b5: {  	_ =	swait.ge @!p3 [sflag:s2], $0x80  }
0x1b6: {  	p1 =	por p2, p1;
	[sflag:s2] =	ssyncset.done @!p3 $0x0  }
0x1b7: {  	[sflag:s2] =	ssyncadd.s32 @!p3 $0xFFFFFF80;
	s2 =	simm.s32 @!p1 $0x1  }
0x1b8: {  	_ =	swait.ge @!p1 [sflag:s2], $0x40  }
0x1b9: {  	s29 =	simm.s32 $0xA938;
	[sflag:s2] =	ssyncset.done @!p1 $0x0  }
0x1ba: {  	s30 =	simm.s32 $0x800;
	s31 =	simm.s32 $0x1;
	[sflag:s2] =	ssyncadd.s32 @!p1 $0xFFFFFFC0  }
0x1bb: {  	[spmem:s30] =	stream.linear.scatter [tilespmem:s29], [sflag:$0x1], $0x10, $0x38;
	[tilespmem:$0x1EF88] =	vst v63  }
0x1bc: {  	_ =	swait.ge [sflag:s31], $0x10  }
0x1bd: {  	[sflag:s31] =	ssyncset.done $0x0  }
0x1be: {  	p1 =	seq.s32 s14, $0x0;
	s9 =	rddreg [dreg:$0x2];
	[sflag:s31] =	ssyncadd.s32 $0xFFFFFFF0  }
0x1bf: {  	s3 =	sshll.u32 @p1 s9, $0xE;
	s8 =	rddreg [dreg:$0x3]  }
0x1c0: {  	s2 =	sadd.s32 @p1 $0x15C3C, s3;
	s3 =	sshll.u32 @p1 s8, $0x11  }
0x1c1: {  	_ =	sfence.stream.spmem;
	s2 =	sor.u32 @p1 s3, s2  }
0x1c2: {  	[sflag:s2] =	ssyncadd.remote.s32 @p1 $0x1;
	s2 =	simm.s32 @p1 $0x4  }
0x1c3: {  	s4 =	simm.s32 @!p1 $0x3C;
	s3 =	sand.u32 $0xFFFFFFFE, s9;
	_ =	swait.ge @p1 [sflag:s2], $0x12  }
0x1c4: {  	s5 =	simm.s32 @!p1 $0x0;
	s3 =	sadd.s32 @!p1 $0x4, s3;
	[sflag:s2] =	ssyncset.done @p1 $0x0  }
0x1c5: {  	s7 =	simm.s32 @!p1 $0x80;
	[sflag:s2] =	ssyncadd.s32 @p1 $0xFFFFFFEE;
	s2 =	sshll.u32 @!p1 s3, $0x1A  }
0x1c6: {  	s3 =	sshll.u32 @!p1 s3, $0xD;
	s2 =	sor.u32 @!p1 s2, s8;
	_ =	swait.eq @!p1 [sflag:s4], $0x1  }
0x1c7: {  	s3 =	sor.u32 @!p1 $0x1C04, s3;
	s4 =	simm.s32 @!p1 $0x1C03;
	s2 =	sor.u32 @!p1 $0x80004000, s2  }
0x1c8: {  	[spmem:s7], [sflag:s3] =	dma.general @!p1 [spmem:s5], [sflag:s4], length:$0x10, [dreg:$0x0], stride_count:$0x0, ici_dest:s2, dma_misc:DstOpCode:WRITE  }
0x1c9: {  	p2 =	slt.s32 s0, $0x2;
	s5 =	simm.s32 @!p1 $0x100;
	s7 =	simm.s32 @!p1 $0x102  }
0x1ca: {  	[spmem:s7], [sflag:s3] =	dma.general @!p1 [spmem:s5], [sflag:s4], length:$0x2, [dreg:$0x0], stride_count:$0x0, ici_dest:s2, dma_misc:DstOpCode:WRITE  }
.Ltmp33:
0x1cb: {  	s2 =	simm.s32 @!p1 $0x3;
	(pc) =	sbr.rel @p2 .LBB2_44-.Ltmp33, $4  }
0x1cc: {  	s3 =	sshll.u32 @!p1 s9, $0xE;
	_ =	swait.ge @!p1 [sflag:s2], $0x12  }
0x1cd: {  	s4 =	sshll.u32 @!p1 s8, $0x11;
	s3 =	sadd.s32 @!p1 $0x11C3C, s3;
	[sflag:s2] =	ssyncset.done @!p1 $0x0  }
0x1ce: {  	[sflag:s2] =	ssyncadd.s32 @!p1 $0xFFFFFFEE;
	s2 =	sor.u32 @!p1 s4, s3  }
0x1cf: {  	s0 =	simm.s32 $0x0;
	[sflag:s2] =	ssyncadd.remote.s32 @!p1 $0xFFFFFFFF  }
0x1d0: {  	s0 =	simm.s32 $0xA119  }
0x1d1: {  	v0 =	vld.msk [tilespmem:s0+$0x0], $0x1;
	_ =	sdelay $0x4  }
0x1d2: {  	(v2sf) =	vpush v0, $0x0;
	_ =	sdelay $0xd  }
0x1d3: {  	s3 =	sadd.s32 $0xFFFFFFFE, s6  }
0x1d4: {  	s4 =	sadd.s32 $0xFFFFFFFF, s3;
	s2 =	spop (v2sf)  }
0x1d5: {  	p2 =	sne.s32 s4, $0x0;
	p1 =	sgt.u32 s2, $0x1FFFF8  }
.Ltmp34:
0x1d6: {  	s5 =	sand.u32 @!p1 $0x1FFFF8, s2;
	(pc) =	sbr.rel @!p2 .LBB2_43-.Ltmp34, $4  }
0x1d7: {  	s0 =	simm.s32 $0xA178;
	s2 =	sand.u32 @!p1 $0x7, s2;
	s3 =	sadd.s32 @!p1 s1, s5  }
0x1d8: {  	[hbm4b:s3+s2] =	stream.linear.scatter @!p1 [tilespmem:s0], [sflag:$0x5], $0x40, $0x38;
	[tilespmem:$0x1EF88] =	vst v63  }
0x1d9: {  	s2 =	simm.s32 $0x0  }
0x1da: {  	s6 =	simm.s32 $0xA11A;
	s5 =	simm.s32 $0x0;
	s2 =	simm.s32 @!p1 $0x100  }
.LBB2_42:
0x1db: {  	v0 =	vld.msk [tilespmem:s6+$0x0], $0x1;
	s4 =	sadd.s32 $0xFFFFFFFF, s4;
	s5 =	sadd.s32 s5, s2  }
0x1dc: {  	p1 =	sne.s32 s4, $0x0;
	_ =	sdelay $0x3  }
0x1dd: {  	(v2sf) =	vpush v0, $0x0;
	_ =	sdelay $0xe  }
.Ltmp35:
0x1de: {  	s3 =	spop (v2sf);
	(pc) =	sbr.rel @p1 .LBB2_42-.Ltmp35, $4  }
0x1df: {  	s2 =	simm.s32 $0x0;
	p2 =	sgt.u32 s3, $0x1FFFF8  }
0x1e0: {  	s0 =	sadd.s32 $0x40, s0;
	s2 =	simm.s32 @!p2 $0x100;
	s7 =	sand.u32 @!p2 $0x1FFFF8, s3  }
0x1e1: {  	s6 =	sadd.s32 $0x1, s6;
	s3 =	sand.u32 @!p2 $0x7, s3;
	s7 =	sadd.s32 @!p2 s1, s7  }
0x1e2: {  	[hbm4b:s7+s3] =	stream.linear.scatter @!p2 [tilespmem:s0], [sflag:$0x5], $0x40, $0x38;
	[tilespmem:$0x1EF88] =	vst v63  }
.LBB2_43:
0x1e3: {  	s0 =	sadd.s32 s5, s2  }
0x1e4: {  	s0 =	sshrl.u32 s0, $0x2  }
.LBB2_44:
0x1e5: {  	s2 =	simm.s32 $0x5  }
0x1e6: {  	_ =	swait.ge [sflag:s2], s0  }
0x1e7: {  	s31 =	ssub.s32 $0x0, s0;
	[sflag:s2] =	ssyncset.done $0x0  }
0x1e8: {  	[sflag:s2] =	ssyncadd.s32 s31  }
0x1e9: {  	[sflag:s2] =	ssyncpa.u1 $0x1  }
.LBB2_45:
0x1ea: {  	s0 =	sor.u32 s14, s15  }
0x1eb: {  	p1 =	sne.s32 s0, $0x0  }
.Ltmp36:
0x1ec: {  	_ = 	snop;
	(pc) =	sbr.rel @p1 .LBB2_60-.Ltmp36, $3  }
0x1ed: {  	_ =	sdelay $0x1  }
0x1ee: {  	[bflag:$0x0] =	sbarrier.arrive $0xFFFF  }
0x1ef: {  	_ =	sfence  }
0x1f0: {  	s0 =	simm.s32 $0x7  }
0x1f1: {  	s2 =	simm.s32 $0x800;
	s3 =	simm.s32 $0xA118;
	[sflag:s0] =	ssyncpa.u1 $0x0  }
0x1f2: {  	[tilespmem:s3], [sflag:$0x7] =	stream.linear.gather [spmem:s2], $0x20, $0x38;
	[tilespmem:$0x1EF88] =	vst v63  }
0x1f3: {  	s30 =	simm.s32 $0xA138;
	s2 =	simm.s32 $0x0  }
0x1f4: {  	[tilespmem:s30], [sflag:$0x7] =	stream.linear.gather [spmem:s2], $0x800, $0x38;
	[tilespmem:$0x1EF88] =	vst v63  }
.Ltmp37:
0x1f5: {  	_ = 	snop;
	(pc) =	sbr.rel .LBB2_47-.Ltmp37, $4  }
0x1f6: {  	_ =	swait.ge [sflag:s0], $0x820  }
0x1f7: {  	[sflag:s0] =	ssyncset.done $0x0  }
0x1f8: {  	s31 =	simm.s32 $0x8;
	[sflag:s0] =	ssyncadd.s32 $0xFFFFF7E0  }
0x1f9: {  	s3 =	simm.s32 $0x0;
	[sflag:s31] =	ssyncpa.u1 $0x0  }
.LBB2_53:
0x1fa: {  	p1 =	slt.u32 s0, $0x1FFFF9  }
0x1fb: {  	s4 =	sand.u32 @p1 $0x1FFFF8, s0  }
0x1fc: {  	s0 =	sand.u32 @p1 $0x7, s0;
	s5 =	simm.s32 @p1 $0xA0C8;
	s4 =	sadd.s32 @p1 s1, s4  }
0x1fd: {  	[tilespmem:s5], [sflag:$0x8] =	stream.linear.gather @p1 [hbm4b:s4+s0], $0x40, $0x38;
	[tilespmem:$0x1EF88] =	vst v63  }
0x1fe: {  	s0 =	simm.s32 @p1 $0x8  }
0x1ff: {  	_ =	swait.ge @p1 [sflag:s0], $0x40  }
0x200: {  	[sflag:s0] =	ssyncset.done @p1 $0x0  }
0x201: {  	[sflag:s0] =	ssyncadd.s32 @p1 $0xFFFFFFC0  }
0x202: {  	v1 =	vld @p1 [tilespmem:$0xA0C8];
	_ =	sdelay $0x2  }
0x203: {  	s0 =	sshll.u32 @p1 s3, $0x8  }
0x204: {  	s4 =	sshrl.u32 @p1 s0, $0x2  }
0x205: {  	[tilespmem:s4+$0xA138] =	vst.add.f32.msk @p1 $0xffff, v1  }
0x206: {  	v1 =	vld @p1 [tilespmem:$0xA0D8];
	_ =	sdelay $0x4  }
0x207: {  	[tilespmem:s4+$0xA148] =	vst.add.f32.msk @p1 $0xffff, v1  }
0x208: {  	v1 =	vld @p1 [tilespmem:$0xA0E8];
	_ =	sdelay $0x4  }
0x209: {  	[tilespmem:s4+$0xA158] =	vst.add.f32.msk @p1 $0xffff, v1  }
0x20a: {  	v1 =	vld @p1 [tilespmem:$0xA0F8];
	_ =	sdelay $0x3  }
0x20b: {  	s5 =	sshll.u32 @!p1 s3, $0x8  }
0x20c: {  	s5 =	smov.u32 @p1 s0;
	[tilespmem:s4+$0xA168] =	vst.add.f32.msk @p1 $0xffff, v1  }
0x20d: {  	s0 =	sshrl.u32 s5, $0x2;
	[tilespmem:s2+$0xA118] =	vst.msk $0x1, v0  }
0x20e: {  	v0 =	vld [tilespmem:s0+$0xA138];
	_ =	sdelay $0x2  }
0x20f: {  	s31 =	sshll.u32 s2, $0x8  }
0x210: {  	s4 =	sshra.s32 s31, $0x2  }
0x211: {  	[tilespmem:s4+$0xA138] =	vst v0  }
0x212: {  	v0 =	vld [tilespmem:s0+$0xA148];
	_ =	sdelay $0x4  }
0x213: {  	[tilespmem:s4+$0xA148] =	vst v0  }
0x214: {  	v0 =	vld [tilespmem:s0+$0xA158];
	_ =	sdelay $0x4  }
0x215: {  	[tilespmem:s4+$0xA158] =	vst v0  }
0x216: {  	v0 =	vld [tilespmem:s0+$0xA168];
	_ =	sdelay $0x4  }
0x217: {  	s2 =	sadd.s32 $0x1, s2;
	[tilespmem:s4+$0xA168] =	vst v0  }
.LBB2_54:
0x218: {  	s3 =	sadd.s32 $0x1, s3  }
0x219: {  	p1 =	sne.s32 s3, $0x20  }
.Ltmp38:
0x21a: {  	_ = 	snop;
	(pc) =	sbr.rel @!p1 .LBB2_55-.Ltmp38, $1  }
0x21b: {  	_ =	sdelay $0x3  }
.LBB2_47:
0x21c: {  	v0 =	vld.msk [tilespmem:s3+$0xA118], $0x1;
	_ =	sdelay $0x4  }
0x21d: {  	(v2sf) =	vpush v0, $0x0;
	_ =	sdelay $0xe  }
0x21e: {  	s0 =	spop (v2sf)  }
0x21f: {  	p1 =	seq.s32 s0, $0xFFFFFFFF  }
.Ltmp39:
0x220: {  	_ = 	snop;
	(pc) =	sbr.rel @p1 .LBB2_54-.Ltmp39, $1  }
0x221: {  	_ =	sdelay $0x3  }
0x222: {  	p1 =	slt.s32 s2, $0x1  }
.Ltmp40:
0x223: {  	_ = 	snop;
	(pc) =	sbr.rel @p1 .LBB2_53-.Ltmp40, $1  }
0x224: {  	_ =	sdelay $0x3  }
0x225: {  	s4 =	simm.s32 $0xA118;
	p1 =	por $0x0, $0x0  }
0x226: {  	v1 =	vld.msk @!p1 [tilespmem:s4+$0x0], $0x1;
	_ =	sdelay $0x4  }
0x227: {  	(v2sf) =	vpush @!p1 v1, $0x0;
	_ =	sdelay $0xd  }
0x228: {  	p3 =	sne.s32 s2, $0x1  }
.Ltmp41:
0x229: {  	s5 =	spop @!p1 (v2sf);
	(pc) =	sbr.rel @!p3 .LBB2_51-.Ltmp41, $4  }
0x22a: {  	p2 =	seq.s32 @!p1 s0, s5  }
0x22b: {  	s5 =	simm.s32 $0x0;
	p2 =	por !p2, p1  }
0x22c: {  	s7 =	simm.s32 $0xFFFFFFFF;
	s5 =	simm.s32 @p2 $0xFFFFFFFF  }
0x22d: {  	s6 =	simm.s32 $0x1;
	s5 =	smov.u32 @p1 s7  }
.LBB2_50:
0x22e: {  	s7 =	smov.u32 s5;
	p1 =	sne.s32 s5, $0xFFFFFFFF  }
0x22f: {  	s4 =	sadd.s32 $0x1, s4;
	s5 =	smov.u32 s6;
	s6 =	sadd.s32 $0x1, s6  }
0x230: {  	p2 =	sne.s32 s2, s6;
	v1 =	vld.msk @!p1 [tilespmem:s4+$0x0], $0x1;
	_ =	sdelay $0x4  }
0x231: {  	(v2sf) =	vpush @!p1 v1, $0x0;
	_ =	sdelay $0xe  }
.Ltmp42:
0x232: {  	s8 =	spop @!p1 (v2sf);
	(pc) =	sbr.rel @p2 .LBB2_50-.Ltmp42, $4  }
0x233: {  	p3 =	seq.s32 @!p1 s0, s8  }
0x234: {  	p3 =	por !p3, p1  }
0x235: {  	s5 =	simm.s32 @p3 $0xFFFFFFFF  }
0x236: {  	s5 =	smov.u32 @p1 s7  }
.LBB2_51:
0x237: {  	p1 =	seq.s32 s5, $0xFFFFFFFF  }
.Ltmp43:
0x238: {  	_ = 	snop;
	(pc) =	sbr.rel @p1 .LBB2_53-.Ltmp43, $1  }
0x239: {  	_ =	sdelay $0x3  }
0x23a: {  	s0 =	sshll.u32 s3, $0x6  }
0x23b: {  	s0 =	sand.u32 $0x3FFFFFC0, s0  }
0x23c: {  	v0 =	vld [tilespmem:s0+$0xA138];
	_ =	sdelay $0x2  }
0x23d: {  	s4 =	sshll.u32 s5, $0x8  }
0x23e: {  	s4 =	sshra.s32 s4, $0x2  }
0x23f: {  	[tilespmem:s4+$0xA138] =	vst.add.f32.msk $0xffff, v0  }
0x240: {  	v0 =	vld [tilespmem:s0+$0xA148];
	_ =	sdelay $0x4  }
0x241: {  	[tilespmem:s4+$0xA148] =	vst.add.f32.msk $0xffff, v0  }
0x242: {  	v0 =	vld [tilespmem:s0+$0xA158];
	_ =	sdelay $0x4  }
0x243: {  	[tilespmem:s4+$0xA158] =	vst.add.f32.msk $0xffff, v0  }
0x244: {  	v0 =	vld [tilespmem:s0+$0xA168]  }
.Ltmp44:
0x245: {  	_ = 	snop;
	(pc) =	sbr.rel .LBB2_54-.Ltmp44, $2  }
0x246: {  	_ =	sdelay $0x2  }
0x247: {  	[tilespmem:s4+$0xA168] =	vst.add.f32.msk $0xffff, v0  }
.LBB2_55:
0x248: {  	p1 =	slt.s32 s2, $0x1  }
.Ltmp45:
0x249: {  	_ = 	snop;
	(pc) =	sbr.rel @p1 .LBB2_59-.Ltmp45, $3  }
0x24a: {  	_ =	sdelay $0x1  }
0x24b: {  	s0 =	simm.s32 $0x8  }
0x24c: {  	[sflag:s0] =	ssyncpa.u1 $0x1;
	s0 =	simm.s32 $0x0  }
0x24d: {  	s3 =	simm.s32 $0xA118  }
0x24e: {  	v0 =	vld.msk [tilespmem:s3+$0x0], $0x1;
	_ =	sdelay $0x4  }
0x24f: {  	(v2sf) =	vpush v0, $0x0;
	_ =	sdelay $0xe  }
0x250: {  	s2 =	sadd.s32 $0xFFFFFFFF, s2;
	s4 =	spop (v2sf)  }
0x251: {  	p2 =	sne.s32 s2, $0x0;
	p1 =	sgt.u32 s4, $0x1FFFF8  }
.Ltmp46:
0x252: {  	s5 =	sand.u32 @!p1 $0x1FFFF8, s4;
	(pc) =	sbr.rel @!p2 .LBB2_58-.Ltmp46, $4  }
0x253: {  	s3 =	simm.s32 $0xA138;
	s4 =	sand.u32 @!p1 $0x7, s4;
	s5 =	sadd.s32 @!p1 s1, s5  }
0x254: {  	[hbm4b:s5+s4] =	stream.linear.scatter @!p1 [tilespmem:s3], [sflag:$0x7], $0x40, $0x38;
	[tilespmem:$0x1EF88] =	vst v63  }
0x255: {  	s5 =	simm.s32 $0x0  }
0x256: {  	s4 =	simm.s32 $0xA119;
	s5 =	simm.s32 @!p1 $0x100  }
.LBB2_57:
0x257: {  	v0 =	vld.msk [tilespmem:s4+$0x0], $0x1;
	s2 =	sadd.s32 $0xFFFFFFFF, s2;
	s0 =	sadd.s32 s0, s5  }
0x258: {  	p1 =	sne.s32 s2, $0x0;
	_ =	sdelay $0x3  }
0x259: {  	(v2sf) =	vpush v0, $0x0;
	_ =	sdelay $0xe  }
.Ltmp47:
0x25a: {  	s6 =	spop (v2sf);
	(pc) =	sbr.rel @p1 .LBB2_57-.Ltmp47, $4  }
0x25b: {  	s5 =	simm.s32 $0x0;
	p2 =	sgt.u32 s6, $0x1FFFF8  }
0x25c: {  	s3 =	sadd.s32 $0x40, s3;
	s5 =	simm.s32 @!p2 $0x100;
	s7 =	sand.u32 @!p2 $0x1FFFF8, s6  }
0x25d: {  	s4 =	sadd.s32 $0x1, s4;
	s6 =	sand.u32 @!p2 $0x7, s6;
	s7 =	sadd.s32 @!p2 s1, s7  }
0x25e: {  	[hbm4b:s7+s6] =	stream.linear.scatter @!p2 [tilespmem:s3], [sflag:$0x7], $0x40, $0x38;
	[tilespmem:$0x1EF88] =	vst v63  }
.LBB2_58:
0x25f: {  	s0 =	sadd.s32 s0, s5  }
0x260: {  	s0 =	sshrl.u32 s0, $0x2  }
.LBB2_59:
0x261: {  	s1 =	simm.s32 $0x7  }
0x262: {  	_ =	swait.ge [sflag:s1], s0  }
0x263: {  	s31 =	ssub.s32 $0x0, s0;
	[sflag:s1] =	ssyncset.done $0x0  }
0x264: {  	[sflag:s1] =	ssyncadd.s32 s31  }
0x265: {  	[sflag:s1] =	ssyncpa.u1 $0x1  }
.LBB2_60:
0x266: {  	_ =	sfence;
	s0 =	simm.s32 $0x1  }
0x267: {  	[sflag:s0] =	ssyncpa.u1 $0x1  }
0x268: {  	_ =	strace $0x9000004D  }
0x269: {  	[bflag:$0x2] =	sbarrier.arrive $0xFFFF  }
0x26a: {  	s0 =	rddreg [dreg:$0x4]  }
0x26b: {  	s0 =	sadd.s32 @!p0 $0x100000, s0  }
0x26c: {  	[sflag:s0] =	ssyncadd.tile.s32 @!p0 $0x1;
	_ =	shalt  }
.Lfunc_end2:
_tile_overlayer_lowered:
.L_overlay_start_2:
0x26d: {  	(tag) =	ssettag $0x2  }
0x26e: {  	s0 =	rddreg [dreg:$0x0];
	s2 =	stileid.u32  }
0x26f: {  	s1 =	rddreg [dreg:$0x1];
	p0 =	sne.s32 s2, $0x0  }
0x270: {  	s3 =	rddreg [dreg:$0x2];
	[bflag:$0x3] =	sbarrier.arrive $0xFFFF;
	s2 =	simm.s32 @!p0 $0x1C01  }
0x271: {  	[timem:s3], [sflag:s2] =	dma.local @!p0 [hbm:s0], s1  }
0x272: {  	s0 =	simm.s32 @!p0 $0x1  }
0x273: {  	_ =	swait.ge @!p0 [sflag:s0], s1  }
0x274: {  	s1 =	ssub.s32 @!p0 $0x0, s1;
	[sflag:s0] =	ssyncset.done @!p0 $0x0  }
0x275: {  	[sflag:s0] =	ssyncadd.s32 @!p0 s1  }
0x276: {  	[bflag:$0x3] =	sbarrier.arrive $0xFFFF  }
0x277: {  	_ =	shalt  }

// kernel: sparse-core-data-format-call.cloned.1.call-start
scs
called_computation.2_lowered:
.L_overlay_start_0:
0x0: {  	s2 =	sld [smem:$0x3FD9]  }
0x1: {  	s3 =	sld [smem:$0x3FFE];
	_ =	sdelay $0x1  }
0x2: {  	s1 =	srdreg.scid  }
0x3: {  	s0 =	sand.u32 $0x1, s1  }
0x4: {  	s15 =	sshll.u32 s0, $0xA;
	s2 =	sadd.s32 s3, s2  }
0x5: {  	s2 =	sadd.s32 s2, s15  }
0x6: {  	[smem:$0x3FC4] =	sst s2  }
0x7: {  	_ = 	snop  }
0x8: {  	s2 =	sld [smem:$0x3FD0];
	_ =	sdelay $0x2  }
0x9: {  	s16 =	simm.s32 $0xB;
	s4 =	simm.s32 $0x10  }
0xa: {  	[smem:s4], [sflag:s16] =	dma.local [hbm:s2], $0x1  }
0xb: {  	_ =	swait.eq [sflag:s16], $0x1  }
0xc: {  	[sflag:s16] =	ssyncset.done $0x0  }
0xd: {  	[sflag:s16] =	ssyncadd.s32 $0xFFFFFFFF  }
0xe: {  	s17 =	sld [smem:$0x10];
	(tm) =	ssettm $0x1  }
0xf: {  	s18 =	sld [smem:$0x3FFB];
	_ =	sdelay $0x3  }
0x10: {  	_ =	strace s18  }
0x11: {  	s3 =	sld [smem:$0x3FFC];
	_ =	sdelay $0x3  }
0x12: {  	_ =	strace s3  }
0x13: {  	s3 =	sld [smem:$0x3FFD];
	_ =	sdelay $0x3  }
0x14: {  	_ =	strace s3  }
0x15: {  	_ =	strace $0x8FFFFFFF  }
0x16: {  	s19 =	sld [smem:$0x3FDB];
	_ =	sdelay $0x1  }
0x17: {  	s20 =	simm.s32 $_scs_section_size  }
0x18: {  	s5 =	simm.s32 $_size__tile_overlayer_lowered;
	s6 =	simm.s32 $_tile_overlayer_lowered  }
0x19: {  	s23 =	simm.s32 $0x1BFF;
	s22 =	sshll.u32 s6, $0x1;
	s3 =	sadd.s32 s20, s19  }
0x1a: {  	s7 =	simm.s32 $0x0;
	s21 =	sshll.u32 s5, $0x1;
	s5 =	sadd.s32 s22, s3  }
0x1b: {  	[timem:s7], [sflag:s23] =	dma.local [hbm:s5], s21  }
0x1c: {  	_ =	swait.ge [sflag:s23], s21  }
0x1d: {  	s4 =	ssub.s32 $0x0, s21;
	[sflag:s23] =	ssyncset.done $0x0  }
0x1e: {  	[sflag:s23] =	ssyncadd.s32 s4;
	_ =	sdelay $0x1  }
0x1f: {  	s24 =	simm.s32 $0x1B8B  }
0x20: {  	_ =	swait.ge [sflag:s24], $0x1  }
0x21: {  	[sflag:s24] =	ssyncset.done $0x0  }
0x22: {  	s26 =	simm.s32 $0x1B8E;
	s25 =	sld [smem:$0x3FFE];
	[sflag:s24] =	ssyncadd.s32 $0xFFFFFFFF  }
0x23: {  	s27 =	simm.s32 $execute0_lowered;
	[smem:$0x3FD2] =	sst s26  }
0x24: {  	s5 =	sshll.u32 s27, $0x1;
	_ =	strace $0x8000004F;
	[dreg:$0x1] =	wrdreg $0xFFFFFFFF  }
0x25: {  	s28 =	simm.s32 $_size_execute0_lowered;
	s3 =	sadd.s32 s3, s5;
	[dreg:$0x0] =	wrdreg $0x0  }
0x26: {  	s5 =	sshll.u32 s28, $0x1;
	[dreg:$0x2] =	wrdreg s3  }
0x27: {  	[dreg:$0x3] =	wrdreg s5  }
0x28: {  	[dreg:$0x4] =	wrdreg $0xC0  }
0x29: {  	_ =	task [dreg:s7], $0x5FFFF  }
0x2a: {  	[dreg:$0x1] =	wrdreg $0xFFFFFFFF  }
0x2b: {  	[dreg:$0x0] =	wrdreg $0x60  }
0x2c: {  	[dreg:$0x2] =	wrdreg s25  }
0x2d: {  	[dreg:$0x3] =	wrdreg s17  }
0x2e: {  	[dreg:$0x4] =	wrdreg $0x9  }
0x2f: {  	_ =	task.clear_ibuf [dreg:s7], $0x5FFFF;
	_ =	strace $0x9000004F  }
0x30: {  	s29 =	simm.s32 $0x9;
	_ =	strace $0x80000051  }
0x31: {  	_ =	swait.ge [sflag:s29], $0x1  }
0x32: {  	[sflag:s29] =	ssyncadd.s32 $0xFFFFFFFF  }
0x33: {  	_ =	strace $0x90000051  }
0x34: {  	_ =	sfence  }
0x35: {  	s30 =	sld [smem:$0x0];
	_ =	sdelay $0x2  }
0x36: {  	s31 =	sshll.u32 s1, $0xD;
	s1 =	sshrl.u32 s1, $0x2  }
0x37: {  	s3 =	sand.u32 $0x4000, s31;
	s1 =	sadd.s32 s1, s30  }
0x38: {  	s0 =	sor.u32 s3, s0;
	s1 =	sshll.u32 s1, $0x11  }
0x39: {  	s0 =	sor.u32 s1, s0  }
0x3a: {  	s0 =	sadd.s32 $0x8F2B, s0  }
0x3b: {  	[sflag:s0] =	ssyncadd.remote.s32 $0x1  }
0x3c: {  	_ =	sfence.sel $0xFFFF  }
0x3d: {  	[dreg:$0x0] =	wrdreg $0xFFFFFFFF;
	(pc) =	sbr.abs _section_cstart, $3  }
0x3e: {  	[dreg:$0x1] =	wrdreg $0xFFFFFFFF  }
0x3f: {  	_ =	task.clear_ibuf [dreg:s7], $0x2FFFF;
	_ =	strace $0x9FFFFFFF  }
0x40: {  	(tm) =	ssettm $0x7FFFFFFF  }
0x41: {  	_ =	shalt  }
tec
execute0_lowered:
.L_overlay_start_1:
0x0: {  	(tag) =	ssettag $0x1  }
0x1: {  	s9 =	rddreg [dreg:$0x0]  }
0x2: {  	s1 =	rddreg [dreg:$0x1];
	s0 =	stileid.u32  }
0x3: {  	s4 =	srdreg.scid;
	s31 =	simm.s32 $0x2;
	s16 =	simm.s32 $0x0  }
0x4: {  	s11 =	simm.s32 $0x8000;
	s17 =	simm.s32 $0x0;
	s18 =	simm.s32 $0x0  }
0x5: {  	s15 =	simm.s32 $0x0;
	s2 =	sand.u32 $0x1, s0;
	s3 =	sand.u32 $0xE, s0  }
0x6: {  	s4 =	sshll.u32 s4, $0x7;
	s5 =	ssub.s32 $0x2, s2;
	s6 =	ssub.s32 $0x10, s3  }
0x7: {  	s4 =	sand.u32 $0x80, s4;
	s13 =	smov.u32 s3;
	s8 =	sand.u32 $0xE, s6  }
0x8: {  	s7 =	sshrl.u32 s5, $0x1;
	p0 =	sne.s32 s8, $0x0;
	s8 =	simm.s32 $0x1  }
0x9: {  	s5 =	sand.u32 $0x1, s5;
	s6 =	sshrl.u32 s6, $0x4;
	s8 =	simm.s32 @!p0 $0x0  }
0xa: {  	s10 =	ssub.s32 $0x1000, s4;
	s5 =	sadd.s32 s5, s7;
	s6 =	sadd.s32 s8, s6  }
0xb: {  	s14 =	smov.u32 s2;
	s28 =	sshrl.u32 s10, $0x7;
	s30 =	smul.u32 s5, s6  }
.Ltmp0:
0xc: {  	s29 =	sshrl.u32 s10, $0x8;
	s7 =	sand.u32 $0x1, s28;
	(pc) =	sbr.rel .LBB1_1-.Ltmp0, $4  }
0xd: {  	s12 =	smov.u32 s4;
	s7 =	sadd.s32 s29, s7;
	s5 =	rddreg [dreg:$0x2]  }
0xe: {  	_ =	strace $0x80000050;
	s6 =	simm.s32 $0x1;
	s7 =	smul.u32 s7, s30  }
0xf: {  	p0 =	por $0x0, $0x0;
	s8 =	sadd.s32 $0x505800, s9;
	[sflag:s6] =	ssyncpa.u1 $0x0  }
0x10: {  	s9 =	sadd.s32 $0x515800, s9;
	[sflag:s31] =	ssyncpa.u1 $0x0;
	s10 =	sadd.s32 $0x1, s7  }
.LBB1_7:
0x11: {  	s19 =	sadd.s32 $0x100, s12  }
0x12: {  	s16 =	sadd.s32 $0x10, s13;
	s20 =	smov.u32 s13;
	p2 =	sgt.s32 s19, $0xFFF  }
0x13: {  	s20 =	smov.u32 @p2 s16  }
0x14: {  	s22 =	smov.u32 s14;
	s16 =	sadd.s32 $0x2, s14;
	p3 =	sgt.s32 s20, $0xF  }
0x15: {  	s22 =	smov.u32 @p3 s16  }
0x16: {  	s19 =	smov.u32 @p2 s4;
	p2 =	sgt.s32 s22, $0x1  }
0x17: {  	p1 =	slt.u32 s15, $0x2;
	s22 =	smov.u32 @p2 s2;
	p2 =	sne.s32 s15, s10  }
.Ltmp1:
0x18: {  	s21 =	simm.s32 @!p1 $0x2;
	(pc) =	sbr.rel @!p2 .LBB1_8-.Ltmp1, $4  }
0x19: {  	s17 =	smov.u32 s13;
	s18 =	smov.u32 s14;
	_ =	swait.ge @!p1 [sflag:s21], $0x4000  }
0x1a: {  	p0 =	por !p0, !p0;
	[sflag:s21] =	ssyncset.done @!p1 $0x0;
	s20 =	smov.u32 @p3 s3  }
0x1b: {  	s16 =	smov.u32 s12;
	[sflag:s21] =	ssyncadd.s32 @!p1 $0xFFFFC000;
	s12 =	smov.u32 s19  }
0x1c: {  	s13 =	smov.u32 s20;
	s15 =	sadd.s32 $0x1, s15;
	s14 =	smov.u32 s22  }
.LBB1_1:
0x1d: {  	p1 =	sge.u32 s15, s7  }
0x1e: {  	s19 =	sxor.u32 @!p1 $0xFFFFFFFF, s15;
	s20 =	sshll.u32 @!p1 s14, $0x14  }
0x1f: {  	s21 =	sshll.u32 @!p1 s13, $0x10;
	s23 =	sshll.u32 @!p1 s12, $0x4;
	s24 =	simm.s32 @!p1 $0x40  }
0x20: {  	s25 =	simm.s32 @!p1 $0x80;
	s19 =	sshll.u32 @!p1 s19, $0xE;
	s22 =	sadd.s32 @!p1 s20, s21  }
0x21: {  	s23 =	sand.u32 @!p1 $0xFFF0, s23;
	s20 =	sadd.s32 @!p1 s20, s9;
	s22 =	sadd.s32 @!p1 s8, s22  }
0x22: {  	s19 =	sand.u32 @!p1 $0x4000, s19;
	s20 =	sadd.s32 @!p1 s21, s20;
	s22 =	sadd.s32 @!p1 s23, s22  }
0x23: {  	[tilespmem:s19], [sflag:$0x1] =	stream.strided.gather @!p1 [hbm4b:s22+s24], $0x2000, s25, s24, $0x38;
	[tilespmem:$0x10100] =	vst v63  }
0x24: {  	s31 =	sadd.s32 $0xFFFFFFFF, s15;
	s20 =	sadd.s32 @!p1 s23, s20;
	s19 =	sor.u32 @!p1 $0x2000, s19  }
0x25: {  	[tilespmem:s19], [sflag:$0x1] =	stream.strided.gather @!p1 [hbm4b:s20+s24], $0x2000, s25, s24, $0x38;
	[tilespmem:$0x10100] =	vst v63  }
0x26: {  	p1 =	sge.u32 s31, s7  }
.Ltmp2:
0x27: {  	_ = 	snop;
	(pc) =	sbr.rel @p1 .LBB1_7-.Ltmp2, $1  }
0x28: {  	_ =	sdelay $0x3  }
0x29: {  	s19 =	simm.s32 $0x1;
	s21 =	sand.u32 $0x1, s15  }
0x2a: {  	_ =	swait.ge [sflag:s6], $0x4000;
	s19 =	simm.s32 @!p0 $0x0;
	s21 =	smul.u32 $0x10200, s21  }
0x2b: {  	p2 =	por $0x1, $0x1;
	[sflag:s6] =	ssyncset.done $0x0;
	s20 =	smul.u32 $0x10200, s19  }
0x2c: {  	s22 =	sshll.u32 s19, $0x10;
	[sflag:s6] =	ssyncadd.s32 $0xFFFFC000;
	s30 =	sshrl.u32 s21, $0x2  }
0x2d: {  	s31 =	sshrl.u32 s22, $0x2;
	s22 =	simm.s32 $0x0;
	s20 =	sshrl.u32 s20, $0x2  }
0x2e: {  	s19 =	sor.u32 $0x8000, s30;
	s21 =	sadd.s32 $0x20, s31;
	s20 =	sor.u32 $0x8000, s20  }
.LBB1_3:
0x2f: {  	s23 =	sshll.u32 s22, $0xD  }
0x30: {  	s23 =	sand.u32 $0x3FFFE000, s23  }
0x31: {  	s25 =	sadd.s32 s23, s21  }
0x32: {  	s31 =	smul.u32 $0x8100, s22;
	v3 =	vld [tilespmem:s25+$0x10]  }
0x33: {  	v1 =	vld [tilespmem:s25+$0xFFFFFFF0]  }
0x34: {  	s22 =	sshra.s32 s31, $0x2;
	v0 =	vld [tilespmem:s25+$0x0]  }
0x35: {  	s22 =	sadd.s32 s22, s20;
	v2 =	vld [tilespmem:s25+$0xFFFFFFE0]  }
0x36: {  	s23 =	sadd.s32 $0x0, s22  }
0x37: {  	p1 =	por p2, p2;
	s24 =	simm.s32 $0x4;
	s25 =	sadd.s32 $0x40, s25;
	[tilespmem:s23+$0x1830 ss:$0x81] =	vst.msk $0xffff, v3  }
.LBB1_4:
0x38: {  	v3 =	vld [tilespmem:s25+$0x10];
	p2 =	sne.s32 s24, $0x1FC;
	[tilespmem:s23+$0x810 ss:$0x81] =	vst.msk $0xffff, v1;
	s26 =	smov.u32 s24;
	s24 =	sadd.s32 $0x4, s24  }
.Ltmp3:
0x39: {  	v1 =	vld [tilespmem:s25+$0xFFFFFFF0];
	[tilespmem:s23+$0x1020 ss:$0x81] =	vst.msk $0xffff, v0;
	(pc) =	sbr.rel @p2 .LBB1_4-.Ltmp3, $4  }
0x3a: {  	v0 =	vld [tilespmem:s25+$0x0];
	[tilespmem:s23+$0x0 ss:$0x81] =	vst.msk $0xffff, v2  }
0x3b: {  	s23 =	sshra.s32 s26, $0x2;
	v2 =	vld [tilespmem:s25+$0xFFFFFFE0]  }
0x3c: {  	s23 =	sadd.s32 s23, s22  }
0x3d: {  	s25 =	sadd.s32 $0x40, s25;
	[tilespmem:s23+$0x1830 ss:$0x81] =	vst.msk $0xffff, v3  }
.Ltmp4:
0x3e: {  	(pc) =	sbr.rel @p1 .LBB1_3-.Ltmp4, $4  }
0x3f: {  	_ = 	snop  }
0x40: {  	[tilespmem:s23+$0x810 ss:$0x81] =	vst.msk $0xffff, v1  }
0x41: {  	[tilespmem:s23+$0x1020 ss:$0x81] =	vst.msk $0xffff, v0  }
0x42: {  	s22 =	simm.s32 $0x1;
	p2 =	por $0x0, $0x0;
	[tilespmem:s23+$0x0 ss:$0x81] =	vst.msk $0xffff, v2  }
0x43: {  	s20 =	sshll.u32 s16, $0x3;
	s21 =	sand.u32 $0x78, s16  }
0x44: {  	s18 =	sshll.u32 s18, $0x13;
	s17 =	sshll.u32 s17, $0xF;
	s29 =	sand.u32 $0x7E00, s16  }
.Ltmp5:
0x45: {  	s20 =	sand.u32 $0xC00, s20;
	s18 =	sadd.s32 s1, s18;
	(pc) =	sbr.rel .LBB1_7-.Ltmp5, $4  }
0x46: {  	s30 =	sand.u32 $0x7, s16;
	s20 =	sor.u32 s21, s20;
	s17 =	sadd.s32 s17, s18  }
0x47: {  	s16 =	sshll.u32 s30, $0x12;
	s31 =	sshrl.u32 s20, $0x3;
	s17 =	sadd.s32 s29, s17  }
0x48: {  	s16 =	sor.u32 $0x400, s16;
	s17 =	sadd.s32 s31, s17  }
0x49: {  	[hbm4b:s17+s16] =	stream.strided.scatter [tilespmem:s19], [sflag:$0x2], $0x4000, s11, s16, $0x20;
	[tilespmem:$0x10100] =	vst v63  }
.LBB1_8:
0x4a: {  	_ =	sfence.sel $0x180000  }
0x4b: {  	s1 =	simm.s32 $0x1;
	[bflag:$0x0] =	sbarrier.arrive $0xFFFF  }
0x4c: {  	s31 =	simm.s32 $0x2;
	[sflag:s1] =	ssyncpa.u1 $0x1  }
0x4d: {  	[sflag:s31] =	ssyncpa.u1 $0x1  }
0x4e: {  	p0 =	sne.s32 s0, $0x0;
	_ =	strace $0x90000050  }
0x4f: {  	s0 =	sadd.s32 @!p0 $0x100000, s5;
	[bflag:$0x2] =	sbarrier.arrive $0xFFFF  }
0x50: {  	[sflag:s0] =	ssyncadd.tile.s32 @!p0 $0x1;
	_ =	shalt  }
.Lfunc_end1:
_tile_overlayer_lowered:
.L_overlay_start_2:
0x51: {  	(tag) =	ssettag $0x2  }
0x52: {  	s0 =	rddreg [dreg:$0x0];
	s2 =	stileid.u32  }
0x53: {  	s1 =	rddreg [dreg:$0x1];
	p0 =	sne.s32 s2, $0x0  }
0x54: {  	s3 =	rddreg [dreg:$0x2];
	[bflag:$0x3] =	sbarrier.arrive $0xFFFF;
	s2 =	simm.s32 @!p0 $0x1C01  }
0x55: {  	[timem:s3], [sflag:s2] =	dma.local @!p0 [hbm:s0], s1  }
0x56: {  	s0 =	simm.s32 @!p0 $0x1  }
0x57: {  	_ =	swait.ge @!p0 [sflag:s0], s1  }
0x58: {  	s1 =	ssub.s32 @!p0 $0x0, s1;
	[sflag:s0] =	ssyncset.done @!p0 $0x0  }
0x59: {  	[sflag:s0] =	ssyncadd.s32 @!p0 s1  }
0x5a: {  	[bflag:$0x3] =	sbarrier.arrive $0xFFFF  }
0x5b: {  	_ =	shalt  }

</sc_bundles>
